<compile_context>
chip_gen: v7x
topology: tpu7x:2x2x1
jax: 0.10.2.dev20260603
libtpu: 0.0.44.dev20260713+nightly
codegen_flags: <defaults>
</compile_context>

<pallas_src>
import functools

import jax
import jax.numpy as jnp
from jax import lax
from jax.experimental import pallas as pl
from jax.experimental.pallas import tpu as pltpu
from jax.experimental.pallas import tpu_sc as plsc

M = 4096
R = 20
D = 1000
NC = 2
NS = 16
NW = NC * NS
S = 2
NP = NW // S
MWS = M // NP
RG = R // S
L = 16
NG = MWS // L

CHUNKS = ((0, 256, 0), (256, 248, 1), (504, 248, 0), (752, 248, 1))


@functools.partial(
    pl.kernel,
    mesh=plsc.VectorSubcoreMesh(core_axis_name="c", subcore_axis_name="s"),
    compiler_params=pltpu.CompilerParams(needs_layout_passes=False),
    out_type=jax.ShapeDtypeStruct((R, D, M), jnp.float32),
    scratch_types=[
        pltpu.VMEM((2, MWS), jnp.int32),
        pltpu.VMEM((256, MWS), jnp.float32),
        pltpu.VMEM((248, MWS), jnp.float32),
        pltpu.SemaphoreType.DMA,
        pltpu.SemaphoreType.DMA,
    ],
)
def _onehot_sc(xt_hbm, z_hbm, out_hbm, idx_v, buf_a, buf_b, sem_a, sem_b):
    cid = lax.axis_index("c")
    sid = lax.axis_index("s")
    wid = sid * NC + cid
    p = wid // S
    h = wid % S
    m0 = p * MWS
    r0 = h * RG
    pltpu.sync_copy(z_hbm.at[pl.ds(0, 256)], buf_a)
    pltpu.sync_copy(z_hbm.at[pl.ds(0, 248)], buf_b)

    lanes = lax.iota(jnp.int32, L)
    ones = jnp.full((L,), 1.0, jnp.float32)
    zeros = jnp.zeros((L,), jnp.float32)
    bufs = (buf_a, buf_b)
    sems = (sem_a, sem_b)

    def load_idx(r, ip):
        pltpu.sync_copy(xt_hbm.at[r, pl.ds(m0, MWS)], idx_v.at[ip])

    def fill(ip, lo, ln, bi, val):
        for g in range(NG):
            cols = idx_v[ip, pl.ds(g * L, L)] - lo
            mask = (cols >= 0) & (cols < ln)
            plsc.store_scatter(bufs[bi], [cols, g * L + lanes], val, mask=mask)

    def start(r, lo, ln, bi):
        pltpu.make_async_copy(
            bufs[bi].at[pl.ds(0, ln)],
            out_hbm.at[r, pl.ds(lo, ln), pl.ds(m0, MWS)],
            sems[bi],
        ).start()

    def wait(ln, bi):
        pltpu.make_async_copy(
            bufs[bi].at[pl.ds(0, ln)],
            out_hbm.at[r0, pl.ds(0, ln), pl.ds(m0, MWS)],
            sems[bi],
        ).wait()

    load_idx(r0, 0)
    for k, (lo, ln, bi) in enumerate(CHUNKS):
        if k >= 2:
            plo, pln, _ = CHUNKS[k - 2]
            wait(pln, bi)
            fill(0, plo, pln, bi, zeros)
        fill(0, lo, ln, bi, ones)
        start(r0, lo, ln, bi)

    def slab_body(rr, carry):
        r = r0 + rr
        ip = rr % 2
        load_idx(r, ip)
        for k, (lo, ln, bi) in enumerate(CHUNKS):
            plo, pln, _ = CHUNKS[k - 2]
            wait(pln, bi)
            pip = ip if k >= 2 else 1 - ip
            fill(pip, plo, pln, bi, zeros)
            fill(ip, lo, ln, bi, ones)
            start(r, lo, ln, bi)
        return carry

    lax.fori_loop(1, RG, slab_body, 0)
    wait(CHUNKS[2][1], CHUNKS[2][2])
    wait(CHUNKS[3][1], CHUNKS[3][2])


def kernel(x, eye):
    del eye
    xt = jnp.transpose(x)
    zeros = jnp.zeros((256, MWS), jnp.float32)
    out = _onehot_sc(xt, zeros)
    return jnp.transpose(out, (2, 0, 1))

# --- scband reference (transcript-rebuilt; emitter-appended) ---
"""Pipeline reference for scband-one-hot-67654324847046 (READ-ONLY COPY).

The authoritative reference and input builder live on the scoring server;
editing this copy changes nothing except your own understanding.
"""

import jax, jax.numpy as jnp
import numpy as np

SIZE = 1000

def setup_inputs(seed: int = 0) -> dict:
    key = jax.random.key(seed)
    k1, = jax.random.split(key, 1)
    x = jax.random.randint(k1, (4096, 20), 0, SIZE, dtype=jnp.int64 if jax.config.read('jax_enable_x64') else jnp.int32)
    eye = jnp.eye(SIZE, dtype=jnp.float32)
    return {"x": x, "eye": eye}

def reference(x, eye):
    # OneHot.forward: eye.index_select(0, x.view(-1)).view(*x.size(), -1)
    flat = x.reshape(-1)
    gathered = jnp.take(eye, flat, axis=0)
    return gathered.reshape(*x.shape, eye.shape[0])

if __name__ == "__main__":
    import jax
    _d = setup_inputs()
    print(jax.jit(kernel)(*tuple(_d.values())))

</pallas_src>

<mosaic_0001>
#map = affine_map<(d0, d1) -> (0, 0)>
#map1 = affine_map<(d0, d1) -> (0, 0, 0)>
module attributes {stable_mosaic.version = 14 : i64} {
  func.func @_onehot_sc(%arg0: i32, %arg1: i32, %arg2: memref<20x4096xi32, #tpu.memory_space<hbm>>, %arg3: memref<256x256xf32, #tpu.memory_space<hbm>>, %arg4: memref<20x1000x4096xf32, #tpu.memory_space<hbm>>, %arg5: memref<2x256xi32, #tpu.memory_space<vmem>>, %arg6: memref<256x256xf32, #tpu.memory_space<vmem>>, %arg7: memref<248x256xf32, #tpu.memory_space<vmem>>, %arg8: memref<!tpu.dma_semaphore, #tpu.memory_space<semaphore_mem>>, %arg9: memref<!tpu.dma_semaphore, #tpu.memory_space<semaphore_mem>>) attributes {dimension_semantics = [#tpu.dimension_semantics<core_parallel>, #tpu.dimension_semantics<subcore_parallel>], iteration_bounds = array<i64: 2, 16>, scalar_prefetch = 0 : i64, scratch_operands = 5 : i64, tpu.core_type = #tpu.core_type<sc_vector_subcore>, window_params = [{transform_indices = #map}, {transform_indices = #map}, {transform_indices = #map1}]} {
    %mul3A = arith.constant 2 : i32
    %mul3A_0 = arith.muli %arg1, %mul3A : i32
    %add3A = arith.addi %mul3A_0, %arg0 : i32
    %jit3A = arith.constant 2 : i32
    %div3A = arith.divsi %add3A, %jit3A : i32
    %sign3A = arith.constant 0 : i32
    %sign3A_1 = arith.cmpi sgt, %add3A, %sign3A : i32
    %sign3A_2 = arith.extui %sign3A_1 : i1 to i32
    %sign3A_3 = arith.constant 0 : i32
    %sign3A_4 = arith.cmpi slt, %add3A, %sign3A_3 : i32
    %sign3A_5 = arith.extui %sign3A_4 : i1 to i32
    %sign3A_6 = arith.subi %sign3A_2, %sign3A_5 : i32
    %sign3A_7 = arith.constant 0 : i32
    %sign3A_8 = arith.cmpi sgt, %jit3A, %sign3A_7 : i32
    %sign3A_9 = arith.extui %sign3A_8 : i1 to i32
    %sign3A_10 = arith.constant 0 : i32
    %sign3A_11 = arith.cmpi slt, %jit3A, %sign3A_10 : i32
    %sign3A_12 = arith.extui %sign3A_11 : i1 to i32
    %sign3A_13 = arith.subi %sign3A_9, %sign3A_12 : i32
    %ne3A = arith.cmpi ne, %sign3A_6, %sign3A_13 : i32
    %rem3A = arith.remsi %add3A, %jit3A : i32
    %ne3A_14 = arith.constant 0 : i32
    %ne3A_15 = arith.cmpi ne, %rem3A, %ne3A_14 : i32
    %and3A = arith.andi %ne3A, %ne3A_15 : i1
    %sub3A = arith.constant 1 : i32
    %sub3A_16 = arith.subi %div3A, %sub3A : i32
    %select_n3A = arith.select %and3A, %sub3A_16, %div3A : i32
    %jit3A_17 = arith.constant 2 : i32
    %eq3A = arith.constant 0 : i32
    %eq3A_18 = arith.cmpi eq, %jit3A_17, %eq3A : i32
    %jit3A_19 = arith.constant 1 : i32
    %select_n3A_20 = arith.select %eq3A_18, %jit3A_19, %jit3A_17 : i32
    %rem3A_21 = arith.remsi %add3A, %select_n3A_20 : i32
    %ne3A_22 = arith.constant 0 : i32
    %ne3A_23 = arith.cmpi ne, %rem3A_21, %ne3A_22 : i32
    %lt3A = arith.constant 0 : i32
    %lt3A_24 = arith.cmpi slt, %rem3A_21, %lt3A : i32
    %lt3A_25 = arith.constant 0 : i32
    %lt3A_26 = arith.cmpi slt, %select_n3A_20, %lt3A_25 : i32
    %ne3A_27 = arith.xori %lt3A_24, %lt3A_26 : i1
    %and3A_28 = arith.andi %ne3A_27, %ne3A_23 : i1
    %add3A_29 = arith.addi %rem3A_21, %select_n3A_20 : i32
    %select_n3A_30 = arith.select %and3A_28, %add3A_29, %rem3A_21 : i32
    %mul3A_31 = arith.constant 256 : i32
    %mul3A_32 = arith.muli %select_n3A, %mul3A_31 : i32
    %mul3A_33 = arith.constant 10 : i32
    %mul3A_34 = arith.muli %select_n3A_30, %mul3A_33 : i32
    "tpu.region"() ({
      %run_scoped3A_1767 = tpu.sem_alloc : memref<!tpu.dma_semaphore, #tpu.memory_space<semaphore_mem>>
      %dma_start3A_1768 = arith.constant 0 : i32
      %dma_start3A_1769 = arith.constant 0 : i32
      %dma_start3A_1770 = tpu.memref_slice %arg3[%dma_start3A_1768, %dma_start3A_1769] : memref<256x256xf32, #tpu.memory_space<hbm>> -> memref<256x256xf32, #tpu.memory_space<hbm>>
      %dma_start3A_1771 = arith.constant 0 : i32
      %dma_start3A_1772 = arith.constant 0 : i32
      %dma_start3A_1773 = tpu.memref_slice %arg3[%dma_start3A_1771, %dma_start3A_1772] : memref<256x256xf32, #tpu.memory_space<hbm>> -> memref<256x256xf32, #tpu.memory_space<hbm>>
      tpu.enqueue_dma source(%dma_start3A_1773 : memref<256x256xf32, #tpu.memory_space<hbm>>) target(%arg6 : memref<256x256xf32, #tpu.memory_space<vmem>>) target_semaphore(%run_scoped3A_1767 : memref<!tpu.dma_semaphore, #tpu.memory_space<semaphore_mem>>)
      %dma_wait3A_1774 = arith.constant 0 : i32
      %dma_wait3A_1775 = arith.constant 0 : i32
      %dma_wait3A_1776 = tpu.memref_slice %arg3[%dma_wait3A_1774, %dma_wait3A_1775] : memref<256x256xf32, #tpu.memory_space<hbm>> -> memref<256x256xf32, #tpu.memory_space<hbm>>
      %dma_wait3A_1777 = arith.constant 0 : i32
      %dma_wait3A_1778 = arith.constant 0 : i32
      %dma_wait3A_1779 = tpu.memref_slice %arg3[%dma_wait3A_1777, %dma_wait3A_1778] : memref<256x256xf32, #tpu.memory_space<hbm>> -> memref<256x256xf32, #tpu.memory_space<hbm>>
      tpu.wait_dma2 semaphore(%run_scoped3A_1767 : memref<!tpu.dma_semaphore, #tpu.memory_space<semaphore_mem>>) src(%dma_wait3A_1779 : memref<256x256xf32, #tpu.memory_space<hbm>>) dst(%arg6 : memref<256x256xf32, #tpu.memory_space<vmem>>)
      tpu.yield
    }) : () -> ()
    "tpu.region"() ({
      %run_scoped3A_1767 = tpu.sem_alloc : memref<!tpu.dma_semaphore, #tpu.memory_space<semaphore_mem>>
      %dma_start3A_1768 = arith.constant 0 : i32
      %dma_start3A_1769 = arith.constant 0 : i32
      %dma_start3A_1770 = tpu.memref_slice %arg3[%dma_start3A_1768, %dma_start3A_1769] : memref<256x256xf32, #tpu.memory_space<hbm>> -> memref<248x256xf32, #tpu.memory_space<hbm>>
      %dma_start3A_1771 = arith.constant 0 : i32
      %dma_start3A_1772 = arith.constant 0 : i32
      %dma_start3A_1773 = tpu.memref_slice %arg3[%dma_start3A_1771, %dma_start3A_1772] : memref<256x256xf32, #tpu.memory_space<hbm>> -> memref<248x256xf32, #tpu.memory_space<hbm>>
      tpu.enqueue_dma source(%dma_start3A_1773 : memref<248x256xf32, #tpu.memory_space<hbm>>) target(%arg7 : memref<248x256xf32, #tpu.memory_space<vmem>>) target_semaphore(%run_scoped3A_1767 : memref<!tpu.dma_semaphore, #tpu.memory_space<semaphore_mem>>)
      %dma_wait3A_1774 = arith.constant 0 : i32
      %dma_wait3A_1775 = arith.constant 0 : i32
      %dma_wait3A_1776 = tpu.memref_slice %arg3[%dma_wait3A_1774, %dma_wait3A_1775] : memref<256x256xf32, #tpu.memory_space<hbm>> -> memref<248x256xf32, #tpu.memory_space<hbm>>
      %dma_wait3A_1777 = arith.constant 0 : i32
      %dma_wait3A_1778 = arith.constant 0 : i32
      %dma_wait3A_1779 = tpu.memref_slice %arg3[%dma_wait3A_1777, %dma_wait3A_1778] : memref<256x256xf32, #tpu.memory_space<hbm>> -> memref<248x256xf32, #tpu.memory_space<hbm>>
      tpu.wait_dma2 semaphore(%run_scoped3A_1767 : memref<!tpu.dma_semaphore, #tpu.memory_space<semaphore_mem>>) src(%dma_wait3A_1779 : memref<248x256xf32, #tpu.memory_space<hbm>>) dst(%arg7 : memref<248x256xf32, #tpu.memory_space<vmem>>)
      tpu.yield
    }) : () -> ()
    %iota3A = tpu.iota {dimensions = array<i32: 0>} : vector<16xi32>
    %broadcast_in_dim3A = arith.constant 1.000000e+00 : f32
    %broadcast_in_dim3A_35 = vector.broadcast %broadcast_in_dim3A : f32 to vector<16xf32>
    %broadcast_in_dim3A_36 = arith.constant 0.000000e+00 : f32
    %broadcast_in_dim3A_37 = vector.broadcast %broadcast_in_dim3A_36 : f32 to vector<16xf32>
    %run_scoped3A = arith.constant 0 : i32
    "tpu.region"() ({
      %run_scoped3A_1767 = tpu.sem_alloc : memref<!tpu.dma_semaphore, #tpu.memory_space<semaphore_mem>>
      %dma_start3A_1768 = arith.constant 0 : i32
      %dma_start3A_1769 = tpu.memref_slice %arg5[%run_scoped3A, %dma_start3A_1768] : memref<2x256xi32, #tpu.memory_space<vmem>> -> memref<1x256xi32, #tpu.memory_space<vmem>>
      %dma_start3A_1770 = tpu.memref_squeeze %dma_start3A_1769 : memref<1x256xi32, #tpu.memory_space<vmem>> -> memref<256xi32, #tpu.memory_space<vmem>>
      %dma_start3A_1771 = tpu.memref_slice %arg2[%mul3A_34, %mul3A_32] : memref<20x4096xi32, #tpu.memory_space<hbm>> -> memref<1x256xi32, #tpu.memory_space<hbm>>
      %dma_start3A_1772 = tpu.memref_squeeze %dma_start3A_1771 : memref<1x256xi32, #tpu.memory_space<hbm>> -> memref<256xi32, #tpu.memory_space<hbm>>
      %dma_start3A_1773 = arith.constant 0 : i32
      %dma_start3A_1774 = tpu.memref_slice %arg5[%run_scoped3A, %dma_start3A_1773] : memref<2x256xi32, #tpu.memory_space<vmem>> -> memref<1x256xi32, #tpu.memory_space<vmem>>
      %dma_start3A_1775 = tpu.memref_squeeze %dma_start3A_1774 : memref<1x256xi32, #tpu.memory_space<vmem>> -> memref<256xi32, #tpu.memory_space<vmem>>
      %dma_start3A_1776 = tpu.memref_slice %arg2[%mul3A_34, %mul3A_32] : memref<20x4096xi32, #tpu.memory_space<hbm>> -> memref<1x256xi32, #tpu.memory_space<hbm>>
      %dma_start3A_1777 = tpu.memref_squeeze %dma_start3A_1776 : memref<1x256xi32, #tpu.memory_space<hbm>> -> memref<256xi32, #tpu.memory_space<hbm>>
      tpu.enqueue_dma source(%dma_start3A_1777 : memref<256xi32, #tpu.memory_space<hbm>>) target(%dma_start3A_1775 : memref<256xi32, #tpu.memory_space<vmem>>) target_semaphore(%run_scoped3A_1767 : memref<!tpu.dma_semaphore, #tpu.memory_space<semaphore_mem>>)
      %dma_wait3A_1778 = arith.constant 0 : i32
      %dma_wait3A_1779 = tpu.memref_slice %arg5[%run_scoped3A, %dma_wait3A_1778] : memref<2x256xi32, #tpu.memory_space<vmem>> -> memref<1x256xi32, #tpu.memory_space<vmem>>
      %dma_wait3A_1780 = tpu.memref_squeeze %dma_wait3A_1779 : memref<1x256xi32, #tpu.memory_space<vmem>> -> memref<256xi32, #tpu.memory_space<vmem>>
      %dma_wait3A_1781 = tpu.memref_slice %arg2[%mul3A_34, %mul3A_32] : memref<20x4096xi32, #tpu.memory_space<hbm>> -> memref<1x256xi32, #tpu.memory_space<hbm>>
      %dma_wait3A_1782 = tpu.memref_squeeze %dma_wait3A_1781 : memref<1x256xi32, #tpu.memory_space<hbm>> -> memref<256xi32, #tpu.memory_space<hbm>>
      %dma_wait3A_1783 = arith.constant 0 : i32
      %dma_wait3A_1784 = tpu.memref_slice %arg5[%run_scoped3A, %dma_wait3A_1783] : memref<2x256xi32, #tpu.memory_space<vmem>> -> memref<1x256xi32, #tpu.memory_space<vmem>>
      %dma_wait3A_1785 = tpu.memref_squeeze %dma_wait3A_1784 : memref<1x256xi32, #tpu.memory_space<vmem>> -> memref<256xi32, #tpu.memory_space<vmem>>
      %dma_wait3A_1786 = tpu.memref_slice %arg2[%mul3A_34, %mul3A_32] : memref<20x4096xi32, #tpu.memory_space<hbm>> -> memref<1x256xi32, #tpu.memory_space<hbm>>
      %dma_wait3A_1787 = tpu.memref_squeeze %dma_wait3A_1786 : memref<1x256xi32, #tpu.memory_space<hbm>> -> memref<256xi32, #tpu.memory_space<hbm>>
      tpu.wait_dma2 semaphore(%run_scoped3A_1767 : memref<!tpu.dma_semaphore, #tpu.memory_space<semaphore_mem>>) src(%dma_wait3A_1787 : memref<256xi32, #tpu.memory_space<hbm>>) dst(%dma_wait3A_1785 : memref<256xi32, #tpu.memory_space<vmem>>)
      tpu.yield
    }) : () -> ()
    %get3A = arith.constant 0 : i32
    %get3A_38 = arith.index_cast %get3A : i32 to index
    %get3A_39 = arith.constant 0 : index
    %get3A_40 = tpu.vector_load %arg5[%get3A_38, %get3A_39] {strides = array<i32>} : memref<2x256xi32, #tpu.memory_space<vmem>>, vector<16xi32>,
    %sub3A_41 = arith.constant 0 : i32
    %sub3A_42 = vector.broadcast %sub3A_41 : i32 to vector<16xi32>
    %sub3A_43 = arith.subi %get3A_40, %sub3A_42 : vector<16xi32>
    %ge3A = arith.constant 0 : i32
    %ge3A_44 = vector.broadcast %ge3A : i32 to vector<16xi32>
    %ge3A_45 = arith.cmpi sge, %sub3A_43, %ge3A_44 : vector<16xi32>
    %lt3A_46 = arith.constant 256 : i32
    %lt3A_47 = vector.broadcast %lt3A_46 : i32 to vector<16xi32>
    %lt3A_48 = arith.cmpi slt, %sub3A_43, %lt3A_47 : vector<16xi32>
    %and3A_49 = arith.andi %ge3A_45, %lt3A_48 : vector<16xi1>
    %add3A_50 = arith.constant 0 : i32
    %add3A_51 = vector.broadcast %add3A_50 : i32 to vector<16xi32>
    %add3A_52 = arith.addi %add3A_51, %iota3A : vector<16xi32>
    tpu.vector_store_idx %arg6[%sub3A_43, %add3A_52], %broadcast_in_dim3A_35 masked %and3A_49 : memref<256x256xf32, #tpu.memory_space<vmem>>[vector<16xi32>, vector<16xi32>], vector<16xf32>, vector<16xi1>
    %get3A_53 = arith.constant 0 : i32
    %get3A_54 = arith.index_cast %get3A_53 : i32 to index
    %get3A_55 = arith.constant 16 : index
    %get3A_56 = tpu.vector_load %arg5[%get3A_54, %get3A_55] {strides = array<i32>} : memref<2x256xi32, #tpu.memory_space<vmem>>, vector<16xi32>,
    %sub3A_57 = arith.constant 0 : i32
    %sub3A_58 = vector.broadcast %sub3A_57 : i32 to vector<16xi32>
    %sub3A_59 = arith.subi %get3A_56, %sub3A_58 : vector<16xi32>
    %ge3A_60 = arith.constant 0 : i32
    %ge3A_61 = vector.broadcast %ge3A_60 : i32 to vector<16xi32>
    %ge3A_62 = arith.cmpi sge, %sub3A_59, %ge3A_61 : vector<16xi32>
    %lt3A_63 = arith.constant 256 : i32
    %lt3A_64 = vector.broadcast %lt3A_63 : i32 to vector<16xi32>
    %lt3A_65 = arith.cmpi slt, %sub3A_59, %lt3A_64 : vector<16xi32>
    %and3A_66 = arith.andi %ge3A_62, %lt3A_65 : vector<16xi1>
    %add3A_67 = arith.constant 16 : i32
    %add3A_68 = vector.broadcast %add3A_67 : i32 to vector<16xi32>
    %add3A_69 = arith.addi %add3A_68, %iota3A : vector<16xi32>
    tpu.vector_store_idx %arg6[%sub3A_59, %add3A_69], %broadcast_in_dim3A_35 masked %and3A_66 : memref<256x256xf32, #tpu.memory_space<vmem>>[vector<16xi32>, vector<16xi32>], vector<16xf32>, vector<16xi1>
    %get3A_70 = arith.constant 0 : i32
    %get3A_71 = arith.index_cast %get3A_70 : i32 to index
    %get3A_72 = arith.constant 32 : index
    %get3A_73 = tpu.vector_load %arg5[%get3A_71, %get3A_72] {strides = array<i32>} : memref<2x256xi32, #tpu.memory_space<vmem>>, vector<16xi32>,
    %sub3A_74 = arith.constant 0 : i32
    %sub3A_75 = vector.broadcast %sub3A_74 : i32 to vector<16xi32>
    %sub3A_76 = arith.subi %get3A_73, %sub3A_75 : vector<16xi32>
    %ge3A_77 = arith.constant 0 : i32
    %ge3A_78 = vector.broadcast %ge3A_77 : i32 to vector<16xi32>
    %ge3A_79 = arith.cmpi sge, %sub3A_76, %ge3A_78 : vector<16xi32>
    %lt3A_80 = arith.constant 256 : i32
    %lt3A_81 = vector.broadcast %lt3A_80 : i32 to vector<16xi32>
    %lt3A_82 = arith.cmpi slt, %sub3A_76, %lt3A_81 : vector<16xi32>
    %and3A_83 = arith.andi %ge3A_79, %lt3A_82 : vector<16xi1>
    %add3A_84 = arith.constant 32 : i32
    %add3A_85 = vector.broadcast %add3A_84 : i32 to vector<16xi32>
    %add3A_86 = arith.addi %add3A_85, %iota3A : vector<16xi32>
    tpu.vector_store_idx %arg6[%sub3A_76, %add3A_86], %broadcast_in_dim3A_35 masked %and3A_83 : memref<256x256xf32, #tpu.memory_space<vmem>>[vector<16xi32>, vector<16xi32>], vector<16xf32>, vector<16xi1>
    %get3A_87 = arith.constant 0 : i32
    %get3A_88 = arith.index_cast %get3A_87 : i32 to index
    %get3A_89 = arith.constant 48 : index
    %get3A_90 = tpu.vector_load %arg5[%get3A_88, %get3A_89] {strides = array<i32>} : memref<2x256xi32, #tpu.memory_space<vmem>>, vector<16xi32>,
    %sub3A_91 = arith.constant 0 : i32
    %sub3A_92 = vector.broadcast %sub3A_91 : i32 to vector<16xi32>
    %sub3A_93 = arith.subi %get3A_90, %sub3A_92 : vector<16xi32>
    %ge3A_94 = arith.constant 0 : i32
    %ge3A_95 = vector.broadcast %ge3A_94 : i32 to vector<16xi32>
    %ge3A_96 = arith.cmpi sge, %sub3A_93, %ge3A_95 : vector<16xi32>
    %lt3A_97 = arith.constant 256 : i32
    %lt3A_98 = vector.broadcast %lt3A_97 : i32 to vector<16xi32>
    %lt3A_99 = arith.cmpi slt, %sub3A_93, %lt3A_98 : vector<16xi32>
    %and3A_100 = arith.andi %ge3A_96, %lt3A_99 : vector<16xi1>
    %add3A_101 = arith.constant 48 : i32
    %add3A_102 = vector.broadcast %add3A_101 : i32 to vector<16xi32>
    %add3A_103 = arith.addi %add3A_102, %iota3A : vector<16xi32>
    tpu.vector_store_idx %arg6[%sub3A_93, %add3A_103], %broadcast_in_dim3A_35 masked %and3A_100 : memref<256x256xf32, #tpu.memory_space<vmem>>[vector<16xi32>, vector<16xi32>], vector<16xf32>, vector<16xi1>
    %get3A_104 = arith.constant 0 : i32
    %get3A_105 = arith.index_cast %get3A_104 : i32 to index
    %get3A_106 = arith.constant 64 : index
    %get3A_107 = tpu.vector_load %arg5[%get3A_105, %get3A_106] {strides = array<i32>} : memref<2x256xi32, #tpu.memory_space<vmem>>, vector<16xi32>,
    %sub3A_108 = arith.constant 0 : i32
    %sub3A_109 = vector.broadcast %sub3A_108 : i32 to vector<16xi32>
    %sub3A_110 = arith.subi %get3A_107, %sub3A_109 : vector<16xi32>
    %ge3A_111 = arith.constant 0 : i32
    %ge3A_112 = vector.broadcast %ge3A_111 : i32 to vector<16xi32>
    %ge3A_113 = arith.cmpi sge, %sub3A_110, %ge3A_112 : vector<16xi32>
    %lt3A_114 = arith.constant 256 : i32
    %lt3A_115 = vector.broadcast %lt3A_114 : i32 to vector<16xi32>
    %lt3A_116 = arith.cmpi slt, %sub3A_110, %lt3A_115 : vector<16xi32>
    %and3A_117 = arith.andi %ge3A_113, %lt3A_116 : vector<16xi1>
    %add3A_118 = arith.constant 64 : i32
    %add3A_119 = vector.broadcast %add3A_118 : i32 to vector<16xi32>
    %add3A_120 = arith.addi %add3A_119, %iota3A : vector<16xi32>
    tpu.vector_store_idx %arg6[%sub3A_110, %add3A_120], %broadcast_in_dim3A_35 masked %and3A_117 : memref<256x256xf32, #tpu.memory_space<vmem>>[vector<16xi32>, vector<16xi32>], vector<16xf32>, vector<16xi1>
    %get3A_121 = arith.constant 0 : i32
    %get3A_122 = arith.index_cast %get3A_121 : i32 to index
    %get3A_123 = arith.constant 80 : index
    %get3A_124 = tpu.vector_load %arg5[%get3A_122, %get3A_123] {strides = array<i32>} : memref<2x256xi32, #tpu.memory_space<vmem>>, vector<16xi32>,
    %sub3A_125 = arith.constant 0 : i32
    %sub3A_126 = vector.broadcast %sub3A_125 : i32 to vector<16xi32>
    %sub3A_127 = arith.subi %get3A_124, %sub3A_126 : vector<16xi32>
    %ge3A_128 = arith.constant 0 : i32
    %ge3A_129 = vector.broadcast %ge3A_128 : i32 to vector<16xi32>
    %ge3A_130 = arith.cmpi sge, %sub3A_127, %ge3A_129 : vector<16xi32>
    %lt3A_131 = arith.constant 256 : i32
    %lt3A_132 = vector.broadcast %lt3A_131 : i32 to vector<16xi32>
    %lt3A_133 = arith.cmpi slt, %sub3A_127, %lt3A_132 : vector<16xi32>
    %and3A_134 = arith.andi %ge3A_130, %lt3A_133 : vector<16xi1>
    %add3A_135 = arith.constant 80 : i32
    %add3A_136 = vector.broadcast %add3A_135 : i32 to vector<16xi32>
    %add3A_137 = arith.addi %add3A_136, %iota3A : vector<16xi32>
    tpu.vector_store_idx %arg6[%sub3A_127, %add3A_137], %broadcast_in_dim3A_35 masked %and3A_134 : memref<256x256xf32, #tpu.memory_space<vmem>>[vector<16xi32>, vector<16xi32>], vector<16xf32>, vector<16xi1>
    %get3A_138 = arith.constant 0 : i32
    %get3A_139 = arith.index_cast %get3A_138 : i32 to index
    %get3A_140 = arith.constant 96 : index
    %get3A_141 = tpu.vector_load %arg5[%get3A_139, %get3A_140] {strides = array<i32>} : memref<2x256xi32, #tpu.memory_space<vmem>>, vector<16xi32>,
    %sub3A_142 = arith.constant 0 : i32
    %sub3A_143 = vector.broadcast %sub3A_142 : i32 to vector<16xi32>
    %sub3A_144 = arith.subi %get3A_141, %sub3A_143 : vector<16xi32>
    %ge3A_145 = arith.constant 0 : i32
    %ge3A_146 = vector.broadcast %ge3A_145 : i32 to vector<16xi32>
    %ge3A_147 = arith.cmpi sge, %sub3A_144, %ge3A_146 : vector<16xi32>
    %lt3A_148 = arith.constant 256 : i32
    %lt3A_149 = vector.broadcast %lt3A_148 : i32 to vector<16xi32>
    %lt3A_150 = arith.cmpi slt, %sub3A_144, %lt3A_149 : vector<16xi32>
    %and3A_151 = arith.andi %ge3A_147, %lt3A_150 : vector<16xi1>
    %add3A_152 = arith.constant 96 : i32
    %add3A_153 = vector.broadcast %add3A_152 : i32 to vector<16xi32>
    %add3A_154 = arith.addi %add3A_153, %iota3A : vector<16xi32>
    tpu.vector_store_idx %arg6[%sub3A_144, %add3A_154], %broadcast_in_dim3A_35 masked %and3A_151 : memref<256x256xf32, #tpu.memory_space<vmem>>[vector<16xi32>, vector<16xi32>], vector<16xf32>, vector<16xi1>
    %get3A_155 = arith.constant 0 : i32
    %get3A_156 = arith.index_cast %get3A_155 : i32 to index
    %get3A_157 = arith.constant 112 : index
    %get3A_158 = tpu.vector_load %arg5[%get3A_156, %get3A_157] {strides = array<i32>} : memref<2x256xi32, #tpu.memory_space<vmem>>, vector<16xi32>,
    %sub3A_159 = arith.constant 0 : i32
    %sub3A_160 = vector.broadcast %sub3A_159 : i32 to vector<16xi32>
    %sub3A_161 = arith.subi %get3A_158, %sub3A_160 : vector<16xi32>
    %ge3A_162 = arith.constant 0 : i32
    %ge3A_163 = vector.broadcast %ge3A_162 : i32 to vector<16xi32>
    %ge3A_164 = arith.cmpi sge, %sub3A_161, %ge3A_163 : vector<16xi32>
    %lt3A_165 = arith.constant 256 : i32
    %lt3A_166 = vector.broadcast %lt3A_165 : i32 to vector<16xi32>
    %lt3A_167 = arith.cmpi slt, %sub3A_161, %lt3A_166 : vector<16xi32>
    %and3A_168 = arith.andi %ge3A_164, %lt3A_167 : vector<16xi1>
    %add3A_169 = arith.constant 112 : i32
    %add3A_170 = vector.broadcast %add3A_169 : i32 to vector<16xi32>
    %add3A_171 = arith.addi %add3A_170, %iota3A : vector<16xi32>
    tpu.vector_store_idx %arg6[%sub3A_161, %add3A_171], %broadcast_in_dim3A_35 masked %and3A_168 : memref<256x256xf32, #tpu.memory_space<vmem>>[vector<16xi32>, vector<16xi32>], vector<16xf32>, vector<16xi1>
    %get3A_172 = arith.constant 0 : i32
    %get3A_173 = arith.index_cast %get3A_172 : i32 to index
    %get3A_174 = arith.constant 128 : index
    %get3A_175 = tpu.vector_load %arg5[%get3A_173, %get3A_174] {strides = array<i32>} : memref<2x256xi32, #tpu.memory_space<vmem>>, vector<16xi32>,
    %sub3A_176 = arith.constant 0 : i32
    %sub3A_177 = vector.broadcast %sub3A_176 : i32 to vector<16xi32>
    %sub3A_178 = arith.subi %get3A_175, %sub3A_177 : vector<16xi32>
    %ge3A_179 = arith.constant 0 : i32
    %ge3A_180 = vector.broadcast %ge3A_179 : i32 to vector<16xi32>
    %ge3A_181 = arith.cmpi sge, %sub3A_178, %ge3A_180 : vector<16xi32>
    %lt3A_182 = arith.constant 256 : i32
    %lt3A_183 = vector.broadcast %lt3A_182 : i32 to vector<16xi32>
    %lt3A_184 = arith.cmpi slt, %sub3A_178, %lt3A_183 : vector<16xi32>
    %and3A_185 = arith.andi %ge3A_181, %lt3A_184 : vector<16xi1>
    %add3A_186 = arith.constant 128 : i32
    %add3A_187 = vector.broadcast %add3A_186 : i32 to vector<16xi32>
    %add3A_188 = arith.addi %add3A_187, %iota3A : vector<16xi32>
    tpu.vector_store_idx %arg6[%sub3A_178, %add3A_188], %broadcast_in_dim3A_35 masked %and3A_185 : memref<256x256xf32, #tpu.memory_space<vmem>>[vector<16xi32>, vector<16xi32>], vector<16xf32>, vector<16xi1>
    %get3A_189 = arith.constant 0 : i32
    %get3A_190 = arith.index_cast %get3A_189 : i32 to index
    %get3A_191 = arith.constant 144 : index
    %get3A_192 = tpu.vector_load %arg5[%get3A_190, %get3A_191] {strides = array<i32>} : memref<2x256xi32, #tpu.memory_space<vmem>>, vector<16xi32>,
    %sub3A_193 = arith.constant 0 : i32
    %sub3A_194 = vector.broadcast %sub3A_193 : i32 to vector<16xi32>
    %sub3A_195 = arith.subi %get3A_192, %sub3A_194 : vector<16xi32>
    %ge3A_196 = arith.constant 0 : i32
    %ge3A_197 = vector.broadcast %ge3A_196 : i32 to vector<16xi32>
    %ge3A_198 = arith.cmpi sge, %sub3A_195, %ge3A_197 : vector<16xi32>
    %lt3A_199 = arith.constant 256 : i32
    %lt3A_200 = vector.broadcast %lt3A_199 : i32 to vector<16xi32>
    %lt3A_201 = arith.cmpi slt, %sub3A_195, %lt3A_200 : vector<16xi32>
    %and3A_202 = arith.andi %ge3A_198, %lt3A_201 : vector<16xi1>
    %add3A_203 = arith.constant 144 : i32
    %add3A_204 = vector.broadcast %add3A_203 : i32 to vector<16xi32>
    %add3A_205 = arith.addi %add3A_204, %iota3A : vector<16xi32>
    tpu.vector_store_idx %arg6[%sub3A_195, %add3A_205], %broadcast_in_dim3A_35 masked %and3A_202 : memref<256x256xf32, #tpu.memory_space<vmem>>[vector<16xi32>, vector<16xi32>], vector<16xf32>, vector<16xi1>
    %get3A_206 = arith.constant 0 : i32
    %get3A_207 = arith.index_cast %get3A_206 : i32 to index
    %get3A_208 = arith.constant 160 : index
    %get3A_209 = tpu.vector_load %arg5[%get3A_207, %get3A_208] {strides = array<i32>} : memref<2x256xi32, #tpu.memory_space<vmem>>, vector<16xi32>,
    %sub3A_210 = arith.constant 0 : i32
    %sub3A_211 = vector.broadcast %sub3A_210 : i32 to vector<16xi32>
    %sub3A_212 = arith.subi %get3A_209, %sub3A_211 : vector<16xi32>
    %ge3A_213 = arith.constant 0 : i32
    %ge3A_214 = vector.broadcast %ge3A_213 : i32 to vector<16xi32>
    %ge3A_215 = arith.cmpi sge, %sub3A_212, %ge3A_214 : vector<16xi32>
    %lt3A_216 = arith.constant 256 : i32
    %lt3A_217 = vector.broadcast %lt3A_216 : i32 to vector<16xi32>
    %lt3A_218 = arith.cmpi slt, %sub3A_212, %lt3A_217 : vector<16xi32>
    %and3A_219 = arith.andi %ge3A_215, %lt3A_218 : vector<16xi1>
    %add3A_220 = arith.constant 160 : i32
    %add3A_221 = vector.broadcast %add3A_220 : i32 to vector<16xi32>
    %add3A_222 = arith.addi %add3A_221, %iota3A : vector<16xi32>
    tpu.vector_store_idx %arg6[%sub3A_212, %add3A_222], %broadcast_in_dim3A_35 masked %and3A_219 : memref<256x256xf32, #tpu.memory_space<vmem>>[vector<16xi32>, vector<16xi32>], vector<16xf32>, vector<16xi1>
    %get3A_223 = arith.constant 0 : i32
    %get3A_224 = arith.index_cast %get3A_223 : i32 to index
    %get3A_225 = arith.constant 176 : index
    %get3A_226 = tpu.vector_load %arg5[%get3A_224, %get3A_225] {strides = array<i32>} : memref<2x256xi32, #tpu.memory_space<vmem>>, vector<16xi32>,
    %sub3A_227 = arith.constant 0 : i32
    %sub3A_228 = vector.broadcast %sub3A_227 : i32 to vector<16xi32>
    %sub3A_229 = arith.subi %get3A_226, %sub3A_228 : vector<16xi32>
    %ge3A_230 = arith.constant 0 : i32
    %ge3A_231 = vector.broadcast %ge3A_230 : i32 to vector<16xi32>
    %ge3A_232 = arith.cmpi sge, %sub3A_229, %ge3A_231 : vector<16xi32>
    %lt3A_233 = arith.constant 256 : i32
    %lt3A_234 = vector.broadcast %lt3A_233 : i32 to vector<16xi32>
    %lt3A_235 = arith.cmpi slt, %sub3A_229, %lt3A_234 : vector<16xi32>
    %and3A_236 = arith.andi %ge3A_232, %lt3A_235 : vector<16xi1>
    %add3A_237 = arith.constant 176 : i32
    %add3A_238 = vector.broadcast %add3A_237 : i32 to vector<16xi32>
    %add3A_239 = arith.addi %add3A_238, %iota3A : vector<16xi32>
    tpu.vector_store_idx %arg6[%sub3A_229, %add3A_239], %broadcast_in_dim3A_35 masked %and3A_236 : memref<256x256xf32, #tpu.memory_space<vmem>>[vector<16xi32>, vector<16xi32>], vector<16xf32>, vector<16xi1>
    %get3A_240 = arith.constant 0 : i32
    %get3A_241 = arith.index_cast %get3A_240 : i32 to index
    %get3A_242 = arith.constant 192 : index
    %get3A_243 = tpu.vector_load %arg5[%get3A_241, %get3A_242] {strides = array<i32>} : memref<2x256xi32, #tpu.memory_space<vmem>>, vector<16xi32>,
    %sub3A_244 = arith.constant 0 : i32
    %sub3A_245 = vector.broadcast %sub3A_244 : i32 to vector<16xi32>
    %sub3A_246 = arith.subi %get3A_243, %sub3A_245 : vector<16xi32>
    %ge3A_247 = arith.constant 0 : i32
    %ge3A_248 = vector.broadcast %ge3A_247 : i32 to vector<16xi32>
    %ge3A_249 = arith.cmpi sge, %sub3A_246, %ge3A_248 : vector<16xi32>
    %lt3A_250 = arith.constant 256 : i32
    %lt3A_251 = vector.broadcast %lt3A_250 : i32 to vector<16xi32>
    %lt3A_252 = arith.cmpi slt, %sub3A_246, %lt3A_251 : vector<16xi32>
    %and3A_253 = arith.andi %ge3A_249, %lt3A_252 : vector<16xi1>
    %add3A_254 = arith.constant 192 : i32
    %add3A_255 = vector.broadcast %add3A_254 : i32 to vector<16xi32>
    %add3A_256 = arith.addi %add3A_255, %iota3A : vector<16xi32>
    tpu.vector_store_idx %arg6[%sub3A_246, %add3A_256], %broadcast_in_dim3A_35 masked %and3A_253 : memref<256x256xf32, #tpu.memory_space<vmem>>[vector<16xi32>, vector<16xi32>], vector<16xf32>, vector<16xi1>
    %get3A_257 = arith.constant 0 : i32
    %get3A_258 = arith.index_cast %get3A_257 : i32 to index
    %get3A_259 = arith.constant 208 : index
    %get3A_260 = tpu.vector_load %arg5[%get3A_258, %get3A_259] {strides = array<i32>} : memref<2x256xi32, #tpu.memory_space<vmem>>, vector<16xi32>,
    %sub3A_261 = arith.constant 0 : i32
    %sub3A_262 = vector.broadcast %sub3A_261 : i32 to vector<16xi32>
    %sub3A_263 = arith.subi %get3A_260, %sub3A_262 : vector<16xi32>
    %ge3A_264 = arith.constant 0 : i32
    %ge3A_265 = vector.broadcast %ge3A_264 : i32 to vector<16xi32>
    %ge3A_266 = arith.cmpi sge, %sub3A_263, %ge3A_265 : vector<16xi32>
    %lt3A_267 = arith.constant 256 : i32
    %lt3A_268 = vector.broadcast %lt3A_267 : i32 to vector<16xi32>
    %lt3A_269 = arith.cmpi slt, %sub3A_263, %lt3A_268 : vector<16xi32>
    %and3A_270 = arith.andi %ge3A_266, %lt3A_269 : vector<16xi1>
    %add3A_271 = arith.constant 208 : i32
    %add3A_272 = vector.broadcast %add3A_271 : i32 to vector<16xi32>
    %add3A_273 = arith.addi %add3A_272, %iota3A : vector<16xi32>
    tpu.vector_store_idx %arg6[%sub3A_263, %add3A_273], %broadcast_in_dim3A_35 masked %and3A_270 : memref<256x256xf32, #tpu.memory_space<vmem>>[vector<16xi32>, vector<16xi32>], vector<16xf32>, vector<16xi1>
    %get3A_274 = arith.constant 0 : i32
    %get3A_275 = arith.index_cast %get3A_274 : i32 to index
    %get3A_276 = arith.constant 224 : index
    %get3A_277 = tpu.vector_load %arg5[%get3A_275, %get3A_276] {strides = array<i32>} : memref<2x256xi32, #tpu.memory_space<vmem>>, vector<16xi32>,
    %sub3A_278 = arith.constant 0 : i32
    %sub3A_279 = vector.broadcast %sub3A_278 : i32 to vector<16xi32>
    %sub3A_280 = arith.subi %get3A_277, %sub3A_279 : vector<16xi32>
    %ge3A_281 = arith.constant 0 : i32
    %ge3A_282 = vector.broadcast %ge3A_281 : i32 to vector<16xi32>
    %ge3A_283 = arith.cmpi sge, %sub3A_280, %ge3A_282 : vector<16xi32>
    %lt3A_284 = arith.constant 256 : i32
    %lt3A_285 = vector.broadcast %lt3A_284 : i32 to vector<16xi32>
    %lt3A_286 = arith.cmpi slt, %sub3A_280, %lt3A_285 : vector<16xi32>
    %and3A_287 = arith.andi %ge3A_283, %lt3A_286 : vector<16xi1>
    %add3A_288 = arith.constant 224 : i32
    %add3A_289 = vector.broadcast %add3A_288 : i32 to vector<16xi32>
    %add3A_290 = arith.addi %add3A_289, %iota3A : vector<16xi32>
    tpu.vector_store_idx %arg6[%sub3A_280, %add3A_290], %broadcast_in_dim3A_35 masked %and3A_287 : memref<256x256xf32, #tpu.memory_space<vmem>>[vector<16xi32>, vector<16xi32>], vector<16xf32>, vector<16xi1>
    %get3A_291 = arith.constant 0 : i32
    %get3A_292 = arith.index_cast %get3A_291 : i32 to index
    %get3A_293 = arith.constant 240 : index
    %get3A_294 = tpu.vector_load %arg5[%get3A_292, %get3A_293] {strides = array<i32>} : memref<2x256xi32, #tpu.memory_space<vmem>>, vector<16xi32>,
    %sub3A_295 = arith.constant 0 : i32
    %sub3A_296 = vector.broadcast %sub3A_295 : i32 to vector<16xi32>
    %sub3A_297 = arith.subi %get3A_294, %sub3A_296 : vector<16xi32>
    %ge3A_298 = arith.constant 0 : i32
    %ge3A_299 = vector.broadcast %ge3A_298 : i32 to vector<16xi32>
    %ge3A_300 = arith.cmpi sge, %sub3A_297, %ge3A_299 : vector<16xi32>
    %lt3A_301 = arith.constant 256 : i32
    %lt3A_302 = vector.broadcast %lt3A_301 : i32 to vector<16xi32>
    %lt3A_303 = arith.cmpi slt, %sub3A_297, %lt3A_302 : vector<16xi32>
    %and3A_304 = arith.andi %ge3A_300, %lt3A_303 : vector<16xi1>
    %add3A_305 = arith.constant 240 : i32
    %add3A_306 = vector.broadcast %add3A_305 : i32 to vector<16xi32>
    %add3A_307 = arith.addi %add3A_306, %iota3A : vector<16xi32>
    tpu.vector_store_idx %arg6[%sub3A_297, %add3A_307], %broadcast_in_dim3A_35 masked %and3A_304 : memref<256x256xf32, #tpu.memory_space<vmem>>[vector<16xi32>, vector<16xi32>], vector<16xf32>, vector<16xi1>
    %dma_start3A = arith.constant 0 : i32
    %dma_start3A_308 = arith.constant 0 : i32
    %dma_start3A_309 = tpu.memref_slice %arg6[%dma_start3A, %dma_start3A_308] : memref<256x256xf32, #tpu.memory_space<vmem>> -> memref<256x256xf32, #tpu.memory_space<vmem>>
    %dma_start3A_310 = arith.constant 0 : i32
    %dma_start3A_311 = tpu.memref_slice %arg4[%mul3A_34, %dma_start3A_310, %mul3A_32] : memref<20x1000x4096xf32, #tpu.memory_space<hbm>> -> memref<1x256x256xf32, #tpu.memory_space<hbm>>
    %dma_start3A_312 = tpu.memref_squeeze %dma_start3A_311 : memref<1x256x256xf32, #tpu.memory_space<hbm>> -> memref<256x256xf32, #tpu.memory_space<hbm>>
    %dma_start3A_313 = arith.constant 0 : i32
    %dma_start3A_314 = tpu.memref_slice %arg4[%mul3A_34, %dma_start3A_313, %mul3A_32] : memref<20x1000x4096xf32, #tpu.memory_space<hbm>> -> memref<1x256x256xf32, #tpu.memory_space<hbm>>
    %dma_start3A_315 = tpu.memref_squeeze %dma_start3A_314 : memref<1x256x256xf32, #tpu.memory_space<hbm>> -> memref<256x256xf32, #tpu.memory_space<hbm>>
    %dma_start3A_316 = arith.constant 0 : i32
    %dma_start3A_317 = arith.constant 0 : i32
    %dma_start3A_318 = tpu.memref_slice %arg6[%dma_start3A_316, %dma_start3A_317] : memref<256x256xf32, #tpu.memory_space<vmem>> -> memref<256x256xf32, #tpu.memory_space<vmem>>
    tpu.enqueue_dma source(%dma_start3A_318 : memref<256x256xf32, #tpu.memory_space<vmem>>) target(%dma_start3A_315 : memref<256x256xf32, #tpu.memory_space<hbm>>) target_semaphore(%arg8 : memref<!tpu.dma_semaphore, #tpu.memory_space<semaphore_mem>>)
    %get3A_319 = arith.constant 0 : i32
    %get3A_320 = arith.index_cast %get3A_319 : i32 to index
    %get3A_321 = arith.constant 0 : index
    %get3A_322 = tpu.vector_load %arg5[%get3A_320, %get3A_321] {strides = array<i32>} : memref<2x256xi32, #tpu.memory_space<vmem>>, vector<16xi32>,
    %sub3A_323 = arith.constant 256 : i32
    %sub3A_324 = vector.broadcast %sub3A_323 : i32 to vector<16xi32>
    %sub3A_325 = arith.subi %get3A_322, %sub3A_324 : vector<16xi32>
    %ge3A_326 = arith.constant 0 : i32
    %ge3A_327 = vector.broadcast %ge3A_326 : i32 to vector<16xi32>
    %ge3A_328 = arith.cmpi sge, %sub3A_325, %ge3A_327 : vector<16xi32>
    %lt3A_329 = arith.constant 248 : i32
    %lt3A_330 = vector.broadcast %lt3A_329 : i32 to vector<16xi32>
    %lt3A_331 = arith.cmpi slt, %sub3A_325, %lt3A_330 : vector<16xi32>
    %and3A_332 = arith.andi %ge3A_328, %lt3A_331 : vector<16xi1>
    %add3A_333 = arith.constant 0 : i32
    %add3A_334 = vector.broadcast %add3A_333 : i32 to vector<16xi32>
    %add3A_335 = arith.addi %add3A_334, %iota3A : vector<16xi32>
    tpu.vector_store_idx %arg7[%sub3A_325, %add3A_335], %broadcast_in_dim3A_35 masked %and3A_332 : memref<248x256xf32, #tpu.memory_space<vmem>>[vector<16xi32>, vector<16xi32>], vector<16xf32>, vector<16xi1>
    %get3A_336 = arith.constant 0 : i32
    %get3A_337 = arith.index_cast %get3A_336 : i32 to index
    %get3A_338 = arith.constant 16 : index
    %get3A_339 = tpu.vector_load %arg5[%get3A_337, %get3A_338] {strides = array<i32>} : memref<2x256xi32, #tpu.memory_space<vmem>>, vector<16xi32>,
    %sub3A_340 = arith.constant 256 : i32
    %sub3A_341 = vector.broadcast %sub3A_340 : i32 to vector<16xi32>
    %sub3A_342 = arith.subi %get3A_339, %sub3A_341 : vector<16xi32>
    %ge3A_343 = arith.constant 0 : i32
    %ge3A_344 = vector.broadcast %ge3A_343 : i32 to vector<16xi32>
    %ge3A_345 = arith.cmpi sge, %sub3A_342, %ge3A_344 : vector<16xi32>
    %lt3A_346 = arith.constant 248 : i32
    %lt3A_347 = vector.broadcast %lt3A_346 : i32 to vector<16xi32>
    %lt3A_348 = arith.cmpi slt, %sub3A_342, %lt3A_347 : vector<16xi32>
    %and3A_349 = arith.andi %ge3A_345, %lt3A_348 : vector<16xi1>
    %add3A_350 = arith.constant 16 : i32
    %add3A_351 = vector.broadcast %add3A_350 : i32 to vector<16xi32>
    %add3A_352 = arith.addi %add3A_351, %iota3A : vector<16xi32>
    tpu.vector_store_idx %arg7[%sub3A_342, %add3A_352], %broadcast_in_dim3A_35 masked %and3A_349 : memref<248x256xf32, #tpu.memory_space<vmem>>[vector<16xi32>, vector<16xi32>], vector<16xf32>, vector<16xi1>
    %get3A_353 = arith.constant 0 : i32
    %get3A_354 = arith.index_cast %get3A_353 : i32 to index
    %get3A_355 = arith.constant 32 : index
    %get3A_356 = tpu.vector_load %arg5[%get3A_354, %get3A_355] {strides = array<i32>} : memref<2x256xi32, #tpu.memory_space<vmem>>, vector<16xi32>,
    %sub3A_357 = arith.constant 256 : i32
    %sub3A_358 = vector.broadcast %sub3A_357 : i32 to vector<16xi32>
    %sub3A_359 = arith.subi %get3A_356, %sub3A_358 : vector<16xi32>
    %ge3A_360 = arith.constant 0 : i32
    %ge3A_361 = vector.broadcast %ge3A_360 : i32 to vector<16xi32>
    %ge3A_362 = arith.cmpi sge, %sub3A_359, %ge3A_361 : vector<16xi32>
    %lt3A_363 = arith.constant 248 : i32
    %lt3A_364 = vector.broadcast %lt3A_363 : i32 to vector<16xi32>
    %lt3A_365 = arith.cmpi slt, %sub3A_359, %lt3A_364 : vector<16xi32>
    %and3A_366 = arith.andi %ge3A_362, %lt3A_365 : vector<16xi1>
    %add3A_367 = arith.constant 32 : i32
    %add3A_368 = vector.broadcast %add3A_367 : i32 to vector<16xi32>
    %add3A_369 = arith.addi %add3A_368, %iota3A : vector<16xi32>
    tpu.vector_store_idx %arg7[%sub3A_359, %add3A_369], %broadcast_in_dim3A_35 masked %and3A_366 : memref<248x256xf32, #tpu.memory_space<vmem>>[vector<16xi32>, vector<16xi32>], vector<16xf32>, vector<16xi1>
    %get3A_370 = arith.constant 0 : i32
    %get3A_371 = arith.index_cast %get3A_370 : i32 to index
    %get3A_372 = arith.constant 48 : index
    %get3A_373 = tpu.vector_load %arg5[%get3A_371, %get3A_372] {strides = array<i32>} : memref<2x256xi32, #tpu.memory_space<vmem>>, vector<16xi32>,
    %sub3A_374 = arith.constant 256 : i32
    %sub3A_375 = vector.broadcast %sub3A_374 : i32 to vector<16xi32>
    %sub3A_376 = arith.subi %get3A_373, %sub3A_375 : vector<16xi32>
    %ge3A_377 = arith.constant 0 : i32
    %ge3A_378 = vector.broadcast %ge3A_377 : i32 to vector<16xi32>
    %ge3A_379 = arith.cmpi sge, %sub3A_376, %ge3A_378 : vector<16xi32>
    %lt3A_380 = arith.constant 248 : i32
    %lt3A_381 = vector.broadcast %lt3A_380 : i32 to vector<16xi32>
    %lt3A_382 = arith.cmpi slt, %sub3A_376, %lt3A_381 : vector<16xi32>
    %and3A_383 = arith.andi %ge3A_379, %lt3A_382 : vector<16xi1>
    %add3A_384 = arith.constant 48 : i32
    %add3A_385 = vector.broadcast %add3A_384 : i32 to vector<16xi32>
    %add3A_386 = arith.addi %add3A_385, %iota3A : vector<16xi32>
    tpu.vector_store_idx %arg7[%sub3A_376, %add3A_386], %broadcast_in_dim3A_35 masked %and3A_383 : memref<248x256xf32, #tpu.memory_space<vmem>>[vector<16xi32>, vector<16xi32>], vector<16xf32>, vector<16xi1>
    %get3A_387 = arith.constant 0 : i32
    %get3A_388 = arith.index_cast %get3A_387 : i32 to index
    %get3A_389 = arith.constant 64 : index
    %get3A_390 = tpu.vector_load %arg5[%get3A_388, %get3A_389] {strides = array<i32>} : memref<2x256xi32, #tpu.memory_space<vmem>>, vector<16xi32>,
    %sub3A_391 = arith.constant 256 : i32
    %sub3A_392 = vector.broadcast %sub3A_391 : i32 to vector<16xi32>
    %sub3A_393 = arith.subi %get3A_390, %sub3A_392 : vector<16xi32>
    %ge3A_394 = arith.constant 0 : i32
    %ge3A_395 = vector.broadcast %ge3A_394 : i32 to vector<16xi32>
    %ge3A_396 = arith.cmpi sge, %sub3A_393, %ge3A_395 : vector<16xi32>
    %lt3A_397 = arith.constant 248 : i32
    %lt3A_398 = vector.broadcast %lt3A_397 : i32 to vector<16xi32>
    %lt3A_399 = arith.cmpi slt, %sub3A_393, %lt3A_398 : vector<16xi32>
    %and3A_400 = arith.andi %ge3A_396, %lt3A_399 : vector<16xi1>
    %add3A_401 = arith.constant 64 : i32
    %add3A_402 = vector.broadcast %add3A_401 : i32 to vector<16xi32>
    %add3A_403 = arith.addi %add3A_402, %iota3A : vector<16xi32>
    tpu.vector_store_idx %arg7[%sub3A_393, %add3A_403], %broadcast_in_dim3A_35 masked %and3A_400 : memref<248x256xf32, #tpu.memory_space<vmem>>[vector<16xi32>, vector<16xi32>], vector<16xf32>, vector<16xi1>
    %get3A_404 = arith.constant 0 : i32
    %get3A_405 = arith.index_cast %get3A_404 : i32 to index
    %get3A_406 = arith.constant 80 : index
    %get3A_407 = tpu.vector_load %arg5[%get3A_405, %get3A_406] {strides = array<i32>} : memref<2x256xi32, #tpu.memory_space<vmem>>, vector<16xi32>,
    %sub3A_408 = arith.constant 256 : i32
    %sub3A_409 = vector.broadcast %sub3A_408 : i32 to vector<16xi32>
    %sub3A_410 = arith.subi %get3A_407, %sub3A_409 : vector<16xi32>
    %ge3A_411 = arith.constant 0 : i32
    %ge3A_412 = vector.broadcast %ge3A_411 : i32 to vector<16xi32>
    %ge3A_413 = arith.cmpi sge, %sub3A_410, %ge3A_412 : vector<16xi32>
    %lt3A_414 = arith.constant 248 : i32
    %lt3A_415 = vector.broadcast %lt3A_414 : i32 to vector<16xi32>
    %lt3A_416 = arith.cmpi slt, %sub3A_410, %lt3A_415 : vector<16xi32>
    %and3A_417 = arith.andi %ge3A_413, %lt3A_416 : vector<16xi1>
    %add3A_418 = arith.constant 80 : i32
    %add3A_419 = vector.broadcast %add3A_418 : i32 to vector<16xi32>
    %add3A_420 = arith.addi %add3A_419, %iota3A : vector<16xi32>
    tpu.vector_store_idx %arg7[%sub3A_410, %add3A_420], %broadcast_in_dim3A_35 masked %and3A_417 : memref<248x256xf32, #tpu.memory_space<vmem>>[vector<16xi32>, vector<16xi32>], vector<16xf32>, vector<16xi1>
    %get3A_421 = arith.constant 0 : i32
    %get3A_422 = arith.index_cast %get3A_421 : i32 to index
    %get3A_423 = arith.constant 96 : index
    %get3A_424 = tpu.vector_load %arg5[%get3A_422, %get3A_423] {strides = array<i32>} : memref<2x256xi32, #tpu.memory_space<vmem>>, vector<16xi32>,
    %sub3A_425 = arith.constant 256 : i32
    %sub3A_426 = vector.broadcast %sub3A_425 : i32 to vector<16xi32>
    %sub3A_427 = arith.subi %get3A_424, %sub3A_426 : vector<16xi32>
    %ge3A_428 = arith.constant 0 : i32
    %ge3A_429 = vector.broadcast %ge3A_428 : i32 to vector<16xi32>
    %ge3A_430 = arith.cmpi sge, %sub3A_427, %ge3A_429 : vector<16xi32>
    %lt3A_431 = arith.constant 248 : i32
    %lt3A_432 = vector.broadcast %lt3A_431 : i32 to vector<16xi32>
    %lt3A_433 = arith.cmpi slt, %sub3A_427, %lt3A_432 : vector<16xi32>
    %and3A_434 = arith.andi %ge3A_430, %lt3A_433 : vector<16xi1>
    %add3A_435 = arith.constant 96 : i32
    %add3A_436 = vector.broadcast %add3A_435 : i32 to vector<16xi32>
    %add3A_437 = arith.addi %add3A_436, %iota3A : vector<16xi32>
    tpu.vector_store_idx %arg7[%sub3A_427, %add3A_437], %broadcast_in_dim3A_35 masked %and3A_434 : memref<248x256xf32, #tpu.memory_space<vmem>>[vector<16xi32>, vector<16xi32>], vector<16xf32>, vector<16xi1>
    %get3A_438 = arith.constant 0 : i32
    %get3A_439 = arith.index_cast %get3A_438 : i32 to index
    %get3A_440 = arith.constant 112 : index
    %get3A_441 = tpu.vector_load %arg5[%get3A_439, %get3A_440] {strides = array<i32>} : memref<2x256xi32, #tpu.memory_space<vmem>>, vector<16xi32>,
    %sub3A_442 = arith.constant 256 : i32
    %sub3A_443 = vector.broadcast %sub3A_442 : i32 to vector<16xi32>
    %sub3A_444 = arith.subi %get3A_441, %sub3A_443 : vector<16xi32>
    %ge3A_445 = arith.constant 0 : i32
    %ge3A_446 = vector.broadcast %ge3A_445 : i32 to vector<16xi32>
    %ge3A_447 = arith.cmpi sge, %sub3A_444, %ge3A_446 : vector<16xi32>
    %lt3A_448 = arith.constant 248 : i32
    %lt3A_449 = vector.broadcast %lt3A_448 : i32 to vector<16xi32>
    %lt3A_450 = arith.cmpi slt, %sub3A_444, %lt3A_449 : vector<16xi32>
    %and3A_451 = arith.andi %ge3A_447, %lt3A_450 : vector<16xi1>
    %add3A_452 = arith.constant 112 : i32
    %add3A_453 = vector.broadcast %add3A_452 : i32 to vector<16xi32>
    %add3A_454 = arith.addi %add3A_453, %iota3A : vector<16xi32>
    tpu.vector_store_idx %arg7[%sub3A_444, %add3A_454], %broadcast_in_dim3A_35 masked %and3A_451 : memref<248x256xf32, #tpu.memory_space<vmem>>[vector<16xi32>, vector<16xi32>], vector<16xf32>, vector<16xi1>
    %get3A_455 = arith.constant 0 : i32
    %get3A_456 = arith.index_cast %get3A_455 : i32 to index
    %get3A_457 = arith.constant 128 : index
    %get3A_458 = tpu.vector_load %arg5[%get3A_456, %get3A_457] {strides = array<i32>} : memref<2x256xi32, #tpu.memory_space<vmem>>, vector<16xi32>,
    %sub3A_459 = arith.constant 256 : i32
    %sub3A_460 = vector.broadcast %sub3A_459 : i32 to vector<16xi32>
    %sub3A_461 = arith.subi %get3A_458, %sub3A_460 : vector<16xi32>
    %ge3A_462 = arith.constant 0 : i32
    %ge3A_463 = vector.broadcast %ge3A_462 : i32 to vector<16xi32>
    %ge3A_464 = arith.cmpi sge, %sub3A_461, %ge3A_463 : vector<16xi32>
    %lt3A_465 = arith.constant 248 : i32
    %lt3A_466 = vector.broadcast %lt3A_465 : i32 to vector<16xi32>
    %lt3A_467 = arith.cmpi slt, %sub3A_461, %lt3A_466 : vector<16xi32>
    %and3A_468 = arith.andi %ge3A_464, %lt3A_467 : vector<16xi1>
    %add3A_469 = arith.constant 128 : i32
    %add3A_470 = vector.broadcast %add3A_469 : i32 to vector<16xi32>
    %add3A_471 = arith.addi %add3A_470, %iota3A : vector<16xi32>
    tpu.vector_store_idx %arg7[%sub3A_461, %add3A_471], %broadcast_in_dim3A_35 masked %and3A_468 : memref<248x256xf32, #tpu.memory_space<vmem>>[vector<16xi32>, vector<16xi32>], vector<16xf32>, vector<16xi1>
    %get3A_472 = arith.constant 0 : i32
    %get3A_473 = arith.index_cast %get3A_472 : i32 to index
    %get3A_474 = arith.constant 144 : index
    %get3A_475 = tpu.vector_load %arg5[%get3A_473, %get3A_474] {strides = array<i32>} : memref<2x256xi32, #tpu.memory_space<vmem>>, vector<16xi32>,
    %sub3A_476 = arith.constant 256 : i32
    %sub3A_477 = vector.broadcast %sub3A_476 : i32 to vector<16xi32>
    %sub3A_478 = arith.subi %get3A_475, %sub3A_477 : vector<16xi32>
    %ge3A_479 = arith.constant 0 : i32
    %ge3A_480 = vector.broadcast %ge3A_479 : i32 to vector<16xi32>
    %ge3A_481 = arith.cmpi sge, %sub3A_478, %ge3A_480 : vector<16xi32>
    %lt3A_482 = arith.constant 248 : i32
    %lt3A_483 = vector.broadcast %lt3A_482 : i32 to vector<16xi32>
    %lt3A_484 = arith.cmpi slt, %sub3A_478, %lt3A_483 : vector<16xi32>
    %and3A_485 = arith.andi %ge3A_481, %lt3A_484 : vector<16xi1>
    %add3A_486 = arith.constant 144 : i32
    %add3A_487 = vector.broadcast %add3A_486 : i32 to vector<16xi32>
    %add3A_488 = arith.addi %add3A_487, %iota3A : vector<16xi32>
    tpu.vector_store_idx %arg7[%sub3A_478, %add3A_488], %broadcast_in_dim3A_35 masked %and3A_485 : memref<248x256xf32, #tpu.memory_space<vmem>>[vector<16xi32>, vector<16xi32>], vector<16xf32>, vector<16xi1>
    %get3A_489 = arith.constant 0 : i32
    %get3A_490 = arith.index_cast %get3A_489 : i32 to index
    %get3A_491 = arith.constant 160 : index
    %get3A_492 = tpu.vector_load %arg5[%get3A_490, %get3A_491] {strides = array<i32>} : memref<2x256xi32, #tpu.memory_space<vmem>>, vector<16xi32>,
    %sub3A_493 = arith.constant 256 : i32
    %sub3A_494 = vector.broadcast %sub3A_493 : i32 to vector<16xi32>
    %sub3A_495 = arith.subi %get3A_492, %sub3A_494 : vector<16xi32>
    %ge3A_496 = arith.constant 0 : i32
    %ge3A_497 = vector.broadcast %ge3A_496 : i32 to vector<16xi32>
    %ge3A_498 = arith.cmpi sge, %sub3A_495, %ge3A_497 : vector<16xi32>
    %lt3A_499 = arith.constant 248 : i32
    %lt3A_500 = vector.broadcast %lt3A_499 : i32 to vector<16xi32>
    %lt3A_501 = arith.cmpi slt, %sub3A_495, %lt3A_500 : vector<16xi32>
    %and3A_502 = arith.andi %ge3A_498, %lt3A_501 : vector<16xi1>
    %add3A_503 = arith.constant 160 : i32
    %add3A_504 = vector.broadcast %add3A_503 : i32 to vector<16xi32>
    %add3A_505 = arith.addi %add3A_504, %iota3A : vector<16xi32>
    tpu.vector_store_idx %arg7[%sub3A_495, %add3A_505], %broadcast_in_dim3A_35 masked %and3A_502 : memref<248x256xf32, #tpu.memory_space<vmem>>[vector<16xi32>, vector<16xi32>], vector<16xf32>, vector<16xi1>
    %get3A_506 = arith.constant 0 : i32
    %get3A_507 = arith.index_cast %get3A_506 : i32 to index
    %get3A_508 = arith.constant 176 : index
    %get3A_509 = tpu.vector_load %arg5[%get3A_507, %get3A_508] {strides = array<i32>} : memref<2x256xi32, #tpu.memory_space<vmem>>, vector<16xi32>,
    %sub3A_510 = arith.constant 256 : i32
    %sub3A_511 = vector.broadcast %sub3A_510 : i32 to vector<16xi32>
    %sub3A_512 = arith.subi %get3A_509, %sub3A_511 : vector<16xi32>
    %ge3A_513 = arith.constant 0 : i32
    %ge3A_514 = vector.broadcast %ge3A_513 : i32 to vector<16xi32>
    %ge3A_515 = arith.cmpi sge, %sub3A_512, %ge3A_514 : vector<16xi32>
    %lt3A_516 = arith.constant 248 : i32
    %lt3A_517 = vector.broadcast %lt3A_516 : i32 to vector<16xi32>
    %lt3A_518 = arith.cmpi slt, %sub3A_512, %lt3A_517 : vector<16xi32>
    %and3A_519 = arith.andi %ge3A_515, %lt3A_518 : vector<16xi1>
    %add3A_520 = arith.constant 176 : i32
    %add3A_521 = vector.broadcast %add3A_520 : i32 to vector<16xi32>
    %add3A_522 = arith.addi %add3A_521, %iota3A : vector<16xi32>
    tpu.vector_store_idx %arg7[%sub3A_512, %add3A_522], %broadcast_in_dim3A_35 masked %and3A_519 : memref<248x256xf32, #tpu.memory_space<vmem>>[vector<16xi32>, vector<16xi32>], vector<16xf32>, vector<16xi1>
    %get3A_523 = arith.constant 0 : i32
    %get3A_524 = arith.index_cast %get3A_523 : i32 to index
    %get3A_525 = arith.constant 192 : index
    %get3A_526 = tpu.vector_load %arg5[%get3A_524, %get3A_525] {strides = array<i32>} : memref<2x256xi32, #tpu.memory_space<vmem>>, vector<16xi32>,
    %sub3A_527 = arith.constant 256 : i32
    %sub3A_528 = vector.broadcast %sub3A_527 : i32 to vector<16xi32>
    %sub3A_529 = arith.subi %get3A_526, %sub3A_528 : vector<16xi32>
    %ge3A_530 = arith.constant 0 : i32
    %ge3A_531 = vector.broadcast %ge3A_530 : i32 to vector<16xi32>
    %ge3A_532 = arith.cmpi sge, %sub3A_529, %ge3A_531 : vector<16xi32>
    %lt3A_533 = arith.constant 248 : i32
    %lt3A_534 = vector.broadcast %lt3A_533 : i32 to vector<16xi32>
    %lt3A_535 = arith.cmpi slt, %sub3A_529, %lt3A_534 : vector<16xi32>
    %and3A_536 = arith.andi %ge3A_532, %lt3A_535 : vector<16xi1>
    %add3A_537 = arith.constant 192 : i32
    %add3A_538 = vector.broadcast %add3A_537 : i32 to vector<16xi32>
    %add3A_539 = arith.addi %add3A_538, %iota3A : vector<16xi32>
    tpu.vector_store_idx %arg7[%sub3A_529, %add3A_539], %broadcast_in_dim3A_35 masked %and3A_536 : memref<248x256xf32, #tpu.memory_space<vmem>>[vector<16xi32>, vector<16xi32>], vector<16xf32>, vector<16xi1>
    %get3A_540 = arith.constant 0 : i32
    %get3A_541 = arith.index_cast %get3A_540 : i32 to index
    %get3A_542 = arith.constant 208 : index
    %get3A_543 = tpu.vector_load %arg5[%get3A_541, %get3A_542] {strides = array<i32>} : memref<2x256xi32, #tpu.memory_space<vmem>>, vector<16xi32>,
    %sub3A_544 = arith.constant 256 : i32
    %sub3A_545 = vector.broadcast %sub3A_544 : i32 to vector<16xi32>
    %sub3A_546 = arith.subi %get3A_543, %sub3A_545 : vector<16xi32>
    %ge3A_547 = arith.constant 0 : i32
    %ge3A_548 = vector.broadcast %ge3A_547 : i32 to vector<16xi32>
    %ge3A_549 = arith.cmpi sge, %sub3A_546, %ge3A_548 : vector<16xi32>
    %lt3A_550 = arith.constant 248 : i32
    %lt3A_551 = vector.broadcast %lt3A_550 : i32 to vector<16xi32>
    %lt3A_552 = arith.cmpi slt, %sub3A_546, %lt3A_551 : vector<16xi32>
    %and3A_553 = arith.andi %ge3A_549, %lt3A_552 : vector<16xi1>
    %add3A_554 = arith.constant 208 : i32
    %add3A_555 = vector.broadcast %add3A_554 : i32 to vector<16xi32>
    %add3A_556 = arith.addi %add3A_555, %iota3A : vector<16xi32>
    tpu.vector_store_idx %arg7[%sub3A_546, %add3A_556], %broadcast_in_dim3A_35 masked %and3A_553 : memref<248x256xf32, #tpu.memory_space<vmem>>[vector<16xi32>, vector<16xi32>], vector<16xf32>, vector<16xi1>
    %get3A_557 = arith.constant 0 : i32
    %get3A_558 = arith.index_cast %get3A_557 : i32 to index
    %get3A_559 = arith.constant 224 : index
    %get3A_560 = tpu.vector_load %arg5[%get3A_558, %get3A_559] {strides = array<i32>} : memref<2x256xi32, #tpu.memory_space<vmem>>, vector<16xi32>,
    %sub3A_561 = arith.constant 256 : i32
    %sub3A_562 = vector.broadcast %sub3A_561 : i32 to vector<16xi32>
    %sub3A_563 = arith.subi %get3A_560, %sub3A_562 : vector<16xi32>
    %ge3A_564 = arith.constant 0 : i32
    %ge3A_565 = vector.broadcast %ge3A_564 : i32 to vector<16xi32>
    %ge3A_566 = arith.cmpi sge, %sub3A_563, %ge3A_565 : vector<16xi32>
    %lt3A_567 = arith.constant 248 : i32
    %lt3A_568 = vector.broadcast %lt3A_567 : i32 to vector<16xi32>
    %lt3A_569 = arith.cmpi slt, %sub3A_563, %lt3A_568 : vector<16xi32>
    %and3A_570 = arith.andi %ge3A_566, %lt3A_569 : vector<16xi1>
    %add3A_571 = arith.constant 224 : i32
    %add3A_572 = vector.broadcast %add3A_571 : i32 to vector<16xi32>
    %add3A_573 = arith.addi %add3A_572, %iota3A : vector<16xi32>
    tpu.vector_store_idx %arg7[%sub3A_563, %add3A_573], %broadcast_in_dim3A_35 masked %and3A_570 : memref<248x256xf32, #tpu.memory_space<vmem>>[vector<16xi32>, vector<16xi32>], vector<16xf32>, vector<16xi1>
    %get3A_574 = arith.constant 0 : i32
    %get3A_575 = arith.index_cast %get3A_574 : i32 to index
    %get3A_576 = arith.constant 240 : index
    %get3A_577 = tpu.vector_load %arg5[%get3A_575, %get3A_576] {strides = array<i32>} : memref<2x256xi32, #tpu.memory_space<vmem>>, vector<16xi32>,
    %sub3A_578 = arith.constant 256 : i32
    %sub3A_579 = vector.broadcast %sub3A_578 : i32 to vector<16xi32>
    %sub3A_580 = arith.subi %get3A_577, %sub3A_579 : vector<16xi32>
    %ge3A_581 = arith.constant 0 : i32
    %ge3A_582 = vector.broadcast %ge3A_581 : i32 to vector<16xi32>
    %ge3A_583 = arith.cmpi sge, %sub3A_580, %ge3A_582 : vector<16xi32>
    %lt3A_584 = arith.constant 248 : i32
    %lt3A_585 = vector.broadcast %lt3A_584 : i32 to vector<16xi32>
    %lt3A_586 = arith.cmpi slt, %sub3A_580, %lt3A_585 : vector<16xi32>
    %and3A_587 = arith.andi %ge3A_583, %lt3A_586 : vector<16xi1>
    %add3A_588 = arith.constant 240 : i32
    %add3A_589 = vector.broadcast %add3A_588 : i32 to vector<16xi32>
    %add3A_590 = arith.addi %add3A_589, %iota3A : vector<16xi32>
    tpu.vector_store_idx %arg7[%sub3A_580, %add3A_590], %broadcast_in_dim3A_35 masked %and3A_587 : memref<248x256xf32, #tpu.memory_space<vmem>>[vector<16xi32>, vector<16xi32>], vector<16xf32>, vector<16xi1>
    %dma_start3A_591 = arith.constant 0 : i32
    %dma_start3A_592 = arith.constant 0 : i32
    %dma_start3A_593 = tpu.memref_slice %arg7[%dma_start3A_591, %dma_start3A_592] : memref<248x256xf32, #tpu.memory_space<vmem>> -> memref<248x256xf32, #tpu.memory_space<vmem>>
    %dma_start3A_594 = arith.constant 256 : i32
    %dma_start3A_595 = tpu.memref_slice %arg4[%mul3A_34, %dma_start3A_594, %mul3A_32] : memref<20x1000x4096xf32, #tpu.memory_space<hbm>> -> memref<1x248x256xf32, #tpu.memory_space<hbm>>
    %dma_start3A_596 = tpu.memref_squeeze %dma_start3A_595 : memref<1x248x256xf32, #tpu.memory_space<hbm>> -> memref<248x256xf32, #tpu.memory_space<hbm>>
    %dma_start3A_597 = arith.constant 256 : i32
    %dma_start3A_598 = tpu.memref_slice %arg4[%mul3A_34, %dma_start3A_597, %mul3A_32] : memref<20x1000x4096xf32, #tpu.memory_space<hbm>> -> memref<1x248x256xf32, #tpu.memory_space<hbm>>
    %dma_start3A_599 = tpu.memref_squeeze %dma_start3A_598 : memref<1x248x256xf32, #tpu.memory_space<hbm>> -> memref<248x256xf32, #tpu.memory_space<hbm>>
    %dma_start3A_600 = arith.constant 0 : i32
    %dma_start3A_601 = arith.constant 0 : i32
    %dma_start3A_602 = tpu.memref_slice %arg7[%dma_start3A_600, %dma_start3A_601] : memref<248x256xf32, #tpu.memory_space<vmem>> -> memref<248x256xf32, #tpu.memory_space<vmem>>
    tpu.enqueue_dma source(%dma_start3A_602 : memref<248x256xf32, #tpu.memory_space<vmem>>) target(%dma_start3A_599 : memref<248x256xf32, #tpu.memory_space<hbm>>) target_semaphore(%arg9 : memref<!tpu.dma_semaphore, #tpu.memory_space<semaphore_mem>>)
    %dma_wait3A = arith.constant 0 : i32
    %dma_wait3A_603 = arith.constant 0 : i32
    %dma_wait3A_604 = tpu.memref_slice %arg6[%dma_wait3A, %dma_wait3A_603] : memref<256x256xf32, #tpu.memory_space<vmem>> -> memref<256x256xf32, #tpu.memory_space<vmem>>
    %dma_wait3A_605 = arith.constant 0 : i32
    %dma_wait3A_606 = tpu.memref_slice %arg4[%mul3A_34, %dma_wait3A_605, %mul3A_32] : memref<20x1000x4096xf32, #tpu.memory_space<hbm>> -> memref<1x256x256xf32, #tpu.memory_space<hbm>>
    %dma_wait3A_607 = tpu.memref_squeeze %dma_wait3A_606 : memref<1x256x256xf32, #tpu.memory_space<hbm>> -> memref<256x256xf32, #tpu.memory_space<hbm>>
    %dma_wait3A_608 = arith.constant 0 : i32
    %dma_wait3A_609 = tpu.memref_slice %arg4[%mul3A_34, %dma_wait3A_608, %mul3A_32] : memref<20x1000x4096xf32, #tpu.memory_space<hbm>> -> memref<1x256x256xf32, #tpu.memory_space<hbm>>
    %dma_wait3A_610 = tpu.memref_squeeze %dma_wait3A_609 : memref<1x256x256xf32, #tpu.memory_space<hbm>> -> memref<256x256xf32, #tpu.memory_space<hbm>>
    %dma_wait3A_611 = arith.constant 0 : i32
    %dma_wait3A_612 = arith.constant 0 : i32
    %dma_wait3A_613 = tpu.memref_slice %arg6[%dma_wait3A_611, %dma_wait3A_612] : memref<256x256xf32, #tpu.memory_space<vmem>> -> memref<256x256xf32, #tpu.memory_space<vmem>>
    tpu.wait_dma2 semaphore(%arg8 : memref<!tpu.dma_semaphore, #tpu.memory_space<semaphore_mem>>) src(%dma_wait3A_613 : memref<256x256xf32, #tpu.memory_space<vmem>>) dst(%dma_wait3A_610 : memref<256x256xf32, #tpu.memory_space<hbm>>)
    %get3A_614 = arith.constant 0 : i32
    %get3A_615 = arith.index_cast %get3A_614 : i32 to index
    %get3A_616 = arith.constant 0 : index
    %get3A_617 = tpu.vector_load %arg5[%get3A_615, %get3A_616] {strides = array<i32>} : memref<2x256xi32, #tpu.memory_space<vmem>>, vector<16xi32>,
    %sub3A_618 = arith.constant 0 : i32
    %sub3A_619 = vector.broadcast %sub3A_618 : i32 to vector<16xi32>
    %sub3A_620 = arith.subi %get3A_617, %sub3A_619 : vector<16xi32>
    %ge3A_621 = arith.constant 0 : i32
    %ge3A_622 = vector.broadcast %ge3A_621 : i32 to vector<16xi32>
    %ge3A_623 = arith.cmpi sge, %sub3A_620, %ge3A_622 : vector<16xi32>
    %lt3A_624 = arith.constant 256 : i32
    %lt3A_625 = vector.broadcast %lt3A_624 : i32 to vector<16xi32>
    %lt3A_626 = arith.cmpi slt, %sub3A_620, %lt3A_625 : vector<16xi32>
    %and3A_627 = arith.andi %ge3A_623, %lt3A_626 : vector<16xi1>
    %add3A_628 = arith.constant 0 : i32
    %add3A_629 = vector.broadcast %add3A_628 : i32 to vector<16xi32>
    %add3A_630 = arith.addi %add3A_629, %iota3A : vector<16xi32>
    tpu.vector_store_idx %arg6[%sub3A_620, %add3A_630], %broadcast_in_dim3A_37 masked %and3A_627 : memref<256x256xf32, #tpu.memory_space<vmem>>[vector<16xi32>, vector<16xi32>], vector<16xf32>, vector<16xi1>
    %get3A_631 = arith.constant 0 : i32
    %get3A_632 = arith.index_cast %get3A_631 : i32 to index
    %get3A_633 = arith.constant 16 : index
    %get3A_634 = tpu.vector_load %arg5[%get3A_632, %get3A_633] {strides = array<i32>} : memref<2x256xi32, #tpu.memory_space<vmem>>, vector<16xi32>,
    %sub3A_635 = arith.constant 0 : i32
    %sub3A_636 = vector.broadcast %sub3A_635 : i32 to vector<16xi32>
    %sub3A_637 = arith.subi %get3A_634, %sub3A_636 : vector<16xi32>
    %ge3A_638 = arith.constant 0 : i32
    %ge3A_639 = vector.broadcast %ge3A_638 : i32 to vector<16xi32>
    %ge3A_640 = arith.cmpi sge, %sub3A_637, %ge3A_639 : vector<16xi32>
    %lt3A_641 = arith.constant 256 : i32
    %lt3A_642 = vector.broadcast %lt3A_641 : i32 to vector<16xi32>
    %lt3A_643 = arith.cmpi slt, %sub3A_637, %lt3A_642 : vector<16xi32>
    %and3A_644 = arith.andi %ge3A_640, %lt3A_643 : vector<16xi1>
    %add3A_645 = arith.constant 16 : i32
    %add3A_646 = vector.broadcast %add3A_645 : i32 to vector<16xi32>
    %add3A_647 = arith.addi %add3A_646, %iota3A : vector<16xi32>
    tpu.vector_store_idx %arg6[%sub3A_637, %add3A_647], %broadcast_in_dim3A_37 masked %and3A_644 : memref<256x256xf32, #tpu.memory_space<vmem>>[vector<16xi32>, vector<16xi32>], vector<16xf32>, vector<16xi1>
    %get3A_648 = arith.constant 0 : i32
    %get3A_649 = arith.index_cast %get3A_648 : i32 to index
    %get3A_650 = arith.constant 32 : index
    %get3A_651 = tpu.vector_load %arg5[%get3A_649, %get3A_650] {strides = array<i32>} : memref<2x256xi32, #tpu.memory_space<vmem>>, vector<16xi32>,
    %sub3A_652 = arith.constant 0 : i32
    %sub3A_653 = vector.broadcast %sub3A_652 : i32 to vector<16xi32>
    %sub3A_654 = arith.subi %get3A_651, %sub3A_653 : vector<16xi32>
    %ge3A_655 = arith.constant 0 : i32
    %ge3A_656 = vector.broadcast %ge3A_655 : i32 to vector<16xi32>
    %ge3A_657 = arith.cmpi sge, %sub3A_654, %ge3A_656 : vector<16xi32>
    %lt3A_658 = arith.constant 256 : i32
    %lt3A_659 = vector.broadcast %lt3A_658 : i32 to vector<16xi32>
    %lt3A_660 = arith.cmpi slt, %sub3A_654, %lt3A_659 : vector<16xi32>
    %and3A_661 = arith.andi %ge3A_657, %lt3A_660 : vector<16xi1>
    %add3A_662 = arith.constant 32 : i32
    %add3A_663 = vector.broadcast %add3A_662 : i32 to vector<16xi32>
    %add3A_664 = arith.addi %add3A_663, %iota3A : vector<16xi32>
    tpu.vector_store_idx %arg6[%sub3A_654, %add3A_664], %broadcast_in_dim3A_37 masked %and3A_661 : memref<256x256xf32, #tpu.memory_space<vmem>>[vector<16xi32>, vector<16xi32>], vector<16xf32>, vector<16xi1>
    %get3A_665 = arith.constant 0 : i32
    %get3A_666 = arith.index_cast %get3A_665 : i32 to index
    %get3A_667 = arith.constant 48 : index
    %get3A_668 = tpu.vector_load %arg5[%get3A_666, %get3A_667] {strides = array<i32>} : memref<2x256xi32, #tpu.memory_space<vmem>>, vector<16xi32>,
    %sub3A_669 = arith.constant 0 : i32
    %sub3A_670 = vector.broadcast %sub3A_669 : i32 to vector<16xi32>
    %sub3A_671 = arith.subi %get3A_668, %sub3A_670 : vector<16xi32>
    %ge3A_672 = arith.constant 0 : i32
    %ge3A_673 = vector.broadcast %ge3A_672 : i32 to vector<16xi32>
    %ge3A_674 = arith.cmpi sge, %sub3A_671, %ge3A_673 : vector<16xi32>
    %lt3A_675 = arith.constant 256 : i32
    %lt3A_676 = vector.broadcast %lt3A_675 : i32 to vector<16xi32>
    %lt3A_677 = arith.cmpi slt, %sub3A_671, %lt3A_676 : vector<16xi32>
    %and3A_678 = arith.andi %ge3A_674, %lt3A_677 : vector<16xi1>
    %add3A_679 = arith.constant 48 : i32
    %add3A_680 = vector.broadcast %add3A_679 : i32 to vector<16xi32>
    %add3A_681 = arith.addi %add3A_680, %iota3A : vector<16xi32>
    tpu.vector_store_idx %arg6[%sub3A_671, %add3A_681], %broadcast_in_dim3A_37 masked %and3A_678 : memref<256x256xf32, #tpu.memory_space<vmem>>[vector<16xi32>, vector<16xi32>], vector<16xf32>, vector<16xi1>
    %get3A_682 = arith.constant 0 : i32
    %get3A_683 = arith.index_cast %get3A_682 : i32 to index
    %get3A_684 = arith.constant 64 : index
    %get3A_685 = tpu.vector_load %arg5[%get3A_683, %get3A_684] {strides = array<i32>} : memref<2x256xi32, #tpu.memory_space<vmem>>, vector<16xi32>,
    %sub3A_686 = arith.constant 0 : i32
    %sub3A_687 = vector.broadcast %sub3A_686 : i32 to vector<16xi32>
    %sub3A_688 = arith.subi %get3A_685, %sub3A_687 : vector<16xi32>
    %ge3A_689 = arith.constant 0 : i32
    %ge3A_690 = vector.broadcast %ge3A_689 : i32 to vector<16xi32>
    %ge3A_691 = arith.cmpi sge, %sub3A_688, %ge3A_690 : vector<16xi32>
    %lt3A_692 = arith.constant 256 : i32
    %lt3A_693 = vector.broadcast %lt3A_692 : i32 to vector<16xi32>
    %lt3A_694 = arith.cmpi slt, %sub3A_688, %lt3A_693 : vector<16xi32>
    %and3A_695 = arith.andi %ge3A_691, %lt3A_694 : vector<16xi1>
    %add3A_696 = arith.constant 64 : i32
    %add3A_697 = vector.broadcast %add3A_696 : i32 to vector<16xi32>
    %add3A_698 = arith.addi %add3A_697, %iota3A : vector<16xi32>
    tpu.vector_store_idx %arg6[%sub3A_688, %add3A_698], %broadcast_in_dim3A_37 masked %and3A_695 : memref<256x256xf32, #tpu.memory_space<vmem>>[vector<16xi32>, vector<16xi32>], vector<16xf32>, vector<16xi1>
    %get3A_699 = arith.constant 0 : i32
    %get3A_700 = arith.index_cast %get3A_699 : i32 to index
    %get3A_701 = arith.constant 80 : index
    %get3A_702 = tpu.vector_load %arg5[%get3A_700, %get3A_701] {strides = array<i32>} : memref<2x256xi32, #tpu.memory_space<vmem>>, vector<16xi32>,
    %sub3A_703 = arith.constant 0 : i32
    %sub3A_704 = vector.broadcast %sub3A_703 : i32 to vector<16xi32>
    %sub3A_705 = arith.subi %get3A_702, %sub3A_704 : vector<16xi32>
    %ge3A_706 = arith.constant 0 : i32
    %ge3A_707 = vector.broadcast %ge3A_706 : i32 to vector<16xi32>
    %ge3A_708 = arith.cmpi sge, %sub3A_705, %ge3A_707 : vector<16xi32>
    %lt3A_709 = arith.constant 256 : i32
    %lt3A_710 = vector.broadcast %lt3A_709 : i32 to vector<16xi32>
    %lt3A_711 = arith.cmpi slt, %sub3A_705, %lt3A_710 : vector<16xi32>
    %and3A_712 = arith.andi %ge3A_708, %lt3A_711 : vector<16xi1>
    %add3A_713 = arith.constant 80 : i32
    %add3A_714 = vector.broadcast %add3A_713 : i32 to vector<16xi32>
    %add3A_715 = arith.addi %add3A_714, %iota3A : vector<16xi32>
    tpu.vector_store_idx %arg6[%sub3A_705, %add3A_715], %broadcast_in_dim3A_37 masked %and3A_712 : memref<256x256xf32, #tpu.memory_space<vmem>>[vector<16xi32>, vector<16xi32>], vector<16xf32>, vector<16xi1>
    %get3A_716 = arith.constant 0 : i32
    %get3A_717 = arith.index_cast %get3A_716 : i32 to index
    %get3A_718 = arith.constant 96 : index
    %get3A_719 = tpu.vector_load %arg5[%get3A_717, %get3A_718] {strides = array<i32>} : memref<2x256xi32, #tpu.memory_space<vmem>>, vector<16xi32>,
    %sub3A_720 = arith.constant 0 : i32
    %sub3A_721 = vector.broadcast %sub3A_720 : i32 to vector<16xi32>
    %sub3A_722 = arith.subi %get3A_719, %sub3A_721 : vector<16xi32>
    %ge3A_723 = arith.constant 0 : i32
    %ge3A_724 = vector.broadcast %ge3A_723 : i32 to vector<16xi32>
    %ge3A_725 = arith.cmpi sge, %sub3A_722, %ge3A_724 : vector<16xi32>
    %lt3A_726 = arith.constant 256 : i32
    %lt3A_727 = vector.broadcast %lt3A_726 : i32 to vector<16xi32>
    %lt3A_728 = arith.cmpi slt, %sub3A_722, %lt3A_727 : vector<16xi32>
    %and3A_729 = arith.andi %ge3A_725, %lt3A_728 : vector<16xi1>
    %add3A_730 = arith.constant 96 : i32
    %add3A_731 = vector.broadcast %add3A_730 : i32 to vector<16xi32>
    %add3A_732 = arith.addi %add3A_731, %iota3A : vector<16xi32>
    tpu.vector_store_idx %arg6[%sub3A_722, %add3A_732], %broadcast_in_dim3A_37 masked %and3A_729 : memref<256x256xf32, #tpu.memory_space<vmem>>[vector<16xi32>, vector<16xi32>], vector<16xf32>, vector<16xi1>
    %get3A_733 = arith.constant 0 : i32
    %get3A_734 = arith.index_cast %get3A_733 : i32 to index
    %get3A_735 = arith.constant 112 : index
    %get3A_736 = tpu.vector_load %arg5[%get3A_734, %get3A_735] {strides = array<i32>} : memref<2x256xi32, #tpu.memory_space<vmem>>, vector<16xi32>,
    %sub3A_737 = arith.constant 0 : i32
    %sub3A_738 = vector.broadcast %sub3A_737 : i32 to vector<16xi32>
    %sub3A_739 = arith.subi %get3A_736, %sub3A_738 : vector<16xi32>
    %ge3A_740 = arith.constant 0 : i32
    %ge3A_741 = vector.broadcast %ge3A_740 : i32 to vector<16xi32>
    %ge3A_742 = arith.cmpi sge, %sub3A_739, %ge3A_741 : vector<16xi32>
    %lt3A_743 = arith.constant 256 : i32
    %lt3A_744 = vector.broadcast %lt3A_743 : i32 to vector<16xi32>
    %lt3A_745 = arith.cmpi slt, %sub3A_739, %lt3A_744 : vector<16xi32>
    %and3A_746 = arith.andi %ge3A_742, %lt3A_745 : vector<16xi1>
    %add3A_747 = arith.constant 112 : i32
    %add3A_748 = vector.broadcast %add3A_747 : i32 to vector<16xi32>
    %add3A_749 = arith.addi %add3A_748, %iota3A : vector<16xi32>
    tpu.vector_store_idx %arg6[%sub3A_739, %add3A_749], %broadcast_in_dim3A_37 masked %and3A_746 : memref<256x256xf32, #tpu.memory_space<vmem>>[vector<16xi32>, vector<16xi32>], vector<16xf32>, vector<16xi1>
    %get3A_750 = arith.constant 0 : i32
    %get3A_751 = arith.index_cast %get3A_750 : i32 to index
    %get3A_752 = arith.constant 128 : index
    %get3A_753 = tpu.vector_load %arg5[%get3A_751, %get3A_752] {strides = array<i32>} : memref<2x256xi32, #tpu.memory_space<vmem>>, vector<16xi32>,
    %sub3A_754 = arith.constant 0 : i32
    %sub3A_755 = vector.broadcast %sub3A_754 : i32 to vector<16xi32>
    %sub3A_756 = arith.subi %get3A_753, %sub3A_755 : vector<16xi32>
    %ge3A_757 = arith.constant 0 : i32
    %ge3A_758 = vector.broadcast %ge3A_757 : i32 to vector<16xi32>
    %ge3A_759 = arith.cmpi sge, %sub3A_756, %ge3A_758 : vector<16xi32>
    %lt3A_760 = arith.constant 256 : i32
    %lt3A_761 = vector.broadcast %lt3A_760 : i32 to vector<16xi32>
    %lt3A_762 = arith.cmpi slt, %sub3A_756, %lt3A_761 : vector<16xi32>
    %and3A_763 = arith.andi %ge3A_759, %lt3A_762 : vector<16xi1>
    %add3A_764 = arith.constant 128 : i32
    %add3A_765 = vector.broadcast %add3A_764 : i32 to vector<16xi32>
    %add3A_766 = arith.addi %add3A_765, %iota3A : vector<16xi32>
    tpu.vector_store_idx %arg6[%sub3A_756, %add3A_766], %broadcast_in_dim3A_37 masked %and3A_763 : memref<256x256xf32, #tpu.memory_space<vmem>>[vector<16xi32>, vector<16xi32>], vector<16xf32>, vector<16xi1>
    %get3A_767 = arith.constant 0 : i32
    %get3A_768 = arith.index_cast %get3A_767 : i32 to index
    %get3A_769 = arith.constant 144 : index
    %get3A_770 = tpu.vector_load %arg5[%get3A_768, %get3A_769] {strides = array<i32>} : memref<2x256xi32, #tpu.memory_space<vmem>>, vector<16xi32>,
    %sub3A_771 = arith.constant 0 : i32
    %sub3A_772 = vector.broadcast %sub3A_771 : i32 to vector<16xi32>
    %sub3A_773 = arith.subi %get3A_770, %sub3A_772 : vector<16xi32>
    %ge3A_774 = arith.constant 0 : i32
    %ge3A_775 = vector.broadcast %ge3A_774 : i32 to vector<16xi32>
    %ge3A_776 = arith.cmpi sge, %sub3A_773, %ge3A_775 : vector<16xi32>
    %lt3A_777 = arith.constant 256 : i32
    %lt3A_778 = vector.broadcast %lt3A_777 : i32 to vector<16xi32>
    %lt3A_779 = arith.cmpi slt, %sub3A_773, %lt3A_778 : vector<16xi32>
    %and3A_780 = arith.andi %ge3A_776, %lt3A_779 : vector<16xi1>
    %add3A_781 = arith.constant 144 : i32
    %add3A_782 = vector.broadcast %add3A_781 : i32 to vector<16xi32>
    %add3A_783 = arith.addi %add3A_782, %iota3A : vector<16xi32>
    tpu.vector_store_idx %arg6[%sub3A_773, %add3A_783], %broadcast_in_dim3A_37 masked %and3A_780 : memref<256x256xf32, #tpu.memory_space<vmem>>[vector<16xi32>, vector<16xi32>], vector<16xf32>, vector<16xi1>
    %get3A_784 = arith.constant 0 : i32
    %get3A_785 = arith.index_cast %get3A_784 : i32 to index
    %get3A_786 = arith.constant 160 : index
    %get3A_787 = tpu.vector_load %arg5[%get3A_785, %get3A_786] {strides = array<i32>} : memref<2x256xi32, #tpu.memory_space<vmem>>, vector<16xi32>,
    %sub3A_788 = arith.constant 0 : i32
    %sub3A_789 = vector.broadcast %sub3A_788 : i32 to vector<16xi32>
    %sub3A_790 = arith.subi %get3A_787, %sub3A_789 : vector<16xi32>
    %ge3A_791 = arith.constant 0 : i32
    %ge3A_792 = vector.broadcast %ge3A_791 : i32 to vector<16xi32>
    %ge3A_793 = arith.cmpi sge, %sub3A_790, %ge3A_792 : vector<16xi32>
    %lt3A_794 = arith.constant 256 : i32
    %lt3A_795 = vector.broadcast %lt3A_794 : i32 to vector<16xi32>
    %lt3A_796 = arith.cmpi slt, %sub3A_790, %lt3A_795 : vector<16xi32>
    %and3A_797 = arith.andi %ge3A_793, %lt3A_796 : vector<16xi1>
    %add3A_798 = arith.constant 160 : i32
    %add3A_799 = vector.broadcast %add3A_798 : i32 to vector<16xi32>
    %add3A_800 = arith.addi %add3A_799, %iota3A : vector<16xi32>
    tpu.vector_store_idx %arg6[%sub3A_790, %add3A_800], %broadcast_in_dim3A_37 masked %and3A_797 : memref<256x256xf32, #tpu.memory_space<vmem>>[vector<16xi32>, vector<16xi32>], vector<16xf32>, vector<16xi1>
    %get3A_801 = arith.constant 0 : i32
    %get3A_802 = arith.index_cast %get3A_801 : i32 to index
    %get3A_803 = arith.constant 176 : index
    %get3A_804 = tpu.vector_load %arg5[%get3A_802, %get3A_803] {strides = array<i32>} : memref<2x256xi32, #tpu.memory_space<vmem>>, vector<16xi32>,
    %sub3A_805 = arith.constant 0 : i32
    %sub3A_806 = vector.broadcast %sub3A_805 : i32 to vector<16xi32>
    %sub3A_807 = arith.subi %get3A_804, %sub3A_806 : vector<16xi32>
    %ge3A_808 = arith.constant 0 : i32
    %ge3A_809 = vector.broadcast %ge3A_808 : i32 to vector<16xi32>
    %ge3A_810 = arith.cmpi sge, %sub3A_807, %ge3A_809 : vector<16xi32>
    %lt3A_811 = arith.constant 256 : i32
    %lt3A_812 = vector.broadcast %lt3A_811 : i32 to vector<16xi32>
    %lt3A_813 = arith.cmpi slt, %sub3A_807, %lt3A_812 : vector<16xi32>
    %and3A_814 = arith.andi %ge3A_810, %lt3A_813 : vector<16xi1>
    %add3A_815 = arith.constant 176 : i32
    %add3A_816 = vector.broadcast %add3A_815 : i32 to vector<16xi32>
    %add3A_817 = arith.addi %add3A_816, %iota3A : vector<16xi32>
    tpu.vector_store_idx %arg6[%sub3A_807, %add3A_817], %broadcast_in_dim3A_37 masked %and3A_814 : memref<256x256xf32, #tpu.memory_space<vmem>>[vector<16xi32>, vector<16xi32>], vector<16xf32>, vector<16xi1>
    %get3A_818 = arith.constant 0 : i32
    %get3A_819 = arith.index_cast %get3A_818 : i32 to index
    %get3A_820 = arith.constant 192 : index
    %get3A_821 = tpu.vector_load %arg5[%get3A_819, %get3A_820] {strides = array<i32>} : memref<2x256xi32, #tpu.memory_space<vmem>>, vector<16xi32>,
    %sub3A_822 = arith.constant 0 : i32
    %sub3A_823 = vector.broadcast %sub3A_822 : i32 to vector<16xi32>
    %sub3A_824 = arith.subi %get3A_821, %sub3A_823 : vector<16xi32>
    %ge3A_825 = arith.constant 0 : i32
    %ge3A_826 = vector.broadcast %ge3A_825 : i32 to vector<16xi32>
    %ge3A_827 = arith.cmpi sge, %sub3A_824, %ge3A_826 : vector<16xi32>
    %lt3A_828 = arith.constant 256 : i32
    %lt3A_829 = vector.broadcast %lt3A_828 : i32 to vector<16xi32>
    %lt3A_830 = arith.cmpi slt, %sub3A_824, %lt3A_829 : vector<16xi32>
    %and3A_831 = arith.andi %ge3A_827, %lt3A_830 : vector<16xi1>
    %add3A_832 = arith.constant 192 : i32
    %add3A_833 = vector.broadcast %add3A_832 : i32 to vector<16xi32>
    %add3A_834 = arith.addi %add3A_833, %iota3A : vector<16xi32>
    tpu.vector_store_idx %arg6[%sub3A_824, %add3A_834], %broadcast_in_dim3A_37 masked %and3A_831 : memref<256x256xf32, #tpu.memory_space<vmem>>[vector<16xi32>, vector<16xi32>], vector<16xf32>, vector<16xi1>
    %get3A_835 = arith.constant 0 : i32
    %get3A_836 = arith.index_cast %get3A_835 : i32 to index
    %get3A_837 = arith.constant 208 : index
    %get3A_838 = tpu.vector_load %arg5[%get3A_836, %get3A_837] {strides = array<i32>} : memref<2x256xi32, #tpu.memory_space<vmem>>, vector<16xi32>,
    %sub3A_839 = arith.constant 0 : i32
    %sub3A_840 = vector.broadcast %sub3A_839 : i32 to vector<16xi32>
    %sub3A_841 = arith.subi %get3A_838, %sub3A_840 : vector<16xi32>
    %ge3A_842 = arith.constant 0 : i32
    %ge3A_843 = vector.broadcast %ge3A_842 : i32 to vector<16xi32>
    %ge3A_844 = arith.cmpi sge, %sub3A_841, %ge3A_843 : vector<16xi32>
    %lt3A_845 = arith.constant 256 : i32
    %lt3A_846 = vector.broadcast %lt3A_845 : i32 to vector<16xi32>
    %lt3A_847 = arith.cmpi slt, %sub3A_841, %lt3A_846 : vector<16xi32>
    %and3A_848 = arith.andi %ge3A_844, %lt3A_847 : vector<16xi1>
    %add3A_849 = arith.constant 208 : i32
    %add3A_850 = vector.broadcast %add3A_849 : i32 to vector<16xi32>
    %add3A_851 = arith.addi %add3A_850, %iota3A : vector<16xi32>
    tpu.vector_store_idx %arg6[%sub3A_841, %add3A_851], %broadcast_in_dim3A_37 masked %and3A_848 : memref<256x256xf32, #tpu.memory_space<vmem>>[vector<16xi32>, vector<16xi32>], vector<16xf32>, vector<16xi1>
    %get3A_852 = arith.constant 0 : i32
    %get3A_853 = arith.index_cast %get3A_852 : i32 to index
    %get3A_854 = arith.constant 224 : index
    %get3A_855 = tpu.vector_load %arg5[%get3A_853, %get3A_854] {strides = array<i32>} : memref<2x256xi32, #tpu.memory_space<vmem>>, vector<16xi32>,
    %sub3A_856 = arith.constant 0 : i32
    %sub3A_857 = vector.broadcast %sub3A_856 : i32 to vector<16xi32>
    %sub3A_858 = arith.subi %get3A_855, %sub3A_857 : vector<16xi32>
    %ge3A_859 = arith.constant 0 : i32
    %ge3A_860 = vector.broadcast %ge3A_859 : i32 to vector<16xi32>
    %ge3A_861 = arith.cmpi sge, %sub3A_858, %ge3A_860 : vector<16xi32>
    %lt3A_862 = arith.constant 256 : i32
    %lt3A_863 = vector.broadcast %lt3A_862 : i32 to vector<16xi32>
    %lt3A_864 = arith.cmpi slt, %sub3A_858, %lt3A_863 : vector<16xi32>
    %and3A_865 = arith.andi %ge3A_861, %lt3A_864 : vector<16xi1>
    %add3A_866 = arith.constant 224 : i32
    %add3A_867 = vector.broadcast %add3A_866 : i32 to vector<16xi32>
    %add3A_868 = arith.addi %add3A_867, %iota3A : vector<16xi32>
    tpu.vector_store_idx %arg6[%sub3A_858, %add3A_868], %broadcast_in_dim3A_37 masked %and3A_865 : memref<256x256xf32, #tpu.memory_space<vmem>>[vector<16xi32>, vector<16xi32>], vector<16xf32>, vector<16xi1>
    %get3A_869 = arith.constant 0 : i32
    %get3A_870 = arith.index_cast %get3A_869 : i32 to index
    %get3A_871 = arith.constant 240 : index
    %get3A_872 = tpu.vector_load %arg5[%get3A_870, %get3A_871] {strides = array<i32>} : memref<2x256xi32, #tpu.memory_space<vmem>>, vector<16xi32>,
    %sub3A_873 = arith.constant 0 : i32
    %sub3A_874 = vector.broadcast %sub3A_873 : i32 to vector<16xi32>
    %sub3A_875 = arith.subi %get3A_872, %sub3A_874 : vector<16xi32>
    %ge3A_876 = arith.constant 0 : i32
    %ge3A_877 = vector.broadcast %ge3A_876 : i32 to vector<16xi32>
    %ge3A_878 = arith.cmpi sge, %sub3A_875, %ge3A_877 : vector<16xi32>
    %lt3A_879 = arith.constant 256 : i32
    %lt3A_880 = vector.broadcast %lt3A_879 : i32 to vector<16xi32>
    %lt3A_881 = arith.cmpi slt, %sub3A_875, %lt3A_880 : vector<16xi32>
    %and3A_882 = arith.andi %ge3A_878, %lt3A_881 : vector<16xi1>
    %add3A_883 = arith.constant 240 : i32
    %add3A_884 = vector.broadcast %add3A_883 : i32 to vector<16xi32>
    %add3A_885 = arith.addi %add3A_884, %iota3A : vector<16xi32>
    tpu.vector_store_idx %arg6[%sub3A_875, %add3A_885], %broadcast_in_dim3A_37 masked %and3A_882 : memref<256x256xf32, #tpu.memory_space<vmem>>[vector<16xi32>, vector<16xi32>], vector<16xf32>, vector<16xi1>
    %get3A_886 = arith.constant 0 : i32
    %get3A_887 = arith.index_cast %get3A_886 : i32 to index
    %get3A_888 = arith.constant 0 : index
    %get3A_889 = tpu.vector_load %arg5[%get3A_887, %get3A_888] {strides = array<i32>} : memref<2x256xi32, #tpu.memory_space<vmem>>, vector<16xi32>,
    %sub3A_890 = arith.constant 504 : i32
    %sub3A_891 = vector.broadcast %sub3A_890 : i32 to vector<16xi32>
    %sub3A_892 = arith.subi %get3A_889, %sub3A_891 : vector<16xi32>
    %ge3A_893 = arith.constant 0 : i32
    %ge3A_894 = vector.broadcast %ge3A_893 : i32 to vector<16xi32>
    %ge3A_895 = arith.cmpi sge, %sub3A_892, %ge3A_894 : vector<16xi32>
    %lt3A_896 = arith.constant 248 : i32
    %lt3A_897 = vector.broadcast %lt3A_896 : i32 to vector<16xi32>
    %lt3A_898 = arith.cmpi slt, %sub3A_892, %lt3A_897 : vector<16xi32>
    %and3A_899 = arith.andi %ge3A_895, %lt3A_898 : vector<16xi1>
    %add3A_900 = arith.constant 0 : i32
    %add3A_901 = vector.broadcast %add3A_900 : i32 to vector<16xi32>
    %add3A_902 = arith.addi %add3A_901, %iota3A : vector<16xi32>
    tpu.vector_store_idx %arg6[%sub3A_892, %add3A_902], %broadcast_in_dim3A_35 masked %and3A_899 : memref<256x256xf32, #tpu.memory_space<vmem>>[vector<16xi32>, vector<16xi32>], vector<16xf32>, vector<16xi1>
    %get3A_903 = arith.constant 0 : i32
    %get3A_904 = arith.index_cast %get3A_903 : i32 to index
    %get3A_905 = arith.constant 16 : index
    %get3A_906 = tpu.vector_load %arg5[%get3A_904, %get3A_905] {strides = array<i32>} : memref<2x256xi32, #tpu.memory_space<vmem>>, vector<16xi32>,
    %sub3A_907 = arith.constant 504 : i32
    %sub3A_908 = vector.broadcast %sub3A_907 : i32 to vector<16xi32>
    %sub3A_909 = arith.subi %get3A_906, %sub3A_908 : vector<16xi32>
    %ge3A_910 = arith.constant 0 : i32
    %ge3A_911 = vector.broadcast %ge3A_910 : i32 to vector<16xi32>
    %ge3A_912 = arith.cmpi sge, %sub3A_909, %ge3A_911 : vector<16xi32>
    %lt3A_913 = arith.constant 248 : i32
    %lt3A_914 = vector.broadcast %lt3A_913 : i32 to vector<16xi32>
    %lt3A_915 = arith.cmpi slt, %sub3A_909, %lt3A_914 : vector<16xi32>
    %and3A_916 = arith.andi %ge3A_912, %lt3A_915 : vector<16xi1>
    %add3A_917 = arith.constant 16 : i32
    %add3A_918 = vector.broadcast %add3A_917 : i32 to vector<16xi32>
    %add3A_919 = arith.addi %add3A_918, %iota3A : vector<16xi32>
    tpu.vector_store_idx %arg6[%sub3A_909, %add3A_919], %broadcast_in_dim3A_35 masked %and3A_916 : memref<256x256xf32, #tpu.memory_space<vmem>>[vector<16xi32>, vector<16xi32>], vector<16xf32>, vector<16xi1>
    %get3A_920 = arith.constant 0 : i32
    %get3A_921 = arith.index_cast %get3A_920 : i32 to index
    %get3A_922 = arith.constant 32 : index
    %get3A_923 = tpu.vector_load %arg5[%get3A_921, %get3A_922] {strides = array<i32>} : memref<2x256xi32, #tpu.memory_space<vmem>>, vector<16xi32>,
    %sub3A_924 = arith.constant 504 : i32
    %sub3A_925 = vector.broadcast %sub3A_924 : i32 to vector<16xi32>
    %sub3A_926 = arith.subi %get3A_923, %sub3A_925 : vector<16xi32>
    %ge3A_927 = arith.constant 0 : i32
    %ge3A_928 = vector.broadcast %ge3A_927 : i32 to vector<16xi32>
    %ge3A_929 = arith.cmpi sge, %sub3A_926, %ge3A_928 : vector<16xi32>
    %lt3A_930 = arith.constant 248 : i32
    %lt3A_931 = vector.broadcast %lt3A_930 : i32 to vector<16xi32>
    %lt3A_932 = arith.cmpi slt, %sub3A_926, %lt3A_931 : vector<16xi32>
    %and3A_933 = arith.andi %ge3A_929, %lt3A_932 : vector<16xi1>
    %add3A_934 = arith.constant 32 : i32
    %add3A_935 = vector.broadcast %add3A_934 : i32 to vector<16xi32>
    %add3A_936 = arith.addi %add3A_935, %iota3A : vector<16xi32>
    tpu.vector_store_idx %arg6[%sub3A_926, %add3A_936], %broadcast_in_dim3A_35 masked %and3A_933 : memref<256x256xf32, #tpu.memory_space<vmem>>[vector<16xi32>, vector<16xi32>], vector<16xf32>, vector<16xi1>
    %get3A_937 = arith.constant 0 : i32
    %get3A_938 = arith.index_cast %get3A_937 : i32 to index
    %get3A_939 = arith.constant 48 : index
    %get3A_940 = tpu.vector_load %arg5[%get3A_938, %get3A_939] {strides = array<i32>} : memref<2x256xi32, #tpu.memory_space<vmem>>, vector<16xi32>,
    %sub3A_941 = arith.constant 504 : i32
    %sub3A_942 = vector.broadcast %sub3A_941 : i32 to vector<16xi32>
    %sub3A_943 = arith.subi %get3A_940, %sub3A_942 : vector<16xi32>
    %ge3A_944 = arith.constant 0 : i32
    %ge3A_945 = vector.broadcast %ge3A_944 : i32 to vector<16xi32>
    %ge3A_946 = arith.cmpi sge, %sub3A_943, %ge3A_945 : vector<16xi32>
    %lt3A_947 = arith.constant 248 : i32
    %lt3A_948 = vector.broadcast %lt3A_947 : i32 to vector<16xi32>
    %lt3A_949 = arith.cmpi slt, %sub3A_943, %lt3A_948 : vector<16xi32>
    %and3A_950 = arith.andi %ge3A_946, %lt3A_949 : vector<16xi1>
    %add3A_951 = arith.constant 48 : i32
    %add3A_952 = vector.broadcast %add3A_951 : i32 to vector<16xi32>
    %add3A_953 = arith.addi %add3A_952, %iota3A : vector<16xi32>
    tpu.vector_store_idx %arg6[%sub3A_943, %add3A_953], %broadcast_in_dim3A_35 masked %and3A_950 : memref<256x256xf32, #tpu.memory_space<vmem>>[vector<16xi32>, vector<16xi32>], vector<16xf32>, vector<16xi1>
    %get3A_954 = arith.constant 0 : i32
    %get3A_955 = arith.index_cast %get3A_954 : i32 to index
    %get3A_956 = arith.constant 64 : index
    %get3A_957 = tpu.vector_load %arg5[%get3A_955, %get3A_956] {strides = array<i32>} : memref<2x256xi32, #tpu.memory_space<vmem>>, vector<16xi32>,
    %sub3A_958 = arith.constant 504 : i32
    %sub3A_959 = vector.broadcast %sub3A_958 : i32 to vector<16xi32>
    %sub3A_960 = arith.subi %get3A_957, %sub3A_959 : vector<16xi32>
    %ge3A_961 = arith.constant 0 : i32
    %ge3A_962 = vector.broadcast %ge3A_961 : i32 to vector<16xi32>
    %ge3A_963 = arith.cmpi sge, %sub3A_960, %ge3A_962 : vector<16xi32>
    %lt3A_964 = arith.constant 248 : i32
    %lt3A_965 = vector.broadcast %lt3A_964 : i32 to vector<16xi32>
    %lt3A_966 = arith.cmpi slt, %sub3A_960, %lt3A_965 : vector<16xi32>
    %and3A_967 = arith.andi %ge3A_963, %lt3A_966 : vector<16xi1>
    %add3A_968 = arith.constant 64 : i32
    %add3A_969 = vector.broadcast %add3A_968 : i32 to vector<16xi32>
    %add3A_970 = arith.addi %add3A_969, %iota3A : vector<16xi32>
    tpu.vector_store_idx %arg6[%sub3A_960, %add3A_970], %broadcast_in_dim3A_35 masked %and3A_967 : memref<256x256xf32, #tpu.memory_space<vmem>>[vector<16xi32>, vector<16xi32>], vector<16xf32>, vector<16xi1>
    %get3A_971 = arith.constant 0 : i32
    %get3A_972 = arith.index_cast %get3A_971 : i32 to index
    %get3A_973 = arith.constant 80 : index
    %get3A_974 = tpu.vector_load %arg5[%get3A_972, %get3A_973] {strides = array<i32>} : memref<2x256xi32, #tpu.memory_space<vmem>>, vector<16xi32>,
    %sub3A_975 = arith.constant 504 : i32
    %sub3A_976 = vector.broadcast %sub3A_975 : i32 to vector<16xi32>
    %sub3A_977 = arith.subi %get3A_974, %sub3A_976 : vector<16xi32>
    %ge3A_978 = arith.constant 0 : i32
    %ge3A_979 = vector.broadcast %ge3A_978 : i32 to vector<16xi32>
    %ge3A_980 = arith.cmpi sge, %sub3A_977, %ge3A_979 : vector<16xi32>
    %lt3A_981 = arith.constant 248 : i32
    %lt3A_982 = vector.broadcast %lt3A_981 : i32 to vector<16xi32>
    %lt3A_983 = arith.cmpi slt, %sub3A_977, %lt3A_982 : vector<16xi32>
    %and3A_984 = arith.andi %ge3A_980, %lt3A_983 : vector<16xi1>
    %add3A_985 = arith.constant 80 : i32
    %add3A_986 = vector.broadcast %add3A_985 : i32 to vector<16xi32>
    %add3A_987 = arith.addi %add3A_986, %iota3A : vector<16xi32>
    tpu.vector_store_idx %arg6[%sub3A_977, %add3A_987], %broadcast_in_dim3A_35 masked %and3A_984 : memref<256x256xf32, #tpu.memory_space<vmem>>[vector<16xi32>, vector<16xi32>], vector<16xf32>, vector<16xi1>
    %get3A_988 = arith.constant 0 : i32
    %get3A_989 = arith.index_cast %get3A_988 : i32 to index
    %get3A_990 = arith.constant 96 : index
    %get3A_991 = tpu.vector_load %arg5[%get3A_989, %get3A_990] {strides = array<i32>} : memref<2x256xi32, #tpu.memory_space<vmem>>, vector<16xi32>,
    %sub3A_992 = arith.constant 504 : i32
    %sub3A_993 = vector.broadcast %sub3A_992 : i32 to vector<16xi32>
    %sub3A_994 = arith.subi %get3A_991, %sub3A_993 : vector<16xi32>
    %ge3A_995 = arith.constant 0 : i32
    %ge3A_996 = vector.broadcast %ge3A_995 : i32 to vector<16xi32>
    %ge3A_997 = arith.cmpi sge, %sub3A_994, %ge3A_996 : vector<16xi32>
    %lt3A_998 = arith.constant 248 : i32
    %lt3A_999 = vector.broadcast %lt3A_998 : i32 to vector<16xi32>
    %lt3A_1000 = arith.cmpi slt, %sub3A_994, %lt3A_999 : vector<16xi32>
    %and3A_1001 = arith.andi %ge3A_997, %lt3A_1000 : vector<16xi1>
    %add3A_1002 = arith.constant 96 : i32
    %add3A_1003 = vector.broadcast %add3A_1002 : i32 to vector<16xi32>
    %add3A_1004 = arith.addi %add3A_1003, %iota3A : vector<16xi32>
    tpu.vector_store_idx %arg6[%sub3A_994, %add3A_1004], %broadcast_in_dim3A_35 masked %and3A_1001 : memref<256x256xf32, #tpu.memory_space<vmem>>[vector<16xi32>, vector<16xi32>], vector<16xf32>, vector<16xi1>
    %get3A_1005 = arith.constant 0 : i32
    %get3A_1006 = arith.index_cast %get3A_1005 : i32 to index
    %get3A_1007 = arith.constant 112 : index
    %get3A_1008 = tpu.vector_load %arg5[%get3A_1006, %get3A_1007] {strides = array<i32>} : memref<2x256xi32, #tpu.memory_space<vmem>>, vector<16xi32>,
    %sub3A_1009 = arith.constant 504 : i32
    %sub3A_1010 = vector.broadcast %sub3A_1009 : i32 to vector<16xi32>
    %sub3A_1011 = arith.subi %get3A_1008, %sub3A_1010 : vector<16xi32>
    %ge3A_1012 = arith.constant 0 : i32
    %ge3A_1013 = vector.broadcast %ge3A_1012 : i32 to vector<16xi32>
    %ge3A_1014 = arith.cmpi sge, %sub3A_1011, %ge3A_1013 : vector<16xi32>
    %lt3A_1015 = arith.constant 248 : i32
    %lt3A_1016 = vector.broadcast %lt3A_1015 : i32 to vector<16xi32>
    %lt3A_1017 = arith.cmpi slt, %sub3A_1011, %lt3A_1016 : vector<16xi32>
    %and3A_1018 = arith.andi %ge3A_1014, %lt3A_1017 : vector<16xi1>
    %add3A_1019 = arith.constant 112 : i32
    %add3A_1020 = vector.broadcast %add3A_1019 : i32 to vector<16xi32>
    %add3A_1021 = arith.addi %add3A_1020, %iota3A : vector<16xi32>
    tpu.vector_store_idx %arg6[%sub3A_1011, %add3A_1021], %broadcast_in_dim3A_35 masked %and3A_1018 : memref<256x256xf32, #tpu.memory_space<vmem>>[vector<16xi32>, vector<16xi32>], vector<16xf32>, vector<16xi1>
    %get3A_1022 = arith.constant 0 : i32
    %get3A_1023 = arith.index_cast %get3A_1022 : i32 to index
    %get3A_1024 = arith.constant 128 : index
    %get3A_1025 = tpu.vector_load %arg5[%get3A_1023, %get3A_1024] {strides = array<i32>} : memref<2x256xi32, #tpu.memory_space<vmem>>, vector<16xi32>,
    %sub3A_1026 = arith.constant 504 : i32
    %sub3A_1027 = vector.broadcast %sub3A_1026 : i32 to vector<16xi32>
    %sub3A_1028 = arith.subi %get3A_1025, %sub3A_1027 : vector<16xi32>
    %ge3A_1029 = arith.constant 0 : i32
    %ge3A_1030 = vector.broadcast %ge3A_1029 : i32 to vector<16xi32>
    %ge3A_1031 = arith.cmpi sge, %sub3A_1028, %ge3A_1030 : vector<16xi32>
    %lt3A_1032 = arith.constant 248 : i32
    %lt3A_1033 = vector.broadcast %lt3A_1032 : i32 to vector<16xi32>
    %lt3A_1034 = arith.cmpi slt, %sub3A_1028, %lt3A_1033 : vector<16xi32>
    %and3A_1035 = arith.andi %ge3A_1031, %lt3A_1034 : vector<16xi1>
    %add3A_1036 = arith.constant 128 : i32
    %add3A_1037 = vector.broadcast %add3A_1036 : i32 to vector<16xi32>
    %add3A_1038 = arith.addi %add3A_1037, %iota3A : vector<16xi32>
    tpu.vector_store_idx %arg6[%sub3A_1028, %add3A_1038], %broadcast_in_dim3A_35 masked %and3A_1035 : memref<256x256xf32, #tpu.memory_space<vmem>>[vector<16xi32>, vector<16xi32>], vector<16xf32>, vector<16xi1>
    %get3A_1039 = arith.constant 0 : i32
    %get3A_1040 = arith.index_cast %get3A_1039 : i32 to index
    %get3A_1041 = arith.constant 144 : index
    %get3A_1042 = tpu.vector_load %arg5[%get3A_1040, %get3A_1041] {strides = array<i32>} : memref<2x256xi32, #tpu.memory_space<vmem>>, vector<16xi32>,
    %sub3A_1043 = arith.constant 504 : i32
    %sub3A_1044 = vector.broadcast %sub3A_1043 : i32 to vector<16xi32>
    %sub3A_1045 = arith.subi %get3A_1042, %sub3A_1044 : vector<16xi32>
    %ge3A_1046 = arith.constant 0 : i32
    %ge3A_1047 = vector.broadcast %ge3A_1046 : i32 to vector<16xi32>
    %ge3A_1048 = arith.cmpi sge, %sub3A_1045, %ge3A_1047 : vector<16xi32>
    %lt3A_1049 = arith.constant 248 : i32
    %lt3A_1050 = vector.broadcast %lt3A_1049 : i32 to vector<16xi32>
    %lt3A_1051 = arith.cmpi slt, %sub3A_1045, %lt3A_1050 : vector<16xi32>
    %and3A_1052 = arith.andi %ge3A_1048, %lt3A_1051 : vector<16xi1>
    %add3A_1053 = arith.constant 144 : i32
    %add3A_1054 = vector.broadcast %add3A_1053 : i32 to vector<16xi32>
    %add3A_1055 = arith.addi %add3A_1054, %iota3A : vector<16xi32>
    tpu.vector_store_idx %arg6[%sub3A_1045, %add3A_1055], %broadcast_in_dim3A_35 masked %and3A_1052 : memref<256x256xf32, #tpu.memory_space<vmem>>[vector<16xi32>, vector<16xi32>], vector<16xf32>, vector<16xi1>
    %get3A_1056 = arith.constant 0 : i32
    %get3A_1057 = arith.index_cast %get3A_1056 : i32 to index
    %get3A_1058 = arith.constant 160 : index
    %get3A_1059 = tpu.vector_load %arg5[%get3A_1057, %get3A_1058] {strides = array<i32>} : memref<2x256xi32, #tpu.memory_space<vmem>>, vector<16xi32>,
    %sub3A_1060 = arith.constant 504 : i32
    %sub3A_1061 = vector.broadcast %sub3A_1060 : i32 to vector<16xi32>
    %sub3A_1062 = arith.subi %get3A_1059, %sub3A_1061 : vector<16xi32>
    %ge3A_1063 = arith.constant 0 : i32
    %ge3A_1064 = vector.broadcast %ge3A_1063 : i32 to vector<16xi32>
    %ge3A_1065 = arith.cmpi sge, %sub3A_1062, %ge3A_1064 : vector<16xi32>
    %lt3A_1066 = arith.constant 248 : i32
    %lt3A_1067 = vector.broadcast %lt3A_1066 : i32 to vector<16xi32>
    %lt3A_1068 = arith.cmpi slt, %sub3A_1062, %lt3A_1067 : vector<16xi32>
    %and3A_1069 = arith.andi %ge3A_1065, %lt3A_1068 : vector<16xi1>
    %add3A_1070 = arith.constant 160 : i32
    %add3A_1071 = vector.broadcast %add3A_1070 : i32 to vector<16xi32>
    %add3A_1072 = arith.addi %add3A_1071, %iota3A : vector<16xi32>
    tpu.vector_store_idx %arg6[%sub3A_1062, %add3A_1072], %broadcast_in_dim3A_35 masked %and3A_1069 : memref<256x256xf32, #tpu.memory_space<vmem>>[vector<16xi32>, vector<16xi32>], vector<16xf32>, vector<16xi1>
    %get3A_1073 = arith.constant 0 : i32
    %get3A_1074 = arith.index_cast %get3A_1073 : i32 to index
    %get3A_1075 = arith.constant 176 : index
    %get3A_1076 = tpu.vector_load %arg5[%get3A_1074, %get3A_1075] {strides = array<i32>} : memref<2x256xi32, #tpu.memory_space<vmem>>, vector<16xi32>,
    %sub3A_1077 = arith.constant 504 : i32
    %sub3A_1078 = vector.broadcast %sub3A_1077 : i32 to vector<16xi32>
    %sub3A_1079 = arith.subi %get3A_1076, %sub3A_1078 : vector<16xi32>
    %ge3A_1080 = arith.constant 0 : i32
    %ge3A_1081 = vector.broadcast %ge3A_1080 : i32 to vector<16xi32>
    %ge3A_1082 = arith.cmpi sge, %sub3A_1079, %ge3A_1081 : vector<16xi32>
    %lt3A_1083 = arith.constant 248 : i32
    %lt3A_1084 = vector.broadcast %lt3A_1083 : i32 to vector<16xi32>
    %lt3A_1085 = arith.cmpi slt, %sub3A_1079, %lt3A_1084 : vector<16xi32>
    %and3A_1086 = arith.andi %ge3A_1082, %lt3A_1085 : vector<16xi1>
    %add3A_1087 = arith.constant 176 : i32
    %add3A_1088 = vector.broadcast %add3A_1087 : i32 to vector<16xi32>
    %add3A_1089 = arith.addi %add3A_1088, %iota3A : vector<16xi32>
    tpu.vector_store_idx %arg6[%sub3A_1079, %add3A_1089], %broadcast_in_dim3A_35 masked %and3A_1086 : memref<256x256xf32, #tpu.memory_space<vmem>>[vector<16xi32>, vector<16xi32>], vector<16xf32>, vector<16xi1>
    %get3A_1090 = arith.constant 0 : i32
    %get3A_1091 = arith.index_cast %get3A_1090 : i32 to index
    %get3A_1092 = arith.constant 192 : index
    %get3A_1093 = tpu.vector_load %arg5[%get3A_1091, %get3A_1092] {strides = array<i32>} : memref<2x256xi32, #tpu.memory_space<vmem>>, vector<16xi32>,
    %sub3A_1094 = arith.constant 504 : i32
    %sub3A_1095 = vector.broadcast %sub3A_1094 : i32 to vector<16xi32>
    %sub3A_1096 = arith.subi %get3A_1093, %sub3A_1095 : vector<16xi32>
    %ge3A_1097 = arith.constant 0 : i32
    %ge3A_1098 = vector.broadcast %ge3A_1097 : i32 to vector<16xi32>
    %ge3A_1099 = arith.cmpi sge, %sub3A_1096, %ge3A_1098 : vector<16xi32>
    %lt3A_1100 = arith.constant 248 : i32
    %lt3A_1101 = vector.broadcast %lt3A_1100 : i32 to vector<16xi32>
    %lt3A_1102 = arith.cmpi slt, %sub3A_1096, %lt3A_1101 : vector<16xi32>
    %and3A_1103 = arith.andi %ge3A_1099, %lt3A_1102 : vector<16xi1>
    %add3A_1104 = arith.constant 192 : i32
    %add3A_1105 = vector.broadcast %add3A_1104 : i32 to vector<16xi32>
    %add3A_1106 = arith.addi %add3A_1105, %iota3A : vector<16xi32>
    tpu.vector_store_idx %arg6[%sub3A_1096, %add3A_1106], %broadcast_in_dim3A_35 masked %and3A_1103 : memref<256x256xf32, #tpu.memory_space<vmem>>[vector<16xi32>, vector<16xi32>], vector<16xf32>, vector<16xi1>
    %get3A_1107 = arith.constant 0 : i32
    %get3A_1108 = arith.index_cast %get3A_1107 : i32 to index
    %get3A_1109 = arith.constant 208 : index
    %get3A_1110 = tpu.vector_load %arg5[%get3A_1108, %get3A_1109] {strides = array<i32>} : memref<2x256xi32, #tpu.memory_space<vmem>>, vector<16xi32>,
    %sub3A_1111 = arith.constant 504 : i32
    %sub3A_1112 = vector.broadcast %sub3A_1111 : i32 to vector<16xi32>
    %sub3A_1113 = arith.subi %get3A_1110, %sub3A_1112 : vector<16xi32>
    %ge3A_1114 = arith.constant 0 : i32
    %ge3A_1115 = vector.broadcast %ge3A_1114 : i32 to vector<16xi32>
    %ge3A_1116 = arith.cmpi sge, %sub3A_1113, %ge3A_1115 : vector<16xi32>
    %lt3A_1117 = arith.constant 248 : i32
    %lt3A_1118 = vector.broadcast %lt3A_1117 : i32 to vector<16xi32>
    %lt3A_1119 = arith.cmpi slt, %sub3A_1113, %lt3A_1118 : vector<16xi32>
    %and3A_1120 = arith.andi %ge3A_1116, %lt3A_1119 : vector<16xi1>
    %add3A_1121 = arith.constant 208 : i32
    %add3A_1122 = vector.broadcast %add3A_1121 : i32 to vector<16xi32>
    %add3A_1123 = arith.addi %add3A_1122, %iota3A : vector<16xi32>
    tpu.vector_store_idx %arg6[%sub3A_1113, %add3A_1123], %broadcast_in_dim3A_35 masked %and3A_1120 : memref<256x256xf32, #tpu.memory_space<vmem>>[vector<16xi32>, vector<16xi32>], vector<16xf32>, vector<16xi1>
    %get3A_1124 = arith.constant 0 : i32
    %get3A_1125 = arith.index_cast %get3A_1124 : i32 to index
    %get3A_1126 = arith.constant 224 : index
    %get3A_1127 = tpu.vector_load %arg5[%get3A_1125, %get3A_1126] {strides = array<i32>} : memref<2x256xi32, #tpu.memory_space<vmem>>, vector<16xi32>,
    %sub3A_1128 = arith.constant 504 : i32
    %sub3A_1129 = vector.broadcast %sub3A_1128 : i32 to vector<16xi32>
    %sub3A_1130 = arith.subi %get3A_1127, %sub3A_1129 : vector<16xi32>
    %ge3A_1131 = arith.constant 0 : i32
    %ge3A_1132 = vector.broadcast %ge3A_1131 : i32 to vector<16xi32>
    %ge3A_1133 = arith.cmpi sge, %sub3A_1130, %ge3A_1132 : vector<16xi32>
    %lt3A_1134 = arith.constant 248 : i32
    %lt3A_1135 = vector.broadcast %lt3A_1134 : i32 to vector<16xi32>
    %lt3A_1136 = arith.cmpi slt, %sub3A_1130, %lt3A_1135 : vector<16xi32>
    %and3A_1137 = arith.andi %ge3A_1133, %lt3A_1136 : vector<16xi1>
    %add3A_1138 = arith.constant 224 : i32
    %add3A_1139 = vector.broadcast %add3A_1138 : i32 to vector<16xi32>
    %add3A_1140 = arith.addi %add3A_1139, %iota3A : vector<16xi32>
    tpu.vector_store_idx %arg6[%sub3A_1130, %add3A_1140], %broadcast_in_dim3A_35 masked %and3A_1137 : memref<256x256xf32, #tpu.memory_space<vmem>>[vector<16xi32>, vector<16xi32>], vector<16xf32>, vector<16xi1>
    %get3A_1141 = arith.constant 0 : i32
    %get3A_1142 = arith.index_cast %get3A_1141 : i32 to index
    %get3A_1143 = arith.constant 240 : index
    %get3A_1144 = tpu.vector_load %arg5[%get3A_1142, %get3A_1143] {strides = array<i32>} : memref<2x256xi32, #tpu.memory_space<vmem>>, vector<16xi32>,
    %sub3A_1145 = arith.constant 504 : i32
    %sub3A_1146 = vector.broadcast %sub3A_1145 : i32 to vector<16xi32>
    %sub3A_1147 = arith.subi %get3A_1144, %sub3A_1146 : vector<16xi32>
    %ge3A_1148 = arith.constant 0 : i32
    %ge3A_1149 = vector.broadcast %ge3A_1148 : i32 to vector<16xi32>
    %ge3A_1150 = arith.cmpi sge, %sub3A_1147, %ge3A_1149 : vector<16xi32>
    %lt3A_1151 = arith.constant 248 : i32
    %lt3A_1152 = vector.broadcast %lt3A_1151 : i32 to vector<16xi32>
    %lt3A_1153 = arith.cmpi slt, %sub3A_1147, %lt3A_1152 : vector<16xi32>
    %and3A_1154 = arith.andi %ge3A_1150, %lt3A_1153 : vector<16xi1>
    %add3A_1155 = arith.constant 240 : i32
    %add3A_1156 = vector.broadcast %add3A_1155 : i32 to vector<16xi32>
    %add3A_1157 = arith.addi %add3A_1156, %iota3A : vector<16xi32>
    tpu.vector_store_idx %arg6[%sub3A_1147, %add3A_1157], %broadcast_in_dim3A_35 masked %and3A_1154 : memref<256x256xf32, #tpu.memory_space<vmem>>[vector<16xi32>, vector<16xi32>], vector<16xf32>, vector<16xi1>
    %dma_start3A_1158 = arith.constant 0 : i32
    %dma_start3A_1159 = arith.constant 0 : i32
    %dma_start3A_1160 = tpu.memref_slice %arg6[%dma_start3A_1158, %dma_start3A_1159] : memref<256x256xf32, #tpu.memory_space<vmem>> -> memref<248x256xf32, #tpu.memory_space<vmem>>
    %dma_start3A_1161 = arith.constant 504 : i32
    %dma_start3A_1162 = tpu.memref_slice %arg4[%mul3A_34, %dma_start3A_1161, %mul3A_32] : memref<20x1000x4096xf32, #tpu.memory_space<hbm>> -> memref<1x248x256xf32, #tpu.memory_space<hbm>>
    %dma_start3A_1163 = tpu.memref_squeeze %dma_start3A_1162 : memref<1x248x256xf32, #tpu.memory_space<hbm>> -> memref<248x256xf32, #tpu.memory_space<hbm>>
    %dma_start3A_1164 = arith.constant 504 : i32
    %dma_start3A_1165 = tpu.memref_slice %arg4[%mul3A_34, %dma_start3A_1164, %mul3A_32] : memref<20x1000x4096xf32, #tpu.memory_space<hbm>> -> memref<1x248x256xf32, #tpu.memory_space<hbm>>
    %dma_start3A_1166 = tpu.memref_squeeze %dma_start3A_1165 : memref<1x248x256xf32, #tpu.memory_space<hbm>> -> memref<248x256xf32, #tpu.memory_space<hbm>>
    %dma_start3A_1167 = arith.constant 0 : i32
    %dma_start3A_1168 = arith.constant 0 : i32
    %dma_start3A_1169 = tpu.memref_slice %arg6[%dma_start3A_1167, %dma_start3A_1168] : memref<256x256xf32, #tpu.memory_space<vmem>> -> memref<248x256xf32, #tpu.memory_space<vmem>>
    tpu.enqueue_dma source(%dma_start3A_1169 : memref<248x256xf32, #tpu.memory_space<vmem>>) target(%dma_start3A_1166 : memref<248x256xf32, #tpu.memory_space<hbm>>) target_semaphore(%arg8 : memref<!tpu.dma_semaphore, #tpu.memory_space<semaphore_mem>>)
    %dma_wait3A_1170 = arith.constant 0 : i32
    %dma_wait3A_1171 = arith.constant 0 : i32
    %dma_wait3A_1172 = tpu.memref_slice %arg7[%dma_wait3A_1170, %dma_wait3A_1171] : memref<248x256xf32, #tpu.memory_space<vmem>> -> memref<248x256xf32, #tpu.memory_space<vmem>>
    %dma_wait3A_1173 = arith.constant 0 : i32
    %dma_wait3A_1174 = tpu.memref_slice %arg4[%mul3A_34, %dma_wait3A_1173, %mul3A_32] : memref<20x1000x4096xf32, #tpu.memory_space<hbm>> -> memref<1x248x256xf32, #tpu.memory_space<hbm>>
    %dma_wait3A_1175 = tpu.memref_squeeze %dma_wait3A_1174 : memref<1x248x256xf32, #tpu.memory_space<hbm>> -> memref<248x256xf32, #tpu.memory_space<hbm>>
    %dma_wait3A_1176 = arith.constant 0 : i32
    %dma_wait3A_1177 = tpu.memref_slice %arg4[%mul3A_34, %dma_wait3A_1176, %mul3A_32] : memref<20x1000x4096xf32, #tpu.memory_space<hbm>> -> memref<1x248x256xf32, #tpu.memory_space<hbm>>
    %dma_wait3A_1178 = tpu.memref_squeeze %dma_wait3A_1177 : memref<1x248x256xf32, #tpu.memory_space<hbm>> -> memref<248x256xf32, #tpu.memory_space<hbm>>
    %dma_wait3A_1179 = arith.constant 0 : i32
    %dma_wait3A_1180 = arith.constant 0 : i32
    %dma_wait3A_1181 = tpu.memref_slice %arg7[%dma_wait3A_1179, %dma_wait3A_1180] : memref<248x256xf32, #tpu.memory_space<vmem>> -> memref<248x256xf32, #tpu.memory_space<vmem>>
    tpu.wait_dma2 semaphore(%arg9 : memref<!tpu.dma_semaphore, #tpu.memory_space<semaphore_mem>>) src(%dma_wait3A_1181 : memref<248x256xf32, #tpu.memory_space<vmem>>) dst(%dma_wait3A_1178 : memref<248x256xf32, #tpu.memory_space<hbm>>)
    %get3A_1182 = arith.constant 0 : i32
    %get3A_1183 = arith.index_cast %get3A_1182 : i32 to index
    %get3A_1184 = arith.constant 0 : index
    %get3A_1185 = tpu.vector_load %arg5[%get3A_1183, %get3A_1184] {strides = array<i32>} : memref<2x256xi32, #tpu.memory_space<vmem>>, vector<16xi32>,
    %sub3A_1186 = arith.constant 256 : i32
    %sub3A_1187 = vector.broadcast %sub3A_1186 : i32 to vector<16xi32>
    %sub3A_1188 = arith.subi %get3A_1185, %sub3A_1187 : vector<16xi32>
    %ge3A_1189 = arith.constant 0 : i32
    %ge3A_1190 = vector.broadcast %ge3A_1189 : i32 to vector<16xi32>
    %ge3A_1191 = arith.cmpi sge, %sub3A_1188, %ge3A_1190 : vector<16xi32>
    %lt3A_1192 = arith.constant 248 : i32
    %lt3A_1193 = vector.broadcast %lt3A_1192 : i32 to vector<16xi32>
    %lt3A_1194 = arith.cmpi slt, %sub3A_1188, %lt3A_1193 : vector<16xi32>
    %and3A_1195 = arith.andi %ge3A_1191, %lt3A_1194 : vector<16xi1>
    %add3A_1196 = arith.constant 0 : i32
    %add3A_1197 = vector.broadcast %add3A_1196 : i32 to vector<16xi32>
    %add3A_1198 = arith.addi %add3A_1197, %iota3A : vector<16xi32>
    tpu.vector_store_idx %arg7[%sub3A_1188, %add3A_1198], %broadcast_in_dim3A_37 masked %and3A_1195 : memref<248x256xf32, #tpu.memory_space<vmem>>[vector<16xi32>, vector<16xi32>], vector<16xf32>, vector<16xi1>
    %get3A_1199 = arith.constant 0 : i32
    %get3A_1200 = arith.index_cast %get3A_1199 : i32 to index
    %get3A_1201 = arith.constant 16 : index
    %get3A_1202 = tpu.vector_load %arg5[%get3A_1200, %get3A_1201] {strides = array<i32>} : memref<2x256xi32, #tpu.memory_space<vmem>>, vector<16xi32>,
    %sub3A_1203 = arith.constant 256 : i32
    %sub3A_1204 = vector.broadcast %sub3A_1203 : i32 to vector<16xi32>
    %sub3A_1205 = arith.subi %get3A_1202, %sub3A_1204 : vector<16xi32>
    %ge3A_1206 = arith.constant 0 : i32
    %ge3A_1207 = vector.broadcast %ge3A_1206 : i32 to vector<16xi32>
    %ge3A_1208 = arith.cmpi sge, %sub3A_1205, %ge3A_1207 : vector<16xi32>
    %lt3A_1209 = arith.constant 248 : i32
    %lt3A_1210 = vector.broadcast %lt3A_1209 : i32 to vector<16xi32>
    %lt3A_1211 = arith.cmpi slt, %sub3A_1205, %lt3A_1210 : vector<16xi32>
    %and3A_1212 = arith.andi %ge3A_1208, %lt3A_1211 : vector<16xi1>
    %add3A_1213 = arith.constant 16 : i32
    %add3A_1214 = vector.broadcast %add3A_1213 : i32 to vector<16xi32>
    %add3A_1215 = arith.addi %add3A_1214, %iota3A : vector<16xi32>
    tpu.vector_store_idx %arg7[%sub3A_1205, %add3A_1215], %broadcast_in_dim3A_37 masked %and3A_1212 : memref<248x256xf32, #tpu.memory_space<vmem>>[vector<16xi32>, vector<16xi32>], vector<16xf32>, vector<16xi1>
    %get3A_1216 = arith.constant 0 : i32
    %get3A_1217 = arith.index_cast %get3A_1216 : i32 to index
    %get3A_1218 = arith.constant 32 : index
    %get3A_1219 = tpu.vector_load %arg5[%get3A_1217, %get3A_1218] {strides = array<i32>} : memref<2x256xi32, #tpu.memory_space<vmem>>, vector<16xi32>,
    %sub3A_1220 = arith.constant 256 : i32
    %sub3A_1221 = vector.broadcast %sub3A_1220 : i32 to vector<16xi32>
    %sub3A_1222 = arith.subi %get3A_1219, %sub3A_1221 : vector<16xi32>
    %ge3A_1223 = arith.constant 0 : i32
    %ge3A_1224 = vector.broadcast %ge3A_1223 : i32 to vector<16xi32>
    %ge3A_1225 = arith.cmpi sge, %sub3A_1222, %ge3A_1224 : vector<16xi32>
    %lt3A_1226 = arith.constant 248 : i32
    %lt3A_1227 = vector.broadcast %lt3A_1226 : i32 to vector<16xi32>
    %lt3A_1228 = arith.cmpi slt, %sub3A_1222, %lt3A_1227 : vector<16xi32>
    %and3A_1229 = arith.andi %ge3A_1225, %lt3A_1228 : vector<16xi1>
    %add3A_1230 = arith.constant 32 : i32
    %add3A_1231 = vector.broadcast %add3A_1230 : i32 to vector<16xi32>
    %add3A_1232 = arith.addi %add3A_1231, %iota3A : vector<16xi32>
    tpu.vector_store_idx %arg7[%sub3A_1222, %add3A_1232], %broadcast_in_dim3A_37 masked %and3A_1229 : memref<248x256xf32, #tpu.memory_space<vmem>>[vector<16xi32>, vector<16xi32>], vector<16xf32>, vector<16xi1>
    %get3A_1233 = arith.constant 0 : i32
    %get3A_1234 = arith.index_cast %get3A_1233 : i32 to index
    %get3A_1235 = arith.constant 48 : index
    %get3A_1236 = tpu.vector_load %arg5[%get3A_1234, %get3A_1235] {strides = array<i32>} : memref<2x256xi32, #tpu.memory_space<vmem>>, vector<16xi32>,
    %sub3A_1237 = arith.constant 256 : i32
    %sub3A_1238 = vector.broadcast %sub3A_1237 : i32 to vector<16xi32>
    %sub3A_1239 = arith.subi %get3A_1236, %sub3A_1238 : vector<16xi32>
    %ge3A_1240 = arith.constant 0 : i32
    %ge3A_1241 = vector.broadcast %ge3A_1240 : i32 to vector<16xi32>
    %ge3A_1242 = arith.cmpi sge, %sub3A_1239, %ge3A_1241 : vector<16xi32>
    %lt3A_1243 = arith.constant 248 : i32
    %lt3A_1244 = vector.broadcast %lt3A_1243 : i32 to vector<16xi32>
    %lt3A_1245 = arith.cmpi slt, %sub3A_1239, %lt3A_1244 : vector<16xi32>
    %and3A_1246 = arith.andi %ge3A_1242, %lt3A_1245 : vector<16xi1>
    %add3A_1247 = arith.constant 48 : i32
    %add3A_1248 = vector.broadcast %add3A_1247 : i32 to vector<16xi32>
    %add3A_1249 = arith.addi %add3A_1248, %iota3A : vector<16xi32>
    tpu.vector_store_idx %arg7[%sub3A_1239, %add3A_1249], %broadcast_in_dim3A_37 masked %and3A_1246 : memref<248x256xf32, #tpu.memory_space<vmem>>[vector<16xi32>, vector<16xi32>], vector<16xf32>, vector<16xi1>
    %get3A_1250 = arith.constant 0 : i32
    %get3A_1251 = arith.index_cast %get3A_1250 : i32 to index
    %get3A_1252 = arith.constant 64 : index
    %get3A_1253 = tpu.vector_load %arg5[%get3A_1251, %get3A_1252] {strides = array<i32>} : memref<2x256xi32, #tpu.memory_space<vmem>>, vector<16xi32>,
    %sub3A_1254 = arith.constant 256 : i32
    %sub3A_1255 = vector.broadcast %sub3A_1254 : i32 to vector<16xi32>
    %sub3A_1256 = arith.subi %get3A_1253, %sub3A_1255 : vector<16xi32>
    %ge3A_1257 = arith.constant 0 : i32
    %ge3A_1258 = vector.broadcast %ge3A_1257 : i32 to vector<16xi32>
    %ge3A_1259 = arith.cmpi sge, %sub3A_1256, %ge3A_1258 : vector<16xi32>
    %lt3A_1260 = arith.constant 248 : i32
    %lt3A_1261 = vector.broadcast %lt3A_1260 : i32 to vector<16xi32>
    %lt3A_1262 = arith.cmpi slt, %sub3A_1256, %lt3A_1261 : vector<16xi32>
    %and3A_1263 = arith.andi %ge3A_1259, %lt3A_1262 : vector<16xi1>
    %add3A_1264 = arith.constant 64 : i32
    %add3A_1265 = vector.broadcast %add3A_1264 : i32 to vector<16xi32>
    %add3A_1266 = arith.addi %add3A_1265, %iota3A : vector<16xi32>
    tpu.vector_store_idx %arg7[%sub3A_1256, %add3A_1266], %broadcast_in_dim3A_37 masked %and3A_1263 : memref<248x256xf32, #tpu.memory_space<vmem>>[vector<16xi32>, vector<16xi32>], vector<16xf32>, vector<16xi1>
    %get3A_1267 = arith.constant 0 : i32
    %get3A_1268 = arith.index_cast %get3A_1267 : i32 to index
    %get3A_1269 = arith.constant 80 : index
    %get3A_1270 = tpu.vector_load %arg5[%get3A_1268, %get3A_1269] {strides = array<i32>} : memref<2x256xi32, #tpu.memory_space<vmem>>, vector<16xi32>,
    %sub3A_1271 = arith.constant 256 : i32
    %sub3A_1272 = vector.broadcast %sub3A_1271 : i32 to vector<16xi32>
    %sub3A_1273 = arith.subi %get3A_1270, %sub3A_1272 : vector<16xi32>
    %ge3A_1274 = arith.constant 0 : i32
    %ge3A_1275 = vector.broadcast %ge3A_1274 : i32 to vector<16xi32>
    %ge3A_1276 = arith.cmpi sge, %sub3A_1273, %ge3A_1275 : vector<16xi32>
    %lt3A_1277 = arith.constant 248 : i32
    %lt3A_1278 = vector.broadcast %lt3A_1277 : i32 to vector<16xi32>
    %lt3A_1279 = arith.cmpi slt, %sub3A_1273, %lt3A_1278 : vector<16xi32>
    %and3A_1280 = arith.andi %ge3A_1276, %lt3A_1279 : vector<16xi1>
    %add3A_1281 = arith.constant 80 : i32
    %add3A_1282 = vector.broadcast %add3A_1281 : i32 to vector<16xi32>
    %add3A_1283 = arith.addi %add3A_1282, %iota3A : vector<16xi32>
    tpu.vector_store_idx %arg7[%sub3A_1273, %add3A_1283], %broadcast_in_dim3A_37 masked %and3A_1280 : memref<248x256xf32, #tpu.memory_space<vmem>>[vector<16xi32>, vector<16xi32>], vector<16xf32>, vector<16xi1>
    %get3A_1284 = arith.constant 0 : i32
    %get3A_1285 = arith.index_cast %get3A_1284 : i32 to index
    %get3A_1286 = arith.constant 96 : index
    %get3A_1287 = tpu.vector_load %arg5[%get3A_1285, %get3A_1286] {strides = array<i32>} : memref<2x256xi32, #tpu.memory_space<vmem>>, vector<16xi32>,
    %sub3A_1288 = arith.constant 256 : i32
    %sub3A_1289 = vector.broadcast %sub3A_1288 : i32 to vector<16xi32>
    %sub3A_1290 = arith.subi %get3A_1287, %sub3A_1289 : vector<16xi32>
    %ge3A_1291 = arith.constant 0 : i32
    %ge3A_1292 = vector.broadcast %ge3A_1291 : i32 to vector<16xi32>
    %ge3A_1293 = arith.cmpi sge, %sub3A_1290, %ge3A_1292 : vector<16xi32>
    %lt3A_1294 = arith.constant 248 : i32
    %lt3A_1295 = vector.broadcast %lt3A_1294 : i32 to vector<16xi32>
    %lt3A_1296 = arith.cmpi slt, %sub3A_1290, %lt3A_1295 : vector<16xi32>
    %and3A_1297 = arith.andi %ge3A_1293, %lt3A_1296 : vector<16xi1>
    %add3A_1298 = arith.constant 96 : i32
    %add3A_1299 = vector.broadcast %add3A_1298 : i32 to vector<16xi32>
    %add3A_1300 = arith.addi %add3A_1299, %iota3A : vector<16xi32>
    tpu.vector_store_idx %arg7[%sub3A_1290, %add3A_1300], %broadcast_in_dim3A_37 masked %and3A_1297 : memref<248x256xf32, #tpu.memory_space<vmem>>[vector<16xi32>, vector<16xi32>], vector<16xf32>, vector<16xi1>
    %get3A_1301 = arith.constant 0 : i32
    %get3A_1302 = arith.index_cast %get3A_1301 : i32 to index
    %get3A_1303 = arith.constant 112 : index
    %get3A_1304 = tpu.vector_load %arg5[%get3A_1302, %get3A_1303] {strides = array<i32>} : memref<2x256xi32, #tpu.memory_space<vmem>>, vector<16xi32>,
    %sub3A_1305 = arith.constant 256 : i32
    %sub3A_1306 = vector.broadcast %sub3A_1305 : i32 to vector<16xi32>
    %sub3A_1307 = arith.subi %get3A_1304, %sub3A_1306 : vector<16xi32>
    %ge3A_1308 = arith.constant 0 : i32
    %ge3A_1309 = vector.broadcast %ge3A_1308 : i32 to vector<16xi32>
    %ge3A_1310 = arith.cmpi sge, %sub3A_1307, %ge3A_1309 : vector<16xi32>
    %lt3A_1311 = arith.constant 248 : i32
    %lt3A_1312 = vector.broadcast %lt3A_1311 : i32 to vector<16xi32>
    %lt3A_1313 = arith.cmpi slt, %sub3A_1307, %lt3A_1312 : vector<16xi32>
    %and3A_1314 = arith.andi %ge3A_1310, %lt3A_1313 : vector<16xi1>
    %add3A_1315 = arith.constant 112 : i32
    %add3A_1316 = vector.broadcast %add3A_1315 : i32 to vector<16xi32>
    %add3A_1317 = arith.addi %add3A_1316, %iota3A : vector<16xi32>
    tpu.vector_store_idx %arg7[%sub3A_1307, %add3A_1317], %broadcast_in_dim3A_37 masked %and3A_1314 : memref<248x256xf32, #tpu.memory_space<vmem>>[vector<16xi32>, vector<16xi32>], vector<16xf32>, vector<16xi1>
    %get3A_1318 = arith.constant 0 : i32
    %get3A_1319 = arith.index_cast %get3A_1318 : i32 to index
    %get3A_1320 = arith.constant 128 : index
    %get3A_1321 = tpu.vector_load %arg5[%get3A_1319, %get3A_1320] {strides = array<i32>} : memref<2x256xi32, #tpu.memory_space<vmem>>, vector<16xi32>,
    %sub3A_1322 = arith.constant 256 : i32
    %sub3A_1323 = vector.broadcast %sub3A_1322 : i32 to vector<16xi32>
    %sub3A_1324 = arith.subi %get3A_1321, %sub3A_1323 : vector<16xi32>
    %ge3A_1325 = arith.constant 0 : i32
    %ge3A_1326 = vector.broadcast %ge3A_1325 : i32 to vector<16xi32>
    %ge3A_1327 = arith.cmpi sge, %sub3A_1324, %ge3A_1326 : vector<16xi32>
    %lt3A_1328 = arith.constant 248 : i32
    %lt3A_1329 = vector.broadcast %lt3A_1328 : i32 to vector<16xi32>
    %lt3A_1330 = arith.cmpi slt, %sub3A_1324, %lt3A_1329 : vector<16xi32>
    %and3A_1331 = arith.andi %ge3A_1327, %lt3A_1330 : vector<16xi1>
    %add3A_1332 = arith.constant 128 : i32
    %add3A_1333 = vector.broadcast %add3A_1332 : i32 to vector<16xi32>
    %add3A_1334 = arith.addi %add3A_1333, %iota3A : vector<16xi32>
    tpu.vector_store_idx %arg7[%sub3A_1324, %add3A_1334], %broadcast_in_dim3A_37 masked %and3A_1331 : memref<248x256xf32, #tpu.memory_space<vmem>>[vector<16xi32>, vector<16xi32>], vector<16xf32>, vector<16xi1>
    %get3A_1335 = arith.constant 0 : i32
    %get3A_1336 = arith.index_cast %get3A_1335 : i32 to index
    %get3A_1337 = arith.constant 144 : index
    %get3A_1338 = tpu.vector_load %arg5[%get3A_1336, %get3A_1337] {strides = array<i32>} : memref<2x256xi32, #tpu.memory_space<vmem>>, vector<16xi32>,
    %sub3A_1339 = arith.constant 256 : i32
    %sub3A_1340 = vector.broadcast %sub3A_1339 : i32 to vector<16xi32>
    %sub3A_1341 = arith.subi %get3A_1338, %sub3A_1340 : vector<16xi32>
    %ge3A_1342 = arith.constant 0 : i32
    %ge3A_1343 = vector.broadcast %ge3A_1342 : i32 to vector<16xi32>
    %ge3A_1344 = arith.cmpi sge, %sub3A_1341, %ge3A_1343 : vector<16xi32>
    %lt3A_1345 = arith.constant 248 : i32
    %lt3A_1346 = vector.broadcast %lt3A_1345 : i32 to vector<16xi32>
    %lt3A_1347 = arith.cmpi slt, %sub3A_1341, %lt3A_1346 : vector<16xi32>
    %and3A_1348 = arith.andi %ge3A_1344, %lt3A_1347 : vector<16xi1>
    %add3A_1349 = arith.constant 144 : i32
    %add3A_1350 = vector.broadcast %add3A_1349 : i32 to vector<16xi32>
    %add3A_1351 = arith.addi %add3A_1350, %iota3A : vector<16xi32>
    tpu.vector_store_idx %arg7[%sub3A_1341, %add3A_1351], %broadcast_in_dim3A_37 masked %and3A_1348 : memref<248x256xf32, #tpu.memory_space<vmem>>[vector<16xi32>, vector<16xi32>], vector<16xf32>, vector<16xi1>
    %get3A_1352 = arith.constant 0 : i32
    %get3A_1353 = arith.index_cast %get3A_1352 : i32 to index
    %get3A_1354 = arith.constant 160 : index
    %get3A_1355 = tpu.vector_load %arg5[%get3A_1353, %get3A_1354] {strides = array<i32>} : memref<2x256xi32, #tpu.memory_space<vmem>>, vector<16xi32>,
    %sub3A_1356 = arith.constant 256 : i32
    %sub3A_1357 = vector.broadcast %sub3A_1356 : i32 to vector<16xi32>
    %sub3A_1358 = arith.subi %get3A_1355, %sub3A_1357 : vector<16xi32>
    %ge3A_1359 = arith.constant 0 : i32
    %ge3A_1360 = vector.broadcast %ge3A_1359 : i32 to vector<16xi32>
    %ge3A_1361 = arith.cmpi sge, %sub3A_1358, %ge3A_1360 : vector<16xi32>
    %lt3A_1362 = arith.constant 248 : i32
    %lt3A_1363 = vector.broadcast %lt3A_1362 : i32 to vector<16xi32>
    %lt3A_1364 = arith.cmpi slt, %sub3A_1358, %lt3A_1363 : vector<16xi32>
    %and3A_1365 = arith.andi %ge3A_1361, %lt3A_1364 : vector<16xi1>
    %add3A_1366 = arith.constant 160 : i32
    %add3A_1367 = vector.broadcast %add3A_1366 : i32 to vector<16xi32>
    %add3A_1368 = arith.addi %add3A_1367, %iota3A : vector<16xi32>
    tpu.vector_store_idx %arg7[%sub3A_1358, %add3A_1368], %broadcast_in_dim3A_37 masked %and3A_1365 : memref<248x256xf32, #tpu.memory_space<vmem>>[vector<16xi32>, vector<16xi32>], vector<16xf32>, vector<16xi1>
    %get3A_1369 = arith.constant 0 : i32
    %get3A_1370 = arith.index_cast %get3A_1369 : i32 to index
    %get3A_1371 = arith.constant 176 : index
    %get3A_1372 = tpu.vector_load %arg5[%get3A_1370, %get3A_1371] {strides = array<i32>} : memref<2x256xi32, #tpu.memory_space<vmem>>, vector<16xi32>,
    %sub3A_1373 = arith.constant 256 : i32
    %sub3A_1374 = vector.broadcast %sub3A_1373 : i32 to vector<16xi32>
    %sub3A_1375 = arith.subi %get3A_1372, %sub3A_1374 : vector<16xi32>
    %ge3A_1376 = arith.constant 0 : i32
    %ge3A_1377 = vector.broadcast %ge3A_1376 : i32 to vector<16xi32>
    %ge3A_1378 = arith.cmpi sge, %sub3A_1375, %ge3A_1377 : vector<16xi32>
    %lt3A_1379 = arith.constant 248 : i32
    %lt3A_1380 = vector.broadcast %lt3A_1379 : i32 to vector<16xi32>
    %lt3A_1381 = arith.cmpi slt, %sub3A_1375, %lt3A_1380 : vector<16xi32>
    %and3A_1382 = arith.andi %ge3A_1378, %lt3A_1381 : vector<16xi1>
    %add3A_1383 = arith.constant 176 : i32
    %add3A_1384 = vector.broadcast %add3A_1383 : i32 to vector<16xi32>
    %add3A_1385 = arith.addi %add3A_1384, %iota3A : vector<16xi32>
    tpu.vector_store_idx %arg7[%sub3A_1375, %add3A_1385], %broadcast_in_dim3A_37 masked %and3A_1382 : memref<248x256xf32, #tpu.memory_space<vmem>>[vector<16xi32>, vector<16xi32>], vector<16xf32>, vector<16xi1>
    %get3A_1386 = arith.constant 0 : i32
    %get3A_1387 = arith.index_cast %get3A_1386 : i32 to index
    %get3A_1388 = arith.constant 192 : index
    %get3A_1389 = tpu.vector_load %arg5[%get3A_1387, %get3A_1388] {strides = array<i32>} : memref<2x256xi32, #tpu.memory_space<vmem>>, vector<16xi32>,
    %sub3A_1390 = arith.constant 256 : i32
    %sub3A_1391 = vector.broadcast %sub3A_1390 : i32 to vector<16xi32>
    %sub3A_1392 = arith.subi %get3A_1389, %sub3A_1391 : vector<16xi32>
    %ge3A_1393 = arith.constant 0 : i32
    %ge3A_1394 = vector.broadcast %ge3A_1393 : i32 to vector<16xi32>
    %ge3A_1395 = arith.cmpi sge, %sub3A_1392, %ge3A_1394 : vector<16xi32>
    %lt3A_1396 = arith.constant 248 : i32
    %lt3A_1397 = vector.broadcast %lt3A_1396 : i32 to vector<16xi32>
    %lt3A_1398 = arith.cmpi slt, %sub3A_1392, %lt3A_1397 : vector<16xi32>
    %and3A_1399 = arith.andi %ge3A_1395, %lt3A_1398 : vector<16xi1>
    %add3A_1400 = arith.constant 192 : i32
    %add3A_1401 = vector.broadcast %add3A_1400 : i32 to vector<16xi32>
    %add3A_1402 = arith.addi %add3A_1401, %iota3A : vector<16xi32>
    tpu.vector_store_idx %arg7[%sub3A_1392, %add3A_1402], %broadcast_in_dim3A_37 masked %and3A_1399 : memref<248x256xf32, #tpu.memory_space<vmem>>[vector<16xi32>, vector<16xi32>], vector<16xf32>, vector<16xi1>
    %get3A_1403 = arith.constant 0 : i32
    %get3A_1404 = arith.index_cast %get3A_1403 : i32 to index
    %get3A_1405 = arith.constant 208 : index
    %get3A_1406 = tpu.vector_load %arg5[%get3A_1404, %get3A_1405] {strides = array<i32>} : memref<2x256xi32, #tpu.memory_space<vmem>>, vector<16xi32>,
    %sub3A_1407 = arith.constant 256 : i32
    %sub3A_1408 = vector.broadcast %sub3A_1407 : i32 to vector<16xi32>
    %sub3A_1409 = arith.subi %get3A_1406, %sub3A_1408 : vector<16xi32>
    %ge3A_1410 = arith.constant 0 : i32
    %ge3A_1411 = vector.broadcast %ge3A_1410 : i32 to vector<16xi32>
    %ge3A_1412 = arith.cmpi sge, %sub3A_1409, %ge3A_1411 : vector<16xi32>
    %lt3A_1413 = arith.constant 248 : i32
    %lt3A_1414 = vector.broadcast %lt3A_1413 : i32 to vector<16xi32>
    %lt3A_1415 = arith.cmpi slt, %sub3A_1409, %lt3A_1414 : vector<16xi32>
    %and3A_1416 = arith.andi %ge3A_1412, %lt3A_1415 : vector<16xi1>
    %add3A_1417 = arith.constant 208 : i32
    %add3A_1418 = vector.broadcast %add3A_1417 : i32 to vector<16xi32>
    %add3A_1419 = arith.addi %add3A_1418, %iota3A : vector<16xi32>
    tpu.vector_store_idx %arg7[%sub3A_1409, %add3A_1419], %broadcast_in_dim3A_37 masked %and3A_1416 : memref<248x256xf32, #tpu.memory_space<vmem>>[vector<16xi32>, vector<16xi32>], vector<16xf32>, vector<16xi1>
    %get3A_1420 = arith.constant 0 : i32
    %get3A_1421 = arith.index_cast %get3A_1420 : i32 to index
    %get3A_1422 = arith.constant 224 : index
    %get3A_1423 = tpu.vector_load %arg5[%get3A_1421, %get3A_1422] {strides = array<i32>} : memref<2x256xi32, #tpu.memory_space<vmem>>, vector<16xi32>,
    %sub3A_1424 = arith.constant 256 : i32
    %sub3A_1425 = vector.broadcast %sub3A_1424 : i32 to vector<16xi32>
    %sub3A_1426 = arith.subi %get3A_1423, %sub3A_1425 : vector<16xi32>
    %ge3A_1427 = arith.constant 0 : i32
    %ge3A_1428 = vector.broadcast %ge3A_1427 : i32 to vector<16xi32>
    %ge3A_1429 = arith.cmpi sge, %sub3A_1426, %ge3A_1428 : vector<16xi32>
    %lt3A_1430 = arith.constant 248 : i32
    %lt3A_1431 = vector.broadcast %lt3A_1430 : i32 to vector<16xi32>
    %lt3A_1432 = arith.cmpi slt, %sub3A_1426, %lt3A_1431 : vector<16xi32>
    %and3A_1433 = arith.andi %ge3A_1429, %lt3A_1432 : vector<16xi1>
    %add3A_1434 = arith.constant 224 : i32
    %add3A_1435 = vector.broadcast %add3A_1434 : i32 to vector<16xi32>
    %add3A_1436 = arith.addi %add3A_1435, %iota3A : vector<16xi32>
    tpu.vector_store_idx %arg7[%sub3A_1426, %add3A_1436], %broadcast_in_dim3A_37 masked %and3A_1433 : memref<248x256xf32, #tpu.memory_space<vmem>>[vector<16xi32>, vector<16xi32>], vector<16xf32>, vector<16xi1>
    %get3A_1437 = arith.constant 0 : i32
    %get3A_1438 = arith.index_cast %get3A_1437 : i32 to index
    %get3A_1439 = arith.constant 240 : index
    %get3A_1440 = tpu.vector_load %arg5[%get3A_1438, %get3A_1439] {strides = array<i32>} : memref<2x256xi32, #tpu.memory_space<vmem>>, vector<16xi32>,
    %sub3A_1441 = arith.constant 256 : i32
    %sub3A_1442 = vector.broadcast %sub3A_1441 : i32 to vector<16xi32>
    %sub3A_1443 = arith.subi %get3A_1440, %sub3A_1442 : vector<16xi32>
    %ge3A_1444 = arith.constant 0 : i32
    %ge3A_1445 = vector.broadcast %ge3A_1444 : i32 to vector<16xi32>
    %ge3A_1446 = arith.cmpi sge, %sub3A_1443, %ge3A_1445 : vector<16xi32>
    %lt3A_1447 = arith.constant 248 : i32
    %lt3A_1448 = vector.broadcast %lt3A_1447 : i32 to vector<16xi32>
    %lt3A_1449 = arith.cmpi slt, %sub3A_1443, %lt3A_1448 : vector<16xi32>
    %and3A_1450 = arith.andi %ge3A_1446, %lt3A_1449 : vector<16xi1>
    %add3A_1451 = arith.constant 240 : i32
    %add3A_1452 = vector.broadcast %add3A_1451 : i32 to vector<16xi32>
    %add3A_1453 = arith.addi %add3A_1452, %iota3A : vector<16xi32>
    tpu.vector_store_idx %arg7[%sub3A_1443, %add3A_1453], %broadcast_in_dim3A_37 masked %and3A_1450 : memref<248x256xf32, #tpu.memory_space<vmem>>[vector<16xi32>, vector<16xi32>], vector<16xf32>, vector<16xi1>
    %get3A_1454 = arith.constant 0 : i32
    %get3A_1455 = arith.index_cast %get3A_1454 : i32 to index
    %get3A_1456 = arith.constant 0 : index
    %get3A_1457 = tpu.vector_load %arg5[%get3A_1455, %get3A_1456] {strides = array<i32>} : memref<2x256xi32, #tpu.memory_space<vmem>>, vector<16xi32>,
    %sub3A_1458 = arith.constant 752 : i32
    %sub3A_1459 = vector.broadcast %sub3A_1458 : i32 to vector<16xi32>
    %sub3A_1460 = arith.subi %get3A_1457, %sub3A_1459 : vector<16xi32>
    %ge3A_1461 = arith.constant 0 : i32
    %ge3A_1462 = vector.broadcast %ge3A_1461 : i32 to vector<16xi32>
    %ge3A_1463 = arith.cmpi sge, %sub3A_1460, %ge3A_1462 : vector<16xi32>
    %lt3A_1464 = arith.constant 248 : i32
    %lt3A_1465 = vector.broadcast %lt3A_1464 : i32 to vector<16xi32>
    %lt3A_1466 = arith.cmpi slt, %sub3A_1460, %lt3A_1465 : vector<16xi32>
    %and3A_1467 = arith.andi %ge3A_1463, %lt3A_1466 : vector<16xi1>
    %add3A_1468 = arith.constant 0 : i32
    %add3A_1469 = vector.broadcast %add3A_1468 : i32 to vector<16xi32>
    %add3A_1470 = arith.addi %add3A_1469, %iota3A : vector<16xi32>
    tpu.vector_store_idx %arg7[%sub3A_1460, %add3A_1470], %broadcast_in_dim3A_35 masked %and3A_1467 : memref<248x256xf32, #tpu.memory_space<vmem>>[vector<16xi32>, vector<16xi32>], vector<16xf32>, vector<16xi1>
    %get3A_1471 = arith.constant 0 : i32
    %get3A_1472 = arith.index_cast %get3A_1471 : i32 to index
    %get3A_1473 = arith.constant 16 : index
    %get3A_1474 = tpu.vector_load %arg5[%get3A_1472, %get3A_1473] {strides = array<i32>} : memref<2x256xi32, #tpu.memory_space<vmem>>, vector<16xi32>,
    %sub3A_1475 = arith.constant 752 : i32
    %sub3A_1476 = vector.broadcast %sub3A_1475 : i32 to vector<16xi32>
    %sub3A_1477 = arith.subi %get3A_1474, %sub3A_1476 : vector<16xi32>
    %ge3A_1478 = arith.constant 0 : i32
    %ge3A_1479 = vector.broadcast %ge3A_1478 : i32 to vector<16xi32>
    %ge3A_1480 = arith.cmpi sge, %sub3A_1477, %ge3A_1479 : vector<16xi32>
    %lt3A_1481 = arith.constant 248 : i32
    %lt3A_1482 = vector.broadcast %lt3A_1481 : i32 to vector<16xi32>
    %lt3A_1483 = arith.cmpi slt, %sub3A_1477, %lt3A_1482 : vector<16xi32>
    %and3A_1484 = arith.andi %ge3A_1480, %lt3A_1483 : vector<16xi1>
    %add3A_1485 = arith.constant 16 : i32
    %add3A_1486 = vector.broadcast %add3A_1485 : i32 to vector<16xi32>
    %add3A_1487 = arith.addi %add3A_1486, %iota3A : vector<16xi32>
    tpu.vector_store_idx %arg7[%sub3A_1477, %add3A_1487], %broadcast_in_dim3A_35 masked %and3A_1484 : memref<248x256xf32, #tpu.memory_space<vmem>>[vector<16xi32>, vector<16xi32>], vector<16xf32>, vector<16xi1>
    %get3A_1488 = arith.constant 0 : i32
    %get3A_1489 = arith.index_cast %get3A_1488 : i32 to index
    %get3A_1490 = arith.constant 32 : index
    %get3A_1491 = tpu.vector_load %arg5[%get3A_1489, %get3A_1490] {strides = array<i32>} : memref<2x256xi32, #tpu.memory_space<vmem>>, vector<16xi32>,
    %sub3A_1492 = arith.constant 752 : i32
    %sub3A_1493 = vector.broadcast %sub3A_1492 : i32 to vector<16xi32>
    %sub3A_1494 = arith.subi %get3A_1491, %sub3A_1493 : vector<16xi32>
    %ge3A_1495 = arith.constant 0 : i32
    %ge3A_1496 = vector.broadcast %ge3A_1495 : i32 to vector<16xi32>
    %ge3A_1497 = arith.cmpi sge, %sub3A_1494, %ge3A_1496 : vector<16xi32>
    %lt3A_1498 = arith.constant 248 : i32
    %lt3A_1499 = vector.broadcast %lt3A_1498 : i32 to vector<16xi32>
    %lt3A_1500 = arith.cmpi slt, %sub3A_1494, %lt3A_1499 : vector<16xi32>
    %and3A_1501 = arith.andi %ge3A_1497, %lt3A_1500 : vector<16xi1>
    %add3A_1502 = arith.constant 32 : i32
    %add3A_1503 = vector.broadcast %add3A_1502 : i32 to vector<16xi32>
    %add3A_1504 = arith.addi %add3A_1503, %iota3A : vector<16xi32>
    tpu.vector_store_idx %arg7[%sub3A_1494, %add3A_1504], %broadcast_in_dim3A_35 masked %and3A_1501 : memref<248x256xf32, #tpu.memory_space<vmem>>[vector<16xi32>, vector<16xi32>], vector<16xf32>, vector<16xi1>
    %get3A_1505 = arith.constant 0 : i32
    %get3A_1506 = arith.index_cast %get3A_1505 : i32 to index
    %get3A_1507 = arith.constant 48 : index
    %get3A_1508 = tpu.vector_load %arg5[%get3A_1506, %get3A_1507] {strides = array<i32>} : memref<2x256xi32, #tpu.memory_space<vmem>>, vector<16xi32>,
    %sub3A_1509 = arith.constant 752 : i32
    %sub3A_1510 = vector.broadcast %sub3A_1509 : i32 to vector<16xi32>
    %sub3A_1511 = arith.subi %get3A_1508, %sub3A_1510 : vector<16xi32>
    %ge3A_1512 = arith.constant 0 : i32
    %ge3A_1513 = vector.broadcast %ge3A_1512 : i32 to vector<16xi32>
    %ge3A_1514 = arith.cmpi sge, %sub3A_1511, %ge3A_1513 : vector<16xi32>
    %lt3A_1515 = arith.constant 248 : i32
    %lt3A_1516 = vector.broadcast %lt3A_1515 : i32 to vector<16xi32>
    %lt3A_1517 = arith.cmpi slt, %sub3A_1511, %lt3A_1516 : vector<16xi32>
    %and3A_1518 = arith.andi %ge3A_1514, %lt3A_1517 : vector<16xi1>
    %add3A_1519 = arith.constant 48 : i32
    %add3A_1520 = vector.broadcast %add3A_1519 : i32 to vector<16xi32>
    %add3A_1521 = arith.addi %add3A_1520, %iota3A : vector<16xi32>
    tpu.vector_store_idx %arg7[%sub3A_1511, %add3A_1521], %broadcast_in_dim3A_35 masked %and3A_1518 : memref<248x256xf32, #tpu.memory_space<vmem>>[vector<16xi32>, vector<16xi32>], vector<16xf32>, vector<16xi1>
    %get3A_1522 = arith.constant 0 : i32
    %get3A_1523 = arith.index_cast %get3A_1522 : i32 to index
    %get3A_1524 = arith.constant 64 : index
    %get3A_1525 = tpu.vector_load %arg5[%get3A_1523, %get3A_1524] {strides = array<i32>} : memref<2x256xi32, #tpu.memory_space<vmem>>, vector<16xi32>,
    %sub3A_1526 = arith.constant 752 : i32
    %sub3A_1527 = vector.broadcast %sub3A_1526 : i32 to vector<16xi32>
    %sub3A_1528 = arith.subi %get3A_1525, %sub3A_1527 : vector<16xi32>
    %ge3A_1529 = arith.constant 0 : i32
    %ge3A_1530 = vector.broadcast %ge3A_1529 : i32 to vector<16xi32>
    %ge3A_1531 = arith.cmpi sge, %sub3A_1528, %ge3A_1530 : vector<16xi32>
    %lt3A_1532 = arith.constant 248 : i32
    %lt3A_1533 = vector.broadcast %lt3A_1532 : i32 to vector<16xi32>
    %lt3A_1534 = arith.cmpi slt, %sub3A_1528, %lt3A_1533 : vector<16xi32>
    %and3A_1535 = arith.andi %ge3A_1531, %lt3A_1534 : vector<16xi1>
    %add3A_1536 = arith.constant 64 : i32
    %add3A_1537 = vector.broadcast %add3A_1536 : i32 to vector<16xi32>
    %add3A_1538 = arith.addi %add3A_1537, %iota3A : vector<16xi32>
    tpu.vector_store_idx %arg7[%sub3A_1528, %add3A_1538], %broadcast_in_dim3A_35 masked %and3A_1535 : memref<248x256xf32, #tpu.memory_space<vmem>>[vector<16xi32>, vector<16xi32>], vector<16xf32>, vector<16xi1>
    %get3A_1539 = arith.constant 0 : i32
    %get3A_1540 = arith.index_cast %get3A_1539 : i32 to index
    %get3A_1541 = arith.constant 80 : index
    %get3A_1542 = tpu.vector_load %arg5[%get3A_1540, %get3A_1541] {strides = array<i32>} : memref<2x256xi32, #tpu.memory_space<vmem>>, vector<16xi32>,
    %sub3A_1543 = arith.constant 752 : i32
    %sub3A_1544 = vector.broadcast %sub3A_1543 : i32 to vector<16xi32>
    %sub3A_1545 = arith.subi %get3A_1542, %sub3A_1544 : vector<16xi32>
    %ge3A_1546 = arith.constant 0 : i32
    %ge3A_1547 = vector.broadcast %ge3A_1546 : i32 to vector<16xi32>
    %ge3A_1548 = arith.cmpi sge, %sub3A_1545, %ge3A_1547 : vector<16xi32>
    %lt3A_1549 = arith.constant 248 : i32
    %lt3A_1550 = vector.broadcast %lt3A_1549 : i32 to vector<16xi32>
    %lt3A_1551 = arith.cmpi slt, %sub3A_1545, %lt3A_1550 : vector<16xi32>
    %and3A_1552 = arith.andi %ge3A_1548, %lt3A_1551 : vector<16xi1>
    %add3A_1553 = arith.constant 80 : i32
    %add3A_1554 = vector.broadcast %add3A_1553 : i32 to vector<16xi32>
    %add3A_1555 = arith.addi %add3A_1554, %iota3A : vector<16xi32>
    tpu.vector_store_idx %arg7[%sub3A_1545, %add3A_1555], %broadcast_in_dim3A_35 masked %and3A_1552 : memref<248x256xf32, #tpu.memory_space<vmem>>[vector<16xi32>, vector<16xi32>], vector<16xf32>, vector<16xi1>
    %get3A_1556 = arith.constant 0 : i32
    %get3A_1557 = arith.index_cast %get3A_1556 : i32 to index
    %get3A_1558 = arith.constant 96 : index
    %get3A_1559 = tpu.vector_load %arg5[%get3A_1557, %get3A_1558] {strides = array<i32>} : memref<2x256xi32, #tpu.memory_space<vmem>>, vector<16xi32>,
    %sub3A_1560 = arith.constant 752 : i32
    %sub3A_1561 = vector.broadcast %sub3A_1560 : i32 to vector<16xi32>
    %sub3A_1562 = arith.subi %get3A_1559, %sub3A_1561 : vector<16xi32>
    %ge3A_1563 = arith.constant 0 : i32
    %ge3A_1564 = vector.broadcast %ge3A_1563 : i32 to vector<16xi32>
    %ge3A_1565 = arith.cmpi sge, %sub3A_1562, %ge3A_1564 : vector<16xi32>
    %lt3A_1566 = arith.constant 248 : i32
    %lt3A_1567 = vector.broadcast %lt3A_1566 : i32 to vector<16xi32>
    %lt3A_1568 = arith.cmpi slt, %sub3A_1562, %lt3A_1567 : vector<16xi32>
    %and3A_1569 = arith.andi %ge3A_1565, %lt3A_1568 : vector<16xi1>
    %add3A_1570 = arith.constant 96 : i32
    %add3A_1571 = vector.broadcast %add3A_1570 : i32 to vector<16xi32>
    %add3A_1572 = arith.addi %add3A_1571, %iota3A : vector<16xi32>
    tpu.vector_store_idx %arg7[%sub3A_1562, %add3A_1572], %broadcast_in_dim3A_35 masked %and3A_1569 : memref<248x256xf32, #tpu.memory_space<vmem>>[vector<16xi32>, vector<16xi32>], vector<16xf32>, vector<16xi1>
    %get3A_1573 = arith.constant 0 : i32
    %get3A_1574 = arith.index_cast %get3A_1573 : i32 to index
    %get3A_1575 = arith.constant 112 : index
    %get3A_1576 = tpu.vector_load %arg5[%get3A_1574, %get3A_1575] {strides = array<i32>} : memref<2x256xi32, #tpu.memory_space<vmem>>, vector<16xi32>,
    %sub3A_1577 = arith.constant 752 : i32
    %sub3A_1578 = vector.broadcast %sub3A_1577 : i32 to vector<16xi32>
    %sub3A_1579 = arith.subi %get3A_1576, %sub3A_1578 : vector<16xi32>
    %ge3A_1580 = arith.constant 0 : i32
    %ge3A_1581 = vector.broadcast %ge3A_1580 : i32 to vector<16xi32>
    %ge3A_1582 = arith.cmpi sge, %sub3A_1579, %ge3A_1581 : vector<16xi32>
    %lt3A_1583 = arith.constant 248 : i32
    %lt3A_1584 = vector.broadcast %lt3A_1583 : i32 to vector<16xi32>
    %lt3A_1585 = arith.cmpi slt, %sub3A_1579, %lt3A_1584 : vector<16xi32>
    %and3A_1586 = arith.andi %ge3A_1582, %lt3A_1585 : vector<16xi1>
    %add3A_1587 = arith.constant 112 : i32
    %add3A_1588 = vector.broadcast %add3A_1587 : i32 to vector<16xi32>
    %add3A_1589 = arith.addi %add3A_1588, %iota3A : vector<16xi32>
    tpu.vector_store_idx %arg7[%sub3A_1579, %add3A_1589], %broadcast_in_dim3A_35 masked %and3A_1586 : memref<248x256xf32, #tpu.memory_space<vmem>>[vector<16xi32>, vector<16xi32>], vector<16xf32>, vector<16xi1>
    %get3A_1590 = arith.constant 0 : i32
    %get3A_1591 = arith.index_cast %get3A_1590 : i32 to index
    %get3A_1592 = arith.constant 128 : index
    %get3A_1593 = tpu.vector_load %arg5[%get3A_1591, %get3A_1592] {strides = array<i32>} : memref<2x256xi32, #tpu.memory_space<vmem>>, vector<16xi32>,
    %sub3A_1594 = arith.constant 752 : i32
    %sub3A_1595 = vector.broadcast %sub3A_1594 : i32 to vector<16xi32>
    %sub3A_1596 = arith.subi %get3A_1593, %sub3A_1595 : vector<16xi32>
    %ge3A_1597 = arith.constant 0 : i32
    %ge3A_1598 = vector.broadcast %ge3A_1597 : i32 to vector<16xi32>
    %ge3A_1599 = arith.cmpi sge, %sub3A_1596, %ge3A_1598 : vector<16xi32>
    %lt3A_1600 = arith.constant 248 : i32
    %lt3A_1601 = vector.broadcast %lt3A_1600 : i32 to vector<16xi32>
    %lt3A_1602 = arith.cmpi slt, %sub3A_1596, %lt3A_1601 : vector<16xi32>
    %and3A_1603 = arith.andi %ge3A_1599, %lt3A_1602 : vector<16xi1>
    %add3A_1604 = arith.constant 128 : i32
    %add3A_1605 = vector.broadcast %add3A_1604 : i32 to vector<16xi32>
    %add3A_1606 = arith.addi %add3A_1605, %iota3A : vector<16xi32>
    tpu.vector_store_idx %arg7[%sub3A_1596, %add3A_1606], %broadcast_in_dim3A_35 masked %and3A_1603 : memref<248x256xf32, #tpu.memory_space<vmem>>[vector<16xi32>, vector<16xi32>], vector<16xf32>, vector<16xi1>
    %get3A_1607 = arith.constant 0 : i32
    %get3A_1608 = arith.index_cast %get3A_1607 : i32 to index
    %get3A_1609 = arith.constant 144 : index
    %get3A_1610 = tpu.vector_load %arg5[%get3A_1608, %get3A_1609] {strides = array<i32>} : memref<2x256xi32, #tpu.memory_space<vmem>>, vector<16xi32>,
    %sub3A_1611 = arith.constant 752 : i32
    %sub3A_1612 = vector.broadcast %sub3A_1611 : i32 to vector<16xi32>
    %sub3A_1613 = arith.subi %get3A_1610, %sub3A_1612 : vector<16xi32>
    %ge3A_1614 = arith.constant 0 : i32
    %ge3A_1615 = vector.broadcast %ge3A_1614 : i32 to vector<16xi32>
    %ge3A_1616 = arith.cmpi sge, %sub3A_1613, %ge3A_1615 : vector<16xi32>
    %lt3A_1617 = arith.constant 248 : i32
    %lt3A_1618 = vector.broadcast %lt3A_1617 : i32 to vector<16xi32>
    %lt3A_1619 = arith.cmpi slt, %sub3A_1613, %lt3A_1618 : vector<16xi32>
    %and3A_1620 = arith.andi %ge3A_1616, %lt3A_1619 : vector<16xi1>
    %add3A_1621 = arith.constant 144 : i32
    %add3A_1622 = vector.broadcast %add3A_1621 : i32 to vector<16xi32>
    %add3A_1623 = arith.addi %add3A_1622, %iota3A : vector<16xi32>
    tpu.vector_store_idx %arg7[%sub3A_1613, %add3A_1623], %broadcast_in_dim3A_35 masked %and3A_1620 : memref<248x256xf32, #tpu.memory_space<vmem>>[vector<16xi32>, vector<16xi32>], vector<16xf32>, vector<16xi1>
    %get3A_1624 = arith.constant 0 : i32
    %get3A_1625 = arith.index_cast %get3A_1624 : i32 to index
    %get3A_1626 = arith.constant 160 : index
    %get3A_1627 = tpu.vector_load %arg5[%get3A_1625, %get3A_1626] {strides = array<i32>} : memref<2x256xi32, #tpu.memory_space<vmem>>, vector<16xi32>,
    %sub3A_1628 = arith.constant 752 : i32
    %sub3A_1629 = vector.broadcast %sub3A_1628 : i32 to vector<16xi32>
    %sub3A_1630 = arith.subi %get3A_1627, %sub3A_1629 : vector<16xi32>
    %ge3A_1631 = arith.constant 0 : i32
    %ge3A_1632 = vector.broadcast %ge3A_1631 : i32 to vector<16xi32>
    %ge3A_1633 = arith.cmpi sge, %sub3A_1630, %ge3A_1632 : vector<16xi32>
    %lt3A_1634 = arith.constant 248 : i32
    %lt3A_1635 = vector.broadcast %lt3A_1634 : i32 to vector<16xi32>
    %lt3A_1636 = arith.cmpi slt, %sub3A_1630, %lt3A_1635 : vector<16xi32>
    %and3A_1637 = arith.andi %ge3A_1633, %lt3A_1636 : vector<16xi1>
    %add3A_1638 = arith.constant 160 : i32
    %add3A_1639 = vector.broadcast %add3A_1638 : i32 to vector<16xi32>
    %add3A_1640 = arith.addi %add3A_1639, %iota3A : vector<16xi32>
    tpu.vector_store_idx %arg7[%sub3A_1630, %add3A_1640], %broadcast_in_dim3A_35 masked %and3A_1637 : memref<248x256xf32, #tpu.memory_space<vmem>>[vector<16xi32>, vector<16xi32>], vector<16xf32>, vector<16xi1>
    %get3A_1641 = arith.constant 0 : i32
    %get3A_1642 = arith.index_cast %get3A_1641 : i32 to index
    %get3A_1643 = arith.constant 176 : index
    %get3A_1644 = tpu.vector_load %arg5[%get3A_1642, %get3A_1643] {strides = array<i32>} : memref<2x256xi32, #tpu.memory_space<vmem>>, vector<16xi32>,
    %sub3A_1645 = arith.constant 752 : i32
    %sub3A_1646 = vector.broadcast %sub3A_1645 : i32 to vector<16xi32>
    %sub3A_1647 = arith.subi %get3A_1644, %sub3A_1646 : vector<16xi32>
    %ge3A_1648 = arith.constant 0 : i32
    %ge3A_1649 = vector.broadcast %ge3A_1648 : i32 to vector<16xi32>
    %ge3A_1650 = arith.cmpi sge, %sub3A_1647, %ge3A_1649 : vector<16xi32>
    %lt3A_1651 = arith.constant 248 : i32
    %lt3A_1652 = vector.broadcast %lt3A_1651 : i32 to vector<16xi32>
    %lt3A_1653 = arith.cmpi slt, %sub3A_1647, %lt3A_1652 : vector<16xi32>
    %and3A_1654 = arith.andi %ge3A_1650, %lt3A_1653 : vector<16xi1>
    %add3A_1655 = arith.constant 176 : i32
    %add3A_1656 = vector.broadcast %add3A_1655 : i32 to vector<16xi32>
    %add3A_1657 = arith.addi %add3A_1656, %iota3A : vector<16xi32>
    tpu.vector_store_idx %arg7[%sub3A_1647, %add3A_1657], %broadcast_in_dim3A_35 masked %and3A_1654 : memref<248x256xf32, #tpu.memory_space<vmem>>[vector<16xi32>, vector<16xi32>], vector<16xf32>, vector<16xi1>
    %get3A_1658 = arith.constant 0 : i32
    %get3A_1659 = arith.index_cast %get3A_1658 : i32 to index
    %get3A_1660 = arith.constant 192 : index
    %get3A_1661 = tpu.vector_load %arg5[%get3A_1659, %get3A_1660] {strides = array<i32>} : memref<2x256xi32, #tpu.memory_space<vmem>>, vector<16xi32>,
    %sub3A_1662 = arith.constant 752 : i32
    %sub3A_1663 = vector.broadcast %sub3A_1662 : i32 to vector<16xi32>
    %sub3A_1664 = arith.subi %get3A_1661, %sub3A_1663 : vector<16xi32>
    %ge3A_1665 = arith.constant 0 : i32
    %ge3A_1666 = vector.broadcast %ge3A_1665 : i32 to vector<16xi32>
    %ge3A_1667 = arith.cmpi sge, %sub3A_1664, %ge3A_1666 : vector<16xi32>
    %lt3A_1668 = arith.constant 248 : i32
    %lt3A_1669 = vector.broadcast %lt3A_1668 : i32 to vector<16xi32>
    %lt3A_1670 = arith.cmpi slt, %sub3A_1664, %lt3A_1669 : vector<16xi32>
    %and3A_1671 = arith.andi %ge3A_1667, %lt3A_1670 : vector<16xi1>
    %add3A_1672 = arith.constant 192 : i32
    %add3A_1673 = vector.broadcast %add3A_1672 : i32 to vector<16xi32>
    %add3A_1674 = arith.addi %add3A_1673, %iota3A : vector<16xi32>
    tpu.vector_store_idx %arg7[%sub3A_1664, %add3A_1674], %broadcast_in_dim3A_35 masked %and3A_1671 : memref<248x256xf32, #tpu.memory_space<vmem>>[vector<16xi32>, vector<16xi32>], vector<16xf32>, vector<16xi1>
    %get3A_1675 = arith.constant 0 : i32
    %get3A_1676 = arith.index_cast %get3A_1675 : i32 to index
    %get3A_1677 = arith.constant 208 : index
    %get3A_1678 = tpu.vector_load %arg5[%get3A_1676, %get3A_1677] {strides = array<i32>} : memref<2x256xi32, #tpu.memory_space<vmem>>, vector<16xi32>,
    %sub3A_1679 = arith.constant 752 : i32
    %sub3A_1680 = vector.broadcast %sub3A_1679 : i32 to vector<16xi32>
    %sub3A_1681 = arith.subi %get3A_1678, %sub3A_1680 : vector<16xi32>
    %ge3A_1682 = arith.constant 0 : i32
    %ge3A_1683 = vector.broadcast %ge3A_1682 : i32 to vector<16xi32>
    %ge3A_1684 = arith.cmpi sge, %sub3A_1681, %ge3A_1683 : vector<16xi32>
    %lt3A_1685 = arith.constant 248 : i32
    %lt3A_1686 = vector.broadcast %lt3A_1685 : i32 to vector<16xi32>
    %lt3A_1687 = arith.cmpi slt, %sub3A_1681, %lt3A_1686 : vector<16xi32>
    %and3A_1688 = arith.andi %ge3A_1684, %lt3A_1687 : vector<16xi1>
    %add3A_1689 = arith.constant 208 : i32
    %add3A_1690 = vector.broadcast %add3A_1689 : i32 to vector<16xi32>
    %add3A_1691 = arith.addi %add3A_1690, %iota3A : vector<16xi32>
    tpu.vector_store_idx %arg7[%sub3A_1681, %add3A_1691], %broadcast_in_dim3A_35 masked %and3A_1688 : memref<248x256xf32, #tpu.memory_space<vmem>>[vector<16xi32>, vector<16xi32>], vector<16xf32>, vector<16xi1>
    %get3A_1692 = arith.constant 0 : i32
    %get3A_1693 = arith.index_cast %get3A_1692 : i32 to index
    %get3A_1694 = arith.constant 224 : index
    %get3A_1695 = tpu.vector_load %arg5[%get3A_1693, %get3A_1694] {strides = array<i32>} : memref<2x256xi32, #tpu.memory_space<vmem>>, vector<16xi32>,
    %sub3A_1696 = arith.constant 752 : i32
    %sub3A_1697 = vector.broadcast %sub3A_1696 : i32 to vector<16xi32>
    %sub3A_1698 = arith.subi %get3A_1695, %sub3A_1697 : vector<16xi32>
    %ge3A_1699 = arith.constant 0 : i32
    %ge3A_1700 = vector.broadcast %ge3A_1699 : i32 to vector<16xi32>
    %ge3A_1701 = arith.cmpi sge, %sub3A_1698, %ge3A_1700 : vector<16xi32>
    %lt3A_1702 = arith.constant 248 : i32
    %lt3A_1703 = vector.broadcast %lt3A_1702 : i32 to vector<16xi32>
    %lt3A_1704 = arith.cmpi slt, %sub3A_1698, %lt3A_1703 : vector<16xi32>
    %and3A_1705 = arith.andi %ge3A_1701, %lt3A_1704 : vector<16xi1>
    %add3A_1706 = arith.constant 224 : i32
    %add3A_1707 = vector.broadcast %add3A_1706 : i32 to vector<16xi32>
    %add3A_1708 = arith.addi %add3A_1707, %iota3A : vector<16xi32>
    tpu.vector_store_idx %arg7[%sub3A_1698, %add3A_1708], %broadcast_in_dim3A_35 masked %and3A_1705 : memref<248x256xf32, #tpu.memory_space<vmem>>[vector<16xi32>, vector<16xi32>], vector<16xf32>, vector<16xi1>
    %get3A_1709 = arith.constant 0 : i32
    %get3A_1710 = arith.index_cast %get3A_1709 : i32 to index
    %get3A_1711 = arith.constant 240 : index
    %get3A_1712 = tpu.vector_load %arg5[%get3A_1710, %get3A_1711] {strides = array<i32>} : memref<2x256xi32, #tpu.memory_space<vmem>>, vector<16xi32>,
    %sub3A_1713 = arith.constant 752 : i32
    %sub3A_1714 = vector.broadcast %sub3A_1713 : i32 to vector<16xi32>
    %sub3A_1715 = arith.subi %get3A_1712, %sub3A_1714 : vector<16xi32>
    %ge3A_1716 = arith.constant 0 : i32
    %ge3A_1717 = vector.broadcast %ge3A_1716 : i32 to vector<16xi32>
    %ge3A_1718 = arith.cmpi sge, %sub3A_1715, %ge3A_1717 : vector<16xi32>
    %lt3A_1719 = arith.constant 248 : i32
    %lt3A_1720 = vector.broadcast %lt3A_1719 : i32 to vector<16xi32>
    %lt3A_1721 = arith.cmpi slt, %sub3A_1715, %lt3A_1720 : vector<16xi32>
    %and3A_1722 = arith.andi %ge3A_1718, %lt3A_1721 : vector<16xi1>
    %add3A_1723 = arith.constant 240 : i32
    %add3A_1724 = vector.broadcast %add3A_1723 : i32 to vector<16xi32>
    %add3A_1725 = arith.addi %add3A_1724, %iota3A : vector<16xi32>
    tpu.vector_store_idx %arg7[%sub3A_1715, %add3A_1725], %broadcast_in_dim3A_35 masked %and3A_1722 : memref<248x256xf32, #tpu.memory_space<vmem>>[vector<16xi32>, vector<16xi32>], vector<16xf32>, vector<16xi1>
    %dma_start3A_1726 = arith.constant 0 : i32
    %dma_start3A_1727 = arith.constant 0 : i32
    %dma_start3A_1728 = tpu.memref_slice %arg7[%dma_start3A_1726, %dma_start3A_1727] : memref<248x256xf32, #tpu.memory_space<vmem>> -> memref<248x256xf32, #tpu.memory_space<vmem>>
    %dma_start3A_1729 = arith.constant 752 : i32
    %dma_start3A_1730 = tpu.memref_slice %arg4[%mul3A_34, %dma_start3A_1729, %mul3A_32] : memref<20x1000x4096xf32, #tpu.memory_space<hbm>> -> memref<1x248x256xf32, #tpu.memory_space<hbm>>
    %dma_start3A_1731 = tpu.memref_squeeze %dma_start3A_1730 : memref<1x248x256xf32, #tpu.memory_space<hbm>> -> memref<248x256xf32, #tpu.memory_space<hbm>>
    %dma_start3A_1732 = arith.constant 752 : i32
    %dma_start3A_1733 = tpu.memref_slice %arg4[%mul3A_34, %dma_start3A_1732, %mul3A_32] : memref<20x1000x4096xf32, #tpu.memory_space<hbm>> -> memref<1x248x256xf32, #tpu.memory_space<hbm>>
    %dma_start3A_1734 = tpu.memref_squeeze %dma_start3A_1733 : memref<1x248x256xf32, #tpu.memory_space<hbm>> -> memref<248x256xf32, #tpu.memory_space<hbm>>
    %dma_start3A_1735 = arith.constant 0 : i32
    %dma_start3A_1736 = arith.constant 0 : i32
    %dma_start3A_1737 = tpu.memref_slice %arg7[%dma_start3A_1735, %dma_start3A_1736] : memref<248x256xf32, #tpu.memory_space<vmem>> -> memref<248x256xf32, #tpu.memory_space<vmem>>
    tpu.enqueue_dma source(%dma_start3A_1737 : memref<248x256xf32, #tpu.memory_space<vmem>>) target(%dma_start3A_1734 : memref<248x256xf32, #tpu.memory_space<hbm>>) target_semaphore(%arg9 : memref<!tpu.dma_semaphore, #tpu.memory_space<semaphore_mem>>)
    %scan3A = arith.constant 0 : i32
    %scan3A_1738 = arith.constant 1 : i32
    %scan3A_1739 = arith.constant 9 : i32
    %scan3A_1740 = arith.addi %scan3A_1738, %scan3A_1739 : i32
    %scan3A_1741 = arith.constant 1 : i32
    scf.for %scan3A_1767 = %scan3A_1738 to %scan3A_1740 step %scan3A_1741  : i32 {
      %add3A_1768 = arith.addi %mul3A_34, %scan3A_1767 : i32
      %jit3A_1769 = arith.constant 2 : i32
      %eq3A_1770 = arith.constant 0 : i32
      %eq3A_1771 = arith.cmpi eq, %jit3A_1769, %eq3A_1770 : i32
      %jit3A_1772 = arith.constant 1 : i32
      %select_n3A_1773 = arith.select %eq3A_1771, %jit3A_1772, %jit3A_1769 : i32
      %rem3A_1774 = arith.remsi %scan3A_1767, %select_n3A_1773 : i32
      %ne3A_1775 = arith.constant 0 : i32
      %ne3A_1776 = arith.cmpi ne, %rem3A_1774, %ne3A_1775 : i32
      %lt3A_1777 = arith.constant 0 : i32
      %lt3A_1778 = arith.cmpi slt, %rem3A_1774, %lt3A_1777 : i32
      %lt3A_1779 = arith.constant 0 : i32
      %lt3A_1780 = arith.cmpi slt, %select_n3A_1773, %lt3A_1779 : i32
      %ne3A_1781 = arith.xori %lt3A_1778, %lt3A_1780 : i1
      %and3A_1782 = arith.andi %ne3A_1781, %ne3A_1776 : i1
      %add3A_1783 = arith.addi %rem3A_1774, %select_n3A_1773 : i32
      %select_n3A_1784 = arith.select %and3A_1782, %add3A_1783, %rem3A_1774 : i32
      "tpu.region"() ({
        %run_scoped3A_3933 = tpu.sem_alloc : memref<!tpu.dma_semaphore, #tpu.memory_space<semaphore_mem>>
        %dma_start3A_3934 = arith.constant 0 : i32
        %dma_start3A_3935 = tpu.memref_slice %arg5[%select_n3A_1784, %dma_start3A_3934] : memref<2x256xi32, #tpu.memory_space<vmem>> -> memref<1x256xi32, #tpu.memory_space<vmem>>
        %dma_start3A_3936 = tpu.memref_squeeze %dma_start3A_3935 : memref<1x256xi32, #tpu.memory_space<vmem>> -> memref<256xi32, #tpu.memory_space<vmem>>
        %dma_start3A_3937 = tpu.memref_slice %arg2[%add3A_1768, %mul3A_32] : memref<20x4096xi32, #tpu.memory_space<hbm>> -> memref<1x256xi32, #tpu.memory_space<hbm>>
        %dma_start3A_3938 = tpu.memref_squeeze %dma_start3A_3937 : memref<1x256xi32, #tpu.memory_space<hbm>> -> memref<256xi32, #tpu.memory_space<hbm>>
        %dma_start3A_3939 = arith.constant 0 : i32
        %dma_start3A_3940 = tpu.memref_slice %arg5[%select_n3A_1784, %dma_start3A_3939] : memref<2x256xi32, #tpu.memory_space<vmem>> -> memref<1x256xi32, #tpu.memory_space<vmem>>
        %dma_start3A_3941 = tpu.memref_squeeze %dma_start3A_3940 : memref<1x256xi32, #tpu.memory_space<vmem>> -> memref<256xi32, #tpu.memory_space<vmem>>
        %dma_start3A_3942 = tpu.memref_slice %arg2[%add3A_1768, %mul3A_32] : memref<20x4096xi32, #tpu.memory_space<hbm>> -> memref<1x256xi32, #tpu.memory_space<hbm>>
        %dma_start3A_3943 = tpu.memref_squeeze %dma_start3A_3942 : memref<1x256xi32, #tpu.memory_space<hbm>> -> memref<256xi32, #tpu.memory_space<hbm>>
        tpu.enqueue_dma source(%dma_start3A_3943 : memref<256xi32, #tpu.memory_space<hbm>>) target(%dma_start3A_3941 : memref<256xi32, #tpu.memory_space<vmem>>) target_semaphore(%run_scoped3A_3933 : memref<!tpu.dma_semaphore, #tpu.memory_space<semaphore_mem>>)
        %dma_wait3A_3944 = arith.constant 0 : i32
        %dma_wait3A_3945 = tpu.memref_slice %arg5[%select_n3A_1784, %dma_wait3A_3944] : memref<2x256xi32, #tpu.memory_space<vmem>> -> memref<1x256xi32, #tpu.memory_space<vmem>>
        %dma_wait3A_3946 = tpu.memref_squeeze %dma_wait3A_3945 : memref<1x256xi32, #tpu.memory_space<vmem>> -> memref<256xi32, #tpu.memory_space<vmem>>
        %dma_wait3A_3947 = tpu.memref_slice %arg2[%add3A_1768, %mul3A_32] : memref<20x4096xi32, #tpu.memory_space<hbm>> -> memref<1x256xi32, #tpu.memory_space<hbm>>
        %dma_wait3A_3948 = tpu.memref_squeeze %dma_wait3A_3947 : memref<1x256xi32, #tpu.memory_space<hbm>> -> memref<256xi32, #tpu.memory_space<hbm>>
        %dma_wait3A_3949 = arith.constant 0 : i32
        %dma_wait3A_3950 = tpu.memref_slice %arg5[%select_n3A_1784, %dma_wait3A_3949] : memref<2x256xi32, #tpu.memory_space<vmem>> -> memref<1x256xi32, #tpu.memory_space<vmem>>
        %dma_wait3A_3951 = tpu.memref_squeeze %dma_wait3A_3950 : memref<1x256xi32, #tpu.memory_space<vmem>> -> memref<256xi32, #tpu.memory_space<vmem>>
        %dma_wait3A_3952 = tpu.memref_slice %arg2[%add3A_1768, %mul3A_32] : memref<20x4096xi32, #tpu.memory_space<hbm>> -> memref<1x256xi32, #tpu.memory_space<hbm>>
        %dma_wait3A_3953 = tpu.memref_squeeze %dma_wait3A_3952 : memref<1x256xi32, #tpu.memory_space<hbm>> -> memref<256xi32, #tpu.memory_space<hbm>>
        tpu.wait_dma2 semaphore(%run_scoped3A_3933 : memref<!tpu.dma_semaphore, #tpu.memory_space<semaphore_mem>>) src(%dma_wait3A_3953 : memref<256xi32, #tpu.memory_space<hbm>>) dst(%dma_wait3A_3951 : memref<256xi32, #tpu.memory_space<vmem>>)
        tpu.yield
      }) : () -> ()
      %dma_wait3A_1785 = arith.constant 0 : i32
      %dma_wait3A_1786 = arith.constant 0 : i32
      %dma_wait3A_1787 = tpu.memref_slice %arg6[%dma_wait3A_1785, %dma_wait3A_1786] : memref<256x256xf32, #tpu.memory_space<vmem>> -> memref<248x256xf32, #tpu.memory_space<vmem>>
      %dma_wait3A_1788 = arith.constant 0 : i32
      %dma_wait3A_1789 = tpu.memref_slice %arg4[%mul3A_34, %dma_wait3A_1788, %mul3A_32] : memref<20x1000x4096xf32, #tpu.memory_space<hbm>> -> memref<1x248x256xf32, #tpu.memory_space<hbm>>
      %dma_wait3A_1790 = tpu.memref_squeeze %dma_wait3A_1789 : memref<1x248x256xf32, #tpu.memory_space<hbm>> -> memref<248x256xf32, #tpu.memory_space<hbm>>
      %dma_wait3A_1791 = arith.constant 0 : i32
      %dma_wait3A_1792 = tpu.memref_slice %arg4[%mul3A_34, %dma_wait3A_1791, %mul3A_32] : memref<20x1000x4096xf32, #tpu.memory_space<hbm>> -> memref<1x248x256xf32, #tpu.memory_space<hbm>>
      %dma_wait3A_1793 = tpu.memref_squeeze %dma_wait3A_1792 : memref<1x248x256xf32, #tpu.memory_space<hbm>> -> memref<248x256xf32, #tpu.memory_space<hbm>>
      %dma_wait3A_1794 = arith.constant 0 : i32
      %dma_wait3A_1795 = arith.constant 0 : i32
      %dma_wait3A_1796 = tpu.memref_slice %arg6[%dma_wait3A_1794, %dma_wait3A_1795] : memref<256x256xf32, #tpu.memory_space<vmem>> -> memref<248x256xf32, #tpu.memory_space<vmem>>
      tpu.wait_dma2 semaphore(%arg8 : memref<!tpu.dma_semaphore, #tpu.memory_space<semaphore_mem>>) src(%dma_wait3A_1796 : memref<248x256xf32, #tpu.memory_space<vmem>>) dst(%dma_wait3A_1793 : memref<248x256xf32, #tpu.memory_space<hbm>>)
      %sub3A_1797 = arith.constant 1 : i32
      %sub3A_1798 = arith.subi %sub3A_1797, %select_n3A_1784 : i32
      %get3A_1799 = arith.index_cast %sub3A_1798 : i32 to index
      %get3A_1800 = arith.constant 0 : index
      %get3A_1801 = tpu.vector_load %arg5[%get3A_1799, %get3A_1800] {strides = array<i32>} : memref<2x256xi32, #tpu.memory_space<vmem>>, vector<16xi32>,
      %sub3A_1802 = arith.constant 504 : i32
      %sub3A_1803 = vector.broadcast %sub3A_1802 : i32 to vector<16xi32>
      %sub3A_1804 = arith.subi %get3A_1801, %sub3A_1803 : vector<16xi32>
      %ge3A_1805 = arith.constant 0 : i32
      %ge3A_1806 = vector.broadcast %ge3A_1805 : i32 to vector<16xi32>
      %ge3A_1807 = arith.cmpi sge, %sub3A_1804, %ge3A_1806 : vector<16xi32>
      %lt3A_1808 = arith.constant 248 : i32
      %lt3A_1809 = vector.broadcast %lt3A_1808 : i32 to vector<16xi32>
      %lt3A_1810 = arith.cmpi slt, %sub3A_1804, %lt3A_1809 : vector<16xi32>
      %and3A_1811 = arith.andi %ge3A_1807, %lt3A_1810 : vector<16xi1>
      %add3A_1812 = arith.constant 0 : i32
      %add3A_1813 = vector.broadcast %add3A_1812 : i32 to vector<16xi32>
      %add3A_1814 = arith.addi %add3A_1813, %iota3A : vector<16xi32>
      tpu.vector_store_idx %arg6[%sub3A_1804, %add3A_1814], %broadcast_in_dim3A_37 masked %and3A_1811 : memref<256x256xf32, #tpu.memory_space<vmem>>[vector<16xi32>, vector<16xi32>], vector<16xf32>, vector<16xi1>
      %get3A_1815 = arith.index_cast %sub3A_1798 : i32 to index
      %get3A_1816 = arith.constant 16 : index
      %get3A_1817 = tpu.vector_load %arg5[%get3A_1815, %get3A_1816] {strides = array<i32>} : memref<2x256xi32, #tpu.memory_space<vmem>>, vector<16xi32>,
      %sub3A_1818 = arith.constant 504 : i32
      %sub3A_1819 = vector.broadcast %sub3A_1818 : i32 to vector<16xi32>
      %sub3A_1820 = arith.subi %get3A_1817, %sub3A_1819 : vector<16xi32>
      %ge3A_1821 = arith.constant 0 : i32
      %ge3A_1822 = vector.broadcast %ge3A_1821 : i32 to vector<16xi32>
      %ge3A_1823 = arith.cmpi sge, %sub3A_1820, %ge3A_1822 : vector<16xi32>
      %lt3A_1824 = arith.constant 248 : i32
      %lt3A_1825 = vector.broadcast %lt3A_1824 : i32 to vector<16xi32>
      %lt3A_1826 = arith.cmpi slt, %sub3A_1820, %lt3A_1825 : vector<16xi32>
      %and3A_1827 = arith.andi %ge3A_1823, %lt3A_1826 : vector<16xi1>
      %add3A_1828 = arith.constant 16 : i32
      %add3A_1829 = vector.broadcast %add3A_1828 : i32 to vector<16xi32>
      %add3A_1830 = arith.addi %add3A_1829, %iota3A : vector<16xi32>
      tpu.vector_store_idx %arg6[%sub3A_1820, %add3A_1830], %broadcast_in_dim3A_37 masked %and3A_1827 : memref<256x256xf32, #tpu.memory_space<vmem>>[vector<16xi32>, vector<16xi32>], vector<16xf32>, vector<16xi1>
      %get3A_1831 = arith.index_cast %sub3A_1798 : i32 to index
      %get3A_1832 = arith.constant 32 : index
      %get3A_1833 = tpu.vector_load %arg5[%get3A_1831, %get3A_1832] {strides = array<i32>} : memref<2x256xi32, #tpu.memory_space<vmem>>, vector<16xi32>,
      %sub3A_1834 = arith.constant 504 : i32
      %sub3A_1835 = vector.broadcast %sub3A_1834 : i32 to vector<16xi32>
      %sub3A_1836 = arith.subi %get3A_1833, %sub3A_1835 : vector<16xi32>
      %ge3A_1837 = arith.constant 0 : i32
      %ge3A_1838 = vector.broadcast %ge3A_1837 : i32 to vector<16xi32>
      %ge3A_1839 = arith.cmpi sge, %sub3A_1836, %ge3A_1838 : vector<16xi32>
      %lt3A_1840 = arith.constant 248 : i32
      %lt3A_1841 = vector.broadcast %lt3A_1840 : i32 to vector<16xi32>
      %lt3A_1842 = arith.cmpi slt, %sub3A_1836, %lt3A_1841 : vector<16xi32>
      %and3A_1843 = arith.andi %ge3A_1839, %lt3A_1842 : vector<16xi1>
      %add3A_1844 = arith.constant 32 : i32
      %add3A_1845 = vector.broadcast %add3A_1844 : i32 to vector<16xi32>
      %add3A_1846 = arith.addi %add3A_1845, %iota3A : vector<16xi32>
      tpu.vector_store_idx %arg6[%sub3A_1836, %add3A_1846], %broadcast_in_dim3A_37 masked %and3A_1843 : memref<256x256xf32, #tpu.memory_space<vmem>>[vector<16xi32>, vector<16xi32>], vector<16xf32>, vector<16xi1>
      %get3A_1847 = arith.index_cast %sub3A_1798 : i32 to index
      %get3A_1848 = arith.constant 48 : index
      %get3A_1849 = tpu.vector_load %arg5[%get3A_1847, %get3A_1848] {strides = array<i32>} : memref<2x256xi32, #tpu.memory_space<vmem>>, vector<16xi32>,
      %sub3A_1850 = arith.constant 504 : i32
      %sub3A_1851 = vector.broadcast %sub3A_1850 : i32 to vector<16xi32>
      %sub3A_1852 = arith.subi %get3A_1849, %sub3A_1851 : vector<16xi32>
      %ge3A_1853 = arith.constant 0 : i32
      %ge3A_1854 = vector.broadcast %ge3A_1853 : i32 to vector<16xi32>
      %ge3A_1855 = arith.cmpi sge, %sub3A_1852, %ge3A_1854 : vector<16xi32>
      %lt3A_1856 = arith.constant 248 : i32
      %lt3A_1857 = vector.broadcast %lt3A_1856 : i32 to vector<16xi32>
      %lt3A_1858 = arith.cmpi slt, %sub3A_1852, %lt3A_1857 : vector<16xi32>
      %and3A_1859 = arith.andi %ge3A_1855, %lt3A_1858 : vector<16xi1>
      %add3A_1860 = arith.constant 48 : i32
      %add3A_1861 = vector.broadcast %add3A_1860 : i32 to vector<16xi32>
      %add3A_1862 = arith.addi %add3A_1861, %iota3A : vector<16xi32>
      tpu.vector_store_idx %arg6[%sub3A_1852, %add3A_1862], %broadcast_in_dim3A_37 masked %and3A_1859 : memref<256x256xf32, #tpu.memory_space<vmem>>[vector<16xi32>, vector<16xi32>], vector<16xf32>, vector<16xi1>
      %get3A_1863 = arith.index_cast %sub3A_1798 : i32 to index
      %get3A_1864 = arith.constant 64 : index
      %get3A_1865 = tpu.vector_load %arg5[%get3A_1863, %get3A_1864] {strides = array<i32>} : memref<2x256xi32, #tpu.memory_space<vmem>>, vector<16xi32>,
      %sub3A_1866 = arith.constant 504 : i32
      %sub3A_1867 = vector.broadcast %sub3A_1866 : i32 to vector<16xi32>
      %sub3A_1868 = arith.subi %get3A_1865, %sub3A_1867 : vector<16xi32>
      %ge3A_1869 = arith.constant 0 : i32
      %ge3A_1870 = vector.broadcast %ge3A_1869 : i32 to vector<16xi32>
      %ge3A_1871 = arith.cmpi sge, %sub3A_1868, %ge3A_1870 : vector<16xi32>
      %lt3A_1872 = arith.constant 248 : i32
      %lt3A_1873 = vector.broadcast %lt3A_1872 : i32 to vector<16xi32>
      %lt3A_1874 = arith.cmpi slt, %sub3A_1868, %lt3A_1873 : vector<16xi32>
      %and3A_1875 = arith.andi %ge3A_1871, %lt3A_1874 : vector<16xi1>
      %add3A_1876 = arith.constant 64 : i32
      %add3A_1877 = vector.broadcast %add3A_1876 : i32 to vector<16xi32>
      %add3A_1878 = arith.addi %add3A_1877, %iota3A : vector<16xi32>
      tpu.vector_store_idx %arg6[%sub3A_1868, %add3A_1878], %broadcast_in_dim3A_37 masked %and3A_1875 : memref<256x256xf32, #tpu.memory_space<vmem>>[vector<16xi32>, vector<16xi32>], vector<16xf32>, vector<16xi1>
      %get3A_1879 = arith.index_cast %sub3A_1798 : i32 to index
      %get3A_1880 = arith.constant 80 : index
      %get3A_1881 = tpu.vector_load %arg5[%get3A_1879, %get3A_1880] {strides = array<i32>} : memref<2x256xi32, #tpu.memory_space<vmem>>, vector<16xi32>,
      %sub3A_1882 = arith.constant 504 : i32
      %sub3A_1883 = vector.broadcast %sub3A_1882 : i32 to vector<16xi32>
      %sub3A_1884 = arith.subi %get3A_1881, %sub3A_1883 : vector<16xi32>
      %ge3A_1885 = arith.constant 0 : i32
      %ge3A_1886 = vector.broadcast %ge3A_1885 : i32 to vector<16xi32>
      %ge3A_1887 = arith.cmpi sge, %sub3A_1884, %ge3A_1886 : vector<16xi32>
      %lt3A_1888 = arith.constant 248 : i32
      %lt3A_1889 = vector.broadcast %lt3A_1888 : i32 to vector<16xi32>
      %lt3A_1890 = arith.cmpi slt, %sub3A_1884, %lt3A_1889 : vector<16xi32>
      %and3A_1891 = arith.andi %ge3A_1887, %lt3A_1890 : vector<16xi1>
      %add3A_1892 = arith.constant 80 : i32
      %add3A_1893 = vector.broadcast %add3A_1892 : i32 to vector<16xi32>
      %add3A_1894 = arith.addi %add3A_1893, %iota3A : vector<16xi32>
      tpu.vector_store_idx %arg6[%sub3A_1884, %add3A_1894], %broadcast_in_dim3A_37 masked %and3A_1891 : memref<256x256xf32, #tpu.memory_space<vmem>>[vector<16xi32>, vector<16xi32>], vector<16xf32>, vector<16xi1>
      %get3A_1895 = arith.index_cast %sub3A_1798 : i32 to index
      %get3A_1896 = arith.constant 96 : index
      %get3A_1897 = tpu.vector_load %arg5[%get3A_1895, %get3A_1896] {strides = array<i32>} : memref<2x256xi32, #tpu.memory_space<vmem>>, vector<16xi32>,
      %sub3A_1898 = arith.constant 504 : i32
      %sub3A_1899 = vector.broadcast %sub3A_1898 : i32 to vector<16xi32>
      %sub3A_1900 = arith.subi %get3A_1897, %sub3A_1899 : vector<16xi32>
      %ge3A_1901 = arith.constant 0 : i32
      %ge3A_1902 = vector.broadcast %ge3A_1901 : i32 to vector<16xi32>
      %ge3A_1903 = arith.cmpi sge, %sub3A_1900, %ge3A_1902 : vector<16xi32>
      %lt3A_1904 = arith.constant 248 : i32
      %lt3A_1905 = vector.broadcast %lt3A_1904 : i32 to vector<16xi32>
      %lt3A_1906 = arith.cmpi slt, %sub3A_1900, %lt3A_1905 : vector<16xi32>
      %and3A_1907 = arith.andi %ge3A_1903, %lt3A_1906 : vector<16xi1>
      %add3A_1908 = arith.constant 96 : i32
      %add3A_1909 = vector.broadcast %add3A_1908 : i32 to vector<16xi32>
      %add3A_1910 = arith.addi %add3A_1909, %iota3A : vector<16xi32>
      tpu.vector_store_idx %arg6[%sub3A_1900, %add3A_1910], %broadcast_in_dim3A_37 masked %and3A_1907 : memref<256x256xf32, #tpu.memory_space<vmem>>[vector<16xi32>, vector<16xi32>], vector<16xf32>, vector<16xi1>
      %get3A_1911 = arith.index_cast %sub3A_1798 : i32 to index
      %get3A_1912 = arith.constant 112 : index
      %get3A_1913 = tpu.vector_load %arg5[%get3A_1911, %get3A_1912] {strides = array<i32>} : memref<2x256xi32, #tpu.memory_space<vmem>>, vector<16xi32>,
      %sub3A_1914 = arith.constant 504 : i32
      %sub3A_1915 = vector.broadcast %sub3A_1914 : i32 to vector<16xi32>
      %sub3A_1916 = arith.subi %get3A_1913, %sub3A_1915 : vector<16xi32>
      %ge3A_1917 = arith.constant 0 : i32
      %ge3A_1918 = vector.broadcast %ge3A_1917 : i32 to vector<16xi32>
      %ge3A_1919 = arith.cmpi sge, %sub3A_1916, %ge3A_1918 : vector<16xi32>
      %lt3A_1920 = arith.constant 248 : i32
      %lt3A_1921 = vector.broadcast %lt3A_1920 : i32 to vector<16xi32>
      %lt3A_1922 = arith.cmpi slt, %sub3A_1916, %lt3A_1921 : vector<16xi32>
      %and3A_1923 = arith.andi %ge3A_1919, %lt3A_1922 : vector<16xi1>
      %add3A_1924 = arith.constant 112 : i32
      %add3A_1925 = vector.broadcast %add3A_1924 : i32 to vector<16xi32>
      %add3A_1926 = arith.addi %add3A_1925, %iota3A : vector<16xi32>
      tpu.vector_store_idx %arg6[%sub3A_1916, %add3A_1926], %broadcast_in_dim3A_37 masked %and3A_1923 : memref<256x256xf32, #tpu.memory_space<vmem>>[vector<16xi32>, vector<16xi32>], vector<16xf32>, vector<16xi1>
      %get3A_1927 = arith.index_cast %sub3A_1798 : i32 to index
      %get3A_1928 = arith.constant 128 : index
      %get3A_1929 = tpu.vector_load %arg5[%get3A_1927, %get3A_1928] {strides = array<i32>} : memref<2x256xi32, #tpu.memory_space<vmem>>, vector<16xi32>,
      %sub3A_1930 = arith.constant 504 : i32
      %sub3A_1931 = vector.broadcast %sub3A_1930 : i32 to vector<16xi32>
      %sub3A_1932 = arith.subi %get3A_1929, %sub3A_1931 : vector<16xi32>
      %ge3A_1933 = arith.constant 0 : i32
      %ge3A_1934 = vector.broadcast %ge3A_1933 : i32 to vector<16xi32>
      %ge3A_1935 = arith.cmpi sge, %sub3A_1932, %ge3A_1934 : vector<16xi32>
      %lt3A_1936 = arith.constant 248 : i32
      %lt3A_1937 = vector.broadcast %lt3A_1936 : i32 to vector<16xi32>
      %lt3A_1938 = arith.cmpi slt, %sub3A_1932, %lt3A_1937 : vector<16xi32>
      %and3A_1939 = arith.andi %ge3A_1935, %lt3A_1938 : vector<16xi1>
      %add3A_1940 = arith.constant 128 : i32
      %add3A_1941 = vector.broadcast %add3A_1940 : i32 to vector<16xi32>
      %add3A_1942 = arith.addi %add3A_1941, %iota3A : vector<16xi32>
      tpu.vector_store_idx %arg6[%sub3A_1932, %add3A_1942], %broadcast_in_dim3A_37 masked %and3A_1939 : memref<256x256xf32, #tpu.memory_space<vmem>>[vector<16xi32>, vector<16xi32>], vector<16xf32>, vector<16xi1>
      %get3A_1943 = arith.index_cast %sub3A_1798 : i32 to index
      %get3A_1944 = arith.constant 144 : index
      %get3A_1945 = tpu.vector_load %arg5[%get3A_1943, %get3A_1944] {strides = array<i32>} : memref<2x256xi32, #tpu.memory_space<vmem>>, vector<16xi32>,
      %sub3A_1946 = arith.constant 504 : i32
      %sub3A_1947 = vector.broadcast %sub3A_1946 : i32 to vector<16xi32>
      %sub3A_1948 = arith.subi %get3A_1945, %sub3A_1947 : vector<16xi32>
      %ge3A_1949 = arith.constant 0 : i32
      %ge3A_1950 = vector.broadcast %ge3A_1949 : i32 to vector<16xi32>
      %ge3A_1951 = arith.cmpi sge, %sub3A_1948, %ge3A_1950 : vector<16xi32>
      %lt3A_1952 = arith.constant 248 : i32
      %lt3A_1953 = vector.broadcast %lt3A_1952 : i32 to vector<16xi32>
      %lt3A_1954 = arith.cmpi slt, %sub3A_1948, %lt3A_1953 : vector<16xi32>
      %and3A_1955 = arith.andi %ge3A_1951, %lt3A_1954 : vector<16xi1>
      %add3A_1956 = arith.constant 144 : i32
      %add3A_1957 = vector.broadcast %add3A_1956 : i32 to vector<16xi32>
      %add3A_1958 = arith.addi %add3A_1957, %iota3A : vector<16xi32>
      tpu.vector_store_idx %arg6[%sub3A_1948, %add3A_1958], %broadcast_in_dim3A_37 masked %and3A_1955 : memref<256x256xf32, #tpu.memory_space<vmem>>[vector<16xi32>, vector<16xi32>], vector<16xf32>, vector<16xi1>
      %get3A_1959 = arith.index_cast %sub3A_1798 : i32 to index
      %get3A_1960 = arith.constant 160 : index
      %get3A_1961 = tpu.vector_load %arg5[%get3A_1959, %get3A_1960] {strides = array<i32>} : memref<2x256xi32, #tpu.memory_space<vmem>>, vector<16xi32>,
      %sub3A_1962 = arith.constant 504 : i32
      %sub3A_1963 = vector.broadcast %sub3A_1962 : i32 to vector<16xi32>
      %sub3A_1964 = arith.subi %get3A_1961, %sub3A_1963 : vector<16xi32>
      %ge3A_1965 = arith.constant 0 : i32
      %ge3A_1966 = vector.broadcast %ge3A_1965 : i32 to vector<16xi32>
      %ge3A_1967 = arith.cmpi sge, %sub3A_1964, %ge3A_1966 : vector<16xi32>
      %lt3A_1968 = arith.constant 248 : i32
      %lt3A_1969 = vector.broadcast %lt3A_1968 : i32 to vector<16xi32>
      %lt3A_1970 = arith.cmpi slt, %sub3A_1964, %lt3A_1969 : vector<16xi32>
      %and3A_1971 = arith.andi %ge3A_1967, %lt3A_1970 : vector<16xi1>
      %add3A_1972 = arith.constant 160 : i32
      %add3A_1973 = vector.broadcast %add3A_1972 : i32 to vector<16xi32>
      %add3A_1974 = arith.addi %add3A_1973, %iota3A : vector<16xi32>
      tpu.vector_store_idx %arg6[%sub3A_1964, %add3A_1974], %broadcast_in_dim3A_37 masked %and3A_1971 : memref<256x256xf32, #tpu.memory_space<vmem>>[vector<16xi32>, vector<16xi32>], vector<16xf32>, vector<16xi1>
      %get3A_1975 = arith.index_cast %sub3A_1798 : i32 to index
      %get3A_1976 = arith.constant 176 : index
      %get3A_1977 = tpu.vector_load %arg5[%get3A_1975, %get3A_1976] {strides = array<i32>} : memref<2x256xi32, #tpu.memory_space<vmem>>, vector<16xi32>,
      %sub3A_1978 = arith.constant 504 : i32
      %sub3A_1979 = vector.broadcast %sub3A_1978 : i32 to vector<16xi32>
      %sub3A_1980 = arith.subi %get3A_1977, %sub3A_1979 : vector<16xi32>
      %ge3A_1981 = arith.constant 0 : i32
      %ge3A_1982 = vector.broadcast %ge3A_1981 : i32 to vector<16xi32>
      %ge3A_1983 = arith.cmpi sge, %sub3A_1980, %ge3A_1982 : vector<16xi32>
      %lt3A_1984 = arith.constant 248 : i32
      %lt3A_1985 = vector.broadcast %lt3A_1984 : i32 to vector<16xi32>
      %lt3A_1986 = arith.cmpi slt, %sub3A_1980, %lt3A_1985 : vector<16xi32>
      %and3A_1987 = arith.andi %ge3A_1983, %lt3A_1986 : vector<16xi1>
      %add3A_1988 = arith.constant 176 : i32
      %add3A_1989 = vector.broadcast %add3A_1988 : i32 to vector<16xi32>
      %add3A_1990 = arith.addi %add3A_1989, %iota3A : vector<16xi32>
      tpu.vector_store_idx %arg6[%sub3A_1980, %add3A_1990], %broadcast_in_dim3A_37 masked %and3A_1987 : memref<256x256xf32, #tpu.memory_space<vmem>>[vector<16xi32>, vector<16xi32>], vector<16xf32>, vector<16xi1>
      %get3A_1991 = arith.index_cast %sub3A_1798 : i32 to index
      %get3A_1992 = arith.constant 192 : index
      %get3A_1993 = tpu.vector_load %arg5[%get3A_1991, %get3A_1992] {strides = array<i32>} : memref<2x256xi32, #tpu.memory_space<vmem>>, vector<16xi32>,
      %sub3A_1994 = arith.constant 504 : i32
      %sub3A_1995 = vector.broadcast %sub3A_1994 : i32 to vector<16xi32>
      %sub3A_1996 = arith.subi %get3A_1993, %sub3A_1995 : vector<16xi32>
      %ge3A_1997 = arith.constant 0 : i32
      %ge3A_1998 = vector.broadcast %ge3A_1997 : i32 to vector<16xi32>
      %ge3A_1999 = arith.cmpi sge, %sub3A_1996, %ge3A_1998 : vector<16xi32>
      %lt3A_2000 = arith.constant 248 : i32
      %lt3A_2001 = vector.broadcast %lt3A_2000 : i32 to vector<16xi32>
      %lt3A_2002 = arith.cmpi slt, %sub3A_1996, %lt3A_2001 : vector<16xi32>
      %and3A_2003 = arith.andi %ge3A_1999, %lt3A_2002 : vector<16xi1>
      %add3A_2004 = arith.constant 192 : i32
      %add3A_2005 = vector.broadcast %add3A_2004 : i32 to vector<16xi32>
      %add3A_2006 = arith.addi %add3A_2005, %iota3A : vector<16xi32>
      tpu.vector_store_idx %arg6[%sub3A_1996, %add3A_2006], %broadcast_in_dim3A_37 masked %and3A_2003 : memref<256x256xf32, #tpu.memory_space<vmem>>[vector<16xi32>, vector<16xi32>], vector<16xf32>, vector<16xi1>
      %get3A_2007 = arith.index_cast %sub3A_1798 : i32 to index
      %get3A_2008 = arith.constant 208 : index
      %get3A_2009 = tpu.vector_load %arg5[%get3A_2007, %get3A_2008] {strides = array<i32>} : memref<2x256xi32, #tpu.memory_space<vmem>>, vector<16xi32>,
      %sub3A_2010 = arith.constant 504 : i32
      %sub3A_2011 = vector.broadcast %sub3A_2010 : i32 to vector<16xi32>
      %sub3A_2012 = arith.subi %get3A_2009, %sub3A_2011 : vector<16xi32>
      %ge3A_2013 = arith.constant 0 : i32
      %ge3A_2014 = vector.broadcast %ge3A_2013 : i32 to vector<16xi32>
      %ge3A_2015 = arith.cmpi sge, %sub3A_2012, %ge3A_2014 : vector<16xi32>
      %lt3A_2016 = arith.constant 248 : i32
      %lt3A_2017 = vector.broadcast %lt3A_2016 : i32 to vector<16xi32>
      %lt3A_2018 = arith.cmpi slt, %sub3A_2012, %lt3A_2017 : vector<16xi32>
      %and3A_2019 = arith.andi %ge3A_2015, %lt3A_2018 : vector<16xi1>
      %add3A_2020 = arith.constant 208 : i32
      %add3A_2021 = vector.broadcast %add3A_2020 : i32 to vector<16xi32>
      %add3A_2022 = arith.addi %add3A_2021, %iota3A : vector<16xi32>
      tpu.vector_store_idx %arg6[%sub3A_2012, %add3A_2022], %broadcast_in_dim3A_37 masked %and3A_2019 : memref<256x256xf32, #tpu.memory_space<vmem>>[vector<16xi32>, vector<16xi32>], vector<16xf32>, vector<16xi1>
      %get3A_2023 = arith.index_cast %sub3A_1798 : i32 to index
      %get3A_2024 = arith.constant 224 : index
      %get3A_2025 = tpu.vector_load %arg5[%get3A_2023, %get3A_2024] {strides = array<i32>} : memref<2x256xi32, #tpu.memory_space<vmem>>, vector<16xi32>,
      %sub3A_2026 = arith.constant 504 : i32
      %sub3A_2027 = vector.broadcast %sub3A_2026 : i32 to vector<16xi32>
      %sub3A_2028 = arith.subi %get3A_2025, %sub3A_2027 : vector<16xi32>
      %ge3A_2029 = arith.constant 0 : i32
      %ge3A_2030 = vector.broadcast %ge3A_2029 : i32 to vector<16xi32>
      %ge3A_2031 = arith.cmpi sge, %sub3A_2028, %ge3A_2030 : vector<16xi32>
      %lt3A_2032 = arith.constant 248 : i32
      %lt3A_2033 = vector.broadcast %lt3A_2032 : i32 to vector<16xi32>
      %lt3A_2034 = arith.cmpi slt, %sub3A_2028, %lt3A_2033 : vector<16xi32>
      %and3A_2035 = arith.andi %ge3A_2031, %lt3A_2034 : vector<16xi1>
      %add3A_2036 = arith.constant 224 : i32
      %add3A_2037 = vector.broadcast %add3A_2036 : i32 to vector<16xi32>
      %add3A_2038 = arith.addi %add3A_2037, %iota3A : vector<16xi32>
      tpu.vector_store_idx %arg6[%sub3A_2028, %add3A_2038], %broadcast_in_dim3A_37 masked %and3A_2035 : memref<256x256xf32, #tpu.memory_space<vmem>>[vector<16xi32>, vector<16xi32>], vector<16xf32>, vector<16xi1>
      %get3A_2039 = arith.index_cast %sub3A_1798 : i32 to index
      %get3A_2040 = arith.constant 240 : index
      %get3A_2041 = tpu.vector_load %arg5[%get3A_2039, %get3A_2040] {strides = array<i32>} : memref<2x256xi32, #tpu.memory_space<vmem>>, vector<16xi32>,
      %sub3A_2042 = arith.constant 504 : i32
      %sub3A_2043 = vector.broadcast %sub3A_2042 : i32 to vector<16xi32>
      %sub3A_2044 = arith.subi %get3A_2041, %sub3A_2043 : vector<16xi32>
      %ge3A_2045 = arith.constant 0 : i32
      %ge3A_2046 = vector.broadcast %ge3A_2045 : i32 to vector<16xi32>
      %ge3A_2047 = arith.cmpi sge, %sub3A_2044, %ge3A_2046 : vector<16xi32>
      %lt3A_2048 = arith.constant 248 : i32
      %lt3A_2049 = vector.broadcast %lt3A_2048 : i32 to vector<16xi32>
      %lt3A_2050 = arith.cmpi slt, %sub3A_2044, %lt3A_2049 : vector<16xi32>
      %and3A_2051 = arith.andi %ge3A_2047, %lt3A_2050 : vector<16xi1>
      %add3A_2052 = arith.constant 240 : i32
      %add3A_2053 = vector.broadcast %add3A_2052 : i32 to vector<16xi32>
      %add3A_2054 = arith.addi %add3A_2053, %iota3A : vector<16xi32>
      tpu.vector_store_idx %arg6[%sub3A_2044, %add3A_2054], %broadcast_in_dim3A_37 masked %and3A_2051 : memref<256x256xf32, #tpu.memory_space<vmem>>[vector<16xi32>, vector<16xi32>], vector<16xf32>, vector<16xi1>
      %get3A_2055 = arith.index_cast %select_n3A_1784 : i32 to index
      %get3A_2056 = arith.constant 0 : index
      %get3A_2057 = tpu.vector_load %arg5[%get3A_2055, %get3A_2056] {strides = array<i32>} : memref<2x256xi32, #tpu.memory_space<vmem>>, vector<16xi32>,
      %sub3A_2058 = arith.constant 0 : i32
      %sub3A_2059 = vector.broadcast %sub3A_2058 : i32 to vector<16xi32>
      %sub3A_2060 = arith.subi %get3A_2057, %sub3A_2059 : vector<16xi32>
      %ge3A_2061 = arith.constant 0 : i32
      %ge3A_2062 = vector.broadcast %ge3A_2061 : i32 to vector<16xi32>
      %ge3A_2063 = arith.cmpi sge, %sub3A_2060, %ge3A_2062 : vector<16xi32>
      %lt3A_2064 = arith.constant 256 : i32
      %lt3A_2065 = vector.broadcast %lt3A_2064 : i32 to vector<16xi32>
      %lt3A_2066 = arith.cmpi slt, %sub3A_2060, %lt3A_2065 : vector<16xi32>
      %and3A_2067 = arith.andi %ge3A_2063, %lt3A_2066 : vector<16xi1>
      %add3A_2068 = arith.constant 0 : i32
      %add3A_2069 = vector.broadcast %add3A_2068 : i32 to vector<16xi32>
      %add3A_2070 = arith.addi %add3A_2069, %iota3A : vector<16xi32>
      tpu.vector_store_idx %arg6[%sub3A_2060, %add3A_2070], %broadcast_in_dim3A_35 masked %and3A_2067 : memref<256x256xf32, #tpu.memory_space<vmem>>[vector<16xi32>, vector<16xi32>], vector<16xf32>, vector<16xi1>
      %get3A_2071 = arith.index_cast %select_n3A_1784 : i32 to index
      %get3A_2072 = arith.constant 16 : index
      %get3A_2073 = tpu.vector_load %arg5[%get3A_2071, %get3A_2072] {strides = array<i32>} : memref<2x256xi32, #tpu.memory_space<vmem>>, vector<16xi32>,
      %sub3A_2074 = arith.constant 0 : i32
      %sub3A_2075 = vector.broadcast %sub3A_2074 : i32 to vector<16xi32>
      %sub3A_2076 = arith.subi %get3A_2073, %sub3A_2075 : vector<16xi32>
      %ge3A_2077 = arith.constant 0 : i32
      %ge3A_2078 = vector.broadcast %ge3A_2077 : i32 to vector<16xi32>
      %ge3A_2079 = arith.cmpi sge, %sub3A_2076, %ge3A_2078 : vector<16xi32>
      %lt3A_2080 = arith.constant 256 : i32
      %lt3A_2081 = vector.broadcast %lt3A_2080 : i32 to vector<16xi32>
      %lt3A_2082 = arith.cmpi slt, %sub3A_2076, %lt3A_2081 : vector<16xi32>
      %and3A_2083 = arith.andi %ge3A_2079, %lt3A_2082 : vector<16xi1>
      %add3A_2084 = arith.constant 16 : i32
      %add3A_2085 = vector.broadcast %add3A_2084 : i32 to vector<16xi32>
      %add3A_2086 = arith.addi %add3A_2085, %iota3A : vector<16xi32>
      tpu.vector_store_idx %arg6[%sub3A_2076, %add3A_2086], %broadcast_in_dim3A_35 masked %and3A_2083 : memref<256x256xf32, #tpu.memory_space<vmem>>[vector<16xi32>, vector<16xi32>], vector<16xf32>, vector<16xi1>
      %get3A_2087 = arith.index_cast %select_n3A_1784 : i32 to index
      %get3A_2088 = arith.constant 32 : index
      %get3A_2089 = tpu.vector_load %arg5[%get3A_2087, %get3A_2088] {strides = array<i32>} : memref<2x256xi32, #tpu.memory_space<vmem>>, vector<16xi32>,
      %sub3A_2090 = arith.constant 0 : i32
      %sub3A_2091 = vector.broadcast %sub3A_2090 : i32 to vector<16xi32>
      %sub3A_2092 = arith.subi %get3A_2089, %sub3A_2091 : vector<16xi32>
      %ge3A_2093 = arith.constant 0 : i32
      %ge3A_2094 = vector.broadcast %ge3A_2093 : i32 to vector<16xi32>
      %ge3A_2095 = arith.cmpi sge, %sub3A_2092, %ge3A_2094 : vector<16xi32>
      %lt3A_2096 = arith.constant 256 : i32
      %lt3A_2097 = vector.broadcast %lt3A_2096 : i32 to vector<16xi32>
      %lt3A_2098 = arith.cmpi slt, %sub3A_2092, %lt3A_2097 : vector<16xi32>
      %and3A_2099 = arith.andi %ge3A_2095, %lt3A_2098 : vector<16xi1>
      %add3A_2100 = arith.constant 32 : i32
      %add3A_2101 = vector.broadcast %add3A_2100 : i32 to vector<16xi32>
      %add3A_2102 = arith.addi %add3A_2101, %iota3A : vector<16xi32>
      tpu.vector_store_idx %arg6[%sub3A_2092, %add3A_2102], %broadcast_in_dim3A_35 masked %and3A_2099 : memref<256x256xf32, #tpu.memory_space<vmem>>[vector<16xi32>, vector<16xi32>], vector<16xf32>, vector<16xi1>
      %get3A_2103 = arith.index_cast %select_n3A_1784 : i32 to index
      %get3A_2104 = arith.constant 48 : index
      %get3A_2105 = tpu.vector_load %arg5[%get3A_2103, %get3A_2104] {strides = array<i32>} : memref<2x256xi32, #tpu.memory_space<vmem>>, vector<16xi32>,
      %sub3A_2106 = arith.constant 0 : i32
      %sub3A_2107 = vector.broadcast %sub3A_2106 : i32 to vector<16xi32>
      %sub3A_2108 = arith.subi %get3A_2105, %sub3A_2107 : vector<16xi32>
      %ge3A_2109 = arith.constant 0 : i32
      %ge3A_2110 = vector.broadcast %ge3A_2109 : i32 to vector<16xi32>
      %ge3A_2111 = arith.cmpi sge, %sub3A_2108, %ge3A_2110 : vector<16xi32>
      %lt3A_2112 = arith.constant 256 : i32
      %lt3A_2113 = vector.broadcast %lt3A_2112 : i32 to vector<16xi32>
      %lt3A_2114 = arith.cmpi slt, %sub3A_2108, %lt3A_2113 : vector<16xi32>
      %and3A_2115 = arith.andi %ge3A_2111, %lt3A_2114 : vector<16xi1>
      %add3A_2116 = arith.constant 48 : i32
      %add3A_2117 = vector.broadcast %add3A_2116 : i32 to vector<16xi32>
      %add3A_2118 = arith.addi %add3A_2117, %iota3A : vector<16xi32>
      tpu.vector_store_idx %arg6[%sub3A_2108, %add3A_2118], %broadcast_in_dim3A_35 masked %and3A_2115 : memref<256x256xf32, #tpu.memory_space<vmem>>[vector<16xi32>, vector<16xi32>], vector<16xf32>, vector<16xi1>
      %get3A_2119 = arith.index_cast %select_n3A_1784 : i32 to index
      %get3A_2120 = arith.constant 64 : index
      %get3A_2121 = tpu.vector_load %arg5[%get3A_2119, %get3A_2120] {strides = array<i32>} : memref<2x256xi32, #tpu.memory_space<vmem>>, vector<16xi32>,
      %sub3A_2122 = arith.constant 0 : i32
      %sub3A_2123 = vector.broadcast %sub3A_2122 : i32 to vector<16xi32>
      %sub3A_2124 = arith.subi %get3A_2121, %sub3A_2123 : vector<16xi32>
      %ge3A_2125 = arith.constant 0 : i32
      %ge3A_2126 = vector.broadcast %ge3A_2125 : i32 to vector<16xi32>
      %ge3A_2127 = arith.cmpi sge, %sub3A_2124, %ge3A_2126 : vector<16xi32>
      %lt3A_2128 = arith.constant 256 : i32
      %lt3A_2129 = vector.broadcast %lt3A_2128 : i32 to vector<16xi32>
      %lt3A_2130 = arith.cmpi slt, %sub3A_2124, %lt3A_2129 : vector<16xi32>
      %and3A_2131 = arith.andi %ge3A_2127, %lt3A_2130 : vector<16xi1>
      %add3A_2132 = arith.constant 64 : i32
      %add3A_2133 = vector.broadcast %add3A_2132 : i32 to vector<16xi32>
      %add3A_2134 = arith.addi %add3A_2133, %iota3A : vector<16xi32>
      tpu.vector_store_idx %arg6[%sub3A_2124, %add3A_2134], %broadcast_in_dim3A_35 masked %and3A_2131 : memref<256x256xf32, #tpu.memory_space<vmem>>[vector<16xi32>, vector<16xi32>], vector<16xf32>, vector<16xi1>
      %get3A_2135 = arith.index_cast %select_n3A_1784 : i32 to index
      %get3A_2136 = arith.constant 80 : index
      %get3A_2137 = tpu.vector_load %arg5[%get3A_2135, %get3A_2136] {strides = array<i32>} : memref<2x256xi32, #tpu.memory_space<vmem>>, vector<16xi32>,
      %sub3A_2138 = arith.constant 0 : i32
      %sub3A_2139 = vector.broadcast %sub3A_2138 : i32 to vector<16xi32>
      %sub3A_2140 = arith.subi %get3A_2137, %sub3A_2139 : vector<16xi32>
      %ge3A_2141 = arith.constant 0 : i32
      %ge3A_2142 = vector.broadcast %ge3A_2141 : i32 to vector<16xi32>
      %ge3A_2143 = arith.cmpi sge, %sub3A_2140, %ge3A_2142 : vector<16xi32>
      %lt3A_2144 = arith.constant 256 : i32
      %lt3A_2145 = vector.broadcast %lt3A_2144 : i32 to vector<16xi32>
      %lt3A_2146 = arith.cmpi slt, %sub3A_2140, %lt3A_2145 : vector<16xi32>
      %and3A_2147 = arith.andi %ge3A_2143, %lt3A_2146 : vector<16xi1>
      %add3A_2148 = arith.constant 80 : i32
      %add3A_2149 = vector.broadcast %add3A_2148 : i32 to vector<16xi32>
      %add3A_2150 = arith.addi %add3A_2149, %iota3A : vector<16xi32>
      tpu.vector_store_idx %arg6[%sub3A_2140, %add3A_2150], %broadcast_in_dim3A_35 masked %and3A_2147 : memref<256x256xf32, #tpu.memory_space<vmem>>[vector<16xi32>, vector<16xi32>], vector<16xf32>, vector<16xi1>
      %get3A_2151 = arith.index_cast %select_n3A_1784 : i32 to index
      %get3A_2152 = arith.constant 96 : index
      %get3A_2153 = tpu.vector_load %arg5[%get3A_2151, %get3A_2152] {strides = array<i32>} : memref<2x256xi32, #tpu.memory_space<vmem>>, vector<16xi32>,
      %sub3A_2154 = arith.constant 0 : i32
      %sub3A_2155 = vector.broadcast %sub3A_2154 : i32 to vector<16xi32>
      %sub3A_2156 = arith.subi %get3A_2153, %sub3A_2155 : vector<16xi32>
      %ge3A_2157 = arith.constant 0 : i32
      %ge3A_2158 = vector.broadcast %ge3A_2157 : i32 to vector<16xi32>
      %ge3A_2159 = arith.cmpi sge, %sub3A_2156, %ge3A_2158 : vector<16xi32>
      %lt3A_2160 = arith.constant 256 : i32
      %lt3A_2161 = vector.broadcast %lt3A_2160 : i32 to vector<16xi32>
      %lt3A_2162 = arith.cmpi slt, %sub3A_2156, %lt3A_2161 : vector<16xi32>
      %and3A_2163 = arith.andi %ge3A_2159, %lt3A_2162 : vector<16xi1>
      %add3A_2164 = arith.constant 96 : i32
      %add3A_2165 = vector.broadcast %add3A_2164 : i32 to vector<16xi32>
      %add3A_2166 = arith.addi %add3A_2165, %iota3A : vector<16xi32>
      tpu.vector_store_idx %arg6[%sub3A_2156, %add3A_2166], %broadcast_in_dim3A_35 masked %and3A_2163 : memref<256x256xf32, #tpu.memory_space<vmem>>[vector<16xi32>, vector<16xi32>], vector<16xf32>, vector<16xi1>
      %get3A_2167 = arith.index_cast %select_n3A_1784 : i32 to index
      %get3A_2168 = arith.constant 112 : index
      %get3A_2169 = tpu.vector_load %arg5[%get3A_2167, %get3A_2168] {strides = array<i32>} : memref<2x256xi32, #tpu.memory_space<vmem>>, vector<16xi32>,
      %sub3A_2170 = arith.constant 0 : i32
      %sub3A_2171 = vector.broadcast %sub3A_2170 : i32 to vector<16xi32>
      %sub3A_2172 = arith.subi %get3A_2169, %sub3A_2171 : vector<16xi32>
      %ge3A_2173 = arith.constant 0 : i32
      %ge3A_2174 = vector.broadcast %ge3A_2173 : i32 to vector<16xi32>
      %ge3A_2175 = arith.cmpi sge, %sub3A_2172, %ge3A_2174 : vector<16xi32>
      %lt3A_2176 = arith.constant 256 : i32
      %lt3A_2177 = vector.broadcast %lt3A_2176 : i32 to vector<16xi32>
      %lt3A_2178 = arith.cmpi slt, %sub3A_2172, %lt3A_2177 : vector<16xi32>
      %and3A_2179 = arith.andi %ge3A_2175, %lt3A_2178 : vector<16xi1>
      %add3A_2180 = arith.constant 112 : i32
      %add3A_2181 = vector.broadcast %add3A_2180 : i32 to vector<16xi32>
      %add3A_2182 = arith.addi %add3A_2181, %iota3A : vector<16xi32>
      tpu.vector_store_idx %arg6[%sub3A_2172, %add3A_2182], %broadcast_in_dim3A_35 masked %and3A_2179 : memref<256x256xf32, #tpu.memory_space<vmem>>[vector<16xi32>, vector<16xi32>], vector<16xf32>, vector<16xi1>
      %get3A_2183 = arith.index_cast %select_n3A_1784 : i32 to index
      %get3A_2184 = arith.constant 128 : index
      %get3A_2185 = tpu.vector_load %arg5[%get3A_2183, %get3A_2184] {strides = array<i32>} : memref<2x256xi32, #tpu.memory_space<vmem>>, vector<16xi32>,
      %sub3A_2186 = arith.constant 0 : i32
      %sub3A_2187 = vector.broadcast %sub3A_2186 : i32 to vector<16xi32>
      %sub3A_2188 = arith.subi %get3A_2185, %sub3A_2187 : vector<16xi32>
      %ge3A_2189 = arith.constant 0 : i32
      %ge3A_2190 = vector.broadcast %ge3A_2189 : i32 to vector<16xi32>
      %ge3A_2191 = arith.cmpi sge, %sub3A_2188, %ge3A_2190 : vector<16xi32>
      %lt3A_2192 = arith.constant 256 : i32
      %lt3A_2193 = vector.broadcast %lt3A_2192 : i32 to vector<16xi32>
      %lt3A_2194 = arith.cmpi slt, %sub3A_2188, %lt3A_2193 : vector<16xi32>
      %and3A_2195 = arith.andi %ge3A_2191, %lt3A_2194 : vector<16xi1>
      %add3A_2196 = arith.constant 128 : i32
      %add3A_2197 = vector.broadcast %add3A_2196 : i32 to vector<16xi32>
      %add3A_2198 = arith.addi %add3A_2197, %iota3A : vector<16xi32>
      tpu.vector_store_idx %arg6[%sub3A_2188, %add3A_2198], %broadcast_in_dim3A_35 masked %and3A_2195 : memref<256x256xf32, #tpu.memory_space<vmem>>[vector<16xi32>, vector<16xi32>], vector<16xf32>, vector<16xi1>
      %get3A_2199 = arith.index_cast %select_n3A_1784 : i32 to index
      %get3A_2200 = arith.constant 144 : index
      %get3A_2201 = tpu.vector_load %arg5[%get3A_2199, %get3A_2200] {strides = array<i32>} : memref<2x256xi32, #tpu.memory_space<vmem>>, vector<16xi32>,
      %sub3A_2202 = arith.constant 0 : i32
      %sub3A_2203 = vector.broadcast %sub3A_2202 : i32 to vector<16xi32>
      %sub3A_2204 = arith.subi %get3A_2201, %sub3A_2203 : vector<16xi32>
      %ge3A_2205 = arith.constant 0 : i32
      %ge3A_2206 = vector.broadcast %ge3A_2205 : i32 to vector<16xi32>
      %ge3A_2207 = arith.cmpi sge, %sub3A_2204, %ge3A_2206 : vector<16xi32>
      %lt3A_2208 = arith.constant 256 : i32
      %lt3A_2209 = vector.broadcast %lt3A_2208 : i32 to vector<16xi32>
      %lt3A_2210 = arith.cmpi slt, %sub3A_2204, %lt3A_2209 : vector<16xi32>
      %and3A_2211 = arith.andi %ge3A_2207, %lt3A_2210 : vector<16xi1>
      %add3A_2212 = arith.constant 144 : i32
      %add3A_2213 = vector.broadcast %add3A_2212 : i32 to vector<16xi32>
      %add3A_2214 = arith.addi %add3A_2213, %iota3A : vector<16xi32>
      tpu.vector_store_idx %arg6[%sub3A_2204, %add3A_2214], %broadcast_in_dim3A_35 masked %and3A_2211 : memref<256x256xf32, #tpu.memory_space<vmem>>[vector<16xi32>, vector<16xi32>], vector<16xf32>, vector<16xi1>
      %get3A_2215 = arith.index_cast %select_n3A_1784 : i32 to index
      %get3A_2216 = arith.constant 160 : index
      %get3A_2217 = tpu.vector_load %arg5[%get3A_2215, %get3A_2216] {strides = array<i32>} : memref<2x256xi32, #tpu.memory_space<vmem>>, vector<16xi32>,
      %sub3A_2218 = arith.constant 0 : i32
      %sub3A_2219 = vector.broadcast %sub3A_2218 : i32 to vector<16xi32>
      %sub3A_2220 = arith.subi %get3A_2217, %sub3A_2219 : vector<16xi32>
      %ge3A_2221 = arith.constant 0 : i32
      %ge3A_2222 = vector.broadcast %ge3A_2221 : i32 to vector<16xi32>
      %ge3A_2223 = arith.cmpi sge, %sub3A_2220, %ge3A_2222 : vector<16xi32>
      %lt3A_2224 = arith.constant 256 : i32
      %lt3A_2225 = vector.broadcast %lt3A_2224 : i32 to vector<16xi32>
      %lt3A_2226 = arith.cmpi slt, %sub3A_2220, %lt3A_2225 : vector<16xi32>
      %and3A_2227 = arith.andi %ge3A_2223, %lt3A_2226 : vector<16xi1>
      %add3A_2228 = arith.constant 160 : i32
      %add3A_2229 = vector.broadcast %add3A_2228 : i32 to vector<16xi32>
      %add3A_2230 = arith.addi %add3A_2229, %iota3A : vector<16xi32>
      tpu.vector_store_idx %arg6[%sub3A_2220, %add3A_2230], %broadcast_in_dim3A_35 masked %and3A_2227 : memref<256x256xf32, #tpu.memory_space<vmem>>[vector<16xi32>, vector<16xi32>], vector<16xf32>, vector<16xi1>
      %get3A_2231 = arith.index_cast %select_n3A_1784 : i32 to index
      %get3A_2232 = arith.constant 176 : index
      %get3A_2233 = tpu.vector_load %arg5[%get3A_2231, %get3A_2232] {strides = array<i32>} : memref<2x256xi32, #tpu.memory_space<vmem>>, vector<16xi32>,
      %sub3A_2234 = arith.constant 0 : i32
      %sub3A_2235 = vector.broadcast %sub3A_2234 : i32 to vector<16xi32>
      %sub3A_2236 = arith.subi %get3A_2233, %sub3A_2235 : vector<16xi32>
      %ge3A_2237 = arith.constant 0 : i32
      %ge3A_2238 = vector.broadcast %ge3A_2237 : i32 to vector<16xi32>
      %ge3A_2239 = arith.cmpi sge, %sub3A_2236, %ge3A_2238 : vector<16xi32>
      %lt3A_2240 = arith.constant 256 : i32
      %lt3A_2241 = vector.broadcast %lt3A_2240 : i32 to vector<16xi32>
      %lt3A_2242 = arith.cmpi slt, %sub3A_2236, %lt3A_2241 : vector<16xi32>
      %and3A_2243 = arith.andi %ge3A_2239, %lt3A_2242 : vector<16xi1>
      %add3A_2244 = arith.constant 176 : i32
      %add3A_2245 = vector.broadcast %add3A_2244 : i32 to vector<16xi32>
      %add3A_2246 = arith.addi %add3A_2245, %iota3A : vector<16xi32>
      tpu.vector_store_idx %arg6[%sub3A_2236, %add3A_2246], %broadcast_in_dim3A_35 masked %and3A_2243 : memref<256x256xf32, #tpu.memory_space<vmem>>[vector<16xi32>, vector<16xi32>], vector<16xf32>, vector<16xi1>
      %get3A_2247 = arith.index_cast %select_n3A_1784 : i32 to index
      %get3A_2248 = arith.constant 192 : index
      %get3A_2249 = tpu.vector_load %arg5[%get3A_2247, %get3A_2248] {strides = array<i32>} : memref<2x256xi32, #tpu.memory_space<vmem>>, vector<16xi32>,
      %sub3A_2250 = arith.constant 0 : i32
      %sub3A_2251 = vector.broadcast %sub3A_2250 : i32 to vector<16xi32>
      %sub3A_2252 = arith.subi %get3A_2249, %sub3A_2251 : vector<16xi32>
      %ge3A_2253 = arith.constant 0 : i32
      %ge3A_2254 = vector.broadcast %ge3A_2253 : i32 to vector<16xi32>
      %ge3A_2255 = arith.cmpi sge, %sub3A_2252, %ge3A_2254 : vector<16xi32>
      %lt3A_2256 = arith.constant 256 : i32
      %lt3A_2257 = vector.broadcast %lt3A_2256 : i32 to vector<16xi32>
      %lt3A_2258 = arith.cmpi slt, %sub3A_2252, %lt3A_2257 : vector<16xi32>
      %and3A_2259 = arith.andi %ge3A_2255, %lt3A_2258 : vector<16xi1>
      %add3A_2260 = arith.constant 192 : i32
      %add3A_2261 = vector.broadcast %add3A_2260 : i32 to vector<16xi32>
      %add3A_2262 = arith.addi %add3A_2261, %iota3A : vector<16xi32>
      tpu.vector_store_idx %arg6[%sub3A_2252, %add3A_2262], %broadcast_in_dim3A_35 masked %and3A_2259 : memref<256x256xf32, #tpu.memory_space<vmem>>[vector<16xi32>, vector<16xi32>], vector<16xf32>, vector<16xi1>
      %get3A_2263 = arith.index_cast %select_n3A_1784 : i32 to index
      %get3A_2264 = arith.constant 208 : index
      %get3A_2265 = tpu.vector_load %arg5[%get3A_2263, %get3A_2264] {strides = array<i32>} : memref<2x256xi32, #tpu.memory_space<vmem>>, vector<16xi32>,
      %sub3A_2266 = arith.constant 0 : i32
      %sub3A_2267 = vector.broadcast %sub3A_2266 : i32 to vector<16xi32>
      %sub3A_2268 = arith.subi %get3A_2265, %sub3A_2267 : vector<16xi32>
      %ge3A_2269 = arith.constant 0 : i32
      %ge3A_2270 = vector.broadcast %ge3A_2269 : i32 to vector<16xi32>
      %ge3A_2271 = arith.cmpi sge, %sub3A_2268, %ge3A_2270 : vector<16xi32>
      %lt3A_2272 = arith.constant 256 : i32
      %lt3A_2273 = vector.broadcast %lt3A_2272 : i32 to vector<16xi32>
      %lt3A_2274 = arith.cmpi slt, %sub3A_2268, %lt3A_2273 : vector<16xi32>
      %and3A_2275 = arith.andi %ge3A_2271, %lt3A_2274 : vector<16xi1>
      %add3A_2276 = arith.constant 208 : i32
      %add3A_2277 = vector.broadcast %add3A_2276 : i32 to vector<16xi32>
      %add3A_2278 = arith.addi %add3A_2277, %iota3A : vector<16xi32>
      tpu.vector_store_idx %arg6[%sub3A_2268, %add3A_2278], %broadcast_in_dim3A_35 masked %and3A_2275 : memref<256x256xf32, #tpu.memory_space<vmem>>[vector<16xi32>, vector<16xi32>], vector<16xf32>, vector<16xi1>
      %get3A_2279 = arith.index_cast %select_n3A_1784 : i32 to index
      %get3A_2280 = arith.constant 224 : index
      %get3A_2281 = tpu.vector_load %arg5[%get3A_2279, %get3A_2280] {strides = array<i32>} : memref<2x256xi32, #tpu.memory_space<vmem>>, vector<16xi32>,
      %sub3A_2282 = arith.constant 0 : i32
      %sub3A_2283 = vector.broadcast %sub3A_2282 : i32 to vector<16xi32>
      %sub3A_2284 = arith.subi %get3A_2281, %sub3A_2283 : vector<16xi32>
      %ge3A_2285 = arith.constant 0 : i32
      %ge3A_2286 = vector.broadcast %ge3A_2285 : i32 to vector<16xi32>
      %ge3A_2287 = arith.cmpi sge, %sub3A_2284, %ge3A_2286 : vector<16xi32>
      %lt3A_2288 = arith.constant 256 : i32
      %lt3A_2289 = vector.broadcast %lt3A_2288 : i32 to vector<16xi32>
      %lt3A_2290 = arith.cmpi slt, %sub3A_2284, %lt3A_2289 : vector<16xi32>
      %and3A_2291 = arith.andi %ge3A_2287, %lt3A_2290 : vector<16xi1>
      %add3A_2292 = arith.constant 224 : i32
      %add3A_2293 = vector.broadcast %add3A_2292 : i32 to vector<16xi32>
      %add3A_2294 = arith.addi %add3A_2293, %iota3A : vector<16xi32>
      tpu.vector_store_idx %arg6[%sub3A_2284, %add3A_2294], %broadcast_in_dim3A_35 masked %and3A_2291 : memref<256x256xf32, #tpu.memory_space<vmem>>[vector<16xi32>, vector<16xi32>], vector<16xf32>, vector<16xi1>
      %get3A_2295 = arith.index_cast %select_n3A_1784 : i32 to index
      %get3A_2296 = arith.constant 240 : index
      %get3A_2297 = tpu.vector_load %arg5[%get3A_2295, %get3A_2296] {strides = array<i32>} : memref<2x256xi32, #tpu.memory_space<vmem>>, vector<16xi32>,
      %sub3A_2298 = arith.constant 0 : i32
      %sub3A_2299 = vector.broadcast %sub3A_2298 : i32 to vector<16xi32>
      %sub3A_2300 = arith.subi %get3A_2297, %sub3A_2299 : vector<16xi32>
      %ge3A_2301 = arith.constant 0 : i32
      %ge3A_2302 = vector.broadcast %ge3A_2301 : i32 to vector<16xi32>
      %ge3A_2303 = arith.cmpi sge, %sub3A_2300, %ge3A_2302 : vector<16xi32>
      %lt3A_2304 = arith.constant 256 : i32
      %lt3A_2305 = vector.broadcast %lt3A_2304 : i32 to vector<16xi32>
      %lt3A_2306 = arith.cmpi slt, %sub3A_2300, %lt3A_2305 : vector<16xi32>
      %and3A_2307 = arith.andi %ge3A_2303, %lt3A_2306 : vector<16xi1>
      %add3A_2308 = arith.constant 240 : i32
      %add3A_2309 = vector.broadcast %add3A_2308 : i32 to vector<16xi32>
      %add3A_2310 = arith.addi %add3A_2309, %iota3A : vector<16xi32>
      tpu.vector_store_idx %arg6[%sub3A_2300, %add3A_2310], %broadcast_in_dim3A_35 masked %and3A_2307 : memref<256x256xf32, #tpu.memory_space<vmem>>[vector<16xi32>, vector<16xi32>], vector<16xf32>, vector<16xi1>
      %dma_start3A_2311 = arith.constant 0 : i32
      %dma_start3A_2312 = arith.constant 0 : i32
      %dma_start3A_2313 = tpu.memref_slice %arg6[%dma_start3A_2311, %dma_start3A_2312] : memref<256x256xf32, #tpu.memory_space<vmem>> -> memref<256x256xf32, #tpu.memory_space<vmem>>
      %dma_start3A_2314 = arith.constant 0 : i32
      %dma_start3A_2315 = tpu.memref_slice %arg4[%add3A_1768, %dma_start3A_2314, %mul3A_32] : memref<20x1000x4096xf32, #tpu.memory_space<hbm>> -> memref<1x256x256xf32, #tpu.memory_space<hbm>>
      %dma_start3A_2316 = tpu.memref_squeeze %dma_start3A_2315 : memref<1x256x256xf32, #tpu.memory_space<hbm>> -> memref<256x256xf32, #tpu.memory_space<hbm>>
      %dma_start3A_2317 = arith.constant 0 : i32
      %dma_start3A_2318 = tpu.memref_slice %arg4[%add3A_1768, %dma_start3A_2317, %mul3A_32] : memref<20x1000x4096xf32, #tpu.memory_space<hbm>> -> memref<1x256x256xf32, #tpu.memory_space<hbm>>
      %dma_start3A_2319 = tpu.memref_squeeze %dma_start3A_2318 : memref<1x256x256xf32, #tpu.memory_space<hbm>> -> memref<256x256xf32, #tpu.memory_space<hbm>>
      %dma_start3A_2320 = arith.constant 0 : i32
      %dma_start3A_2321 = arith.constant 0 : i32
      %dma_start3A_2322 = tpu.memref_slice %arg6[%dma_start3A_2320, %dma_start3A_2321] : memref<256x256xf32, #tpu.memory_space<vmem>> -> memref<256x256xf32, #tpu.memory_space<vmem>>
      tpu.enqueue_dma source(%dma_start3A_2322 : memref<256x256xf32, #tpu.memory_space<vmem>>) target(%dma_start3A_2319 : memref<256x256xf32, #tpu.memory_space<hbm>>) target_semaphore(%arg8 : memref<!tpu.dma_semaphore, #tpu.memory_space<semaphore_mem>>)
      %dma_wait3A_2323 = arith.constant 0 : i32
      %dma_wait3A_2324 = arith.constant 0 : i32
      %dma_wait3A_2325 = tpu.memref_slice %arg7[%dma_wait3A_2323, %dma_wait3A_2324] : memref<248x256xf32, #tpu.memory_space<vmem>> -> memref<248x256xf32, #tpu.memory_space<vmem>>
      %dma_wait3A_2326 = arith.constant 0 : i32
      %dma_wait3A_2327 = tpu.memref_slice %arg4[%mul3A_34, %dma_wait3A_2326, %mul3A_32] : memref<20x1000x4096xf32, #tpu.memory_space<hbm>> -> memref<1x248x256xf32, #tpu.memory_space<hbm>>
      %dma_wait3A_2328 = tpu.memref_squeeze %dma_wait3A_2327 : memref<1x248x256xf32, #tpu.memory_space<hbm>> -> memref<248x256xf32, #tpu.memory_space<hbm>>
      %dma_wait3A_2329 = arith.constant 0 : i32
      %dma_wait3A_2330 = tpu.memref_slice %arg4[%mul3A_34, %dma_wait3A_2329, %mul3A_32] : memref<20x1000x4096xf32, #tpu.memory_space<hbm>> -> memref<1x248x256xf32, #tpu.memory_space<hbm>>
      %dma_wait3A_2331 = tpu.memref_squeeze %dma_wait3A_2330 : memref<1x248x256xf32, #tpu.memory_space<hbm>> -> memref<248x256xf32, #tpu.memory_space<hbm>>
      %dma_wait3A_2332 = arith.constant 0 : i32
      %dma_wait3A_2333 = arith.constant 0 : i32
      %dma_wait3A_2334 = tpu.memref_slice %arg7[%dma_wait3A_2332, %dma_wait3A_2333] : memref<248x256xf32, #tpu.memory_space<vmem>> -> memref<248x256xf32, #tpu.memory_space<vmem>>
      tpu.wait_dma2 semaphore(%arg9 : memref<!tpu.dma_semaphore, #tpu.memory_space<semaphore_mem>>) src(%dma_wait3A_2334 : memref<248x256xf32, #tpu.memory_space<vmem>>) dst(%dma_wait3A_2331 : memref<248x256xf32, #tpu.memory_space<hbm>>)
      %sub3A_2335 = arith.constant 1 : i32
      %sub3A_2336 = arith.subi %sub3A_2335, %select_n3A_1784 : i32
      %get3A_2337 = arith.index_cast %sub3A_2336 : i32 to index
      %get3A_2338 = arith.constant 0 : index
      %get3A_2339 = tpu.vector_load %arg5[%get3A_2337, %get3A_2338] {strides = array<i32>} : memref<2x256xi32, #tpu.memory_space<vmem>>, vector<16xi32>,
      %sub3A_2340 = arith.constant 752 : i32
      %sub3A_2341 = vector.broadcast %sub3A_2340 : i32 to vector<16xi32>
      %sub3A_2342 = arith.subi %get3A_2339, %sub3A_2341 : vector<16xi32>
      %ge3A_2343 = arith.constant 0 : i32
      %ge3A_2344 = vector.broadcast %ge3A_2343 : i32 to vector<16xi32>
      %ge3A_2345 = arith.cmpi sge, %sub3A_2342, %ge3A_2344 : vector<16xi32>
      %lt3A_2346 = arith.constant 248 : i32
      %lt3A_2347 = vector.broadcast %lt3A_2346 : i32 to vector<16xi32>
      %lt3A_2348 = arith.cmpi slt, %sub3A_2342, %lt3A_2347 : vector<16xi32>
      %and3A_2349 = arith.andi %ge3A_2345, %lt3A_2348 : vector<16xi1>
      %add3A_2350 = arith.constant 0 : i32
      %add3A_2351 = vector.broadcast %add3A_2350 : i32 to vector<16xi32>
      %add3A_2352 = arith.addi %add3A_2351, %iota3A : vector<16xi32>
      tpu.vector_store_idx %arg7[%sub3A_2342, %add3A_2352], %broadcast_in_dim3A_37 masked %and3A_2349 : memref<248x256xf32, #tpu.memory_space<vmem>>[vector<16xi32>, vector<16xi32>], vector<16xf32>, vector<16xi1>
      %get3A_2353 = arith.index_cast %sub3A_2336 : i32 to index
      %get3A_2354 = arith.constant 16 : index
      %get3A_2355 = tpu.vector_load %arg5[%get3A_2353, %get3A_2354] {strides = array<i32>} : memref<2x256xi32, #tpu.memory_space<vmem>>, vector<16xi32>,
      %sub3A_2356 = arith.constant 752 : i32
      %sub3A_2357 = vector.broadcast %sub3A_2356 : i32 to vector<16xi32>
      %sub3A_2358 = arith.subi %get3A_2355, %sub3A_2357 : vector<16xi32>
      %ge3A_2359 = arith.constant 0 : i32
      %ge3A_2360 = vector.broadcast %ge3A_2359 : i32 to vector<16xi32>
      %ge3A_2361 = arith.cmpi sge, %sub3A_2358, %ge3A_2360 : vector<16xi32>
      %lt3A_2362 = arith.constant 248 : i32
      %lt3A_2363 = vector.broadcast %lt3A_2362 : i32 to vector<16xi32>
      %lt3A_2364 = arith.cmpi slt, %sub3A_2358, %lt3A_2363 : vector<16xi32>
      %and3A_2365 = arith.andi %ge3A_2361, %lt3A_2364 : vector<16xi1>
      %add3A_2366 = arith.constant 16 : i32
      %add3A_2367 = vector.broadcast %add3A_2366 : i32 to vector<16xi32>
      %add3A_2368 = arith.addi %add3A_2367, %iota3A : vector<16xi32>
      tpu.vector_store_idx %arg7[%sub3A_2358, %add3A_2368], %broadcast_in_dim3A_37 masked %and3A_2365 : memref<248x256xf32, #tpu.memory_space<vmem>>[vector<16xi32>, vector<16xi32>], vector<16xf32>, vector<16xi1>
      %get3A_2369 = arith.index_cast %sub3A_2336 : i32 to index
      %get3A_2370 = arith.constant 32 : index
      %get3A_2371 = tpu.vector_load %arg5[%get3A_2369, %get3A_2370] {strides = array<i32>} : memref<2x256xi32, #tpu.memory_space<vmem>>, vector<16xi32>,
      %sub3A_2372 = arith.constant 752 : i32
      %sub3A_2373 = vector.broadcast %sub3A_2372 : i32 to vector<16xi32>
      %sub3A_2374 = arith.subi %get3A_2371, %sub3A_2373 : vector<16xi32>
      %ge3A_2375 = arith.constant 0 : i32
      %ge3A_2376 = vector.broadcast %ge3A_2375 : i32 to vector<16xi32>
      %ge3A_2377 = arith.cmpi sge, %sub3A_2374, %ge3A_2376 : vector<16xi32>
      %lt3A_2378 = arith.constant 248 : i32
      %lt3A_2379 = vector.broadcast %lt3A_2378 : i32 to vector<16xi32>
      %lt3A_2380 = arith.cmpi slt, %sub3A_2374, %lt3A_2379 : vector<16xi32>
      %and3A_2381 = arith.andi %ge3A_2377, %lt3A_2380 : vector<16xi1>
      %add3A_2382 = arith.constant 32 : i32
      %add3A_2383 = vector.broadcast %add3A_2382 : i32 to vector<16xi32>
      %add3A_2384 = arith.addi %add3A_2383, %iota3A : vector<16xi32>
      tpu.vector_store_idx %arg7[%sub3A_2374, %add3A_2384], %broadcast_in_dim3A_37 masked %and3A_2381 : memref<248x256xf32, #tpu.memory_space<vmem>>[vector<16xi32>, vector<16xi32>], vector<16xf32>, vector<16xi1>
      %get3A_2385 = arith.index_cast %sub3A_2336 : i32 to index
      %get3A_2386 = arith.constant 48 : index
      %get3A_2387 = tpu.vector_load %arg5[%get3A_2385, %get3A_2386] {strides = array<i32>} : memref<2x256xi32, #tpu.memory_space<vmem>>, vector<16xi32>,
      %sub3A_2388 = arith.constant 752 : i32
      %sub3A_2389 = vector.broadcast %sub3A_2388 : i32 to vector<16xi32>
      %sub3A_2390 = arith.subi %get3A_2387, %sub3A_2389 : vector<16xi32>
      %ge3A_2391 = arith.constant 0 : i32
      %ge3A_2392 = vector.broadcast %ge3A_2391 : i32 to vector<16xi32>
      %ge3A_2393 = arith.cmpi sge, %sub3A_2390, %ge3A_2392 : vector<16xi32>
      %lt3A_2394 = arith.constant 248 : i32
      %lt3A_2395 = vector.broadcast %lt3A_2394 : i32 to vector<16xi32>
      %lt3A_2396 = arith.cmpi slt, %sub3A_2390, %lt3A_2395 : vector<16xi32>
      %and3A_2397 = arith.andi %ge3A_2393, %lt3A_2396 : vector<16xi1>
      %add3A_2398 = arith.constant 48 : i32
      %add3A_2399 = vector.broadcast %add3A_2398 : i32 to vector<16xi32>
      %add3A_2400 = arith.addi %add3A_2399, %iota3A : vector<16xi32>
      tpu.vector_store_idx %arg7[%sub3A_2390, %add3A_2400], %broadcast_in_dim3A_37 masked %and3A_2397 : memref<248x256xf32, #tpu.memory_space<vmem>>[vector<16xi32>, vector<16xi32>], vector<16xf32>, vector<16xi1>
      %get3A_2401 = arith.index_cast %sub3A_2336 : i32 to index
      %get3A_2402 = arith.constant 64 : index
      %get3A_2403 = tpu.vector_load %arg5[%get3A_2401, %get3A_2402] {strides = array<i32>} : memref<2x256xi32, #tpu.memory_space<vmem>>, vector<16xi32>,
      %sub3A_2404 = arith.constant 752 : i32
      %sub3A_2405 = vector.broadcast %sub3A_2404 : i32 to vector<16xi32>
      %sub3A_2406 = arith.subi %get3A_2403, %sub3A_2405 : vector<16xi32>
      %ge3A_2407 = arith.constant 0 : i32
      %ge3A_2408 = vector.broadcast %ge3A_2407 : i32 to vector<16xi32>
      %ge3A_2409 = arith.cmpi sge, %sub3A_2406, %ge3A_2408 : vector<16xi32>
      %lt3A_2410 = arith.constant 248 : i32
      %lt3A_2411 = vector.broadcast %lt3A_2410 : i32 to vector<16xi32>
      %lt3A_2412 = arith.cmpi slt, %sub3A_2406, %lt3A_2411 : vector<16xi32>
      %and3A_2413 = arith.andi %ge3A_2409, %lt3A_2412 : vector<16xi1>
      %add3A_2414 = arith.constant 64 : i32
      %add3A_2415 = vector.broadcast %add3A_2414 : i32 to vector<16xi32>
      %add3A_2416 = arith.addi %add3A_2415, %iota3A : vector<16xi32>
      tpu.vector_store_idx %arg7[%sub3A_2406, %add3A_2416], %broadcast_in_dim3A_37 masked %and3A_2413 : memref<248x256xf32, #tpu.memory_space<vmem>>[vector<16xi32>, vector<16xi32>], vector<16xf32>, vector<16xi1>
      %get3A_2417 = arith.index_cast %sub3A_2336 : i32 to index
      %get3A_2418 = arith.constant 80 : index
      %get3A_2419 = tpu.vector_load %arg5[%get3A_2417, %get3A_2418] {strides = array<i32>} : memref<2x256xi32, #tpu.memory_space<vmem>>, vector<16xi32>,
      %sub3A_2420 = arith.constant 752 : i32
      %sub3A_2421 = vector.broadcast %sub3A_2420 : i32 to vector<16xi32>
      %sub3A_2422 = arith.subi %get3A_2419, %sub3A_2421 : vector<16xi32>
      %ge3A_2423 = arith.constant 0 : i32
      %ge3A_2424 = vector.broadcast %ge3A_2423 : i32 to vector<16xi32>
      %ge3A_2425 = arith.cmpi sge, %sub3A_2422, %ge3A_2424 : vector<16xi32>
      %lt3A_2426 = arith.constant 248 : i32
      %lt3A_2427 = vector.broadcast %lt3A_2426 : i32 to vector<16xi32>
      %lt3A_2428 = arith.cmpi slt, %sub3A_2422, %lt3A_2427 : vector<16xi32>
      %and3A_2429 = arith.andi %ge3A_2425, %lt3A_2428 : vector<16xi1>
      %add3A_2430 = arith.constant 80 : i32
      %add3A_2431 = vector.broadcast %add3A_2430 : i32 to vector<16xi32>
      %add3A_2432 = arith.addi %add3A_2431, %iota3A : vector<16xi32>
      tpu.vector_store_idx %arg7[%sub3A_2422, %add3A_2432], %broadcast_in_dim3A_37 masked %and3A_2429 : memref<248x256xf32, #tpu.memory_space<vmem>>[vector<16xi32>, vector<16xi32>], vector<16xf32>, vector<16xi1>
      %get3A_2433 = arith.index_cast %sub3A_2336 : i32 to index
      %get3A_2434 = arith.constant 96 : index
      %get3A_2435 = tpu.vector_load %arg5[%get3A_2433, %get3A_2434] {strides = array<i32>} : memref<2x256xi32, #tpu.memory_space<vmem>>, vector<16xi32>,
      %sub3A_2436 = arith.constant 752 : i32
      %sub3A_2437 = vector.broadcast %sub3A_2436 : i32 to vector<16xi32>
      %sub3A_2438 = arith.subi %get3A_2435, %sub3A_2437 : vector<16xi32>
      %ge3A_2439 = arith.constant 0 : i32
      %ge3A_2440 = vector.broadcast %ge3A_2439 : i32 to vector<16xi32>
      %ge3A_2441 = arith.cmpi sge, %sub3A_2438, %ge3A_2440 : vector<16xi32>
      %lt3A_2442 = arith.constant 248 : i32
      %lt3A_2443 = vector.broadcast %lt3A_2442 : i32 to vector<16xi32>
      %lt3A_2444 = arith.cmpi slt, %sub3A_2438, %lt3A_2443 : vector<16xi32>
      %and3A_2445 = arith.andi %ge3A_2441, %lt3A_2444 : vector<16xi1>
      %add3A_2446 = arith.constant 96 : i32
      %add3A_2447 = vector.broadcast %add3A_2446 : i32 to vector<16xi32>
      %add3A_2448 = arith.addi %add3A_2447, %iota3A : vector<16xi32>
      tpu.vector_store_idx %arg7[%sub3A_2438, %add3A_2448], %broadcast_in_dim3A_37 masked %and3A_2445 : memref<248x256xf32, #tpu.memory_space<vmem>>[vector<16xi32>, vector<16xi32>], vector<16xf32>, vector<16xi1>
      %get3A_2449 = arith.index_cast %sub3A_2336 : i32 to index
      %get3A_2450 = arith.constant 112 : index
      %get3A_2451 = tpu.vector_load %arg5[%get3A_2449, %get3A_2450] {strides = array<i32>} : memref<2x256xi32, #tpu.memory_space<vmem>>, vector<16xi32>,
      %sub3A_2452 = arith.constant 752 : i32
      %sub3A_2453 = vector.broadcast %sub3A_2452 : i32 to vector<16xi32>
      %sub3A_2454 = arith.subi %get3A_2451, %sub3A_2453 : vector<16xi32>
      %ge3A_2455 = arith.constant 0 : i32
      %ge3A_2456 = vector.broadcast %ge3A_2455 : i32 to vector<16xi32>
      %ge3A_2457 = arith.cmpi sge, %sub3A_2454, %ge3A_2456 : vector<16xi32>
      %lt3A_2458 = arith.constant 248 : i32
      %lt3A_2459 = vector.broadcast %lt3A_2458 : i32 to vector<16xi32>
      %lt3A_2460 = arith.cmpi slt, %sub3A_2454, %lt3A_2459 : vector<16xi32>
      %and3A_2461 = arith.andi %ge3A_2457, %lt3A_2460 : vector<16xi1>
      %add3A_2462 = arith.constant 112 : i32
      %add3A_2463 = vector.broadcast %add3A_2462 : i32 to vector<16xi32>
      %add3A_2464 = arith.addi %add3A_2463, %iota3A : vector<16xi32>
      tpu.vector_store_idx %arg7[%sub3A_2454, %add3A_2464], %broadcast_in_dim3A_37 masked %and3A_2461 : memref<248x256xf32, #tpu.memory_space<vmem>>[vector<16xi32>, vector<16xi32>], vector<16xf32>, vector<16xi1>
      %get3A_2465 = arith.index_cast %sub3A_2336 : i32 to index
      %get3A_2466 = arith.constant 128 : index
      %get3A_2467 = tpu.vector_load %arg5[%get3A_2465, %get3A_2466] {strides = array<i32>} : memref<2x256xi32, #tpu.memory_space<vmem>>, vector<16xi32>,
      %sub3A_2468 = arith.constant 752 : i32
      %sub3A_2469 = vector.broadcast %sub3A_2468 : i32 to vector<16xi32>
      %sub3A_2470 = arith.subi %get3A_2467, %sub3A_2469 : vector<16xi32>
      %ge3A_2471 = arith.constant 0 : i32
      %ge3A_2472 = vector.broadcast %ge3A_2471 : i32 to vector<16xi32>
      %ge3A_2473 = arith.cmpi sge, %sub3A_2470, %ge3A_2472 : vector<16xi32>
      %lt3A_2474 = arith.constant 248 : i32
      %lt3A_2475 = vector.broadcast %lt3A_2474 : i32 to vector<16xi32>
      %lt3A_2476 = arith.cmpi slt, %sub3A_2470, %lt3A_2475 : vector<16xi32>
      %and3A_2477 = arith.andi %ge3A_2473, %lt3A_2476 : vector<16xi1>
      %add3A_2478 = arith.constant 128 : i32
      %add3A_2479 = vector.broadcast %add3A_2478 : i32 to vector<16xi32>
      %add3A_2480 = arith.addi %add3A_2479, %iota3A : vector<16xi32>
      tpu.vector_store_idx %arg7[%sub3A_2470, %add3A_2480], %broadcast_in_dim3A_37 masked %and3A_2477 : memref<248x256xf32, #tpu.memory_space<vmem>>[vector<16xi32>, vector<16xi32>], vector<16xf32>, vector<16xi1>
      %get3A_2481 = arith.index_cast %sub3A_2336 : i32 to index
      %get3A_2482 = arith.constant 144 : index
      %get3A_2483 = tpu.vector_load %arg5[%get3A_2481, %get3A_2482] {strides = array<i32>} : memref<2x256xi32, #tpu.memory_space<vmem>>, vector<16xi32>,
      %sub3A_2484 = arith.constant 752 : i32
      %sub3A_2485 = vector.broadcast %sub3A_2484 : i32 to vector<16xi32>
      %sub3A_2486 = arith.subi %get3A_2483, %sub3A_2485 : vector<16xi32>
      %ge3A_2487 = arith.constant 0 : i32
      %ge3A_2488 = vector.broadcast %ge3A_2487 : i32 to vector<16xi32>
      %ge3A_2489 = arith.cmpi sge, %sub3A_2486, %ge3A_2488 : vector<16xi32>
      %lt3A_2490 = arith.constant 248 : i32
      %lt3A_2491 = vector.broadcast %lt3A_2490 : i32 to vector<16xi32>
      %lt3A_2492 = arith.cmpi slt, %sub3A_2486, %lt3A_2491 : vector<16xi32>
      %and3A_2493 = arith.andi %ge3A_2489, %lt3A_2492 : vector<16xi1>
      %add3A_2494 = arith.constant 144 : i32
      %add3A_2495 = vector.broadcast %add3A_2494 : i32 to vector<16xi32>
      %add3A_2496 = arith.addi %add3A_2495, %iota3A : vector<16xi32>
      tpu.vector_store_idx %arg7[%sub3A_2486, %add3A_2496], %broadcast_in_dim3A_37 masked %and3A_2493 : memref<248x256xf32, #tpu.memory_space<vmem>>[vector<16xi32>, vector<16xi32>], vector<16xf32>, vector<16xi1>
      %get3A_2497 = arith.index_cast %sub3A_2336 : i32 to index
      %get3A_2498 = arith.constant 160 : index
      %get3A_2499 = tpu.vector_load %arg5[%get3A_2497, %get3A_2498] {strides = array<i32>} : memref<2x256xi32, #tpu.memory_space<vmem>>, vector<16xi32>,
      %sub3A_2500 = arith.constant 752 : i32
      %sub3A_2501 = vector.broadcast %sub3A_2500 : i32 to vector<16xi32>
      %sub3A_2502 = arith.subi %get3A_2499, %sub3A_2501 : vector<16xi32>
      %ge3A_2503 = arith.constant 0 : i32
      %ge3A_2504 = vector.broadcast %ge3A_2503 : i32 to vector<16xi32>
      %ge3A_2505 = arith.cmpi sge, %sub3A_2502, %ge3A_2504 : vector<16xi32>
      %lt3A_2506 = arith.constant 248 : i32
      %lt3A_2507 = vector.broadcast %lt3A_2506 : i32 to vector<16xi32>
      %lt3A_2508 = arith.cmpi slt, %sub3A_2502, %lt3A_2507 : vector<16xi32>
      %and3A_2509 = arith.andi %ge3A_2505, %lt3A_2508 : vector<16xi1>
      %add3A_2510 = arith.constant 160 : i32
      %add3A_2511 = vector.broadcast %add3A_2510 : i32 to vector<16xi32>
      %add3A_2512 = arith.addi %add3A_2511, %iota3A : vector<16xi32>
      tpu.vector_store_idx %arg7[%sub3A_2502, %add3A_2512], %broadcast_in_dim3A_37 masked %and3A_2509 : memref<248x256xf32, #tpu.memory_space<vmem>>[vector<16xi32>, vector<16xi32>], vector<16xf32>, vector<16xi1>
      %get3A_2513 = arith.index_cast %sub3A_2336 : i32 to index
      %get3A_2514 = arith.constant 176 : index
      %get3A_2515 = tpu.vector_load %arg5[%get3A_2513, %get3A_2514] {strides = array<i32>} : memref<2x256xi32, #tpu.memory_space<vmem>>, vector<16xi32>,
      %sub3A_2516 = arith.constant 752 : i32
      %sub3A_2517 = vector.broadcast %sub3A_2516 : i32 to vector<16xi32>
      %sub3A_2518 = arith.subi %get3A_2515, %sub3A_2517 : vector<16xi32>
      %ge3A_2519 = arith.constant 0 : i32
      %ge3A_2520 = vector.broadcast %ge3A_2519 : i32 to vector<16xi32>
      %ge3A_2521 = arith.cmpi sge, %sub3A_2518, %ge3A_2520 : vector<16xi32>
      %lt3A_2522 = arith.constant 248 : i32
      %lt3A_2523 = vector.broadcast %lt3A_2522 : i32 to vector<16xi32>
      %lt3A_2524 = arith.cmpi slt, %sub3A_2518, %lt3A_2523 : vector<16xi32>
      %and3A_2525 = arith.andi %ge3A_2521, %lt3A_2524 : vector<16xi1>
      %add3A_2526 = arith.constant 176 : i32
      %add3A_2527 = vector.broadcast %add3A_2526 : i32 to vector<16xi32>
      %add3A_2528 = arith.addi %add3A_2527, %iota3A : vector<16xi32>
      tpu.vector_store_idx %arg7[%sub3A_2518, %add3A_2528], %broadcast_in_dim3A_37 masked %and3A_2525 : memref<248x256xf32, #tpu.memory_space<vmem>>[vector<16xi32>, vector<16xi32>], vector<16xf32>, vector<16xi1>
      %get3A_2529 = arith.index_cast %sub3A_2336 : i32 to index
      %get3A_2530 = arith.constant 192 : index
      %get3A_2531 = tpu.vector_load %arg5[%get3A_2529, %get3A_2530] {strides = array<i32>} : memref<2x256xi32, #tpu.memory_space<vmem>>, vector<16xi32>,
      %sub3A_2532 = arith.constant 752 : i32
      %sub3A_2533 = vector.broadcast %sub3A_2532 : i32 to vector<16xi32>
      %sub3A_2534 = arith.subi %get3A_2531, %sub3A_2533 : vector<16xi32>
      %ge3A_2535 = arith.constant 0 : i32
      %ge3A_2536 = vector.broadcast %ge3A_2535 : i32 to vector<16xi32>
      %ge3A_2537 = arith.cmpi sge, %sub3A_2534, %ge3A_2536 : vector<16xi32>
      %lt3A_2538 = arith.constant 248 : i32
      %lt3A_2539 = vector.broadcast %lt3A_2538 : i32 to vector<16xi32>
      %lt3A_2540 = arith.cmpi slt, %sub3A_2534, %lt3A_2539 : vector<16xi32>
      %and3A_2541 = arith.andi %ge3A_2537, %lt3A_2540 : vector<16xi1>
      %add3A_2542 = arith.constant 192 : i32
      %add3A_2543 = vector.broadcast %add3A_2542 : i32 to vector<16xi32>
      %add3A_2544 = arith.addi %add3A_2543, %iota3A : vector<16xi32>
      tpu.vector_store_idx %arg7[%sub3A_2534, %add3A_2544], %broadcast_in_dim3A_37 masked %and3A_2541 : memref<248x256xf32, #tpu.memory_space<vmem>>[vector<16xi32>, vector<16xi32>], vector<16xf32>, vector<16xi1>
      %get3A_2545 = arith.index_cast %sub3A_2336 : i32 to index
      %get3A_2546 = arith.constant 208 : index
      %get3A_2547 = tpu.vector_load %arg5[%get3A_2545, %get3A_2546] {strides = array<i32>} : memref<2x256xi32, #tpu.memory_space<vmem>>, vector<16xi32>,
      %sub3A_2548 = arith.constant 752 : i32
      %sub3A_2549 = vector.broadcast %sub3A_2548 : i32 to vector<16xi32>
      %sub3A_2550 = arith.subi %get3A_2547, %sub3A_2549 : vector<16xi32>
      %ge3A_2551 = arith.constant 0 : i32
      %ge3A_2552 = vector.broadcast %ge3A_2551 : i32 to vector<16xi32>
      %ge3A_2553 = arith.cmpi sge, %sub3A_2550, %ge3A_2552 : vector<16xi32>
      %lt3A_2554 = arith.constant 248 : i32
      %lt3A_2555 = vector.broadcast %lt3A_2554 : i32 to vector<16xi32>
      %lt3A_2556 = arith.cmpi slt, %sub3A_2550, %lt3A_2555 : vector<16xi32>
      %and3A_2557 = arith.andi %ge3A_2553, %lt3A_2556 : vector<16xi1>
      %add3A_2558 = arith.constant 208 : i32
      %add3A_2559 = vector.broadcast %add3A_2558 : i32 to vector<16xi32>
      %add3A_2560 = arith.addi %add3A_2559, %iota3A : vector<16xi32>
      tpu.vector_store_idx %arg7[%sub3A_2550, %add3A_2560], %broadcast_in_dim3A_37 masked %and3A_2557 : memref<248x256xf32, #tpu.memory_space<vmem>>[vector<16xi32>, vector<16xi32>], vector<16xf32>, vector<16xi1>
      %get3A_2561 = arith.index_cast %sub3A_2336 : i32 to index
      %get3A_2562 = arith.constant 224 : index
      %get3A_2563 = tpu.vector_load %arg5[%get3A_2561, %get3A_2562] {strides = array<i32>} : memref<2x256xi32, #tpu.memory_space<vmem>>, vector<16xi32>,
      %sub3A_2564 = arith.constant 752 : i32
      %sub3A_2565 = vector.broadcast %sub3A_2564 : i32 to vector<16xi32>
      %sub3A_2566 = arith.subi %get3A_2563, %sub3A_2565 : vector<16xi32>
      %ge3A_2567 = arith.constant 0 : i32
      %ge3A_2568 = vector.broadcast %ge3A_2567 : i32 to vector<16xi32>
      %ge3A_2569 = arith.cmpi sge, %sub3A_2566, %ge3A_2568 : vector<16xi32>
      %lt3A_2570 = arith.constant 248 : i32
      %lt3A_2571 = vector.broadcast %lt3A_2570 : i32 to vector<16xi32>
      %lt3A_2572 = arith.cmpi slt, %sub3A_2566, %lt3A_2571 : vector<16xi32>
      %and3A_2573 = arith.andi %ge3A_2569, %lt3A_2572 : vector<16xi1>
      %add3A_2574 = arith.constant 224 : i32
      %add3A_2575 = vector.broadcast %add3A_2574 : i32 to vector<16xi32>
      %add3A_2576 = arith.addi %add3A_2575, %iota3A : vector<16xi32>
      tpu.vector_store_idx %arg7[%sub3A_2566, %add3A_2576], %broadcast_in_dim3A_37 masked %and3A_2573 : memref<248x256xf32, #tpu.memory_space<vmem>>[vector<16xi32>, vector<16xi32>], vector<16xf32>, vector<16xi1>
      %get3A_2577 = arith.index_cast %sub3A_2336 : i32 to index
      %get3A_2578 = arith.constant 240 : index
      %get3A_2579 = tpu.vector_load %arg5[%get3A_2577, %get3A_2578] {strides = array<i32>} : memref<2x256xi32, #tpu.memory_space<vmem>>, vector<16xi32>,
      %sub3A_2580 = arith.constant 752 : i32
      %sub3A_2581 = vector.broadcast %sub3A_2580 : i32 to vector<16xi32>
      %sub3A_2582 = arith.subi %get3A_2579, %sub3A_2581 : vector<16xi32>
      %ge3A_2583 = arith.constant 0 : i32
      %ge3A_2584 = vector.broadcast %ge3A_2583 : i32 to vector<16xi32>
      %ge3A_2585 = arith.cmpi sge, %sub3A_2582, %ge3A_2584 : vector<16xi32>
      %lt3A_2586 = arith.constant 248 : i32
      %lt3A_2587 = vector.broadcast %lt3A_2586 : i32 to vector<16xi32>
      %lt3A_2588 = arith.cmpi slt, %sub3A_2582, %lt3A_2587 : vector<16xi32>
      %and3A_2589 = arith.andi %ge3A_2585, %lt3A_2588 : vector<16xi1>
      %add3A_2590 = arith.constant 240 : i32
      %add3A_2591 = vector.broadcast %add3A_2590 : i32 to vector<16xi32>
      %add3A_2592 = arith.addi %add3A_2591, %iota3A : vector<16xi32>
      tpu.vector_store_idx %arg7[%sub3A_2582, %add3A_2592], %broadcast_in_dim3A_37 masked %and3A_2589 : memref<248x256xf32, #tpu.memory_space<vmem>>[vector<16xi32>, vector<16xi32>], vector<16xf32>, vector<16xi1>
      %get3A_2593 = arith.index_cast %select_n3A_1784 : i32 to index
      %get3A_2594 = arith.constant 0 : index
      %get3A_2595 = tpu.vector_load %arg5[%get3A_2593, %get3A_2594] {strides = array<i32>} : memref<2x256xi32, #tpu.memory_space<vmem>>, vector<16xi32>,
      %sub3A_2596 = arith.constant 256 : i32
      %sub3A_2597 = vector.broadcast %sub3A_2596 : i32 to vector<16xi32>
      %sub3A_2598 = arith.subi %get3A_2595, %sub3A_2597 : vector<16xi32>
      %ge3A_2599 = arith.constant 0 : i32
      %ge3A_2600 = vector.broadcast %ge3A_2599 : i32 to vector<16xi32>
      %ge3A_2601 = arith.cmpi sge, %sub3A_2598, %ge3A_2600 : vector<16xi32>
      %lt3A_2602 = arith.constant 248 : i32
      %lt3A_2603 = vector.broadcast %lt3A_2602 : i32 to vector<16xi32>
      %lt3A_2604 = arith.cmpi slt, %sub3A_2598, %lt3A_2603 : vector<16xi32>
      %and3A_2605 = arith.andi %ge3A_2601, %lt3A_2604 : vector<16xi1>
      %add3A_2606 = arith.constant 0 : i32
      %add3A_2607 = vector.broadcast %add3A_2606 : i32 to vector<16xi32>
      %add3A_2608 = arith.addi %add3A_2607, %iota3A : vector<16xi32>
      tpu.vector_store_idx %arg7[%sub3A_2598, %add3A_2608], %broadcast_in_dim3A_35 masked %and3A_2605 : memref<248x256xf32, #tpu.memory_space<vmem>>[vector<16xi32>, vector<16xi32>], vector<16xf32>, vector<16xi1>
      %get3A_2609 = arith.index_cast %select_n3A_1784 : i32 to index
      %get3A_2610 = arith.constant 16 : index
      %get3A_2611 = tpu.vector_load %arg5[%get3A_2609, %get3A_2610] {strides = array<i32>} : memref<2x256xi32, #tpu.memory_space<vmem>>, vector<16xi32>,
      %sub3A_2612 = arith.constant 256 : i32
      %sub3A_2613 = vector.broadcast %sub3A_2612 : i32 to vector<16xi32>
      %sub3A_2614 = arith.subi %get3A_2611, %sub3A_2613 : vector<16xi32>
      %ge3A_2615 = arith.constant 0 : i32
      %ge3A_2616 = vector.broadcast %ge3A_2615 : i32 to vector<16xi32>
      %ge3A_2617 = arith.cmpi sge, %sub3A_2614, %ge3A_2616 : vector<16xi32>
      %lt3A_2618 = arith.constant 248 : i32
      %lt3A_2619 = vector.broadcast %lt3A_2618 : i32 to vector<16xi32>
      %lt3A_2620 = arith.cmpi slt, %sub3A_2614, %lt3A_2619 : vector<16xi32>
      %and3A_2621 = arith.andi %ge3A_2617, %lt3A_2620 : vector<16xi1>
      %add3A_2622 = arith.constant 16 : i32
      %add3A_2623 = vector.broadcast %add3A_2622 : i32 to vector<16xi32>
      %add3A_2624 = arith.addi %add3A_2623, %iota3A : vector<16xi32>
      tpu.vector_store_idx %arg7[%sub3A_2614, %add3A_2624], %broadcast_in_dim3A_35 masked %and3A_2621 : memref<248x256xf32, #tpu.memory_space<vmem>>[vector<16xi32>, vector<16xi32>], vector<16xf32>, vector<16xi1>
      %get3A_2625 = arith.index_cast %select_n3A_1784 : i32 to index
      %get3A_2626 = arith.constant 32 : index
      %get3A_2627 = tpu.vector_load %arg5[%get3A_2625, %get3A_2626] {strides = array<i32>} : memref<2x256xi32, #tpu.memory_space<vmem>>, vector<16xi32>,
      %sub3A_2628 = arith.constant 256 : i32
      %sub3A_2629 = vector.broadcast %sub3A_2628 : i32 to vector<16xi32>
      %sub3A_2630 = arith.subi %get3A_2627, %sub3A_2629 : vector<16xi32>
      %ge3A_2631 = arith.constant 0 : i32
      %ge3A_2632 = vector.broadcast %ge3A_2631 : i32 to vector<16xi32>
      %ge3A_2633 = arith.cmpi sge, %sub3A_2630, %ge3A_2632 : vector<16xi32>
      %lt3A_2634 = arith.constant 248 : i32
      %lt3A_2635 = vector.broadcast %lt3A_2634 : i32 to vector<16xi32>
      %lt3A_2636 = arith.cmpi slt, %sub3A_2630, %lt3A_2635 : vector<16xi32>
      %and3A_2637 = arith.andi %ge3A_2633, %lt3A_2636 : vector<16xi1>
      %add3A_2638 = arith.constant 32 : i32
      %add3A_2639 = vector.broadcast %add3A_2638 : i32 to vector<16xi32>
      %add3A_2640 = arith.addi %add3A_2639, %iota3A : vector<16xi32>
      tpu.vector_store_idx %arg7[%sub3A_2630, %add3A_2640], %broadcast_in_dim3A_35 masked %and3A_2637 : memref<248x256xf32, #tpu.memory_space<vmem>>[vector<16xi32>, vector<16xi32>], vector<16xf32>, vector<16xi1>
      %get3A_2641 = arith.index_cast %select_n3A_1784 : i32 to index
      %get3A_2642 = arith.constant 48 : index
      %get3A_2643 = tpu.vector_load %arg5[%get3A_2641, %get3A_2642] {strides = array<i32>} : memref<2x256xi32, #tpu.memory_space<vmem>>, vector<16xi32>,
      %sub3A_2644 = arith.constant 256 : i32
      %sub3A_2645 = vector.broadcast %sub3A_2644 : i32 to vector<16xi32>
      %sub3A_2646 = arith.subi %get3A_2643, %sub3A_2645 : vector<16xi32>
      %ge3A_2647 = arith.constant 0 : i32
      %ge3A_2648 = vector.broadcast %ge3A_2647 : i32 to vector<16xi32>
      %ge3A_2649 = arith.cmpi sge, %sub3A_2646, %ge3A_2648 : vector<16xi32>
      %lt3A_2650 = arith.constant 248 : i32
      %lt3A_2651 = vector.broadcast %lt3A_2650 : i32 to vector<16xi32>
      %lt3A_2652 = arith.cmpi slt, %sub3A_2646, %lt3A_2651 : vector<16xi32>
      %and3A_2653 = arith.andi %ge3A_2649, %lt3A_2652 : vector<16xi1>
      %add3A_2654 = arith.constant 48 : i32
      %add3A_2655 = vector.broadcast %add3A_2654 : i32 to vector<16xi32>
      %add3A_2656 = arith.addi %add3A_2655, %iota3A : vector<16xi32>
      tpu.vector_store_idx %arg7[%sub3A_2646, %add3A_2656], %broadcast_in_dim3A_35 masked %and3A_2653 : memref<248x256xf32, #tpu.memory_space<vmem>>[vector<16xi32>, vector<16xi32>], vector<16xf32>, vector<16xi1>
      %get3A_2657 = arith.index_cast %select_n3A_1784 : i32 to index
      %get3A_2658 = arith.constant 64 : index
      %get3A_2659 = tpu.vector_load %arg5[%get3A_2657, %get3A_2658] {strides = array<i32>} : memref<2x256xi32, #tpu.memory_space<vmem>>, vector<16xi32>,
      %sub3A_2660 = arith.constant 256 : i32
      %sub3A_2661 = vector.broadcast %sub3A_2660 : i32 to vector<16xi32>
      %sub3A_2662 = arith.subi %get3A_2659, %sub3A_2661 : vector<16xi32>
      %ge3A_2663 = arith.constant 0 : i32
      %ge3A_2664 = vector.broadcast %ge3A_2663 : i32 to vector<16xi32>
      %ge3A_2665 = arith.cmpi sge, %sub3A_2662, %ge3A_2664 : vector<16xi32>
      %lt3A_2666 = arith.constant 248 : i32
      %lt3A_2667 = vector.broadcast %lt3A_2666 : i32 to vector<16xi32>
      %lt3A_2668 = arith.cmpi slt, %sub3A_2662, %lt3A_2667 : vector<16xi32>
      %and3A_2669 = arith.andi %ge3A_2665, %lt3A_2668 : vector<16xi1>
      %add3A_2670 = arith.constant 64 : i32
      %add3A_2671 = vector.broadcast %add3A_2670 : i32 to vector<16xi32>
      %add3A_2672 = arith.addi %add3A_2671, %iota3A : vector<16xi32>
      tpu.vector_store_idx %arg7[%sub3A_2662, %add3A_2672], %broadcast_in_dim3A_35 masked %and3A_2669 : memref<248x256xf32, #tpu.memory_space<vmem>>[vector<16xi32>, vector<16xi32>], vector<16xf32>, vector<16xi1>
      %get3A_2673 = arith.index_cast %select_n3A_1784 : i32 to index
      %get3A_2674 = arith.constant 80 : index
      %get3A_2675 = tpu.vector_load %arg5[%get3A_2673, %get3A_2674] {strides = array<i32>} : memref<2x256xi32, #tpu.memory_space<vmem>>, vector<16xi32>,
      %sub3A_2676 = arith.constant 256 : i32
      %sub3A_2677 = vector.broadcast %sub3A_2676 : i32 to vector<16xi32>
      %sub3A_2678 = arith.subi %get3A_2675, %sub3A_2677 : vector<16xi32>
      %ge3A_2679 = arith.constant 0 : i32
      %ge3A_2680 = vector.broadcast %ge3A_2679 : i32 to vector<16xi32>
      %ge3A_2681 = arith.cmpi sge, %sub3A_2678, %ge3A_2680 : vector<16xi32>
      %lt3A_2682 = arith.constant 248 : i32
      %lt3A_2683 = vector.broadcast %lt3A_2682 : i32 to vector<16xi32>
      %lt3A_2684 = arith.cmpi slt, %sub3A_2678, %lt3A_2683 : vector<16xi32>
      %and3A_2685 = arith.andi %ge3A_2681, %lt3A_2684 : vector<16xi1>
      %add3A_2686 = arith.constant 80 : i32
      %add3A_2687 = vector.broadcast %add3A_2686 : i32 to vector<16xi32>
      %add3A_2688 = arith.addi %add3A_2687, %iota3A : vector<16xi32>
      tpu.vector_store_idx %arg7[%sub3A_2678, %add3A_2688], %broadcast_in_dim3A_35 masked %and3A_2685 : memref<248x256xf32, #tpu.memory_space<vmem>>[vector<16xi32>, vector<16xi32>], vector<16xf32>, vector<16xi1>
      %get3A_2689 = arith.index_cast %select_n3A_1784 : i32 to index
      %get3A_2690 = arith.constant 96 : index
      %get3A_2691 = tpu.vector_load %arg5[%get3A_2689, %get3A_2690] {strides = array<i32>} : memref<2x256xi32, #tpu.memory_space<vmem>>, vector<16xi32>,
      %sub3A_2692 = arith.constant 256 : i32
      %sub3A_2693 = vector.broadcast %sub3A_2692 : i32 to vector<16xi32>
      %sub3A_2694 = arith.subi %get3A_2691, %sub3A_2693 : vector<16xi32>
      %ge3A_2695 = arith.constant 0 : i32
      %ge3A_2696 = vector.broadcast %ge3A_2695 : i32 to vector<16xi32>
      %ge3A_2697 = arith.cmpi sge, %sub3A_2694, %ge3A_2696 : vector<16xi32>
      %lt3A_2698 = arith.constant 248 : i32
      %lt3A_2699 = vector.broadcast %lt3A_2698 : i32 to vector<16xi32>
      %lt3A_2700 = arith.cmpi slt, %sub3A_2694, %lt3A_2699 : vector<16xi32>
      %and3A_2701 = arith.andi %ge3A_2697, %lt3A_2700 : vector<16xi1>
      %add3A_2702 = arith.constant 96 : i32
      %add3A_2703 = vector.broadcast %add3A_2702 : i32 to vector<16xi32>
      %add3A_2704 = arith.addi %add3A_2703, %iota3A : vector<16xi32>
      tpu.vector_store_idx %arg7[%sub3A_2694, %add3A_2704], %broadcast_in_dim3A_35 masked %and3A_2701 : memref<248x256xf32, #tpu.memory_space<vmem>>[vector<16xi32>, vector<16xi32>], vector<16xf32>, vector<16xi1>
      %get3A_2705 = arith.index_cast %select_n3A_1784 : i32 to index
      %get3A_2706 = arith.constant 112 : index
      %get3A_2707 = tpu.vector_load %arg5[%get3A_2705, %get3A_2706] {strides = array<i32>} : memref<2x256xi32, #tpu.memory_space<vmem>>, vector<16xi32>,
      %sub3A_2708 = arith.constant 256 : i32
      %sub3A_2709 = vector.broadcast %sub3A_2708 : i32 to vector<16xi32>
      %sub3A_2710 = arith.subi %get3A_2707, %sub3A_2709 : vector<16xi32>
      %ge3A_2711 = arith.constant 0 : i32
      %ge3A_2712 = vector.broadcast %ge3A_2711 : i32 to vector<16xi32>
      %ge3A_2713 = arith.cmpi sge, %sub3A_2710, %ge3A_2712 : vector<16xi32>
      %lt3A_2714 = arith.constant 248 : i32
      %lt3A_2715 = vector.broadcast %lt3A_2714 : i32 to vector<16xi32>
      %lt3A_2716 = arith.cmpi slt, %sub3A_2710, %lt3A_2715 : vector<16xi32>
      %and3A_2717 = arith.andi %ge3A_2713, %lt3A_2716 : vector<16xi1>
      %add3A_2718 = arith.constant 112 : i32
      %add3A_2719 = vector.broadcast %add3A_2718 : i32 to vector<16xi32>
      %add3A_2720 = arith.addi %add3A_2719, %iota3A : vector<16xi32>
      tpu.vector_store_idx %arg7[%sub3A_2710, %add3A_2720], %broadcast_in_dim3A_35 masked %and3A_2717 : memref<248x256xf32, #tpu.memory_space<vmem>>[vector<16xi32>, vector<16xi32>], vector<16xf32>, vector<16xi1>
      %get3A_2721 = arith.index_cast %select_n3A_1784 : i32 to index
      %get3A_2722 = arith.constant 128 : index
      %get3A_2723 = tpu.vector_load %arg5[%get3A_2721, %get3A_2722] {strides = array<i32>} : memref<2x256xi32, #tpu.memory_space<vmem>>, vector<16xi32>,
      %sub3A_2724 = arith.constant 256 : i32
      %sub3A_2725 = vector.broadcast %sub3A_2724 : i32 to vector<16xi32>
      %sub3A_2726 = arith.subi %get3A_2723, %sub3A_2725 : vector<16xi32>
      %ge3A_2727 = arith.constant 0 : i32
      %ge3A_2728 = vector.broadcast %ge3A_2727 : i32 to vector<16xi32>
      %ge3A_2729 = arith.cmpi sge, %sub3A_2726, %ge3A_2728 : vector<16xi32>
      %lt3A_2730 = arith.constant 248 : i32
      %lt3A_2731 = vector.broadcast %lt3A_2730 : i32 to vector<16xi32>
      %lt3A_2732 = arith.cmpi slt, %sub3A_2726, %lt3A_2731 : vector<16xi32>
      %and3A_2733 = arith.andi %ge3A_2729, %lt3A_2732 : vector<16xi1>
      %add3A_2734 = arith.constant 128 : i32
      %add3A_2735 = vector.broadcast %add3A_2734 : i32 to vector<16xi32>
      %add3A_2736 = arith.addi %add3A_2735, %iota3A : vector<16xi32>
      tpu.vector_store_idx %arg7[%sub3A_2726, %add3A_2736], %broadcast_in_dim3A_35 masked %and3A_2733 : memref<248x256xf32, #tpu.memory_space<vmem>>[vector<16xi32>, vector<16xi32>], vector<16xf32>, vector<16xi1>
      %get3A_2737 = arith.index_cast %select_n3A_1784 : i32 to index
      %get3A_2738 = arith.constant 144 : index
      %get3A_2739 = tpu.vector_load %arg5[%get3A_2737, %get3A_2738] {strides = array<i32>} : memref<2x256xi32, #tpu.memory_space<vmem>>, vector<16xi32>,
      %sub3A_2740 = arith.constant 256 : i32
      %sub3A_2741 = vector.broadcast %sub3A_2740 : i32 to vector<16xi32>
      %sub3A_2742 = arith.subi %get3A_2739, %sub3A_2741 : vector<16xi32>
      %ge3A_2743 = arith.constant 0 : i32
      %ge3A_2744 = vector.broadcast %ge3A_2743 : i32 to vector<16xi32>
      %ge3A_2745 = arith.cmpi sge, %sub3A_2742, %ge3A_2744 : vector<16xi32>
      %lt3A_2746 = arith.constant 248 : i32
      %lt3A_2747 = vector.broadcast %lt3A_2746 : i32 to vector<16xi32>
      %lt3A_2748 = arith.cmpi slt, %sub3A_2742, %lt3A_2747 : vector<16xi32>
      %and3A_2749 = arith.andi %ge3A_2745, %lt3A_2748 : vector<16xi1>
      %add3A_2750 = arith.constant 144 : i32
      %add3A_2751 = vector.broadcast %add3A_2750 : i32 to vector<16xi32>
      %add3A_2752 = arith.addi %add3A_2751, %iota3A : vector<16xi32>
      tpu.vector_store_idx %arg7[%sub3A_2742, %add3A_2752], %broadcast_in_dim3A_35 masked %and3A_2749 : memref<248x256xf32, #tpu.memory_space<vmem>>[vector<16xi32>, vector<16xi32>], vector<16xf32>, vector<16xi1>
      %get3A_2753 = arith.index_cast %select_n3A_1784 : i32 to index
      %get3A_2754 = arith.constant 160 : index
      %get3A_2755 = tpu.vector_load %arg5[%get3A_2753, %get3A_2754] {strides = array<i32>} : memref<2x256xi32, #tpu.memory_space<vmem>>, vector<16xi32>,
      %sub3A_2756 = arith.constant 256 : i32
      %sub3A_2757 = vector.broadcast %sub3A_2756 : i32 to vector<16xi32>
      %sub3A_2758 = arith.subi %get3A_2755, %sub3A_2757 : vector<16xi32>
      %ge3A_2759 = arith.constant 0 : i32
      %ge3A_2760 = vector.broadcast %ge3A_2759 : i32 to vector<16xi32>
      %ge3A_2761 = arith.cmpi sge, %sub3A_2758, %ge3A_2760 : vector<16xi32>
      %lt3A_2762 = arith.constant 248 : i32
      %lt3A_2763 = vector.broadcast %lt3A_2762 : i32 to vector<16xi32>
      %lt3A_2764 = arith.cmpi slt, %sub3A_2758, %lt3A_2763 : vector<16xi32>
      %and3A_2765 = arith.andi %ge3A_2761, %lt3A_2764 : vector<16xi1>
      %add3A_2766 = arith.constant 160 : i32
      %add3A_2767 = vector.broadcast %add3A_2766 : i32 to vector<16xi32>
      %add3A_2768 = arith.addi %add3A_2767, %iota3A : vector<16xi32>
      tpu.vector_store_idx %arg7[%sub3A_2758, %add3A_2768], %broadcast_in_dim3A_35 masked %and3A_2765 : memref<248x256xf32, #tpu.memory_space<vmem>>[vector<16xi32>, vector<16xi32>], vector<16xf32>, vector<16xi1>
      %get3A_2769 = arith.index_cast %select_n3A_1784 : i32 to index
      %get3A_2770 = arith.constant 176 : index
      %get3A_2771 = tpu.vector_load %arg5[%get3A_2769, %get3A_2770] {strides = array<i32>} : memref<2x256xi32, #tpu.memory_space<vmem>>, vector<16xi32>,
      %sub3A_2772 = arith.constant 256 : i32
      %sub3A_2773 = vector.broadcast %sub3A_2772 : i32 to vector<16xi32>
      %sub3A_2774 = arith.subi %get3A_2771, %sub3A_2773 : vector<16xi32>
      %ge3A_2775 = arith.constant 0 : i32
      %ge3A_2776 = vector.broadcast %ge3A_2775 : i32 to vector<16xi32>
      %ge3A_2777 = arith.cmpi sge, %sub3A_2774, %ge3A_2776 : vector<16xi32>
      %lt3A_2778 = arith.constant 248 : i32
      %lt3A_2779 = vector.broadcast %lt3A_2778 : i32 to vector<16xi32>
      %lt3A_2780 = arith.cmpi slt, %sub3A_2774, %lt3A_2779 : vector<16xi32>
      %and3A_2781 = arith.andi %ge3A_2777, %lt3A_2780 : vector<16xi1>
      %add3A_2782 = arith.constant 176 : i32
      %add3A_2783 = vector.broadcast %add3A_2782 : i32 to vector<16xi32>
      %add3A_2784 = arith.addi %add3A_2783, %iota3A : vector<16xi32>
      tpu.vector_store_idx %arg7[%sub3A_2774, %add3A_2784], %broadcast_in_dim3A_35 masked %and3A_2781 : memref<248x256xf32, #tpu.memory_space<vmem>>[vector<16xi32>, vector<16xi32>], vector<16xf32>, vector<16xi1>
      %get3A_2785 = arith.index_cast %select_n3A_1784 : i32 to index
      %get3A_2786 = arith.constant 192 : index
      %get3A_2787 = tpu.vector_load %arg5[%get3A_2785, %get3A_2786] {strides = array<i32>} : memref<2x256xi32, #tpu.memory_space<vmem>>, vector<16xi32>,
      %sub3A_2788 = arith.constant 256 : i32
      %sub3A_2789 = vector.broadcast %sub3A_2788 : i32 to vector<16xi32>
      %sub3A_2790 = arith.subi %get3A_2787, %sub3A_2789 : vector<16xi32>
      %ge3A_2791 = arith.constant 0 : i32
      %ge3A_2792 = vector.broadcast %ge3A_2791 : i32 to vector<16xi32>
      %ge3A_2793 = arith.cmpi sge, %sub3A_2790, %ge3A_2792 : vector<16xi32>
      %lt3A_2794 = arith.constant 248 : i32
      %lt3A_2795 = vector.broadcast %lt3A_2794 : i32 to vector<16xi32>
      %lt3A_2796 = arith.cmpi slt, %sub3A_2790, %lt3A_2795 : vector<16xi32>
      %and3A_2797 = arith.andi %ge3A_2793, %lt3A_2796 : vector<16xi1>
      %add3A_2798 = arith.constant 192 : i32
      %add3A_2799 = vector.broadcast %add3A_2798 : i32 to vector<16xi32>
      %add3A_2800 = arith.addi %add3A_2799, %iota3A : vector<16xi32>
      tpu.vector_store_idx %arg7[%sub3A_2790, %add3A_2800], %broadcast_in_dim3A_35 masked %and3A_2797 : memref<248x256xf32, #tpu.memory_space<vmem>>[vector<16xi32>, vector<16xi32>], vector<16xf32>, vector<16xi1>
      %get3A_2801 = arith.index_cast %select_n3A_1784 : i32 to index
      %get3A_2802 = arith.constant 208 : index
      %get3A_2803 = tpu.vector_load %arg5[%get3A_2801, %get3A_2802] {strides = array<i32>} : memref<2x256xi32, #tpu.memory_space<vmem>>, vector<16xi32>,
      %sub3A_2804 = arith.constant 256 : i32
      %sub3A_2805 = vector.broadcast %sub3A_2804 : i32 to vector<16xi32>
      %sub3A_2806 = arith.subi %get3A_2803, %sub3A_2805 : vector<16xi32>
      %ge3A_2807 = arith.constant 0 : i32
      %ge3A_2808 = vector.broadcast %ge3A_2807 : i32 to vector<16xi32>
      %ge3A_2809 = arith.cmpi sge, %sub3A_2806, %ge3A_2808 : vector<16xi32>
      %lt3A_2810 = arith.constant 248 : i32
      %lt3A_2811 = vector.broadcast %lt3A_2810 : i32 to vector<16xi32>
      %lt3A_2812 = arith.cmpi slt, %sub3A_2806, %lt3A_2811 : vector<16xi32>
      %and3A_2813 = arith.andi %ge3A_2809, %lt3A_2812 : vector<16xi1>
      %add3A_2814 = arith.constant 208 : i32
      %add3A_2815 = vector.broadcast %add3A_2814 : i32 to vector<16xi32>
      %add3A_2816 = arith.addi %add3A_2815, %iota3A : vector<16xi32>
      tpu.vector_store_idx %arg7[%sub3A_2806, %add3A_2816], %broadcast_in_dim3A_35 masked %and3A_2813 : memref<248x256xf32, #tpu.memory_space<vmem>>[vector<16xi32>, vector<16xi32>], vector<16xf32>, vector<16xi1>
      %get3A_2817 = arith.index_cast %select_n3A_1784 : i32 to index
      %get3A_2818 = arith.constant 224 : index
      %get3A_2819 = tpu.vector_load %arg5[%get3A_2817, %get3A_2818] {strides = array<i32>} : memref<2x256xi32, #tpu.memory_space<vmem>>, vector<16xi32>,
      %sub3A_2820 = arith.constant 256 : i32
      %sub3A_2821 = vector.broadcast %sub3A_2820 : i32 to vector<16xi32>
      %sub3A_2822 = arith.subi %get3A_2819, %sub3A_2821 : vector<16xi32>
      %ge3A_2823 = arith.constant 0 : i32
      %ge3A_2824 = vector.broadcast %ge3A_2823 : i32 to vector<16xi32>
      %ge3A_2825 = arith.cmpi sge, %sub3A_2822, %ge3A_2824 : vector<16xi32>
      %lt3A_2826 = arith.constant 248 : i32
      %lt3A_2827 = vector.broadcast %lt3A_2826 : i32 to vector<16xi32>
      %lt3A_2828 = arith.cmpi slt, %sub3A_2822, %lt3A_2827 : vector<16xi32>
      %and3A_2829 = arith.andi %ge3A_2825, %lt3A_2828 : vector<16xi1>
      %add3A_2830 = arith.constant 224 : i32
      %add3A_2831 = vector.broadcast %add3A_2830 : i32 to vector<16xi32>
      %add3A_2832 = arith.addi %add3A_2831, %iota3A : vector<16xi32>
      tpu.vector_store_idx %arg7[%sub3A_2822, %add3A_2832], %broadcast_in_dim3A_35 masked %and3A_2829 : memref<248x256xf32, #tpu.memory_space<vmem>>[vector<16xi32>, vector<16xi32>], vector<16xf32>, vector<16xi1>
      %get3A_2833 = arith.index_cast %select_n3A_1784 : i32 to index
      %get3A_2834 = arith.constant 240 : index
      %get3A_2835 = tpu.vector_load %arg5[%get3A_2833, %get3A_2834] {strides = array<i32>} : memref<2x256xi32, #tpu.memory_space<vmem>>, vector<16xi32>,
      %sub3A_2836 = arith.constant 256 : i32
      %sub3A_2837 = vector.broadcast %sub3A_2836 : i32 to vector<16xi32>
      %sub3A_2838 = arith.subi %get3A_2835, %sub3A_2837 : vector<16xi32>
      %ge3A_2839 = arith.constant 0 : i32
      %ge3A_2840 = vector.broadcast %ge3A_2839 : i32 to vector<16xi32>
      %ge3A_2841 = arith.cmpi sge, %sub3A_2838, %ge3A_2840 : vector<16xi32>
      %lt3A_2842 = arith.constant 248 : i32
      %lt3A_2843 = vector.broadcast %lt3A_2842 : i32 to vector<16xi32>
      %lt3A_2844 = arith.cmpi slt, %sub3A_2838, %lt3A_2843 : vector<16xi32>
      %and3A_2845 = arith.andi %ge3A_2841, %lt3A_2844 : vector<16xi1>
      %add3A_2846 = arith.constant 240 : i32
      %add3A_2847 = vector.broadcast %add3A_2846 : i32 to vector<16xi32>
      %add3A_2848 = arith.addi %add3A_2847, %iota3A : vector<16xi32>
      tpu.vector_store_idx %arg7[%sub3A_2838, %add3A_2848], %broadcast_in_dim3A_35 masked %and3A_2845 : memref<248x256xf32, #tpu.memory_space<vmem>>[vector<16xi32>, vector<16xi32>], vector<16xf32>, vector<16xi1>
      %dma_start3A_2849 = arith.constant 0 : i32
      %dma_start3A_2850 = arith.constant 0 : i32
      %dma_start3A_2851 = tpu.memref_slice %arg7[%dma_start3A_2849, %dma_start3A_2850] : memref<248x256xf32, #tpu.memory_space<vmem>> -> memref<248x256xf32, #tpu.memory_space<vmem>>
      %dma_start3A_2852 = arith.constant 256 : i32
      %dma_start3A_2853 = tpu.memref_slice %arg4[%add3A_1768, %dma_start3A_2852, %mul3A_32] : memref<20x1000x4096xf32, #tpu.memory_space<hbm>> -> memref<1x248x256xf32, #tpu.memory_space<hbm>>
      %dma_start3A_2854 = tpu.memref_squeeze %dma_start3A_2853 : memref<1x248x256xf32, #tpu.memory_space<hbm>> -> memref<248x256xf32, #tpu.memory_space<hbm>>
      %dma_start3A_2855 = arith.constant 256 : i32
      %dma_start3A_2856 = tpu.memref_slice %arg4[%add3A_1768, %dma_start3A_2855, %mul3A_32] : memref<20x1000x4096xf32, #tpu.memory_space<hbm>> -> memref<1x248x256xf32, #tpu.memory_space<hbm>>
      %dma_start3A_2857 = tpu.memref_squeeze %dma_start3A_2856 : memref<1x248x256xf32, #tpu.memory_space<hbm>> -> memref<248x256xf32, #tpu.memory_space<hbm>>
      %dma_start3A_2858 = arith.constant 0 : i32
      %dma_start3A_2859 = arith.constant 0 : i32
      %dma_start3A_2860 = tpu.memref_slice %arg7[%dma_start3A_2858, %dma_start3A_2859] : memref<248x256xf32, #tpu.memory_space<vmem>> -> memref<248x256xf32, #tpu.memory_space<vmem>>
      tpu.enqueue_dma source(%dma_start3A_2860 : memref<248x256xf32, #tpu.memory_space<vmem>>) target(%dma_start3A_2857 : memref<248x256xf32, #tpu.memory_space<hbm>>) target_semaphore(%arg9 : memref<!tpu.dma_semaphore, #tpu.memory_space<semaphore_mem>>)
      %dma_wait3A_2861 = arith.constant 0 : i32
      %dma_wait3A_2862 = arith.constant 0 : i32
      %dma_wait3A_2863 = tpu.memref_slice %arg6[%dma_wait3A_2861, %dma_wait3A_2862] : memref<256x256xf32, #tpu.memory_space<vmem>> -> memref<256x256xf32, #tpu.memory_space<vmem>>
      %dma_wait3A_2864 = arith.constant 0 : i32
      %dma_wait3A_2865 = tpu.memref_slice %arg4[%mul3A_34, %dma_wait3A_2864, %mul3A_32] : memref<20x1000x4096xf32, #tpu.memory_space<hbm>> -> memref<1x256x256xf32, #tpu.memory_space<hbm>>
      %dma_wait3A_2866 = tpu.memref_squeeze %dma_wait3A_2865 : memref<1x256x256xf32, #tpu.memory_space<hbm>> -> memref<256x256xf32, #tpu.memory_space<hbm>>
      %dma_wait3A_2867 = arith.constant 0 : i32
      %dma_wait3A_2868 = tpu.memref_slice %arg4[%mul3A_34, %dma_wait3A_2867, %mul3A_32] : memref<20x1000x4096xf32, #tpu.memory_space<hbm>> -> memref<1x256x256xf32, #tpu.memory_space<hbm>>
      %dma_wait3A_2869 = tpu.memref_squeeze %dma_wait3A_2868 : memref<1x256x256xf32, #tpu.memory_space<hbm>> -> memref<256x256xf32, #tpu.memory_space<hbm>>
      %dma_wait3A_2870 = arith.constant 0 : i32
      %dma_wait3A_2871 = arith.constant 0 : i32
      %dma_wait3A_2872 = tpu.memref_slice %arg6[%dma_wait3A_2870, %dma_wait3A_2871] : memref<256x256xf32, #tpu.memory_space<vmem>> -> memref<256x256xf32, #tpu.memory_space<vmem>>
      tpu.wait_dma2 semaphore(%arg8 : memref<!tpu.dma_semaphore, #tpu.memory_space<semaphore_mem>>) src(%dma_wait3A_2872 : memref<256x256xf32, #tpu.memory_space<vmem>>) dst(%dma_wait3A_2869 : memref<256x256xf32, #tpu.memory_space<hbm>>)
      %get3A_2873 = arith.index_cast %select_n3A_1784 : i32 to index
      %get3A_2874 = arith.constant 0 : index
      %get3A_2875 = tpu.vector_load %arg5[%get3A_2873, %get3A_2874] {strides = array<i32>} : memref<2x256xi32, #tpu.memory_space<vmem>>, vector<16xi32>,
      %sub3A_2876 = arith.constant 0 : i32
      %sub3A_2877 = vector.broadcast %sub3A_2876 : i32 to vector<16xi32>
      %sub3A_2878 = arith.subi %get3A_2875, %sub3A_2877 : vector<16xi32>
      %ge3A_2879 = arith.constant 0 : i32
      %ge3A_2880 = vector.broadcast %ge3A_2879 : i32 to vector<16xi32>
      %ge3A_2881 = arith.cmpi sge, %sub3A_2878, %ge3A_2880 : vector<16xi32>
      %lt3A_2882 = arith.constant 256 : i32
      %lt3A_2883 = vector.broadcast %lt3A_2882 : i32 to vector<16xi32>
      %lt3A_2884 = arith.cmpi slt, %sub3A_2878, %lt3A_2883 : vector<16xi32>
      %and3A_2885 = arith.andi %ge3A_2881, %lt3A_2884 : vector<16xi1>
      %add3A_2886 = arith.constant 0 : i32
      %add3A_2887 = vector.broadcast %add3A_2886 : i32 to vector<16xi32>
      %add3A_2888 = arith.addi %add3A_2887, %iota3A : vector<16xi32>
      tpu.vector_store_idx %arg6[%sub3A_2878, %add3A_2888], %broadcast_in_dim3A_37 masked %and3A_2885 : memref<256x256xf32, #tpu.memory_space<vmem>>[vector<16xi32>, vector<16xi32>], vector<16xf32>, vector<16xi1>
      %get3A_2889 = arith.index_cast %select_n3A_1784 : i32 to index
      %get3A_2890 = arith.constant 16 : index
      %get3A_2891 = tpu.vector_load %arg5[%get3A_2889, %get3A_2890] {strides = array<i32>} : memref<2x256xi32, #tpu.memory_space<vmem>>, vector<16xi32>,
      %sub3A_2892 = arith.constant 0 : i32
      %sub3A_2893 = vector.broadcast %sub3A_2892 : i32 to vector<16xi32>
      %sub3A_2894 = arith.subi %get3A_2891, %sub3A_2893 : vector<16xi32>
      %ge3A_2895 = arith.constant 0 : i32
      %ge3A_2896 = vector.broadcast %ge3A_2895 : i32 to vector<16xi32>
      %ge3A_2897 = arith.cmpi sge, %sub3A_2894, %ge3A_2896 : vector<16xi32>
      %lt3A_2898 = arith.constant 256 : i32
      %lt3A_2899 = vector.broadcast %lt3A_2898 : i32 to vector<16xi32>
      %lt3A_2900 = arith.cmpi slt, %sub3A_2894, %lt3A_2899 : vector<16xi32>
      %and3A_2901 = arith.andi %ge3A_2897, %lt3A_2900 : vector<16xi1>
      %add3A_2902 = arith.constant 16 : i32
      %add3A_2903 = vector.broadcast %add3A_2902 : i32 to vector<16xi32>
      %add3A_2904 = arith.addi %add3A_2903, %iota3A : vector<16xi32>
      tpu.vector_store_idx %arg6[%sub3A_2894, %add3A_2904], %broadcast_in_dim3A_37 masked %and3A_2901 : memref<256x256xf32, #tpu.memory_space<vmem>>[vector<16xi32>, vector<16xi32>], vector<16xf32>, vector<16xi1>
      %get3A_2905 = arith.index_cast %select_n3A_1784 : i32 to index
      %get3A_2906 = arith.constant 32 : index
      %get3A_2907 = tpu.vector_load %arg5[%get3A_2905, %get3A_2906] {strides = array<i32>} : memref<2x256xi32, #tpu.memory_space<vmem>>, vector<16xi32>,
      %sub3A_2908 = arith.constant 0 : i32
      %sub3A_2909 = vector.broadcast %sub3A_2908 : i32 to vector<16xi32>
      %sub3A_2910 = arith.subi %get3A_2907, %sub3A_2909 : vector<16xi32>
      %ge3A_2911 = arith.constant 0 : i32
      %ge3A_2912 = vector.broadcast %ge3A_2911 : i32 to vector<16xi32>
      %ge3A_2913 = arith.cmpi sge, %sub3A_2910, %ge3A_2912 : vector<16xi32>
      %lt3A_2914 = arith.constant 256 : i32
      %lt3A_2915 = vector.broadcast %lt3A_2914 : i32 to vector<16xi32>
      %lt3A_2916 = arith.cmpi slt, %sub3A_2910, %lt3A_2915 : vector<16xi32>
      %and3A_2917 = arith.andi %ge3A_2913, %lt3A_2916 : vector<16xi1>
      %add3A_2918 = arith.constant 32 : i32
      %add3A_2919 = vector.broadcast %add3A_2918 : i32 to vector<16xi32>
      %add3A_2920 = arith.addi %add3A_2919, %iota3A : vector<16xi32>
      tpu.vector_store_idx %arg6[%sub3A_2910, %add3A_2920], %broadcast_in_dim3A_37 masked %and3A_2917 : memref<256x256xf32, #tpu.memory_space<vmem>>[vector<16xi32>, vector<16xi32>], vector<16xf32>, vector<16xi1>
      %get3A_2921 = arith.index_cast %select_n3A_1784 : i32 to index
      %get3A_2922 = arith.constant 48 : index
      %get3A_2923 = tpu.vector_load %arg5[%get3A_2921, %get3A_2922] {strides = array<i32>} : memref<2x256xi32, #tpu.memory_space<vmem>>, vector<16xi32>,
      %sub3A_2924 = arith.constant 0 : i32
      %sub3A_2925 = vector.broadcast %sub3A_2924 : i32 to vector<16xi32>
      %sub3A_2926 = arith.subi %get3A_2923, %sub3A_2925 : vector<16xi32>
      %ge3A_2927 = arith.constant 0 : i32
      %ge3A_2928 = vector.broadcast %ge3A_2927 : i32 to vector<16xi32>
      %ge3A_2929 = arith.cmpi sge, %sub3A_2926, %ge3A_2928 : vector<16xi32>
      %lt3A_2930 = arith.constant 256 : i32
      %lt3A_2931 = vector.broadcast %lt3A_2930 : i32 to vector<16xi32>
      %lt3A_2932 = arith.cmpi slt, %sub3A_2926, %lt3A_2931 : vector<16xi32>
      %and3A_2933 = arith.andi %ge3A_2929, %lt3A_2932 : vector<16xi1>
      %add3A_2934 = arith.constant 48 : i32
      %add3A_2935 = vector.broadcast %add3A_2934 : i32 to vector<16xi32>
      %add3A_2936 = arith.addi %add3A_2935, %iota3A : vector<16xi32>
      tpu.vector_store_idx %arg6[%sub3A_2926, %add3A_2936], %broadcast_in_dim3A_37 masked %and3A_2933 : memref<256x256xf32, #tpu.memory_space<vmem>>[vector<16xi32>, vector<16xi32>], vector<16xf32>, vector<16xi1>
      %get3A_2937 = arith.index_cast %select_n3A_1784 : i32 to index
      %get3A_2938 = arith.constant 64 : index
      %get3A_2939 = tpu.vector_load %arg5[%get3A_2937, %get3A_2938] {strides = array<i32>} : memref<2x256xi32, #tpu.memory_space<vmem>>, vector<16xi32>,
      %sub3A_2940 = arith.constant 0 : i32
      %sub3A_2941 = vector.broadcast %sub3A_2940 : i32 to vector<16xi32>
      %sub3A_2942 = arith.subi %get3A_2939, %sub3A_2941 : vector<16xi32>
      %ge3A_2943 = arith.constant 0 : i32
      %ge3A_2944 = vector.broadcast %ge3A_2943 : i32 to vector<16xi32>
      %ge3A_2945 = arith.cmpi sge, %sub3A_2942, %ge3A_2944 : vector<16xi32>
      %lt3A_2946 = arith.constant 256 : i32
      %lt3A_2947 = vector.broadcast %lt3A_2946 : i32 to vector<16xi32>
      %lt3A_2948 = arith.cmpi slt, %sub3A_2942, %lt3A_2947 : vector<16xi32>
      %and3A_2949 = arith.andi %ge3A_2945, %lt3A_2948 : vector<16xi1>
      %add3A_2950 = arith.constant 64 : i32
      %add3A_2951 = vector.broadcast %add3A_2950 : i32 to vector<16xi32>
      %add3A_2952 = arith.addi %add3A_2951, %iota3A : vector<16xi32>
      tpu.vector_store_idx %arg6[%sub3A_2942, %add3A_2952], %broadcast_in_dim3A_37 masked %and3A_2949 : memref<256x256xf32, #tpu.memory_space<vmem>>[vector<16xi32>, vector<16xi32>], vector<16xf32>, vector<16xi1>
      %get3A_2953 = arith.index_cast %select_n3A_1784 : i32 to index
      %get3A_2954 = arith.constant 80 : index
      %get3A_2955 = tpu.vector_load %arg5[%get3A_2953, %get3A_2954] {strides = array<i32>} : memref<2x256xi32, #tpu.memory_space<vmem>>, vector<16xi32>,
      %sub3A_2956 = arith.constant 0 : i32
      %sub3A_2957 = vector.broadcast %sub3A_2956 : i32 to vector<16xi32>
      %sub3A_2958 = arith.subi %get3A_2955, %sub3A_2957 : vector<16xi32>
      %ge3A_2959 = arith.constant 0 : i32
      %ge3A_2960 = vector.broadcast %ge3A_2959 : i32 to vector<16xi32>
      %ge3A_2961 = arith.cmpi sge, %sub3A_2958, %ge3A_2960 : vector<16xi32>
      %lt3A_2962 = arith.constant 256 : i32
      %lt3A_2963 = vector.broadcast %lt3A_2962 : i32 to vector<16xi32>
      %lt3A_2964 = arith.cmpi slt, %sub3A_2958, %lt3A_2963 : vector<16xi32>
      %and3A_2965 = arith.andi %ge3A_2961, %lt3A_2964 : vector<16xi1>
      %add3A_2966 = arith.constant 80 : i32
      %add3A_2967 = vector.broadcast %add3A_2966 : i32 to vector<16xi32>
      %add3A_2968 = arith.addi %add3A_2967, %iota3A : vector<16xi32>
      tpu.vector_store_idx %arg6[%sub3A_2958, %add3A_2968], %broadcast_in_dim3A_37 masked %and3A_2965 : memref<256x256xf32, #tpu.memory_space<vmem>>[vector<16xi32>, vector<16xi32>], vector<16xf32>, vector<16xi1>
      %get3A_2969 = arith.index_cast %select_n3A_1784 : i32 to index
      %get3A_2970 = arith.constant 96 : index
      %get3A_2971 = tpu.vector_load %arg5[%get3A_2969, %get3A_2970] {strides = array<i32>} : memref<2x256xi32, #tpu.memory_space<vmem>>, vector<16xi32>,
      %sub3A_2972 = arith.constant 0 : i32
      %sub3A_2973 = vector.broadcast %sub3A_2972 : i32 to vector<16xi32>
      %sub3A_2974 = arith.subi %get3A_2971, %sub3A_2973 : vector<16xi32>
      %ge3A_2975 = arith.constant 0 : i32
      %ge3A_2976 = vector.broadcast %ge3A_2975 : i32 to vector<16xi32>
      %ge3A_2977 = arith.cmpi sge, %sub3A_2974, %ge3A_2976 : vector<16xi32>
      %lt3A_2978 = arith.constant 256 : i32
      %lt3A_2979 = vector.broadcast %lt3A_2978 : i32 to vector<16xi32>
      %lt3A_2980 = arith.cmpi slt, %sub3A_2974, %lt3A_2979 : vector<16xi32>
      %and3A_2981 = arith.andi %ge3A_2977, %lt3A_2980 : vector<16xi1>
      %add3A_2982 = arith.constant 96 : i32
      %add3A_2983 = vector.broadcast %add3A_2982 : i32 to vector<16xi32>
      %add3A_2984 = arith.addi %add3A_2983, %iota3A : vector<16xi32>
      tpu.vector_store_idx %arg6[%sub3A_2974, %add3A_2984], %broadcast_in_dim3A_37 masked %and3A_2981 : memref<256x256xf32, #tpu.memory_space<vmem>>[vector<16xi32>, vector<16xi32>], vector<16xf32>, vector<16xi1>
      %get3A_2985 = arith.index_cast %select_n3A_1784 : i32 to index
      %get3A_2986 = arith.constant 112 : index
      %get3A_2987 = tpu.vector_load %arg5[%get3A_2985, %get3A_2986] {strides = array<i32>} : memref<2x256xi32, #tpu.memory_space<vmem>>, vector<16xi32>,
      %sub3A_2988 = arith.constant 0 : i32
      %sub3A_2989 = vector.broadcast %sub3A_2988 : i32 to vector<16xi32>
      %sub3A_2990 = arith.subi %get3A_2987, %sub3A_2989 : vector<16xi32>
      %ge3A_2991 = arith.constant 0 : i32
      %ge3A_2992 = vector.broadcast %ge3A_2991 : i32 to vector<16xi32>
      %ge3A_2993 = arith.cmpi sge, %sub3A_2990, %ge3A_2992 : vector<16xi32>
      %lt3A_2994 = arith.constant 256 : i32
      %lt3A_2995 = vector.broadcast %lt3A_2994 : i32 to vector<16xi32>
      %lt3A_2996 = arith.cmpi slt, %sub3A_2990, %lt3A_2995 : vector<16xi32>
      %and3A_2997 = arith.andi %ge3A_2993, %lt3A_2996 : vector<16xi1>
      %add3A_2998 = arith.constant 112 : i32
      %add3A_2999 = vector.broadcast %add3A_2998 : i32 to vector<16xi32>
      %add3A_3000 = arith.addi %add3A_2999, %iota3A : vector<16xi32>
      tpu.vector_store_idx %arg6[%sub3A_2990, %add3A_3000], %broadcast_in_dim3A_37 masked %and3A_2997 : memref<256x256xf32, #tpu.memory_space<vmem>>[vector<16xi32>, vector<16xi32>], vector<16xf32>, vector<16xi1>
      %get3A_3001 = arith.index_cast %select_n3A_1784 : i32 to index
      %get3A_3002 = arith.constant 128 : index
      %get3A_3003 = tpu.vector_load %arg5[%get3A_3001, %get3A_3002] {strides = array<i32>} : memref<2x256xi32, #tpu.memory_space<vmem>>, vector<16xi32>,
      %sub3A_3004 = arith.constant 0 : i32
      %sub3A_3005 = vector.broadcast %sub3A_3004 : i32 to vector<16xi32>
      %sub3A_3006 = arith.subi %get3A_3003, %sub3A_3005 : vector<16xi32>
      %ge3A_3007 = arith.constant 0 : i32
      %ge3A_3008 = vector.broadcast %ge3A_3007 : i32 to vector<16xi32>
      %ge3A_3009 = arith.cmpi sge, %sub3A_3006, %ge3A_3008 : vector<16xi32>
      %lt3A_3010 = arith.constant 256 : i32
      %lt3A_3011 = vector.broadcast %lt3A_3010 : i32 to vector<16xi32>
      %lt3A_3012 = arith.cmpi slt, %sub3A_3006, %lt3A_3011 : vector<16xi32>
      %and3A_3013 = arith.andi %ge3A_3009, %lt3A_3012 : vector<16xi1>
      %add3A_3014 = arith.constant 128 : i32
      %add3A_3015 = vector.broadcast %add3A_3014 : i32 to vector<16xi32>
      %add3A_3016 = arith.addi %add3A_3015, %iota3A : vector<16xi32>
      tpu.vector_store_idx %arg6[%sub3A_3006, %add3A_3016], %broadcast_in_dim3A_37 masked %and3A_3013 : memref<256x256xf32, #tpu.memory_space<vmem>>[vector<16xi32>, vector<16xi32>], vector<16xf32>, vector<16xi1>
      %get3A_3017 = arith.index_cast %select_n3A_1784 : i32 to index
      %get3A_3018 = arith.constant 144 : index
      %get3A_3019 = tpu.vector_load %arg5[%get3A_3017, %get3A_3018] {strides = array<i32>} : memref<2x256xi32, #tpu.memory_space<vmem>>, vector<16xi32>,
      %sub3A_3020 = arith.constant 0 : i32
      %sub3A_3021 = vector.broadcast %sub3A_3020 : i32 to vector<16xi32>
      %sub3A_3022 = arith.subi %get3A_3019, %sub3A_3021 : vector<16xi32>
      %ge3A_3023 = arith.constant 0 : i32
      %ge3A_3024 = vector.broadcast %ge3A_3023 : i32 to vector<16xi32>
      %ge3A_3025 = arith.cmpi sge, %sub3A_3022, %ge3A_3024 : vector<16xi32>
      %lt3A_3026 = arith.constant 256 : i32
      %lt3A_3027 = vector.broadcast %lt3A_3026 : i32 to vector<16xi32>
      %lt3A_3028 = arith.cmpi slt, %sub3A_3022, %lt3A_3027 : vector<16xi32>
      %and3A_3029 = arith.andi %ge3A_3025, %lt3A_3028 : vector<16xi1>
      %add3A_3030 = arith.constant 144 : i32
      %add3A_3031 = vector.broadcast %add3A_3030 : i32 to vector<16xi32>
      %add3A_3032 = arith.addi %add3A_3031, %iota3A : vector<16xi32>
      tpu.vector_store_idx %arg6[%sub3A_3022, %add3A_3032], %broadcast_in_dim3A_37 masked %and3A_3029 : memref<256x256xf32, #tpu.memory_space<vmem>>[vector<16xi32>, vector<16xi32>], vector<16xf32>, vector<16xi1>
      %get3A_3033 = arith.index_cast %select_n3A_1784 : i32 to index
      %get3A_3034 = arith.constant 160 : index
      %get3A_3035 = tpu.vector_load %arg5[%get3A_3033, %get3A_3034] {strides = array<i32>} : memref<2x256xi32, #tpu.memory_space<vmem>>, vector<16xi32>,
      %sub3A_3036 = arith.constant 0 : i32
      %sub3A_3037 = vector.broadcast %sub3A_3036 : i32 to vector<16xi32>
      %sub3A_3038 = arith.subi %get3A_3035, %sub3A_3037 : vector<16xi32>
      %ge3A_3039 = arith.constant 0 : i32
      %ge3A_3040 = vector.broadcast %ge3A_3039 : i32 to vector<16xi32>
      %ge3A_3041 = arith.cmpi sge, %sub3A_3038, %ge3A_3040 : vector<16xi32>
      %lt3A_3042 = arith.constant 256 : i32
      %lt3A_3043 = vector.broadcast %lt3A_3042 : i32 to vector<16xi32>
      %lt3A_3044 = arith.cmpi slt, %sub3A_3038, %lt3A_3043 : vector<16xi32>
      %and3A_3045 = arith.andi %ge3A_3041, %lt3A_3044 : vector<16xi1>
      %add3A_3046 = arith.constant 160 : i32
      %add3A_3047 = vector.broadcast %add3A_3046 : i32 to vector<16xi32>
      %add3A_3048 = arith.addi %add3A_3047, %iota3A : vector<16xi32>
      tpu.vector_store_idx %arg6[%sub3A_3038, %add3A_3048], %broadcast_in_dim3A_37 masked %and3A_3045 : memref<256x256xf32, #tpu.memory_space<vmem>>[vector<16xi32>, vector<16xi32>], vector<16xf32>, vector<16xi1>
      %get3A_3049 = arith.index_cast %select_n3A_1784 : i32 to index
      %get3A_3050 = arith.constant 176 : index
      %get3A_3051 = tpu.vector_load %arg5[%get3A_3049, %get3A_3050] {strides = array<i32>} : memref<2x256xi32, #tpu.memory_space<vmem>>, vector<16xi32>,
      %sub3A_3052 = arith.constant 0 : i32
      %sub3A_3053 = vector.broadcast %sub3A_3052 : i32 to vector<16xi32>
      %sub3A_3054 = arith.subi %get3A_3051, %sub3A_3053 : vector<16xi32>
      %ge3A_3055 = arith.constant 0 : i32
      %ge3A_3056 = vector.broadcast %ge3A_3055 : i32 to vector<16xi32>
      %ge3A_3057 = arith.cmpi sge, %sub3A_3054, %ge3A_3056 : vector<16xi32>
      %lt3A_3058 = arith.constant 256 : i32
      %lt3A_3059 = vector.broadcast %lt3A_3058 : i32 to vector<16xi32>
      %lt3A_3060 = arith.cmpi slt, %sub3A_3054, %lt3A_3059 : vector<16xi32>
      %and3A_3061 = arith.andi %ge3A_3057, %lt3A_3060 : vector<16xi1>
      %add3A_3062 = arith.constant 176 : i32
      %add3A_3063 = vector.broadcast %add3A_3062 : i32 to vector<16xi32>
      %add3A_3064 = arith.addi %add3A_3063, %iota3A : vector<16xi32>
      tpu.vector_store_idx %arg6[%sub3A_3054, %add3A_3064], %broadcast_in_dim3A_37 masked %and3A_3061 : memref<256x256xf32, #tpu.memory_space<vmem>>[vector<16xi32>, vector<16xi32>], vector<16xf32>, vector<16xi1>
      %get3A_3065 = arith.index_cast %select_n3A_1784 : i32 to index
      %get3A_3066 = arith.constant 192 : index
      %get3A_3067 = tpu.vector_load %arg5[%get3A_3065, %get3A_3066] {strides = array<i32>} : memref<2x256xi32, #tpu.memory_space<vmem>>, vector<16xi32>,
      %sub3A_3068 = arith.constant 0 : i32
      %sub3A_3069 = vector.broadcast %sub3A_3068 : i32 to vector<16xi32>
      %sub3A_3070 = arith.subi %get3A_3067, %sub3A_3069 : vector<16xi32>
      %ge3A_3071 = arith.constant 0 : i32
      %ge3A_3072 = vector.broadcast %ge3A_3071 : i32 to vector<16xi32>
      %ge3A_3073 = arith.cmpi sge, %sub3A_3070, %ge3A_3072 : vector<16xi32>
      %lt3A_3074 = arith.constant 256 : i32
      %lt3A_3075 = vector.broadcast %lt3A_3074 : i32 to vector<16xi32>
      %lt3A_3076 = arith.cmpi slt, %sub3A_3070, %lt3A_3075 : vector<16xi32>
      %and3A_3077 = arith.andi %ge3A_3073, %lt3A_3076 : vector<16xi1>
      %add3A_3078 = arith.constant 192 : i32
      %add3A_3079 = vector.broadcast %add3A_3078 : i32 to vector<16xi32>
      %add3A_3080 = arith.addi %add3A_3079, %iota3A : vector<16xi32>
      tpu.vector_store_idx %arg6[%sub3A_3070, %add3A_3080], %broadcast_in_dim3A_37 masked %and3A_3077 : memref<256x256xf32, #tpu.memory_space<vmem>>[vector<16xi32>, vector<16xi32>], vector<16xf32>, vector<16xi1>
      %get3A_3081 = arith.index_cast %select_n3A_1784 : i32 to index
      %get3A_3082 = arith.constant 208 : index
      %get3A_3083 = tpu.vector_load %arg5[%get3A_3081, %get3A_3082] {strides = array<i32>} : memref<2x256xi32, #tpu.memory_space<vmem>>, vector<16xi32>,
      %sub3A_3084 = arith.constant 0 : i32
      %sub3A_3085 = vector.broadcast %sub3A_3084 : i32 to vector<16xi32>
      %sub3A_3086 = arith.subi %get3A_3083, %sub3A_3085 : vector<16xi32>
      %ge3A_3087 = arith.constant 0 : i32
      %ge3A_3088 = vector.broadcast %ge3A_3087 : i32 to vector<16xi32>
      %ge3A_3089 = arith.cmpi sge, %sub3A_3086, %ge3A_3088 : vector<16xi32>
      %lt3A_3090 = arith.constant 256 : i32
      %lt3A_3091 = vector.broadcast %lt3A_3090 : i32 to vector<16xi32>
      %lt3A_3092 = arith.cmpi slt, %sub3A_3086, %lt3A_3091 : vector<16xi32>
      %and3A_3093 = arith.andi %ge3A_3089, %lt3A_3092 : vector<16xi1>
      %add3A_3094 = arith.constant 208 : i32
      %add3A_3095 = vector.broadcast %add3A_3094 : i32 to vector<16xi32>
      %add3A_3096 = arith.addi %add3A_3095, %iota3A : vector<16xi32>
      tpu.vector_store_idx %arg6[%sub3A_3086, %add3A_3096], %broadcast_in_dim3A_37 masked %and3A_3093 : memref<256x256xf32, #tpu.memory_space<vmem>>[vector<16xi32>, vector<16xi32>], vector<16xf32>, vector<16xi1>
      %get3A_3097 = arith.index_cast %select_n3A_1784 : i32 to index
      %get3A_3098 = arith.constant 224 : index
      %get3A_3099 = tpu.vector_load %arg5[%get3A_3097, %get3A_3098] {strides = array<i32>} : memref<2x256xi32, #tpu.memory_space<vmem>>, vector<16xi32>,
      %sub3A_3100 = arith.constant 0 : i32
      %sub3A_3101 = vector.broadcast %sub3A_3100 : i32 to vector<16xi32>
      %sub3A_3102 = arith.subi %get3A_3099, %sub3A_3101 : vector<16xi32>
      %ge3A_3103 = arith.constant 0 : i32
      %ge3A_3104 = vector.broadcast %ge3A_3103 : i32 to vector<16xi32>
      %ge3A_3105 = arith.cmpi sge, %sub3A_3102, %ge3A_3104 : vector<16xi32>
      %lt3A_3106 = arith.constant 256 : i32
      %lt3A_3107 = vector.broadcast %lt3A_3106 : i32 to vector<16xi32>
      %lt3A_3108 = arith.cmpi slt, %sub3A_3102, %lt3A_3107 : vector<16xi32>
      %and3A_3109 = arith.andi %ge3A_3105, %lt3A_3108 : vector<16xi1>
      %add3A_3110 = arith.constant 224 : i32
      %add3A_3111 = vector.broadcast %add3A_3110 : i32 to vector<16xi32>
      %add3A_3112 = arith.addi %add3A_3111, %iota3A : vector<16xi32>
      tpu.vector_store_idx %arg6[%sub3A_3102, %add3A_3112], %broadcast_in_dim3A_37 masked %and3A_3109 : memref<256x256xf32, #tpu.memory_space<vmem>>[vector<16xi32>, vector<16xi32>], vector<16xf32>, vector<16xi1>
      %get3A_3113 = arith.index_cast %select_n3A_1784 : i32 to index
      %get3A_3114 = arith.constant 240 : index
      %get3A_3115 = tpu.vector_load %arg5[%get3A_3113, %get3A_3114] {strides = array<i32>} : memref<2x256xi32, #tpu.memory_space<vmem>>, vector<16xi32>,
      %sub3A_3116 = arith.constant 0 : i32
      %sub3A_3117 = vector.broadcast %sub3A_3116 : i32 to vector<16xi32>
      %sub3A_3118 = arith.subi %get3A_3115, %sub3A_3117 : vector<16xi32>
      %ge3A_3119 = arith.constant 0 : i32
      %ge3A_3120 = vector.broadcast %ge3A_3119 : i32 to vector<16xi32>
      %ge3A_3121 = arith.cmpi sge, %sub3A_3118, %ge3A_3120 : vector<16xi32>
      %lt3A_3122 = arith.constant 256 : i32
      %lt3A_3123 = vector.broadcast %lt3A_3122 : i32 to vector<16xi32>
      %lt3A_3124 = arith.cmpi slt, %sub3A_3118, %lt3A_3123 : vector<16xi32>
      %and3A_3125 = arith.andi %ge3A_3121, %lt3A_3124 : vector<16xi1>
      %add3A_3126 = arith.constant 240 : i32
      %add3A_3127 = vector.broadcast %add3A_3126 : i32 to vector<16xi32>
      %add3A_3128 = arith.addi %add3A_3127, %iota3A : vector<16xi32>
      tpu.vector_store_idx %arg6[%sub3A_3118, %add3A_3128], %broadcast_in_dim3A_37 masked %and3A_3125 : memref<256x256xf32, #tpu.memory_space<vmem>>[vector<16xi32>, vector<16xi32>], vector<16xf32>, vector<16xi1>
      %get3A_3129 = arith.index_cast %select_n3A_1784 : i32 to index
      %get3A_3130 = arith.constant 0 : index
      %get3A_3131 = tpu.vector_load %arg5[%get3A_3129, %get3A_3130] {strides = array<i32>} : memref<2x256xi32, #tpu.memory_space<vmem>>, vector<16xi32>,
      %sub3A_3132 = arith.constant 504 : i32
      %sub3A_3133 = vector.broadcast %sub3A_3132 : i32 to vector<16xi32>
      %sub3A_3134 = arith.subi %get3A_3131, %sub3A_3133 : vector<16xi32>
      %ge3A_3135 = arith.constant 0 : i32
      %ge3A_3136 = vector.broadcast %ge3A_3135 : i32 to vector<16xi32>
      %ge3A_3137 = arith.cmpi sge, %sub3A_3134, %ge3A_3136 : vector<16xi32>
      %lt3A_3138 = arith.constant 248 : i32
      %lt3A_3139 = vector.broadcast %lt3A_3138 : i32 to vector<16xi32>
      %lt3A_3140 = arith.cmpi slt, %sub3A_3134, %lt3A_3139 : vector<16xi32>
      %and3A_3141 = arith.andi %ge3A_3137, %lt3A_3140 : vector<16xi1>
      %add3A_3142 = arith.constant 0 : i32
      %add3A_3143 = vector.broadcast %add3A_3142 : i32 to vector<16xi32>
      %add3A_3144 = arith.addi %add3A_3143, %iota3A : vector<16xi32>
      tpu.vector_store_idx %arg6[%sub3A_3134, %add3A_3144], %broadcast_in_dim3A_35 masked %and3A_3141 : memref<256x256xf32, #tpu.memory_space<vmem>>[vector<16xi32>, vector<16xi32>], vector<16xf32>, vector<16xi1>
      %get3A_3145 = arith.index_cast %select_n3A_1784 : i32 to index
      %get3A_3146 = arith.constant 16 : index
      %get3A_3147 = tpu.vector_load %arg5[%get3A_3145, %get3A_3146] {strides = array<i32>} : memref<2x256xi32, #tpu.memory_space<vmem>>, vector<16xi32>,
      %sub3A_3148 = arith.constant 504 : i32
      %sub3A_3149 = vector.broadcast %sub3A_3148 : i32 to vector<16xi32>
      %sub3A_3150 = arith.subi %get3A_3147, %sub3A_3149 : vector<16xi32>
      %ge3A_3151 = arith.constant 0 : i32
      %ge3A_3152 = vector.broadcast %ge3A_3151 : i32 to vector<16xi32>
      %ge3A_3153 = arith.cmpi sge, %sub3A_3150, %ge3A_3152 : vector<16xi32>
      %lt3A_3154 = arith.constant 248 : i32
      %lt3A_3155 = vector.broadcast %lt3A_3154 : i32 to vector<16xi32>
      %lt3A_3156 = arith.cmpi slt, %sub3A_3150, %lt3A_3155 : vector<16xi32>
      %and3A_3157 = arith.andi %ge3A_3153, %lt3A_3156 : vector<16xi1>
      %add3A_3158 = arith.constant 16 : i32
      %add3A_3159 = vector.broadcast %add3A_3158 : i32 to vector<16xi32>
      %add3A_3160 = arith.addi %add3A_3159, %iota3A : vector<16xi32>
      tpu.vector_store_idx %arg6[%sub3A_3150, %add3A_3160], %broadcast_in_dim3A_35 masked %and3A_3157 : memref<256x256xf32, #tpu.memory_space<vmem>>[vector<16xi32>, vector<16xi32>], vector<16xf32>, vector<16xi1>
      %get3A_3161 = arith.index_cast %select_n3A_1784 : i32 to index
      %get3A_3162 = arith.constant 32 : index
      %get3A_3163 = tpu.vector_load %arg5[%get3A_3161, %get3A_3162] {strides = array<i32>} : memref<2x256xi32, #tpu.memory_space<vmem>>, vector<16xi32>,
      %sub3A_3164 = arith.constant 504 : i32
      %sub3A_3165 = vector.broadcast %sub3A_3164 : i32 to vector<16xi32>
      %sub3A_3166 = arith.subi %get3A_3163, %sub3A_3165 : vector<16xi32>
      %ge3A_3167 = arith.constant 0 : i32
      %ge3A_3168 = vector.broadcast %ge3A_3167 : i32 to vector<16xi32>
      %ge3A_3169 = arith.cmpi sge, %sub3A_3166, %ge3A_3168 : vector<16xi32>
      %lt3A_3170 = arith.constant 248 : i32
      %lt3A_3171 = vector.broadcast %lt3A_3170 : i32 to vector<16xi32>
      %lt3A_3172 = arith.cmpi slt, %sub3A_3166, %lt3A_3171 : vector<16xi32>
      %and3A_3173 = arith.andi %ge3A_3169, %lt3A_3172 : vector<16xi1>
      %add3A_3174 = arith.constant 32 : i32
      %add3A_3175 = vector.broadcast %add3A_3174 : i32 to vector<16xi32>
      %add3A_3176 = arith.addi %add3A_3175, %iota3A : vector<16xi32>
      tpu.vector_store_idx %arg6[%sub3A_3166, %add3A_3176], %broadcast_in_dim3A_35 masked %and3A_3173 : memref<256x256xf32, #tpu.memory_space<vmem>>[vector<16xi32>, vector<16xi32>], vector<16xf32>, vector<16xi1>
      %get3A_3177 = arith.index_cast %select_n3A_1784 : i32 to index
      %get3A_3178 = arith.constant 48 : index
      %get3A_3179 = tpu.vector_load %arg5[%get3A_3177, %get3A_3178] {strides = array<i32>} : memref<2x256xi32, #tpu.memory_space<vmem>>, vector<16xi32>,
      %sub3A_3180 = arith.constant 504 : i32
      %sub3A_3181 = vector.broadcast %sub3A_3180 : i32 to vector<16xi32>
      %sub3A_3182 = arith.subi %get3A_3179, %sub3A_3181 : vector<16xi32>
      %ge3A_3183 = arith.constant 0 : i32
      %ge3A_3184 = vector.broadcast %ge3A_3183 : i32 to vector<16xi32>
      %ge3A_3185 = arith.cmpi sge, %sub3A_3182, %ge3A_3184 : vector<16xi32>
      %lt3A_3186 = arith.constant 248 : i32
      %lt3A_3187 = vector.broadcast %lt3A_3186 : i32 to vector<16xi32>
      %lt3A_3188 = arith.cmpi slt, %sub3A_3182, %lt3A_3187 : vector<16xi32>
      %and3A_3189 = arith.andi %ge3A_3185, %lt3A_3188 : vector<16xi1>
      %add3A_3190 = arith.constant 48 : i32
      %add3A_3191 = vector.broadcast %add3A_3190 : i32 to vector<16xi32>
      %add3A_3192 = arith.addi %add3A_3191, %iota3A : vector<16xi32>
      tpu.vector_store_idx %arg6[%sub3A_3182, %add3A_3192], %broadcast_in_dim3A_35 masked %and3A_3189 : memref<256x256xf32, #tpu.memory_space<vmem>>[vector<16xi32>, vector<16xi32>], vector<16xf32>, vector<16xi1>
      %get3A_3193 = arith.index_cast %select_n3A_1784 : i32 to index
      %get3A_3194 = arith.constant 64 : index
      %get3A_3195 = tpu.vector_load %arg5[%get3A_3193, %get3A_3194] {strides = array<i32>} : memref<2x256xi32, #tpu.memory_space<vmem>>, vector<16xi32>,
      %sub3A_3196 = arith.constant 504 : i32
      %sub3A_3197 = vector.broadcast %sub3A_3196 : i32 to vector<16xi32>
      %sub3A_3198 = arith.subi %get3A_3195, %sub3A_3197 : vector<16xi32>
      %ge3A_3199 = arith.constant 0 : i32
      %ge3A_3200 = vector.broadcast %ge3A_3199 : i32 to vector<16xi32>
      %ge3A_3201 = arith.cmpi sge, %sub3A_3198, %ge3A_3200 : vector<16xi32>
      %lt3A_3202 = arith.constant 248 : i32
      %lt3A_3203 = vector.broadcast %lt3A_3202 : i32 to vector<16xi32>
      %lt3A_3204 = arith.cmpi slt, %sub3A_3198, %lt3A_3203 : vector<16xi32>
      %and3A_3205 = arith.andi %ge3A_3201, %lt3A_3204 : vector<16xi1>
      %add3A_3206 = arith.constant 64 : i32
      %add3A_3207 = vector.broadcast %add3A_3206 : i32 to vector<16xi32>
      %add3A_3208 = arith.addi %add3A_3207, %iota3A : vector<16xi32>
      tpu.vector_store_idx %arg6[%sub3A_3198, %add3A_3208], %broadcast_in_dim3A_35 masked %and3A_3205 : memref<256x256xf32, #tpu.memory_space<vmem>>[vector<16xi32>, vector<16xi32>], vector<16xf32>, vector<16xi1>
      %get3A_3209 = arith.index_cast %select_n3A_1784 : i32 to index
      %get3A_3210 = arith.constant 80 : index
      %get3A_3211 = tpu.vector_load %arg5[%get3A_3209, %get3A_3210] {strides = array<i32>} : memref<2x256xi32, #tpu.memory_space<vmem>>, vector<16xi32>,
      %sub3A_3212 = arith.constant 504 : i32
      %sub3A_3213 = vector.broadcast %sub3A_3212 : i32 to vector<16xi32>
      %sub3A_3214 = arith.subi %get3A_3211, %sub3A_3213 : vector<16xi32>
      %ge3A_3215 = arith.constant 0 : i32
      %ge3A_3216 = vector.broadcast %ge3A_3215 : i32 to vector<16xi32>
      %ge3A_3217 = arith.cmpi sge, %sub3A_3214, %ge3A_3216 : vector<16xi32>
      %lt3A_3218 = arith.constant 248 : i32
      %lt3A_3219 = vector.broadcast %lt3A_3218 : i32 to vector<16xi32>
      %lt3A_3220 = arith.cmpi slt, %sub3A_3214, %lt3A_3219 : vector<16xi32>
      %and3A_3221 = arith.andi %ge3A_3217, %lt3A_3220 : vector<16xi1>
      %add3A_3222 = arith.constant 80 : i32
      %add3A_3223 = vector.broadcast %add3A_3222 : i32 to vector<16xi32>
      %add3A_3224 = arith.addi %add3A_3223, %iota3A : vector<16xi32>
      tpu.vector_store_idx %arg6[%sub3A_3214, %add3A_3224], %broadcast_in_dim3A_35 masked %and3A_3221 : memref<256x256xf32, #tpu.memory_space<vmem>>[vector<16xi32>, vector<16xi32>], vector<16xf32>, vector<16xi1>
      %get3A_3225 = arith.index_cast %select_n3A_1784 : i32 to index
      %get3A_3226 = arith.constant 96 : index
      %get3A_3227 = tpu.vector_load %arg5[%get3A_3225, %get3A_3226] {strides = array<i32>} : memref<2x256xi32, #tpu.memory_space<vmem>>, vector<16xi32>,
      %sub3A_3228 = arith.constant 504 : i32
      %sub3A_3229 = vector.broadcast %sub3A_3228 : i32 to vector<16xi32>
      %sub3A_3230 = arith.subi %get3A_3227, %sub3A_3229 : vector<16xi32>
      %ge3A_3231 = arith.constant 0 : i32
      %ge3A_3232 = vector.broadcast %ge3A_3231 : i32 to vector<16xi32>
      %ge3A_3233 = arith.cmpi sge, %sub3A_3230, %ge3A_3232 : vector<16xi32>
      %lt3A_3234 = arith.constant 248 : i32
      %lt3A_3235 = vector.broadcast %lt3A_3234 : i32 to vector<16xi32>
      %lt3A_3236 = arith.cmpi slt, %sub3A_3230, %lt3A_3235 : vector<16xi32>
      %and3A_3237 = arith.andi %ge3A_3233, %lt3A_3236 : vector<16xi1>
      %add3A_3238 = arith.constant 96 : i32
      %add3A_3239 = vector.broadcast %add3A_3238 : i32 to vector<16xi32>
      %add3A_3240 = arith.addi %add3A_3239, %iota3A : vector<16xi32>
      tpu.vector_store_idx %arg6[%sub3A_3230, %add3A_3240], %broadcast_in_dim3A_35 masked %and3A_3237 : memref<256x256xf32, #tpu.memory_space<vmem>>[vector<16xi32>, vector<16xi32>], vector<16xf32>, vector<16xi1>
      %get3A_3241 = arith.index_cast %select_n3A_1784 : i32 to index
      %get3A_3242 = arith.constant 112 : index
      %get3A_3243 = tpu.vector_load %arg5[%get3A_3241, %get3A_3242] {strides = array<i32>} : memref<2x256xi32, #tpu.memory_space<vmem>>, vector<16xi32>,
      %sub3A_3244 = arith.constant 504 : i32
      %sub3A_3245 = vector.broadcast %sub3A_3244 : i32 to vector<16xi32>
      %sub3A_3246 = arith.subi %get3A_3243, %sub3A_3245 : vector<16xi32>
      %ge3A_3247 = arith.constant 0 : i32
      %ge3A_3248 = vector.broadcast %ge3A_3247 : i32 to vector<16xi32>
      %ge3A_3249 = arith.cmpi sge, %sub3A_3246, %ge3A_3248 : vector<16xi32>
      %lt3A_3250 = arith.constant 248 : i32
      %lt3A_3251 = vector.broadcast %lt3A_3250 : i32 to vector<16xi32>
      %lt3A_3252 = arith.cmpi slt, %sub3A_3246, %lt3A_3251 : vector<16xi32>
      %and3A_3253 = arith.andi %ge3A_3249, %lt3A_3252 : vector<16xi1>
      %add3A_3254 = arith.constant 112 : i32
      %add3A_3255 = vector.broadcast %add3A_3254 : i32 to vector<16xi32>
      %add3A_3256 = arith.addi %add3A_3255, %iota3A : vector<16xi32>
      tpu.vector_store_idx %arg6[%sub3A_3246, %add3A_3256], %broadcast_in_dim3A_35 masked %and3A_3253 : memref<256x256xf32, #tpu.memory_space<vmem>>[vector<16xi32>, vector<16xi32>], vector<16xf32>, vector<16xi1>
      %get3A_3257 = arith.index_cast %select_n3A_1784 : i32 to index
      %get3A_3258 = arith.constant 128 : index
      %get3A_3259 = tpu.vector_load %arg5[%get3A_3257, %get3A_3258] {strides = array<i32>} : memref<2x256xi32, #tpu.memory_space<vmem>>, vector<16xi32>,
      %sub3A_3260 = arith.constant 504 : i32
      %sub3A_3261 = vector.broadcast %sub3A_3260 : i32 to vector<16xi32>
      %sub3A_3262 = arith.subi %get3A_3259, %sub3A_3261 : vector<16xi32>
      %ge3A_3263 = arith.constant 0 : i32
      %ge3A_3264 = vector.broadcast %ge3A_3263 : i32 to vector<16xi32>
      %ge3A_3265 = arith.cmpi sge, %sub3A_3262, %ge3A_3264 : vector<16xi32>
      %lt3A_3266 = arith.constant 248 : i32
      %lt3A_3267 = vector.broadcast %lt3A_3266 : i32 to vector<16xi32>
      %lt3A_3268 = arith.cmpi slt, %sub3A_3262, %lt3A_3267 : vector<16xi32>
      %and3A_3269 = arith.andi %ge3A_3265, %lt3A_3268 : vector<16xi1>
      %add3A_3270 = arith.constant 128 : i32
      %add3A_3271 = vector.broadcast %add3A_3270 : i32 to vector<16xi32>
      %add3A_3272 = arith.addi %add3A_3271, %iota3A : vector<16xi32>
      tpu.vector_store_idx %arg6[%sub3A_3262, %add3A_3272], %broadcast_in_dim3A_35 masked %and3A_3269 : memref<256x256xf32, #tpu.memory_space<vmem>>[vector<16xi32>, vector<16xi32>], vector<16xf32>, vector<16xi1>
      %get3A_3273 = arith.index_cast %select_n3A_1784 : i32 to index
      %get3A_3274 = arith.constant 144 : index
      %get3A_3275 = tpu.vector_load %arg5[%get3A_3273, %get3A_3274] {strides = array<i32>} : memref<2x256xi32, #tpu.memory_space<vmem>>, vector<16xi32>,
      %sub3A_3276 = arith.constant 504 : i32
      %sub3A_3277 = vector.broadcast %sub3A_3276 : i32 to vector<16xi32>
      %sub3A_3278 = arith.subi %get3A_3275, %sub3A_3277 : vector<16xi32>
      %ge3A_3279 = arith.constant 0 : i32
      %ge3A_3280 = vector.broadcast %ge3A_3279 : i32 to vector<16xi32>
      %ge3A_3281 = arith.cmpi sge, %sub3A_3278, %ge3A_3280 : vector<16xi32>
      %lt3A_3282 = arith.constant 248 : i32
      %lt3A_3283 = vector.broadcast %lt3A_3282 : i32 to vector<16xi32>
      %lt3A_3284 = arith.cmpi slt, %sub3A_3278, %lt3A_3283 : vector<16xi32>
      %and3A_3285 = arith.andi %ge3A_3281, %lt3A_3284 : vector<16xi1>
      %add3A_3286 = arith.constant 144 : i32
      %add3A_3287 = vector.broadcast %add3A_3286 : i32 to vector<16xi32>
      %add3A_3288 = arith.addi %add3A_3287, %iota3A : vector<16xi32>
      tpu.vector_store_idx %arg6[%sub3A_3278, %add3A_3288], %broadcast_in_dim3A_35 masked %and3A_3285 : memref<256x256xf32, #tpu.memory_space<vmem>>[vector<16xi32>, vector<16xi32>], vector<16xf32>, vector<16xi1>
      %get3A_3289 = arith.index_cast %select_n3A_1784 : i32 to index
      %get3A_3290 = arith.constant 160 : index
      %get3A_3291 = tpu.vector_load %arg5[%get3A_3289, %get3A_3290] {strides = array<i32>} : memref<2x256xi32, #tpu.memory_space<vmem>>, vector<16xi32>,
      %sub3A_3292 = arith.constant 504 : i32
      %sub3A_3293 = vector.broadcast %sub3A_3292 : i32 to vector<16xi32>
      %sub3A_3294 = arith.subi %get3A_3291, %sub3A_3293 : vector<16xi32>
      %ge3A_3295 = arith.constant 0 : i32
      %ge3A_3296 = vector.broadcast %ge3A_3295 : i32 to vector<16xi32>
      %ge3A_3297 = arith.cmpi sge, %sub3A_3294, %ge3A_3296 : vector<16xi32>
      %lt3A_3298 = arith.constant 248 : i32
      %lt3A_3299 = vector.broadcast %lt3A_3298 : i32 to vector<16xi32>
      %lt3A_3300 = arith.cmpi slt, %sub3A_3294, %lt3A_3299 : vector<16xi32>
      %and3A_3301 = arith.andi %ge3A_3297, %lt3A_3300 : vector<16xi1>
      %add3A_3302 = arith.constant 160 : i32
      %add3A_3303 = vector.broadcast %add3A_3302 : i32 to vector<16xi32>
      %add3A_3304 = arith.addi %add3A_3303, %iota3A : vector<16xi32>
      tpu.vector_store_idx %arg6[%sub3A_3294, %add3A_3304], %broadcast_in_dim3A_35 masked %and3A_3301 : memref<256x256xf32, #tpu.memory_space<vmem>>[vector<16xi32>, vector<16xi32>], vector<16xf32>, vector<16xi1>
      %get3A_3305 = arith.index_cast %select_n3A_1784 : i32 to index
      %get3A_3306 = arith.constant 176 : index
      %get3A_3307 = tpu.vector_load %arg5[%get3A_3305, %get3A_3306] {strides = array<i32>} : memref<2x256xi32, #tpu.memory_space<vmem>>, vector<16xi32>,
      %sub3A_3308 = arith.constant 504 : i32
      %sub3A_3309 = vector.broadcast %sub3A_3308 : i32 to vector<16xi32>
      %sub3A_3310 = arith.subi %get3A_3307, %sub3A_3309 : vector<16xi32>
      %ge3A_3311 = arith.constant 0 : i32
      %ge3A_3312 = vector.broadcast %ge3A_3311 : i32 to vector<16xi32>
      %ge3A_3313 = arith.cmpi sge, %sub3A_3310, %ge3A_3312 : vector<16xi32>
      %lt3A_3314 = arith.constant 248 : i32
      %lt3A_3315 = vector.broadcast %lt3A_3314 : i32 to vector<16xi32>
      %lt3A_3316 = arith.cmpi slt, %sub3A_3310, %lt3A_3315 : vector<16xi32>
      %and3A_3317 = arith.andi %ge3A_3313, %lt3A_3316 : vector<16xi1>
      %add3A_3318 = arith.constant 176 : i32
      %add3A_3319 = vector.broadcast %add3A_3318 : i32 to vector<16xi32>
      %add3A_3320 = arith.addi %add3A_3319, %iota3A : vector<16xi32>
      tpu.vector_store_idx %arg6[%sub3A_3310, %add3A_3320], %broadcast_in_dim3A_35 masked %and3A_3317 : memref<256x256xf32, #tpu.memory_space<vmem>>[vector<16xi32>, vector<16xi32>], vector<16xf32>, vector<16xi1>
      %get3A_3321 = arith.index_cast %select_n3A_1784 : i32 to index
      %get3A_3322 = arith.constant 192 : index
      %get3A_3323 = tpu.vector_load %arg5[%get3A_3321, %get3A_3322] {strides = array<i32>} : memref<2x256xi32, #tpu.memory_space<vmem>>, vector<16xi32>,
      %sub3A_3324 = arith.constant 504 : i32
      %sub3A_3325 = vector.broadcast %sub3A_3324 : i32 to vector<16xi32>
      %sub3A_3326 = arith.subi %get3A_3323, %sub3A_3325 : vector<16xi32>
      %ge3A_3327 = arith.constant 0 : i32
      %ge3A_3328 = vector.broadcast %ge3A_3327 : i32 to vector<16xi32>
      %ge3A_3329 = arith.cmpi sge, %sub3A_3326, %ge3A_3328 : vector<16xi32>
      %lt3A_3330 = arith.constant 248 : i32
      %lt3A_3331 = vector.broadcast %lt3A_3330 : i32 to vector<16xi32>
      %lt3A_3332 = arith.cmpi slt, %sub3A_3326, %lt3A_3331 : vector<16xi32>
      %and3A_3333 = arith.andi %ge3A_3329, %lt3A_3332 : vector<16xi1>
      %add3A_3334 = arith.constant 192 : i32
      %add3A_3335 = vector.broadcast %add3A_3334 : i32 to vector<16xi32>
      %add3A_3336 = arith.addi %add3A_3335, %iota3A : vector<16xi32>
      tpu.vector_store_idx %arg6[%sub3A_3326, %add3A_3336], %broadcast_in_dim3A_35 masked %and3A_3333 : memref<256x256xf32, #tpu.memory_space<vmem>>[vector<16xi32>, vector<16xi32>], vector<16xf32>, vector<16xi1>
      %get3A_3337 = arith.index_cast %select_n3A_1784 : i32 to index
      %get3A_3338 = arith.constant 208 : index
      %get3A_3339 = tpu.vector_load %arg5[%get3A_3337, %get3A_3338] {strides = array<i32>} : memref<2x256xi32, #tpu.memory_space<vmem>>, vector<16xi32>,
      %sub3A_3340 = arith.constant 504 : i32
      %sub3A_3341 = vector.broadcast %sub3A_3340 : i32 to vector<16xi32>
      %sub3A_3342 = arith.subi %get3A_3339, %sub3A_3341 : vector<16xi32>
      %ge3A_3343 = arith.constant 0 : i32
      %ge3A_3344 = vector.broadcast %ge3A_3343 : i32 to vector<16xi32>
      %ge3A_3345 = arith.cmpi sge, %sub3A_3342, %ge3A_3344 : vector<16xi32>
      %lt3A_3346 = arith.constant 248 : i32
      %lt3A_3347 = vector.broadcast %lt3A_3346 : i32 to vector<16xi32>
      %lt3A_3348 = arith.cmpi slt, %sub3A_3342, %lt3A_3347 : vector<16xi32>
      %and3A_3349 = arith.andi %ge3A_3345, %lt3A_3348 : vector<16xi1>
      %add3A_3350 = arith.constant 208 : i32
      %add3A_3351 = vector.broadcast %add3A_3350 : i32 to vector<16xi32>
      %add3A_3352 = arith.addi %add3A_3351, %iota3A : vector<16xi32>
      tpu.vector_store_idx %arg6[%sub3A_3342, %add3A_3352], %broadcast_in_dim3A_35 masked %and3A_3349 : memref<256x256xf32, #tpu.memory_space<vmem>>[vector<16xi32>, vector<16xi32>], vector<16xf32>, vector<16xi1>
      %get3A_3353 = arith.index_cast %select_n3A_1784 : i32 to index
      %get3A_3354 = arith.constant 224 : index
      %get3A_3355 = tpu.vector_load %arg5[%get3A_3353, %get3A_3354] {strides = array<i32>} : memref<2x256xi32, #tpu.memory_space<vmem>>, vector<16xi32>,
      %sub3A_3356 = arith.constant 504 : i32
      %sub3A_3357 = vector.broadcast %sub3A_3356 : i32 to vector<16xi32>
      %sub3A_3358 = arith.subi %get3A_3355, %sub3A_3357 : vector<16xi32>
      %ge3A_3359 = arith.constant 0 : i32
      %ge3A_3360 = vector.broadcast %ge3A_3359 : i32 to vector<16xi32>
      %ge3A_3361 = arith.cmpi sge, %sub3A_3358, %ge3A_3360 : vector<16xi32>
      %lt3A_3362 = arith.constant 248 : i32
      %lt3A_3363 = vector.broadcast %lt3A_3362 : i32 to vector<16xi32>
      %lt3A_3364 = arith.cmpi slt, %sub3A_3358, %lt3A_3363 : vector<16xi32>
      %and3A_3365 = arith.andi %ge3A_3361, %lt3A_3364 : vector<16xi1>
      %add3A_3366 = arith.constant 224 : i32
      %add3A_3367 = vector.broadcast %add3A_3366 : i32 to vector<16xi32>
      %add3A_3368 = arith.addi %add3A_3367, %iota3A : vector<16xi32>
      tpu.vector_store_idx %arg6[%sub3A_3358, %add3A_3368], %broadcast_in_dim3A_35 masked %and3A_3365 : memref<256x256xf32, #tpu.memory_space<vmem>>[vector<16xi32>, vector<16xi32>], vector<16xf32>, vector<16xi1>
      %get3A_3369 = arith.index_cast %select_n3A_1784 : i32 to index
      %get3A_3370 = arith.constant 240 : index
      %get3A_3371 = tpu.vector_load %arg5[%get3A_3369, %get3A_3370] {strides = array<i32>} : memref<2x256xi32, #tpu.memory_space<vmem>>, vector<16xi32>,
      %sub3A_3372 = arith.constant 504 : i32
      %sub3A_3373 = vector.broadcast %sub3A_3372 : i32 to vector<16xi32>
      %sub3A_3374 = arith.subi %get3A_3371, %sub3A_3373 : vector<16xi32>
      %ge3A_3375 = arith.constant 0 : i32
      %ge3A_3376 = vector.broadcast %ge3A_3375 : i32 to vector<16xi32>
      %ge3A_3377 = arith.cmpi sge, %sub3A_3374, %ge3A_3376 : vector<16xi32>
      %lt3A_3378 = arith.constant 248 : i32
      %lt3A_3379 = vector.broadcast %lt3A_3378 : i32 to vector<16xi32>
      %lt3A_3380 = arith.cmpi slt, %sub3A_3374, %lt3A_3379 : vector<16xi32>
      %and3A_3381 = arith.andi %ge3A_3377, %lt3A_3380 : vector<16xi1>
      %add3A_3382 = arith.constant 240 : i32
      %add3A_3383 = vector.broadcast %add3A_3382 : i32 to vector<16xi32>
      %add3A_3384 = arith.addi %add3A_3383, %iota3A : vector<16xi32>
      tpu.vector_store_idx %arg6[%sub3A_3374, %add3A_3384], %broadcast_in_dim3A_35 masked %and3A_3381 : memref<256x256xf32, #tpu.memory_space<vmem>>[vector<16xi32>, vector<16xi32>], vector<16xf32>, vector<16xi1>
      %dma_start3A_3385 = arith.constant 0 : i32
      %dma_start3A_3386 = arith.constant 0 : i32
      %dma_start3A_3387 = tpu.memref_slice %arg6[%dma_start3A_3385, %dma_start3A_3386] : memref<256x256xf32, #tpu.memory_space<vmem>> -> memref<248x256xf32, #tpu.memory_space<vmem>>
      %dma_start3A_3388 = arith.constant 504 : i32
      %dma_start3A_3389 = tpu.memref_slice %arg4[%add3A_1768, %dma_start3A_3388, %mul3A_32] : memref<20x1000x4096xf32, #tpu.memory_space<hbm>> -> memref<1x248x256xf32, #tpu.memory_space<hbm>>
      %dma_start3A_3390 = tpu.memref_squeeze %dma_start3A_3389 : memref<1x248x256xf32, #tpu.memory_space<hbm>> -> memref<248x256xf32, #tpu.memory_space<hbm>>
      %dma_start3A_3391 = arith.constant 504 : i32
      %dma_start3A_3392 = tpu.memref_slice %arg4[%add3A_1768, %dma_start3A_3391, %mul3A_32] : memref<20x1000x4096xf32, #tpu.memory_space<hbm>> -> memref<1x248x256xf32, #tpu.memory_space<hbm>>
      %dma_start3A_3393 = tpu.memref_squeeze %dma_start3A_3392 : memref<1x248x256xf32, #tpu.memory_space<hbm>> -> memref<248x256xf32, #tpu.memory_space<hbm>>
      %dma_start3A_3394 = arith.constant 0 : i32
      %dma_start3A_3395 = arith.constant 0 : i32
      %dma_start3A_3396 = tpu.memref_slice %arg6[%dma_start3A_3394, %dma_start3A_3395] : memref<256x256xf32, #tpu.memory_space<vmem>> -> memref<248x256xf32, #tpu.memory_space<vmem>>
      tpu.enqueue_dma source(%dma_start3A_3396 : memref<248x256xf32, #tpu.memory_space<vmem>>) target(%dma_start3A_3393 : memref<248x256xf32, #tpu.memory_space<hbm>>) target_semaphore(%arg8 : memref<!tpu.dma_semaphore, #tpu.memory_space<semaphore_mem>>)
      %dma_wait3A_3397 = arith.constant 0 : i32
      %dma_wait3A_3398 = arith.constant 0 : i32
      %dma_wait3A_3399 = tpu.memref_slice %arg7[%dma_wait3A_3397, %dma_wait3A_3398] : memref<248x256xf32, #tpu.memory_space<vmem>> -> memref<248x256xf32, #tpu.memory_space<vmem>>
      %dma_wait3A_3400 = arith.constant 0 : i32
      %dma_wait3A_3401 = tpu.memref_slice %arg4[%mul3A_34, %dma_wait3A_3400, %mul3A_32] : memref<20x1000x4096xf32, #tpu.memory_space<hbm>> -> memref<1x248x256xf32, #tpu.memory_space<hbm>>
      %dma_wait3A_3402 = tpu.memref_squeeze %dma_wait3A_3401 : memref<1x248x256xf32, #tpu.memory_space<hbm>> -> memref<248x256xf32, #tpu.memory_space<hbm>>
      %dma_wait3A_3403 = arith.constant 0 : i32
      %dma_wait3A_3404 = tpu.memref_slice %arg4[%mul3A_34, %dma_wait3A_3403, %mul3A_32] : memref<20x1000x4096xf32, #tpu.memory_space<hbm>> -> memref<1x248x256xf32, #tpu.memory_space<hbm>>
      %dma_wait3A_3405 = tpu.memref_squeeze %dma_wait3A_3404 : memref<1x248x256xf32, #tpu.memory_space<hbm>> -> memref<248x256xf32, #tpu.memory_space<hbm>>
      %dma_wait3A_3406 = arith.constant 0 : i32
      %dma_wait3A_3407 = arith.constant 0 : i32
      %dma_wait3A_3408 = tpu.memref_slice %arg7[%dma_wait3A_3406, %dma_wait3A_3407] : memref<248x256xf32, #tpu.memory_space<vmem>> -> memref<248x256xf32, #tpu.memory_space<vmem>>
      tpu.wait_dma2 semaphore(%arg9 : memref<!tpu.dma_semaphore, #tpu.memory_space<semaphore_mem>>) src(%dma_wait3A_3408 : memref<248x256xf32, #tpu.memory_space<vmem>>) dst(%dma_wait3A_3405 : memref<248x256xf32, #tpu.memory_space<hbm>>)
      %get3A_3409 = arith.index_cast %select_n3A_1784 : i32 to index
      %get3A_3410 = arith.constant 0 : index
      %get3A_3411 = tpu.vector_load %arg5[%get3A_3409, %get3A_3410] {strides = array<i32>} : memref<2x256xi32, #tpu.memory_space<vmem>>, vector<16xi32>,
      %sub3A_3412 = arith.constant 256 : i32
      %sub3A_3413 = vector.broadcast %sub3A_3412 : i32 to vector<16xi32>
      %sub3A_3414 = arith.subi %get3A_3411, %sub3A_3413 : vector<16xi32>
      %ge3A_3415 = arith.constant 0 : i32
      %ge3A_3416 = vector.broadcast %ge3A_3415 : i32 to vector<16xi32>
      %ge3A_3417 = arith.cmpi sge, %sub3A_3414, %ge3A_3416 : vector<16xi32>
      %lt3A_3418 = arith.constant 248 : i32
      %lt3A_3419 = vector.broadcast %lt3A_3418 : i32 to vector<16xi32>
      %lt3A_3420 = arith.cmpi slt, %sub3A_3414, %lt3A_3419 : vector<16xi32>
      %and3A_3421 = arith.andi %ge3A_3417, %lt3A_3420 : vector<16xi1>
      %add3A_3422 = arith.constant 0 : i32
      %add3A_3423 = vector.broadcast %add3A_3422 : i32 to vector<16xi32>
      %add3A_3424 = arith.addi %add3A_3423, %iota3A : vector<16xi32>
      tpu.vector_store_idx %arg7[%sub3A_3414, %add3A_3424], %broadcast_in_dim3A_37 masked %and3A_3421 : memref<248x256xf32, #tpu.memory_space<vmem>>[vector<16xi32>, vector<16xi32>], vector<16xf32>, vector<16xi1>
      %get3A_3425 = arith.index_cast %select_n3A_1784 : i32 to index
      %get3A_3426 = arith.constant 16 : index
      %get3A_3427 = tpu.vector_load %arg5[%get3A_3425, %get3A_3426] {strides = array<i32>} : memref<2x256xi32, #tpu.memory_space<vmem>>, vector<16xi32>,
      %sub3A_3428 = arith.constant 256 : i32
      %sub3A_3429 = vector.broadcast %sub3A_3428 : i32 to vector<16xi32>
      %sub3A_3430 = arith.subi %get3A_3427, %sub3A_3429 : vector<16xi32>
      %ge3A_3431 = arith.constant 0 : i32
      %ge3A_3432 = vector.broadcast %ge3A_3431 : i32 to vector<16xi32>
      %ge3A_3433 = arith.cmpi sge, %sub3A_3430, %ge3A_3432 : vector<16xi32>
      %lt3A_3434 = arith.constant 248 : i32
      %lt3A_3435 = vector.broadcast %lt3A_3434 : i32 to vector<16xi32>
      %lt3A_3436 = arith.cmpi slt, %sub3A_3430, %lt3A_3435 : vector<16xi32>
      %and3A_3437 = arith.andi %ge3A_3433, %lt3A_3436 : vector<16xi1>
      %add3A_3438 = arith.constant 16 : i32
      %add3A_3439 = vector.broadcast %add3A_3438 : i32 to vector<16xi32>
      %add3A_3440 = arith.addi %add3A_3439, %iota3A : vector<16xi32>
      tpu.vector_store_idx %arg7[%sub3A_3430, %add3A_3440], %broadcast_in_dim3A_37 masked %and3A_3437 : memref<248x256xf32, #tpu.memory_space<vmem>>[vector<16xi32>, vector<16xi32>], vector<16xf32>, vector<16xi1>
      %get3A_3441 = arith.index_cast %select_n3A_1784 : i32 to index
      %get3A_3442 = arith.constant 32 : index
      %get3A_3443 = tpu.vector_load %arg5[%get3A_3441, %get3A_3442] {strides = array<i32>} : memref<2x256xi32, #tpu.memory_space<vmem>>, vector<16xi32>,
      %sub3A_3444 = arith.constant 256 : i32
      %sub3A_3445 = vector.broadcast %sub3A_3444 : i32 to vector<16xi32>
      %sub3A_3446 = arith.subi %get3A_3443, %sub3A_3445 : vector<16xi32>
      %ge3A_3447 = arith.constant 0 : i32
      %ge3A_3448 = vector.broadcast %ge3A_3447 : i32 to vector<16xi32>
      %ge3A_3449 = arith.cmpi sge, %sub3A_3446, %ge3A_3448 : vector<16xi32>
      %lt3A_3450 = arith.constant 248 : i32
      %lt3A_3451 = vector.broadcast %lt3A_3450 : i32 to vector<16xi32>
      %lt3A_3452 = arith.cmpi slt, %sub3A_3446, %lt3A_3451 : vector<16xi32>
      %and3A_3453 = arith.andi %ge3A_3449, %lt3A_3452 : vector<16xi1>
      %add3A_3454 = arith.constant 32 : i32
      %add3A_3455 = vector.broadcast %add3A_3454 : i32 to vector<16xi32>
      %add3A_3456 = arith.addi %add3A_3455, %iota3A : vector<16xi32>
      tpu.vector_store_idx %arg7[%sub3A_3446, %add3A_3456], %broadcast_in_dim3A_37 masked %and3A_3453 : memref<248x256xf32, #tpu.memory_space<vmem>>[vector<16xi32>, vector<16xi32>], vector<16xf32>, vector<16xi1>
      %get3A_3457 = arith.index_cast %select_n3A_1784 : i32 to index
      %get3A_3458 = arith.constant 48 : index
      %get3A_3459 = tpu.vector_load %arg5[%get3A_3457, %get3A_3458] {strides = array<i32>} : memref<2x256xi32, #tpu.memory_space<vmem>>, vector<16xi32>,
      %sub3A_3460 = arith.constant 256 : i32
      %sub3A_3461 = vector.broadcast %sub3A_3460 : i32 to vector<16xi32>
      %sub3A_3462 = arith.subi %get3A_3459, %sub3A_3461 : vector<16xi32>
      %ge3A_3463 = arith.constant 0 : i32
      %ge3A_3464 = vector.broadcast %ge3A_3463 : i32 to vector<16xi32>
      %ge3A_3465 = arith.cmpi sge, %sub3A_3462, %ge3A_3464 : vector<16xi32>
      %lt3A_3466 = arith.constant 248 : i32
      %lt3A_3467 = vector.broadcast %lt3A_3466 : i32 to vector<16xi32>
      %lt3A_3468 = arith.cmpi slt, %sub3A_3462, %lt3A_3467 : vector<16xi32>
      %and3A_3469 = arith.andi %ge3A_3465, %lt3A_3468 : vector<16xi1>
      %add3A_3470 = arith.constant 48 : i32
      %add3A_3471 = vector.broadcast %add3A_3470 : i32 to vector<16xi32>
      %add3A_3472 = arith.addi %add3A_3471, %iota3A : vector<16xi32>
      tpu.vector_store_idx %arg7[%sub3A_3462, %add3A_3472], %broadcast_in_dim3A_37 masked %and3A_3469 : memref<248x256xf32, #tpu.memory_space<vmem>>[vector<16xi32>, vector<16xi32>], vector<16xf32>, vector<16xi1>
      %get3A_3473 = arith.index_cast %select_n3A_1784 : i32 to index
      %get3A_3474 = arith.constant 64 : index
      %get3A_3475 = tpu.vector_load %arg5[%get3A_3473, %get3A_3474] {strides = array<i32>} : memref<2x256xi32, #tpu.memory_space<vmem>>, vector<16xi32>,
      %sub3A_3476 = arith.constant 256 : i32
      %sub3A_3477 = vector.broadcast %sub3A_3476 : i32 to vector<16xi32>
      %sub3A_3478 = arith.subi %get3A_3475, %sub3A_3477 : vector<16xi32>
      %ge3A_3479 = arith.constant 0 : i32
      %ge3A_3480 = vector.broadcast %ge3A_3479 : i32 to vector<16xi32>
      %ge3A_3481 = arith.cmpi sge, %sub3A_3478, %ge3A_3480 : vector<16xi32>
      %lt3A_3482 = arith.constant 248 : i32
      %lt3A_3483 = vector.broadcast %lt3A_3482 : i32 to vector<16xi32>
      %lt3A_3484 = arith.cmpi slt, %sub3A_3478, %lt3A_3483 : vector<16xi32>
      %and3A_3485 = arith.andi %ge3A_3481, %lt3A_3484 : vector<16xi1>
      %add3A_3486 = arith.constant 64 : i32
      %add3A_3487 = vector.broadcast %add3A_3486 : i32 to vector<16xi32>
      %add3A_3488 = arith.addi %add3A_3487, %iota3A : vector<16xi32>
      tpu.vector_store_idx %arg7[%sub3A_3478, %add3A_3488], %broadcast_in_dim3A_37 masked %and3A_3485 : memref<248x256xf32, #tpu.memory_space<vmem>>[vector<16xi32>, vector<16xi32>], vector<16xf32>, vector<16xi1>
      %get3A_3489 = arith.index_cast %select_n3A_1784 : i32 to index
      %get3A_3490 = arith.constant 80 : index
      %get3A_3491 = tpu.vector_load %arg5[%get3A_3489, %get3A_3490] {strides = array<i32>} : memref<2x256xi32, #tpu.memory_space<vmem>>, vector<16xi32>,
      %sub3A_3492 = arith.constant 256 : i32
      %sub3A_3493 = vector.broadcast %sub3A_3492 : i32 to vector<16xi32>
      %sub3A_3494 = arith.subi %get3A_3491, %sub3A_3493 : vector<16xi32>
      %ge3A_3495 = arith.constant 0 : i32
      %ge3A_3496 = vector.broadcast %ge3A_3495 : i32 to vector<16xi32>
      %ge3A_3497 = arith.cmpi sge, %sub3A_3494, %ge3A_3496 : vector<16xi32>
      %lt3A_3498 = arith.constant 248 : i32
      %lt3A_3499 = vector.broadcast %lt3A_3498 : i32 to vector<16xi32>
      %lt3A_3500 = arith.cmpi slt, %sub3A_3494, %lt3A_3499 : vector<16xi32>
      %and3A_3501 = arith.andi %ge3A_3497, %lt3A_3500 : vector<16xi1>
      %add3A_3502 = arith.constant 80 : i32
      %add3A_3503 = vector.broadcast %add3A_3502 : i32 to vector<16xi32>
      %add3A_3504 = arith.addi %add3A_3503, %iota3A : vector<16xi32>
      tpu.vector_store_idx %arg7[%sub3A_3494, %add3A_3504], %broadcast_in_dim3A_37 masked %and3A_3501 : memref<248x256xf32, #tpu.memory_space<vmem>>[vector<16xi32>, vector<16xi32>], vector<16xf32>, vector<16xi1>
      %get3A_3505 = arith.index_cast %select_n3A_1784 : i32 to index
      %get3A_3506 = arith.constant 96 : index
      %get3A_3507 = tpu.vector_load %arg5[%get3A_3505, %get3A_3506] {strides = array<i32>} : memref<2x256xi32, #tpu.memory_space<vmem>>, vector<16xi32>,
      %sub3A_3508 = arith.constant 256 : i32
      %sub3A_3509 = vector.broadcast %sub3A_3508 : i32 to vector<16xi32>
      %sub3A_3510 = arith.subi %get3A_3507, %sub3A_3509 : vector<16xi32>
      %ge3A_3511 = arith.constant 0 : i32
      %ge3A_3512 = vector.broadcast %ge3A_3511 : i32 to vector<16xi32>
      %ge3A_3513 = arith.cmpi sge, %sub3A_3510, %ge3A_3512 : vector<16xi32>
      %lt3A_3514 = arith.constant 248 : i32
      %lt3A_3515 = vector.broadcast %lt3A_3514 : i32 to vector<16xi32>
      %lt3A_3516 = arith.cmpi slt, %sub3A_3510, %lt3A_3515 : vector<16xi32>
      %and3A_3517 = arith.andi %ge3A_3513, %lt3A_3516 : vector<16xi1>
      %add3A_3518 = arith.constant 96 : i32
      %add3A_3519 = vector.broadcast %add3A_3518 : i32 to vector<16xi32>
      %add3A_3520 = arith.addi %add3A_3519, %iota3A : vector<16xi32>
      tpu.vector_store_idx %arg7[%sub3A_3510, %add3A_3520], %broadcast_in_dim3A_37 masked %and3A_3517 : memref<248x256xf32, #tpu.memory_space<vmem>>[vector<16xi32>, vector<16xi32>], vector<16xf32>, vector<16xi1>
      %get3A_3521 = arith.index_cast %select_n3A_1784 : i32 to index
      %get3A_3522 = arith.constant 112 : index
      %get3A_3523 = tpu.vector_load %arg5[%get3A_3521, %get3A_3522] {strides = array<i32>} : memref<2x256xi32, #tpu.memory_space<vmem>>, vector<16xi32>,
      %sub3A_3524 = arith.constant 256 : i32
      %sub3A_3525 = vector.broadcast %sub3A_3524 : i32 to vector<16xi32>
      %sub3A_3526 = arith.subi %get3A_3523, %sub3A_3525 : vector<16xi32>
      %ge3A_3527 = arith.constant 0 : i32
      %ge3A_3528 = vector.broadcast %ge3A_3527 : i32 to vector<16xi32>
      %ge3A_3529 = arith.cmpi sge, %sub3A_3526, %ge3A_3528 : vector<16xi32>
      %lt3A_3530 = arith.constant 248 : i32
      %lt3A_3531 = vector.broadcast %lt3A_3530 : i32 to vector<16xi32>
      %lt3A_3532 = arith.cmpi slt, %sub3A_3526, %lt3A_3531 : vector<16xi32>
      %and3A_3533 = arith.andi %ge3A_3529, %lt3A_3532 : vector<16xi1>
      %add3A_3534 = arith.constant 112 : i32
      %add3A_3535 = vector.broadcast %add3A_3534 : i32 to vector<16xi32>
      %add3A_3536 = arith.addi %add3A_3535, %iota3A : vector<16xi32>
      tpu.vector_store_idx %arg7[%sub3A_3526, %add3A_3536], %broadcast_in_dim3A_37 masked %and3A_3533 : memref<248x256xf32, #tpu.memory_space<vmem>>[vector<16xi32>, vector<16xi32>], vector<16xf32>, vector<16xi1>
      %get3A_3537 = arith.index_cast %select_n3A_1784 : i32 to index
      %get3A_3538 = arith.constant 128 : index
      %get3A_3539 = tpu.vector_load %arg5[%get3A_3537, %get3A_3538] {strides = array<i32>} : memref<2x256xi32, #tpu.memory_space<vmem>>, vector<16xi32>,
      %sub3A_3540 = arith.constant 256 : i32
      %sub3A_3541 = vector.broadcast %sub3A_3540 : i32 to vector<16xi32>
      %sub3A_3542 = arith.subi %get3A_3539, %sub3A_3541 : vector<16xi32>
      %ge3A_3543 = arith.constant 0 : i32
      %ge3A_3544 = vector.broadcast %ge3A_3543 : i32 to vector<16xi32>
      %ge3A_3545 = arith.cmpi sge, %sub3A_3542, %ge3A_3544 : vector<16xi32>
      %lt3A_3546 = arith.constant 248 : i32
      %lt3A_3547 = vector.broadcast %lt3A_3546 : i32 to vector<16xi32>
      %lt3A_3548 = arith.cmpi slt, %sub3A_3542, %lt3A_3547 : vector<16xi32>
      %and3A_3549 = arith.andi %ge3A_3545, %lt3A_3548 : vector<16xi1>
      %add3A_3550 = arith.constant 128 : i32
      %add3A_3551 = vector.broadcast %add3A_3550 : i32 to vector<16xi32>
      %add3A_3552 = arith.addi %add3A_3551, %iota3A : vector<16xi32>
      tpu.vector_store_idx %arg7[%sub3A_3542, %add3A_3552], %broadcast_in_dim3A_37 masked %and3A_3549 : memref<248x256xf32, #tpu.memory_space<vmem>>[vector<16xi32>, vector<16xi32>], vector<16xf32>, vector<16xi1>
      %get3A_3553 = arith.index_cast %select_n3A_1784 : i32 to index
      %get3A_3554 = arith.constant 144 : index
      %get3A_3555 = tpu.vector_load %arg5[%get3A_3553, %get3A_3554] {strides = array<i32>} : memref<2x256xi32, #tpu.memory_space<vmem>>, vector<16xi32>,
      %sub3A_3556 = arith.constant 256 : i32
      %sub3A_3557 = vector.broadcast %sub3A_3556 : i32 to vector<16xi32>
      %sub3A_3558 = arith.subi %get3A_3555, %sub3A_3557 : vector<16xi32>
      %ge3A_3559 = arith.constant 0 : i32
      %ge3A_3560 = vector.broadcast %ge3A_3559 : i32 to vector<16xi32>
      %ge3A_3561 = arith.cmpi sge, %sub3A_3558, %ge3A_3560 : vector<16xi32>
      %lt3A_3562 = arith.constant 248 : i32
      %lt3A_3563 = vector.broadcast %lt3A_3562 : i32 to vector<16xi32>
      %lt3A_3564 = arith.cmpi slt, %sub3A_3558, %lt3A_3563 : vector<16xi32>
      %and3A_3565 = arith.andi %ge3A_3561, %lt3A_3564 : vector<16xi1>
      %add3A_3566 = arith.constant 144 : i32
      %add3A_3567 = vector.broadcast %add3A_3566 : i32 to vector<16xi32>
      %add3A_3568 = arith.addi %add3A_3567, %iota3A : vector<16xi32>
      tpu.vector_store_idx %arg7[%sub3A_3558, %add3A_3568], %broadcast_in_dim3A_37 masked %and3A_3565 : memref<248x256xf32, #tpu.memory_space<vmem>>[vector<16xi32>, vector<16xi32>], vector<16xf32>, vector<16xi1>
      %get3A_3569 = arith.index_cast %select_n3A_1784 : i32 to index
      %get3A_3570 = arith.constant 160 : index
      %get3A_3571 = tpu.vector_load %arg5[%get3A_3569, %get3A_3570] {strides = array<i32>} : memref<2x256xi32, #tpu.memory_space<vmem>>, vector<16xi32>,
      %sub3A_3572 = arith.constant 256 : i32
      %sub3A_3573 = vector.broadcast %sub3A_3572 : i32 to vector<16xi32>
      %sub3A_3574 = arith.subi %get3A_3571, %sub3A_3573 : vector<16xi32>
      %ge3A_3575 = arith.constant 0 : i32
      %ge3A_3576 = vector.broadcast %ge3A_3575 : i32 to vector<16xi32>
      %ge3A_3577 = arith.cmpi sge, %sub3A_3574, %ge3A_3576 : vector<16xi32>
      %lt3A_3578 = arith.constant 248 : i32
      %lt3A_3579 = vector.broadcast %lt3A_3578 : i32 to vector<16xi32>
      %lt3A_3580 = arith.cmpi slt, %sub3A_3574, %lt3A_3579 : vector<16xi32>
      %and3A_3581 = arith.andi %ge3A_3577, %lt3A_3580 : vector<16xi1>
      %add3A_3582 = arith.constant 160 : i32
      %add3A_3583 = vector.broadcast %add3A_3582 : i32 to vector<16xi32>
      %add3A_3584 = arith.addi %add3A_3583, %iota3A : vector<16xi32>
      tpu.vector_store_idx %arg7[%sub3A_3574, %add3A_3584], %broadcast_in_dim3A_37 masked %and3A_3581 : memref<248x256xf32, #tpu.memory_space<vmem>>[vector<16xi32>, vector<16xi32>], vector<16xf32>, vector<16xi1>
      %get3A_3585 = arith.index_cast %select_n3A_1784 : i32 to index
      %get3A_3586 = arith.constant 176 : index
      %get3A_3587 = tpu.vector_load %arg5[%get3A_3585, %get3A_3586] {strides = array<i32>} : memref<2x256xi32, #tpu.memory_space<vmem>>, vector<16xi32>,
      %sub3A_3588 = arith.constant 256 : i32
      %sub3A_3589 = vector.broadcast %sub3A_3588 : i32 to vector<16xi32>
      %sub3A_3590 = arith.subi %get3A_3587, %sub3A_3589 : vector<16xi32>
      %ge3A_3591 = arith.constant 0 : i32
      %ge3A_3592 = vector.broadcast %ge3A_3591 : i32 to vector<16xi32>
      %ge3A_3593 = arith.cmpi sge, %sub3A_3590, %ge3A_3592 : vector<16xi32>
      %lt3A_3594 = arith.constant 248 : i32
      %lt3A_3595 = vector.broadcast %lt3A_3594 : i32 to vector<16xi32>
      %lt3A_3596 = arith.cmpi slt, %sub3A_3590, %lt3A_3595 : vector<16xi32>
      %and3A_3597 = arith.andi %ge3A_3593, %lt3A_3596 : vector<16xi1>
      %add3A_3598 = arith.constant 176 : i32
      %add3A_3599 = vector.broadcast %add3A_3598 : i32 to vector<16xi32>
      %add3A_3600 = arith.addi %add3A_3599, %iota3A : vector<16xi32>
      tpu.vector_store_idx %arg7[%sub3A_3590, %add3A_3600], %broadcast_in_dim3A_37 masked %and3A_3597 : memref<248x256xf32, #tpu.memory_space<vmem>>[vector<16xi32>, vector<16xi32>], vector<16xf32>, vector<16xi1>
      %get3A_3601 = arith.index_cast %select_n3A_1784 : i32 to index
      %get3A_3602 = arith.constant 192 : index
      %get3A_3603 = tpu.vector_load %arg5[%get3A_3601, %get3A_3602] {strides = array<i32>} : memref<2x256xi32, #tpu.memory_space<vmem>>, vector<16xi32>,
      %sub3A_3604 = arith.constant 256 : i32
      %sub3A_3605 = vector.broadcast %sub3A_3604 : i32 to vector<16xi32>
      %sub3A_3606 = arith.subi %get3A_3603, %sub3A_3605 : vector<16xi32>
      %ge3A_3607 = arith.constant 0 : i32
      %ge3A_3608 = vector.broadcast %ge3A_3607 : i32 to vector<16xi32>
      %ge3A_3609 = arith.cmpi sge, %sub3A_3606, %ge3A_3608 : vector<16xi32>
      %lt3A_3610 = arith.constant 248 : i32
      %lt3A_3611 = vector.broadcast %lt3A_3610 : i32 to vector<16xi32>
      %lt3A_3612 = arith.cmpi slt, %sub3A_3606, %lt3A_3611 : vector<16xi32>
      %and3A_3613 = arith.andi %ge3A_3609, %lt3A_3612 : vector<16xi1>
      %add3A_3614 = arith.constant 192 : i32
      %add3A_3615 = vector.broadcast %add3A_3614 : i32 to vector<16xi32>
      %add3A_3616 = arith.addi %add3A_3615, %iota3A : vector<16xi32>
      tpu.vector_store_idx %arg7[%sub3A_3606, %add3A_3616], %broadcast_in_dim3A_37 masked %and3A_3613 : memref<248x256xf32, #tpu.memory_space<vmem>>[vector<16xi32>, vector<16xi32>], vector<16xf32>, vector<16xi1>
      %get3A_3617 = arith.index_cast %select_n3A_1784 : i32 to index
      %get3A_3618 = arith.constant 208 : index
      %get3A_3619 = tpu.vector_load %arg5[%get3A_3617, %get3A_3618] {strides = array<i32>} : memref<2x256xi32, #tpu.memory_space<vmem>>, vector<16xi32>,
      %sub3A_3620 = arith.constant 256 : i32
      %sub3A_3621 = vector.broadcast %sub3A_3620 : i32 to vector<16xi32>
      %sub3A_3622 = arith.subi %get3A_3619, %sub3A_3621 : vector<16xi32>
      %ge3A_3623 = arith.constant 0 : i32
      %ge3A_3624 = vector.broadcast %ge3A_3623 : i32 to vector<16xi32>
      %ge3A_3625 = arith.cmpi sge, %sub3A_3622, %ge3A_3624 : vector<16xi32>
      %lt3A_3626 = arith.constant 248 : i32
      %lt3A_3627 = vector.broadcast %lt3A_3626 : i32 to vector<16xi32>
      %lt3A_3628 = arith.cmpi slt, %sub3A_3622, %lt3A_3627 : vector<16xi32>
      %and3A_3629 = arith.andi %ge3A_3625, %lt3A_3628 : vector<16xi1>
      %add3A_3630 = arith.constant 208 : i32
      %add3A_3631 = vector.broadcast %add3A_3630 : i32 to vector<16xi32>
      %add3A_3632 = arith.addi %add3A_3631, %iota3A : vector<16xi32>
      tpu.vector_store_idx %arg7[%sub3A_3622, %add3A_3632], %broadcast_in_dim3A_37 masked %and3A_3629 : memref<248x256xf32, #tpu.memory_space<vmem>>[vector<16xi32>, vector<16xi32>], vector<16xf32>, vector<16xi1>
      %get3A_3633 = arith.index_cast %select_n3A_1784 : i32 to index
      %get3A_3634 = arith.constant 224 : index
      %get3A_3635 = tpu.vector_load %arg5[%get3A_3633, %get3A_3634] {strides = array<i32>} : memref<2x256xi32, #tpu.memory_space<vmem>>, vector<16xi32>,
      %sub3A_3636 = arith.constant 256 : i32
      %sub3A_3637 = vector.broadcast %sub3A_3636 : i32 to vector<16xi32>
      %sub3A_3638 = arith.subi %get3A_3635, %sub3A_3637 : vector<16xi32>
      %ge3A_3639 = arith.constant 0 : i32
      %ge3A_3640 = vector.broadcast %ge3A_3639 : i32 to vector<16xi32>
      %ge3A_3641 = arith.cmpi sge, %sub3A_3638, %ge3A_3640 : vector<16xi32>
      %lt3A_3642 = arith.constant 248 : i32
      %lt3A_3643 = vector.broadcast %lt3A_3642 : i32 to vector<16xi32>
      %lt3A_3644 = arith.cmpi slt, %sub3A_3638, %lt3A_3643 : vector<16xi32>
      %and3A_3645 = arith.andi %ge3A_3641, %lt3A_3644 : vector<16xi1>
      %add3A_3646 = arith.constant 224 : i32
      %add3A_3647 = vector.broadcast %add3A_3646 : i32 to vector<16xi32>
      %add3A_3648 = arith.addi %add3A_3647, %iota3A : vector<16xi32>
      tpu.vector_store_idx %arg7[%sub3A_3638, %add3A_3648], %broadcast_in_dim3A_37 masked %and3A_3645 : memref<248x256xf32, #tpu.memory_space<vmem>>[vector<16xi32>, vector<16xi32>], vector<16xf32>, vector<16xi1>
      %get3A_3649 = arith.index_cast %select_n3A_1784 : i32 to index
      %get3A_3650 = arith.constant 240 : index
      %get3A_3651 = tpu.vector_load %arg5[%get3A_3649, %get3A_3650] {strides = array<i32>} : memref<2x256xi32, #tpu.memory_space<vmem>>, vector<16xi32>,
      %sub3A_3652 = arith.constant 256 : i32
      %sub3A_3653 = vector.broadcast %sub3A_3652 : i32 to vector<16xi32>
      %sub3A_3654 = arith.subi %get3A_3651, %sub3A_3653 : vector<16xi32>
      %ge3A_3655 = arith.constant 0 : i32
      %ge3A_3656 = vector.broadcast %ge3A_3655 : i32 to vector<16xi32>
      %ge3A_3657 = arith.cmpi sge, %sub3A_3654, %ge3A_3656 : vector<16xi32>
      %lt3A_3658 = arith.constant 248 : i32
      %lt3A_3659 = vector.broadcast %lt3A_3658 : i32 to vector<16xi32>
      %lt3A_3660 = arith.cmpi slt, %sub3A_3654, %lt3A_3659 : vector<16xi32>
      %and3A_3661 = arith.andi %ge3A_3657, %lt3A_3660 : vector<16xi1>
      %add3A_3662 = arith.constant 240 : i32
      %add3A_3663 = vector.broadcast %add3A_3662 : i32 to vector<16xi32>
      %add3A_3664 = arith.addi %add3A_3663, %iota3A : vector<16xi32>
      tpu.vector_store_idx %arg7[%sub3A_3654, %add3A_3664], %broadcast_in_dim3A_37 masked %and3A_3661 : memref<248x256xf32, #tpu.memory_space<vmem>>[vector<16xi32>, vector<16xi32>], vector<16xf32>, vector<16xi1>
      %get3A_3665 = arith.index_cast %select_n3A_1784 : i32 to index
      %get3A_3666 = arith.constant 0 : index
      %get3A_3667 = tpu.vector_load %arg5[%get3A_3665, %get3A_3666] {strides = array<i32>} : memref<2x256xi32, #tpu.memory_space<vmem>>, vector<16xi32>,
      %sub3A_3668 = arith.constant 752 : i32
      %sub3A_3669 = vector.broadcast %sub3A_3668 : i32 to vector<16xi32>
      %sub3A_3670 = arith.subi %get3A_3667, %sub3A_3669 : vector<16xi32>
      %ge3A_3671 = arith.constant 0 : i32
      %ge3A_3672 = vector.broadcast %ge3A_3671 : i32 to vector<16xi32>
      %ge3A_3673 = arith.cmpi sge, %sub3A_3670, %ge3A_3672 : vector<16xi32>
      %lt3A_3674 = arith.constant 248 : i32
      %lt3A_3675 = vector.broadcast %lt3A_3674 : i32 to vector<16xi32>
      %lt3A_3676 = arith.cmpi slt, %sub3A_3670, %lt3A_3675 : vector<16xi32>
      %and3A_3677 = arith.andi %ge3A_3673, %lt3A_3676 : vector<16xi1>
      %add3A_3678 = arith.constant 0 : i32
      %add3A_3679 = vector.broadcast %add3A_3678 : i32 to vector<16xi32>
      %add3A_3680 = arith.addi %add3A_3679, %iota3A : vector<16xi32>
      tpu.vector_store_idx %arg7[%sub3A_3670, %add3A_3680], %broadcast_in_dim3A_35 masked %and3A_3677 : memref<248x256xf32, #tpu.memory_space<vmem>>[vector<16xi32>, vector<16xi32>], vector<16xf32>, vector<16xi1>
      %get3A_3681 = arith.index_cast %select_n3A_1784 : i32 to index
      %get3A_3682 = arith.constant 16 : index
      %get3A_3683 = tpu.vector_load %arg5[%get3A_3681, %get3A_3682] {strides = array<i32>} : memref<2x256xi32, #tpu.memory_space<vmem>>, vector<16xi32>,
      %sub3A_3684 = arith.constant 752 : i32
      %sub3A_3685 = vector.broadcast %sub3A_3684 : i32 to vector<16xi32>
      %sub3A_3686 = arith.subi %get3A_3683, %sub3A_3685 : vector<16xi32>
      %ge3A_3687 = arith.constant 0 : i32
      %ge3A_3688 = vector.broadcast %ge3A_3687 : i32 to vector<16xi32>
      %ge3A_3689 = arith.cmpi sge, %sub3A_3686, %ge3A_3688 : vector<16xi32>
      %lt3A_3690 = arith.constant 248 : i32
      %lt3A_3691 = vector.broadcast %lt3A_3690 : i32 to vector<16xi32>
      %lt3A_3692 = arith.cmpi slt, %sub3A_3686, %lt3A_3691 : vector<16xi32>
      %and3A_3693 = arith.andi %ge3A_3689, %lt3A_3692 : vector<16xi1>
      %add3A_3694 = arith.constant 16 : i32
      %add3A_3695 = vector.broadcast %add3A_3694 : i32 to vector<16xi32>
      %add3A_3696 = arith.addi %add3A_3695, %iota3A : vector<16xi32>
      tpu.vector_store_idx %arg7[%sub3A_3686, %add3A_3696], %broadcast_in_dim3A_35 masked %and3A_3693 : memref<248x256xf32, #tpu.memory_space<vmem>>[vector<16xi32>, vector<16xi32>], vector<16xf32>, vector<16xi1>
      %get3A_3697 = arith.index_cast %select_n3A_1784 : i32 to index
      %get3A_3698 = arith.constant 32 : index
      %get3A_3699 = tpu.vector_load %arg5[%get3A_3697, %get3A_3698] {strides = array<i32>} : memref<2x256xi32, #tpu.memory_space<vmem>>, vector<16xi32>,
      %sub3A_3700 = arith.constant 752 : i32
      %sub3A_3701 = vector.broadcast %sub3A_3700 : i32 to vector<16xi32>
      %sub3A_3702 = arith.subi %get3A_3699, %sub3A_3701 : vector<16xi32>
      %ge3A_3703 = arith.constant 0 : i32
      %ge3A_3704 = vector.broadcast %ge3A_3703 : i32 to vector<16xi32>
      %ge3A_3705 = arith.cmpi sge, %sub3A_3702, %ge3A_3704 : vector<16xi32>
      %lt3A_3706 = arith.constant 248 : i32
      %lt3A_3707 = vector.broadcast %lt3A_3706 : i32 to vector<16xi32>
      %lt3A_3708 = arith.cmpi slt, %sub3A_3702, %lt3A_3707 : vector<16xi32>
      %and3A_3709 = arith.andi %ge3A_3705, %lt3A_3708 : vector<16xi1>
      %add3A_3710 = arith.constant 32 : i32
      %add3A_3711 = vector.broadcast %add3A_3710 : i32 to vector<16xi32>
      %add3A_3712 = arith.addi %add3A_3711, %iota3A : vector<16xi32>
      tpu.vector_store_idx %arg7[%sub3A_3702, %add3A_3712], %broadcast_in_dim3A_35 masked %and3A_3709 : memref<248x256xf32, #tpu.memory_space<vmem>>[vector<16xi32>, vector<16xi32>], vector<16xf32>, vector<16xi1>
      %get3A_3713 = arith.index_cast %select_n3A_1784 : i32 to index
      %get3A_3714 = arith.constant 48 : index
      %get3A_3715 = tpu.vector_load %arg5[%get3A_3713, %get3A_3714] {strides = array<i32>} : memref<2x256xi32, #tpu.memory_space<vmem>>, vector<16xi32>,
      %sub3A_3716 = arith.constant 752 : i32
      %sub3A_3717 = vector.broadcast %sub3A_3716 : i32 to vector<16xi32>
      %sub3A_3718 = arith.subi %get3A_3715, %sub3A_3717 : vector<16xi32>
      %ge3A_3719 = arith.constant 0 : i32
      %ge3A_3720 = vector.broadcast %ge3A_3719 : i32 to vector<16xi32>
      %ge3A_3721 = arith.cmpi sge, %sub3A_3718, %ge3A_3720 : vector<16xi32>
      %lt3A_3722 = arith.constant 248 : i32
      %lt3A_3723 = vector.broadcast %lt3A_3722 : i32 to vector<16xi32>
      %lt3A_3724 = arith.cmpi slt, %sub3A_3718, %lt3A_3723 : vector<16xi32>
      %and3A_3725 = arith.andi %ge3A_3721, %lt3A_3724 : vector<16xi1>
      %add3A_3726 = arith.constant 48 : i32
      %add3A_3727 = vector.broadcast %add3A_3726 : i32 to vector<16xi32>
      %add3A_3728 = arith.addi %add3A_3727, %iota3A : vector<16xi32>
      tpu.vector_store_idx %arg7[%sub3A_3718, %add3A_3728], %broadcast_in_dim3A_35 masked %and3A_3725 : memref<248x256xf32, #tpu.memory_space<vmem>>[vector<16xi32>, vector<16xi32>], vector<16xf32>, vector<16xi1>
      %get3A_3729 = arith.index_cast %select_n3A_1784 : i32 to index
      %get3A_3730 = arith.constant 64 : index
      %get3A_3731 = tpu.vector_load %arg5[%get3A_3729, %get3A_3730] {strides = array<i32>} : memref<2x256xi32, #tpu.memory_space<vmem>>, vector<16xi32>,
      %sub3A_3732 = arith.constant 752 : i32
      %sub3A_3733 = vector.broadcast %sub3A_3732 : i32 to vector<16xi32>
      %sub3A_3734 = arith.subi %get3A_3731, %sub3A_3733 : vector<16xi32>
      %ge3A_3735 = arith.constant 0 : i32
      %ge3A_3736 = vector.broadcast %ge3A_3735 : i32 to vector<16xi32>
      %ge3A_3737 = arith.cmpi sge, %sub3A_3734, %ge3A_3736 : vector<16xi32>
      %lt3A_3738 = arith.constant 248 : i32
      %lt3A_3739 = vector.broadcast %lt3A_3738 : i32 to vector<16xi32>
      %lt3A_3740 = arith.cmpi slt, %sub3A_3734, %lt3A_3739 : vector<16xi32>
      %and3A_3741 = arith.andi %ge3A_3737, %lt3A_3740 : vector<16xi1>
      %add3A_3742 = arith.constant 64 : i32
      %add3A_3743 = vector.broadcast %add3A_3742 : i32 to vector<16xi32>
      %add3A_3744 = arith.addi %add3A_3743, %iota3A : vector<16xi32>
      tpu.vector_store_idx %arg7[%sub3A_3734, %add3A_3744], %broadcast_in_dim3A_35 masked %and3A_3741 : memref<248x256xf32, #tpu.memory_space<vmem>>[vector<16xi32>, vector<16xi32>], vector<16xf32>, vector<16xi1>
      %get3A_3745 = arith.index_cast %select_n3A_1784 : i32 to index
      %get3A_3746 = arith.constant 80 : index
      %get3A_3747 = tpu.vector_load %arg5[%get3A_3745, %get3A_3746] {strides = array<i32>} : memref<2x256xi32, #tpu.memory_space<vmem>>, vector<16xi32>,
      %sub3A_3748 = arith.constant 752 : i32
      %sub3A_3749 = vector.broadcast %sub3A_3748 : i32 to vector<16xi32>
      %sub3A_3750 = arith.subi %get3A_3747, %sub3A_3749 : vector<16xi32>
      %ge3A_3751 = arith.constant 0 : i32
      %ge3A_3752 = vector.broadcast %ge3A_3751 : i32 to vector<16xi32>
      %ge3A_3753 = arith.cmpi sge, %sub3A_3750, %ge3A_3752 : vector<16xi32>
      %lt3A_3754 = arith.constant 248 : i32
      %lt3A_3755 = vector.broadcast %lt3A_3754 : i32 to vector<16xi32>
      %lt3A_3756 = arith.cmpi slt, %sub3A_3750, %lt3A_3755 : vector<16xi32>
      %and3A_3757 = arith.andi %ge3A_3753, %lt3A_3756 : vector<16xi1>
      %add3A_3758 = arith.constant 80 : i32
      %add3A_3759 = vector.broadcast %add3A_3758 : i32 to vector<16xi32>
      %add3A_3760 = arith.addi %add3A_3759, %iota3A : vector<16xi32>
      tpu.vector_store_idx %arg7[%sub3A_3750, %add3A_3760], %broadcast_in_dim3A_35 masked %and3A_3757 : memref<248x256xf32, #tpu.memory_space<vmem>>[vector<16xi32>, vector<16xi32>], vector<16xf32>, vector<16xi1>
      %get3A_3761 = arith.index_cast %select_n3A_1784 : i32 to index
      %get3A_3762 = arith.constant 96 : index
      %get3A_3763 = tpu.vector_load %arg5[%get3A_3761, %get3A_3762] {strides = array<i32>} : memref<2x256xi32, #tpu.memory_space<vmem>>, vector<16xi32>,
      %sub3A_3764 = arith.constant 752 : i32
      %sub3A_3765 = vector.broadcast %sub3A_3764 : i32 to vector<16xi32>
      %sub3A_3766 = arith.subi %get3A_3763, %sub3A_3765 : vector<16xi32>
      %ge3A_3767 = arith.constant 0 : i32
      %ge3A_3768 = vector.broadcast %ge3A_3767 : i32 to vector<16xi32>
      %ge3A_3769 = arith.cmpi sge, %sub3A_3766, %ge3A_3768 : vector<16xi32>
      %lt3A_3770 = arith.constant 248 : i32
      %lt3A_3771 = vector.broadcast %lt3A_3770 : i32 to vector<16xi32>
      %lt3A_3772 = arith.cmpi slt, %sub3A_3766, %lt3A_3771 : vector<16xi32>
      %and3A_3773 = arith.andi %ge3A_3769, %lt3A_3772 : vector<16xi1>
      %add3A_3774 = arith.constant 96 : i32
      %add3A_3775 = vector.broadcast %add3A_3774 : i32 to vector<16xi32>
      %add3A_3776 = arith.addi %add3A_3775, %iota3A : vector<16xi32>
      tpu.vector_store_idx %arg7[%sub3A_3766, %add3A_3776], %broadcast_in_dim3A_35 masked %and3A_3773 : memref<248x256xf32, #tpu.memory_space<vmem>>[vector<16xi32>, vector<16xi32>], vector<16xf32>, vector<16xi1>
      %get3A_3777 = arith.index_cast %select_n3A_1784 : i32 to index
      %get3A_3778 = arith.constant 112 : index
      %get3A_3779 = tpu.vector_load %arg5[%get3A_3777, %get3A_3778] {strides = array<i32>} : memref<2x256xi32, #tpu.memory_space<vmem>>, vector<16xi32>,
      %sub3A_3780 = arith.constant 752 : i32
      %sub3A_3781 = vector.broadcast %sub3A_3780 : i32 to vector<16xi32>
      %sub3A_3782 = arith.subi %get3A_3779, %sub3A_3781 : vector<16xi32>
      %ge3A_3783 = arith.constant 0 : i32
      %ge3A_3784 = vector.broadcast %ge3A_3783 : i32 to vector<16xi32>
      %ge3A_3785 = arith.cmpi sge, %sub3A_3782, %ge3A_3784 : vector<16xi32>
      %lt3A_3786 = arith.constant 248 : i32
      %lt3A_3787 = vector.broadcast %lt3A_3786 : i32 to vector<16xi32>
      %lt3A_3788 = arith.cmpi slt, %sub3A_3782, %lt3A_3787 : vector<16xi32>
      %and3A_3789 = arith.andi %ge3A_3785, %lt3A_3788 : vector<16xi1>
      %add3A_3790 = arith.constant 112 : i32
      %add3A_3791 = vector.broadcast %add3A_3790 : i32 to vector<16xi32>
      %add3A_3792 = arith.addi %add3A_3791, %iota3A : vector<16xi32>
      tpu.vector_store_idx %arg7[%sub3A_3782, %add3A_3792], %broadcast_in_dim3A_35 masked %and3A_3789 : memref<248x256xf32, #tpu.memory_space<vmem>>[vector<16xi32>, vector<16xi32>], vector<16xf32>, vector<16xi1>
      %get3A_3793 = arith.index_cast %select_n3A_1784 : i32 to index
      %get3A_3794 = arith.constant 128 : index
      %get3A_3795 = tpu.vector_load %arg5[%get3A_3793, %get3A_3794] {strides = array<i32>} : memref<2x256xi32, #tpu.memory_space<vmem>>, vector<16xi32>,
      %sub3A_3796 = arith.constant 752 : i32
      %sub3A_3797 = vector.broadcast %sub3A_3796 : i32 to vector<16xi32>
      %sub3A_3798 = arith.subi %get3A_3795, %sub3A_3797 : vector<16xi32>
      %ge3A_3799 = arith.constant 0 : i32
      %ge3A_3800 = vector.broadcast %ge3A_3799 : i32 to vector<16xi32>
      %ge3A_3801 = arith.cmpi sge, %sub3A_3798, %ge3A_3800 : vector<16xi32>
      %lt3A_3802 = arith.constant 248 : i32
      %lt3A_3803 = vector.broadcast %lt3A_3802 : i32 to vector<16xi32>
      %lt3A_3804 = arith.cmpi slt, %sub3A_3798, %lt3A_3803 : vector<16xi32>
      %and3A_3805 = arith.andi %ge3A_3801, %lt3A_3804 : vector<16xi1>
      %add3A_3806 = arith.constant 128 : i32
      %add3A_3807 = vector.broadcast %add3A_3806 : i32 to vector<16xi32>
      %add3A_3808 = arith.addi %add3A_3807, %iota3A : vector<16xi32>
      tpu.vector_store_idx %arg7[%sub3A_3798, %add3A_3808], %broadcast_in_dim3A_35 masked %and3A_3805 : memref<248x256xf32, #tpu.memory_space<vmem>>[vector<16xi32>, vector<16xi32>], vector<16xf32>, vector<16xi1>
      %get3A_3809 = arith.index_cast %select_n3A_1784 : i32 to index
      %get3A_3810 = arith.constant 144 : index
      %get3A_3811 = tpu.vector_load %arg5[%get3A_3809, %get3A_3810] {strides = array<i32>} : memref<2x256xi32, #tpu.memory_space<vmem>>, vector<16xi32>,
      %sub3A_3812 = arith.constant 752 : i32
      %sub3A_3813 = vector.broadcast %sub3A_3812 : i32 to vector<16xi32>
      %sub3A_3814 = arith.subi %get3A_3811, %sub3A_3813 : vector<16xi32>
      %ge3A_3815 = arith.constant 0 : i32
      %ge3A_3816 = vector.broadcast %ge3A_3815 : i32 to vector<16xi32>
      %ge3A_3817 = arith.cmpi sge, %sub3A_3814, %ge3A_3816 : vector<16xi32>
      %lt3A_3818 = arith.constant 248 : i32
      %lt3A_3819 = vector.broadcast %lt3A_3818 : i32 to vector<16xi32>
      %lt3A_3820 = arith.cmpi slt, %sub3A_3814, %lt3A_3819 : vector<16xi32>
      %and3A_3821 = arith.andi %ge3A_3817, %lt3A_3820 : vector<16xi1>
      %add3A_3822 = arith.constant 144 : i32
      %add3A_3823 = vector.broadcast %add3A_3822 : i32 to vector<16xi32>
      %add3A_3824 = arith.addi %add3A_3823, %iota3A : vector<16xi32>
      tpu.vector_store_idx %arg7[%sub3A_3814, %add3A_3824], %broadcast_in_dim3A_35 masked %and3A_3821 : memref<248x256xf32, #tpu.memory_space<vmem>>[vector<16xi32>, vector<16xi32>], vector<16xf32>, vector<16xi1>
      %get3A_3825 = arith.index_cast %select_n3A_1784 : i32 to index
      %get3A_3826 = arith.constant 160 : index
      %get3A_3827 = tpu.vector_load %arg5[%get3A_3825, %get3A_3826] {strides = array<i32>} : memref<2x256xi32, #tpu.memory_space<vmem>>, vector<16xi32>,
      %sub3A_3828 = arith.constant 752 : i32
      %sub3A_3829 = vector.broadcast %sub3A_3828 : i32 to vector<16xi32>
      %sub3A_3830 = arith.subi %get3A_3827, %sub3A_3829 : vector<16xi32>
      %ge3A_3831 = arith.constant 0 : i32
      %ge3A_3832 = vector.broadcast %ge3A_3831 : i32 to vector<16xi32>
      %ge3A_3833 = arith.cmpi sge, %sub3A_3830, %ge3A_3832 : vector<16xi32>
      %lt3A_3834 = arith.constant 248 : i32
      %lt3A_3835 = vector.broadcast %lt3A_3834 : i32 to vector<16xi32>
      %lt3A_3836 = arith.cmpi slt, %sub3A_3830, %lt3A_3835 : vector<16xi32>
      %and3A_3837 = arith.andi %ge3A_3833, %lt3A_3836 : vector<16xi1>
      %add3A_3838 = arith.constant 160 : i32
      %add3A_3839 = vector.broadcast %add3A_3838 : i32 to vector<16xi32>
      %add3A_3840 = arith.addi %add3A_3839, %iota3A : vector<16xi32>
      tpu.vector_store_idx %arg7[%sub3A_3830, %add3A_3840], %broadcast_in_dim3A_35 masked %and3A_3837 : memref<248x256xf32, #tpu.memory_space<vmem>>[vector<16xi32>, vector<16xi32>], vector<16xf32>, vector<16xi1>
      %get3A_3841 = arith.index_cast %select_n3A_1784 : i32 to index
      %get3A_3842 = arith.constant 176 : index
      %get3A_3843 = tpu.vector_load %arg5[%get3A_3841, %get3A_3842] {strides = array<i32>} : memref<2x256xi32, #tpu.memory_space<vmem>>, vector<16xi32>,
      %sub3A_3844 = arith.constant 752 : i32
      %sub3A_3845 = vector.broadcast %sub3A_3844 : i32 to vector<16xi32>
      %sub3A_3846 = arith.subi %get3A_3843, %sub3A_3845 : vector<16xi32>
      %ge3A_3847 = arith.constant 0 : i32
      %ge3A_3848 = vector.broadcast %ge3A_3847 : i32 to vector<16xi32>
      %ge3A_3849 = arith.cmpi sge, %sub3A_3846, %ge3A_3848 : vector<16xi32>
      %lt3A_3850 = arith.constant 248 : i32
      %lt3A_3851 = vector.broadcast %lt3A_3850 : i32 to vector<16xi32>
      %lt3A_3852 = arith.cmpi slt, %sub3A_3846, %lt3A_3851 : vector<16xi32>
      %and3A_3853 = arith.andi %ge3A_3849, %lt3A_3852 : vector<16xi1>
      %add3A_3854 = arith.constant 176 : i32
      %add3A_3855 = vector.broadcast %add3A_3854 : i32 to vector<16xi32>
      %add3A_3856 = arith.addi %add3A_3855, %iota3A : vector<16xi32>
      tpu.vector_store_idx %arg7[%sub3A_3846, %add3A_3856], %broadcast_in_dim3A_35 masked %and3A_3853 : memref<248x256xf32, #tpu.memory_space<vmem>>[vector<16xi32>, vector<16xi32>], vector<16xf32>, vector<16xi1>
      %get3A_3857 = arith.index_cast %select_n3A_1784 : i32 to index
      %get3A_3858 = arith.constant 192 : index
      %get3A_3859 = tpu.vector_load %arg5[%get3A_3857, %get3A_3858] {strides = array<i32>} : memref<2x256xi32, #tpu.memory_space<vmem>>, vector<16xi32>,
      %sub3A_3860 = arith.constant 752 : i32
      %sub3A_3861 = vector.broadcast %sub3A_3860 : i32 to vector<16xi32>
      %sub3A_3862 = arith.subi %get3A_3859, %sub3A_3861 : vector<16xi32>
      %ge3A_3863 = arith.constant 0 : i32
      %ge3A_3864 = vector.broadcast %ge3A_3863 : i32 to vector<16xi32>
      %ge3A_3865 = arith.cmpi sge, %sub3A_3862, %ge3A_3864 : vector<16xi32>
      %lt3A_3866 = arith.constant 248 : i32
      %lt3A_3867 = vector.broadcast %lt3A_3866 : i32 to vector<16xi32>
      %lt3A_3868 = arith.cmpi slt, %sub3A_3862, %lt3A_3867 : vector<16xi32>
      %and3A_3869 = arith.andi %ge3A_3865, %lt3A_3868 : vector<16xi1>
      %add3A_3870 = arith.constant 192 : i32
      %add3A_3871 = vector.broadcast %add3A_3870 : i32 to vector<16xi32>
      %add3A_3872 = arith.addi %add3A_3871, %iota3A : vector<16xi32>
      tpu.vector_store_idx %arg7[%sub3A_3862, %add3A_3872], %broadcast_in_dim3A_35 masked %and3A_3869 : memref<248x256xf32, #tpu.memory_space<vmem>>[vector<16xi32>, vector<16xi32>], vector<16xf32>, vector<16xi1>
      %get3A_3873 = arith.index_cast %select_n3A_1784 : i32 to index
      %get3A_3874 = arith.constant 208 : index
      %get3A_3875 = tpu.vector_load %arg5[%get3A_3873, %get3A_3874] {strides = array<i32>} : memref<2x256xi32, #tpu.memory_space<vmem>>, vector<16xi32>,
      %sub3A_3876 = arith.constant 752 : i32
      %sub3A_3877 = vector.broadcast %sub3A_3876 : i32 to vector<16xi32>
      %sub3A_3878 = arith.subi %get3A_3875, %sub3A_3877 : vector<16xi32>
      %ge3A_3879 = arith.constant 0 : i32
      %ge3A_3880 = vector.broadcast %ge3A_3879 : i32 to vector<16xi32>
      %ge3A_3881 = arith.cmpi sge, %sub3A_3878, %ge3A_3880 : vector<16xi32>
      %lt3A_3882 = arith.constant 248 : i32
      %lt3A_3883 = vector.broadcast %lt3A_3882 : i32 to vector<16xi32>
      %lt3A_3884 = arith.cmpi slt, %sub3A_3878, %lt3A_3883 : vector<16xi32>
      %and3A_3885 = arith.andi %ge3A_3881, %lt3A_3884 : vector<16xi1>
      %add3A_3886 = arith.constant 208 : i32
      %add3A_3887 = vector.broadcast %add3A_3886 : i32 to vector<16xi32>
      %add3A_3888 = arith.addi %add3A_3887, %iota3A : vector<16xi32>
      tpu.vector_store_idx %arg7[%sub3A_3878, %add3A_3888], %broadcast_in_dim3A_35 masked %and3A_3885 : memref<248x256xf32, #tpu.memory_space<vmem>>[vector<16xi32>, vector<16xi32>], vector<16xf32>, vector<16xi1>
      %get3A_3889 = arith.index_cast %select_n3A_1784 : i32 to index
      %get3A_3890 = arith.constant 224 : index
      %get3A_3891 = tpu.vector_load %arg5[%get3A_3889, %get3A_3890] {strides = array<i32>} : memref<2x256xi32, #tpu.memory_space<vmem>>, vector<16xi32>,
      %sub3A_3892 = arith.constant 752 : i32
      %sub3A_3893 = vector.broadcast %sub3A_3892 : i32 to vector<16xi32>
      %sub3A_3894 = arith.subi %get3A_3891, %sub3A_3893 : vector<16xi32>
      %ge3A_3895 = arith.constant 0 : i32
      %ge3A_3896 = vector.broadcast %ge3A_3895 : i32 to vector<16xi32>
      %ge3A_3897 = arith.cmpi sge, %sub3A_3894, %ge3A_3896 : vector<16xi32>
      %lt3A_3898 = arith.constant 248 : i32
      %lt3A_3899 = vector.broadcast %lt3A_3898 : i32 to vector<16xi32>
      %lt3A_3900 = arith.cmpi slt, %sub3A_3894, %lt3A_3899 : vector<16xi32>
      %and3A_3901 = arith.andi %ge3A_3897, %lt3A_3900 : vector<16xi1>
      %add3A_3902 = arith.constant 224 : i32
      %add3A_3903 = vector.broadcast %add3A_3902 : i32 to vector<16xi32>
      %add3A_3904 = arith.addi %add3A_3903, %iota3A : vector<16xi32>
      tpu.vector_store_idx %arg7[%sub3A_3894, %add3A_3904], %broadcast_in_dim3A_35 masked %and3A_3901 : memref<248x256xf32, #tpu.memory_space<vmem>>[vector<16xi32>, vector<16xi32>], vector<16xf32>, vector<16xi1>
      %get3A_3905 = arith.index_cast %select_n3A_1784 : i32 to index
      %get3A_3906 = arith.constant 240 : index
      %get3A_3907 = tpu.vector_load %arg5[%get3A_3905, %get3A_3906] {strides = array<i32>} : memref<2x256xi32, #tpu.memory_space<vmem>>, vector<16xi32>,
      %sub3A_3908 = arith.constant 752 : i32
      %sub3A_3909 = vector.broadcast %sub3A_3908 : i32 to vector<16xi32>
      %sub3A_3910 = arith.subi %get3A_3907, %sub3A_3909 : vector<16xi32>
      %ge3A_3911 = arith.constant 0 : i32
      %ge3A_3912 = vector.broadcast %ge3A_3911 : i32 to vector<16xi32>
      %ge3A_3913 = arith.cmpi sge, %sub3A_3910, %ge3A_3912 : vector<16xi32>
      %lt3A_3914 = arith.constant 248 : i32
      %lt3A_3915 = vector.broadcast %lt3A_3914 : i32 to vector<16xi32>
      %lt3A_3916 = arith.cmpi slt, %sub3A_3910, %lt3A_3915 : vector<16xi32>
      %and3A_3917 = arith.andi %ge3A_3913, %lt3A_3916 : vector<16xi1>
      %add3A_3918 = arith.constant 240 : i32
      %add3A_3919 = vector.broadcast %add3A_3918 : i32 to vector<16xi32>
      %add3A_3920 = arith.addi %add3A_3919, %iota3A : vector<16xi32>
      tpu.vector_store_idx %arg7[%sub3A_3910, %add3A_3920], %broadcast_in_dim3A_35 masked %and3A_3917 : memref<248x256xf32, #tpu.memory_space<vmem>>[vector<16xi32>, vector<16xi32>], vector<16xf32>, vector<16xi1>
      %dma_start3A_3921 = arith.constant 0 : i32
      %dma_start3A_3922 = arith.constant 0 : i32
      %dma_start3A_3923 = tpu.memref_slice %arg7[%dma_start3A_3921, %dma_start3A_3922] : memref<248x256xf32, #tpu.memory_space<vmem>> -> memref<248x256xf32, #tpu.memory_space<vmem>>
      %dma_start3A_3924 = arith.constant 752 : i32
      %dma_start3A_3925 = tpu.memref_slice %arg4[%add3A_1768, %dma_start3A_3924, %mul3A_32] : memref<20x1000x4096xf32, #tpu.memory_space<hbm>> -> memref<1x248x256xf32, #tpu.memory_space<hbm>>
      %dma_start3A_3926 = tpu.memref_squeeze %dma_start3A_3925 : memref<1x248x256xf32, #tpu.memory_space<hbm>> -> memref<248x256xf32, #tpu.memory_space<hbm>>
      %dma_start3A_3927 = arith.constant 752 : i32
      %dma_start3A_3928 = tpu.memref_slice %arg4[%add3A_1768, %dma_start3A_3927, %mul3A_32] : memref<20x1000x4096xf32, #tpu.memory_space<hbm>> -> memref<1x248x256xf32, #tpu.memory_space<hbm>>
      %dma_start3A_3929 = tpu.memref_squeeze %dma_start3A_3928 : memref<1x248x256xf32, #tpu.memory_space<hbm>> -> memref<248x256xf32, #tpu.memory_space<hbm>>
      %dma_start3A_3930 = arith.constant 0 : i32
      %dma_start3A_3931 = arith.constant 0 : i32
      %dma_start3A_3932 = tpu.memref_slice %arg7[%dma_start3A_3930, %dma_start3A_3931] : memref<248x256xf32, #tpu.memory_space<vmem>> -> memref<248x256xf32, #tpu.memory_space<vmem>>
      tpu.enqueue_dma source(%dma_start3A_3932 : memref<248x256xf32, #tpu.memory_space<vmem>>) target(%dma_start3A_3929 : memref<248x256xf32, #tpu.memory_space<hbm>>) target_semaphore(%arg9 : memref<!tpu.dma_semaphore, #tpu.memory_space<semaphore_mem>>)
    }
    %scan3A_1742 = arith.constant 9 : i32
    %dma_wait3A_1743 = arith.constant 0 : i32
    %dma_wait3A_1744 = arith.constant 0 : i32
    %dma_wait3A_1745 = tpu.memref_slice %arg6[%dma_wait3A_1743, %dma_wait3A_1744] : memref<256x256xf32, #tpu.memory_space<vmem>> -> memref<248x256xf32, #tpu.memory_space<vmem>>
    %dma_wait3A_1746 = arith.constant 0 : i32
    %dma_wait3A_1747 = tpu.memref_slice %arg4[%mul3A_34, %dma_wait3A_1746, %mul3A_32] : memref<20x1000x4096xf32, #tpu.memory_space<hbm>> -> memref<1x248x256xf32, #tpu.memory_space<hbm>>
    %dma_wait3A_1748 = tpu.memref_squeeze %dma_wait3A_1747 : memref<1x248x256xf32, #tpu.memory_space<hbm>> -> memref<248x256xf32, #tpu.memory_space<hbm>>
    %dma_wait3A_1749 = arith.constant 0 : i32
    %dma_wait3A_1750 = tpu.memref_slice %arg4[%mul3A_34, %dma_wait3A_1749, %mul3A_32] : memref<20x1000x4096xf32, #tpu.memory_space<hbm>> -> memref<1x248x256xf32, #tpu.memory_space<hbm>>
    %dma_wait3A_1751 = tpu.memref_squeeze %dma_wait3A_1750 : memref<1x248x256xf32, #tpu.memory_space<hbm>> -> memref<248x256xf32, #tpu.memory_space<hbm>>
    %dma_wait3A_1752 = arith.constant 0 : i32
    %dma_wait3A_1753 = arith.constant 0 : i32
    %dma_wait3A_1754 = tpu.memref_slice %arg6[%dma_wait3A_1752, %dma_wait3A_1753] : memref<256x256xf32, #tpu.memory_space<vmem>> -> memref<248x256xf32, #tpu.memory_space<vmem>>
    tpu.wait_dma2 semaphore(%arg8 : memref<!tpu.dma_semaphore, #tpu.memory_space<semaphore_mem>>) src(%dma_wait3A_1754 : memref<248x256xf32, #tpu.memory_space<vmem>>) dst(%dma_wait3A_1751 : memref<248x256xf32, #tpu.memory_space<hbm>>)
    %dma_wait3A_1755 = arith.constant 0 : i32
    %dma_wait3A_1756 = arith.constant 0 : i32
    %dma_wait3A_1757 = tpu.memref_slice %arg7[%dma_wait3A_1755, %dma_wait3A_1756] : memref<248x256xf32, #tpu.memory_space<vmem>> -> memref<248x256xf32, #tpu.memory_space<vmem>>
    %dma_wait3A_1758 = arith.constant 0 : i32
    %dma_wait3A_1759 = tpu.memref_slice %arg4[%mul3A_34, %dma_wait3A_1758, %mul3A_32] : memref<20x1000x4096xf32, #tpu.memory_space<hbm>> -> memref<1x248x256xf32, #tpu.memory_space<hbm>>
    %dma_wait3A_1760 = tpu.memref_squeeze %dma_wait3A_1759 : memref<1x248x256xf32, #tpu.memory_space<hbm>> -> memref<248x256xf32, #tpu.memory_space<hbm>>
    %dma_wait3A_1761 = arith.constant 0 : i32
    %dma_wait3A_1762 = tpu.memref_slice %arg4[%mul3A_34, %dma_wait3A_1761, %mul3A_32] : memref<20x1000x4096xf32, #tpu.memory_space<hbm>> -> memref<1x248x256xf32, #tpu.memory_space<hbm>>
    %dma_wait3A_1763 = tpu.memref_squeeze %dma_wait3A_1762 : memref<1x248x256xf32, #tpu.memory_space<hbm>> -> memref<248x256xf32, #tpu.memory_space<hbm>>
    %dma_wait3A_1764 = arith.constant 0 : i32
    %dma_wait3A_1765 = arith.constant 0 : i32
    %dma_wait3A_1766 = tpu.memref_slice %arg7[%dma_wait3A_1764, %dma_wait3A_1765] : memref<248x256xf32, #tpu.memory_space<vmem>> -> memref<248x256xf32, #tpu.memory_space<vmem>>
    tpu.wait_dma2 semaphore(%arg9 : memref<!tpu.dma_semaphore, #tpu.memory_space<semaphore_mem>>) src(%dma_wait3A_1766 : memref<248x256xf32, #tpu.memory_space<vmem>>) dst(%dma_wait3A_1763 : memref<248x256xf32, #tpu.memory_space<hbm>>)
    return
  }
}

</mosaic_0001>

<sc_bundles>
// kernel: kernel.3.cloned.1.call-start
scs
__scs_entry_jumppad:
0x0: {  	(pc) =	sbr.rel $0x88, $3  }
0x1: {  	(tag) =	ssettag $0x0;
	lr =	simm.s32 $0x1  }
0x2: {  	[smem:$0x3FA0] =	sst lr;
	_ =	strace $0xD0000000  }
0x3: {  	_ = 	snop  }
0x4: {  	_ = 	snop  }
0x5: {  	_ = 	snop  }
0x6: {  	_ = 	snop  }
0x7: {  	_ = 	snop  }
__scs_overlays_trampoline_lowered:
0x8: {  	[smem:$0x3FAF] =	sst s0  }
0x9: {  	[smem:$0x3FB0] =	sst s1  }
0xa: {  	[smem:$0x3FB1] =	sst s2  }
0xb: {  	[smem:$0x3FB2] =	sst s3  }
0xc: {  	[smem:$0x3FB3] =	sst s4  }
0xd: {  	[smem:$0x3FB4] =	sst s5  }
0xe: {  	[smem:$0x3FB5] =	sst s6  }
0xf: {  	[smem:$0x3FB6] =	sst s7  }
0x10: {  	[smem:$0x3FB7] =	sst s8  }
0x11: {  	[smem:$0x3FB8] =	sst s9;
	s0 =	simm.s32 @!p0 $0x0  }
0x12: {  	s1 =	sld [smem:$0x3F9E];
	s0 =	simm.s32 @p0 $0x1  }
0x13: {  	[smem:$0x3FB9] =	sst s0;
	s0 =	simm.s32 @!p1 $0x0  }
0x14: {  	s2 =	sld [smem:$0x3F9D];
	s0 =	simm.s32 @p1 $0x1  }
0x15: {  	[smem:$0x3FBA] =	sst s0;
	s0 =	simm.s32 @!p2 $0x0  }
0x16: {  	s3 =	sld [smem:$0x3FDB];
	s0 =	simm.s32 @p2 $0x1  }
0x17: {  	s4 =	simm.s32 $0x1BF5;
	[smem:$0x3FBC] =	sst s0  }
0x18: {  	s0 =	sld [smem:$0x3F9F];
	_ =	swait.ge [sflag:s4], $0x0  }
0x19: {  	s7 =	sld [smem:$0x3FA0]  }
0x1a: {  	s8 =	sadd.s32 $0xFFFFE003, lr  }
0x1b: {  	s9 =	sadd.s32 $0xFFFFFEF7, lr;
	s5 =	simm.s32 $0xFFFFFFFF;
	p2 =	slt.u32 s8, $0xFFFFF086  }
0x1c: {  	p1 =	slt.u32 s9, $0xF7A;
	s5 =	simm.s32 @!p2 $0x0  }
0x1d: {  	s5 =	simm.s32 @p1 $0x1;
	p0 =	seq.s32 s7, s2  }
0x1e: {  	s7 =	smul.u32 @!p0 $0xF7A, s2;
	p2 =	seq.s32 @!p0 s5, $0x0  }
0x1f: {  	s9 =	smul.u32 $0xF7A, s1;
	s8 =	simm.s32 @!p0 $0x1BF5;
	p2 =	por !p2, p0  }
0x20: {  	[sflag:s8] =	ssyncset.s32 @!p0 $0xFFFFF086;
	s6 =	sadd.s32 @!p0 s3, s7;
	s7 =	simm.s32 @!p0 $0x108  }
0x21: {  	s3 =	sadd.s32 s3, s9;
	s6 =	sadd.s32 @!p0 $0x88, s6;
	s7 =	simm.s32 @p2 $0x1082  }
0x22: {  	[simem:s7], [sflag:s8] =	dma.local @!p0 [hbm:s6], $0xF7A  }
0x23: {  	s9 =	sor.u32 $0xD0000000, s2;
	s6 =	simm.s32 $0x108;
	_ =	swait.ge @!p0 [sflag:s8], $0x0  }
0x24: {  	s3 =	sadd.s32 $0x88, s3;
	s6 =	simm.s32 @!p1 $0x1082;
	[sflag:s4] =	ssyncset.s32 $0xFFFFF086  }
0x25: {  	[simem:s6], [sflag:s4] =	dma.local [hbm:s3], $0xF7A  }
0x26: {  	[smem:$0x3FA0] =	sst s1;
	(tag) =	ssettag s2;
	_ =	strace s9  }
0x27: {  	s1 =	sld [smem:$0x3FB0]  }
0x28: {  	s2 =	sld [smem:$0x3FB1]  }
0x29: {  	s4 =	sld [smem:$0x3FB3]  }
0x2a: {  	p0 =	seq.s32 s5, $0x0;
	s5 =	sld [smem:$0x3FB4]  }
0x2b: {  	s6 =	sld [smem:$0x3FB5]  }
0x2c: {  	s7 =	sld [smem:$0x3FB6]  }
0x2d: {  	s3 =	simm.s32 $0x108;
	s8 =	sld [smem:$0x3FB7]  }
0x2e: {  	s3 =	simm.s32 @!p0 $0x1082;
	s9 =	sld [smem:$0x3FB8]  }
0x2f: {  	lr =	sadd.s32 s0, s3;
	s0 =	sld [smem:$0x3FAF]  }
0x30: {  	s3 =	sld [smem:$0x3FB2]  }
0x31: {  	[smem:$0x3FBB] =	sst s10  }
0x32: {  	s10 =	sld [smem:$0x3FB9];
	_ =	sdelay $0x3  }
0x33: {  	p0 =	seq.s32 s10, $0x1;
	s10 =	sld [smem:$0x3FBB];
	_ =	sdelay $0x3  }
0x34: {  	[smem:$0x3FBB] =	sst s10  }
0x35: {  	s10 =	sld [smem:$0x3FBA];
	_ =	sdelay $0x3  }
0x36: {  	p1 =	seq.s32 s10, $0x1;
	s10 =	sld [smem:$0x3FBB];
	_ =	sdelay $0x3  }
0x37: {  	[smem:$0x3FBB] =	sst s10  }
0x38: {  	s10 =	sld [smem:$0x3FBC]  }
0x39: {  	_ = 	snop;
	(pc) =	sbr.ind lr, $3  }
0x3a: {  	_ = 	snop  }
0x3b: {  	_ = 	snop  }
0x3c: {  	p2 =	seq.s32 s10, $0x1;
	s10 =	sld [smem:$0x3FBB]  }
0x3d: {  	_ =	shalt  }
0x3e: {  	_ =	shalt  }
0x3f: {  	_ =	shalt  }
0x40: {  	_ =	shalt  }
0x41: {  	_ =	shalt  }
0x42: {  	_ =	shalt  }
0x43: {  	_ =	shalt  }
0x44: {  	_ =	shalt  }
0x45: {  	_ =	shalt  }
0x46: {  	_ =	shalt  }
0x47: {  	_ =	shalt  }
0x48: {  	_ =	shalt  }
0x49: {  	_ =	shalt  }
0x4a: {  	_ =	shalt  }
0x4b: {  	_ =	shalt  }
0x4c: {  	_ =	shalt  }
0x4d: {  	_ =	shalt  }
0x4e: {  	_ =	shalt  }
0x4f: {  	_ =	shalt  }
0x50: {  	_ =	shalt  }
0x51: {  	_ =	shalt  }
0x52: {  	_ =	shalt  }
0x53: {  	_ =	shalt  }
0x54: {  	_ =	shalt  }
0x55: {  	_ =	shalt  }
0x56: {  	_ =	shalt  }
0x57: {  	_ =	shalt  }
0x58: {  	_ =	shalt  }
0x59: {  	_ =	shalt  }
0x5a: {  	_ =	shalt  }
0x5b: {  	_ =	shalt  }
0x5c: {  	_ =	shalt  }
0x5d: {  	_ =	shalt  }
0x5e: {  	_ =	shalt  }
0x5f: {  	_ =	shalt  }
0x60: {  	_ =	shalt  }
0x61: {  	_ =	shalt  }
0x62: {  	_ =	shalt  }
0x63: {  	_ =	shalt  }
0x64: {  	_ =	shalt  }
0x65: {  	_ =	shalt  }
0x66: {  	_ =	shalt  }
0x67: {  	_ =	shalt  }
0x68: {  	_ =	shalt  }
0x69: {  	_ =	shalt  }
0x6a: {  	_ =	shalt  }
0x6b: {  	_ =	shalt  }
0x6c: {  	_ =	shalt  }
0x6d: {  	_ =	shalt  }
0x6e: {  	_ =	shalt  }
0x6f: {  	_ =	shalt  }
0x70: {  	_ =	shalt  }
0x71: {  	_ =	shalt  }
0x72: {  	_ =	shalt  }
0x73: {  	_ =	shalt  }
0x74: {  	_ =	shalt  }
0x75: {  	_ =	shalt  }
0x76: {  	_ =	shalt  }
0x77: {  	_ =	shalt  }
0x78: {  	_ =	shalt  }
0x79: {  	_ =	shalt  }
0x7a: {  	_ =	shalt  }
0x7b: {  	_ =	shalt  }
0x7c: {  	_ =	shalt  }
0x7d: {  	_ =	shalt  }
0x7e: {  	_ =	shalt  }
0x7f: {  	_ =	shalt  }
0x80: {  	_ =	shalt  }
0x81: {  	_ =	shalt  }
0x82: {  	_ =	shalt  }
0x83: {  	_ =	shalt  }
0x84: {  	_ =	shalt  }
0x85: {  	_ =	shalt  }
0x86: {  	_ =	shalt  }
0x87: {  	_ =	shalt  }
.Lfunc_end0:
.L_simem_size_0:
called_computation_lowered:
.L_overlay_start_0:
0x88: {  	s2 =	sld [smem:$0x3FD9]  }
0x89: {  	s3 =	sld [smem:$0x3FFE];
	_ =	sdelay $0x1  }
0x8a: {  	s1 =	srdreg.scid  }
0x8b: {  	s0 =	sand.u32 $0x1, s1  }
0x8c: {  	s17 =	sshll.u32 s0, $0xA;
	s2 =	sadd.s32 s3, s2  }
0x8d: {  	s2 =	sadd.s32 s2, s17  }
0x8e: {  	[smem:$0x3FC7] =	sst s2  }
0x8f: {  	_ = 	snop  }
0x90: {  	s2 =	sld [smem:$0x3FC9]  }
0x91: {  	s18 =	sld [smem:$0x3FD0];
	(tm) =	ssettm $0x1  }
0x92: {  	s4 =	sld [smem:$0x3FFB];
	_ =	sdelay $0x3  }
0x93: {  	_ =	strace s4  }
0x94: {  	s4 =	sld [smem:$0x3FFC];
	_ =	sdelay $0x3  }
0x95: {  	_ =	strace s4  }
0x96: {  	s4 =	sld [smem:$0x3FFD];
	_ =	sdelay $0x3  }
0x97: {  	_ =	strace s4  }
0x98: {  	_ =	strace $0x8FFFFFFF  }
0x99: {  	s19 =	sld [smem:$0x3FDB];
	_ =	sdelay $0x1  }
0x9a: {  	s5 =	simm.s32 $_scs_section_size  }
0x9b: {  	s6 =	simm.s32 $_size__tile_overlayer_lowered;
	s7 =	simm.s32 $_tile_overlayer_lowered  }
0x9c: {  	s22 =	simm.s32 $0x1BFF;
	s21 =	sshll.u32 s7, $0x1;
	s4 =	sadd.s32 s5, s19  }
0x9d: {  	s8 =	simm.s32 $0x0;
	s20 =	sshll.u32 s6, $0x1;
	s6 =	sadd.s32 s21, s4  }
0x9e: {  	[timem:s8], [sflag:s22] =	dma.local [hbm:s6], s20  }
0x9f: {  	_ =	swait.ge [sflag:s22], s20  }
0xa0: {  	s5 =	ssub.s32 $0x0, s20;
	[sflag:s22] =	ssyncset.done $0x0  }
0xa1: {  	[sflag:s22] =	ssyncadd.s32 s5;
	_ =	sdelay $0x1  }
0xa2: {  	s23 =	simm.s32 $0x1B8B  }
0xa3: {  	_ =	swait.ge [sflag:s23], $0x1  }
0xa4: {  	[sflag:s23] =	ssyncset.done $0x0  }
0xa5: {  	s25 =	simm.s32 $0x1B8E;
	s24 =	sld [smem:$0x3FFE];
	[sflag:s23] =	ssyncadd.s32 $0xFFFFFFFF  }
0xa6: {  	s26 =	simm.s32 $execute0_lowered;
	[smem:$0x3FD2] =	sst s25  }
0xa7: {  	s6 =	sshll.u32 s26, $0x1;
	_ =	strace $0x80000046;
	[dreg:$0x1] =	wrdreg $0xFFFFFFFF  }
0xa8: {  	s28 =	simm.s32 $_size_execute0_lowered;
	s4 =	sadd.s32 s4, s6;
	[dreg:$0x0] =	wrdreg $0x0  }
0xa9: {  	s6 =	sshll.u32 s28, $0x1;
	[dreg:$0x2] =	wrdreg s4  }
0xaa: {  	[dreg:$0x3] =	wrdreg s6  }
0xab: {  	[dreg:$0x4] =	wrdreg $0xC0  }
0xac: {  	_ =	task [dreg:s8], $0x5FFFF  }
0xad: {  	[dreg:$0x1] =	wrdreg $0xFFFFFFFF  }
0xae: {  	[dreg:$0x0] =	wrdreg $0x60  }
0xaf: {  	[dreg:$0x2] =	wrdreg s2  }
0xb0: {  	[dreg:$0x3] =	wrdreg s24  }
0xb1: {  	[dreg:$0x4] =	wrdreg s18  }
0xb2: {  	[dreg:$0x5] =	wrdreg $0x9  }
0xb3: {  	_ =	task.clear_ibuf [dreg:s8], $0x6FFFF;
	_ =	strace $0x90000046  }
0xb4: {  	s29 =	simm.s32 $0x9;
	_ =	strace $0x80000048  }
0xb5: {  	_ =	swait.ge [sflag:s29], $0x1  }
0xb6: {  	[sflag:s29] =	ssyncadd.s32 $0xFFFFFFFF  }
0xb7: {  	_ =	strace $0x90000048  }
0xb8: {  	_ =	sfence  }
0xb9: {  	s30 =	sld [smem:$0x0];
	_ =	sdelay $0x2  }
0xba: {  	s31 =	sshll.u32 s1, $0xD;
	s1 =	sshrl.u32 s1, $0x2  }
0xbb: {  	s3 =	sand.u32 $0x4000, s31;
	s1 =	sadd.s32 s1, s30  }
0xbc: {  	s0 =	sor.u32 s3, s0;
	s1 =	sshll.u32 s1, $0x11  }
0xbd: {  	s0 =	sor.u32 s1, s0  }
0xbe: {  	s0 =	sadd.s32 $0x8F2B, s0  }
0xbf: {  	[sflag:s0] =	ssyncadd.remote.s32 $0x1  }
0xc0: {  	_ =	sfence.sel $0xFFFF  }
0xc1: {  	[dreg:$0x0] =	wrdreg $0xFFFFFFFF;
	(pc) =	sbr.abs _section_cstart, $3  }
0xc2: {  	[dreg:$0x1] =	wrdreg $0xFFFFFFFF  }
0xc3: {  	_ =	task.clear_ibuf [dreg:s8], $0x2FFFF;
	_ =	strace $0x9FFFFFFF  }
0xc4: {  	(tm) =	ssettm $0x7FFFFFFF  }
0xc5: {  	_ =	shalt  }
tec
execute0_lowered:
.L_overlay_start_1:
0x0: {  	(tag) =	ssettag $0x1  }
0x1: {  	s13 =	rddreg [dreg:$0x0]  }
0x2: {  	s6 =	rddreg [dreg:$0x1];
	s1 =	srdreg.scid  }
0x3: {  	s0 =	rddreg [dreg:$0x2];
	s2 =	stileid.u32;
	s3 =	simm.s32 $0x0  }
0x4: {  	s7 =	simm.s32 $0xA;
	s1 =	sand.u32 $0x1, s1;
	[smem:$0x7FF] =	sst s3  }
0x5: {  	s5 =	sadd.s32 $0x400, s6;
	s4 =	sor.u32 s1, s2;
	p0 =	seq.s32 s1, $0x1  }
0x6: {  	_ =	strace $0x80000047;
	s8 =	ssub.s32 $0x2, s1;
	[dreg:$0x8] =	wrdreg s5  }
0x7: {  	v9 =	vlaneseq.u32;
	p1 =	seq.s32 s4, $0x0;
	s4 =	simm.s32 $0x1;
	s7 =	simm.s32 @!p0 $0x0  }
0x8: {  	v1 =	vimm.f32 $1.000000000e+00;
	v33 =	vimm.f32 $0.0e+00;
	v2 =	vor.u32 $0x10, v9;
	s9 =	sshrl.u32 s8, $0x1;
	p1 =	por !p1, !p0;
	s14 =	sshll.u32 s7, $0xC  }
0x9: {  	v3 =	vor.u32 $0x20, v9;
	v4 =	vor.u32 $0x30, v9;
	v5 =	vor.u32 $0x40, v9;
	s12 =	smul.u32 $0x3E8000, s7;
	s15 =	ssub.s32 s8, s9;
	p1 =	por !p1, !p1  }
0xa: {  	v6 =	vor.u32 $0x50, v9;
	v7 =	vor.u32 $0x60, v9;
	v8 =	vor.u32 $0x70, v9;
	s10 =	sand.u32 $0x8000, s14;
	s6 =	smax.u32 s15, $0x1;
	s1 =	sor.u32 $0x1000, s14  }
0xb: {  	v0 =	vor.u32 $0x400, v9;
	v10 =	vor.u32 $0x410, v9;
	v11 =	vor.u32 $0x420, v9;
	s15 =	simm.s32 $0x200;
	s4 =	simm.s32 @!p1 $0x0;
	[dreg:$0xe] =	wrdreg s6  }
0xc: {  	v12 =	vor.u32 $0x430, v9;
	v13 =	vor.u32 $0x440, v9;
	v14 =	vor.u32 $0x450, v9;
	[dreg:$0xf] =	wrdreg s1;
	s1 =	simm.s32 $0x0;
	s4 =	ssub.s32 s2, s4  }
0xd: {  	v15 =	vor.u32 $0x460, v9;
	v16 =	vor.u32 $0x470, v9;
	v17 =	vor.u32 $0xFFFF0000, v9;
	s2 =	sshll.u32 s7, $0x7;
	s7 =	simm.s32 $0x1;
	s4 =	sshll.u32 s4, $0xB  }
0xe: {  	v18 =	vor.u32 $0xFFFF0010, v9;
	v19 =	vor.u32 $0xFFFF0020, v9;
	v20 =	vor.u32 $0xFFFF0030, v9;
	s11 =	sand.u32 $0x100, s2;
	s10 =	sadd.s32 s10, s4;
	s17 =	sadd.s32 s12, s4  }
0xf: {  	v21 =	vor.u32 $0xFFFF0040, v9;
	v22 =	vor.u32 $0xFFFF0050, v9;
	v23 =	vor.u32 $0xFFFF0060, v9;
	s16 =	sor.u32 s11, s10;
	s19 =	sshrl.u32 s17, $0x3;
	s20 =	sadd.s32 $0x100000, s17  }
0x10: {  	v24 =	vor.u32 $0xFFFF0070, v9;
	v25 =	vor.u32 $0xFFFF0400, v9;
	v26 =	vor.u32 $0xFFFF0410, v9;
	s22 =	sadd.s32 $0x1F8000, s17;
	s24 =	sadd.s32 $0x3E8000, s17;
	s25 =	sadd.s32 $0x2F0000, s17  }
0x11: {  	v27 =	vor.u32 $0xFFFF0420, v9;
	v28 =	vor.u32 $0xFFFF0430, v9;
	v29 =	vor.u32 $0xFFFF0440, v9;
	s26 =	sadd.s32 $0x4E8000, s17;
	s29 =	sadd.s32 $0x5E0000, s17;
	s8 =	sshrl.u32 s16, $0x3  }
0x12: {  	v30 =	vor.u32 $0xFFFF0450, v9;
	v31 =	vor.u32 $0xFFFF0460, v9;
	v32 =	vor.u32 $0xFFFF0470, v9;
	s10 =	sshrl.u32 s24, $0x3;
	s18 =	sadd.s32 s13, s8;
	s8 =	sadd.s32 s0, s19  }
0x13: {  	v38 =	vor.u32 $0xFFFE0800, v9;
	v40 =	vor.u32 $0xFFFE0810, v9;
	v41 =	vor.u32 $0xFFFE0820, v9;
	s11 =	sshrl.u32 s29, $0x3;
	s10 =	sadd.s32 s10, s0;
	[dreg:$0xa] =	wrdreg s8  }
0x14: {  	v37 =	vor.u32 $0xFFFE0830, v9;
	v39 =	vor.u32 $0xFFFE0840, v9;
	v34 =	vor.u32 $0xFFFE0850, v9;
	s9 =	sadd.s32 $0x6D8000, s17;
	s30 =	sadd.s32 s11, s0;
	[dreg:$0x4] =	wrdreg s10  }
0x15: {  	v62 =	vor.u32 $0xFFFE0860, v9;
	v63 =	vor.u32 $0xFFFE0870, v9;
	v42 =	vor.u32 $0xFFFE0C00, v9;
	s17 =	simm.s32 $0x10200;
	s21 =	sshrl.u32 s20, $0x3;
	[dreg:$0x6] =	wrdreg s30  }
0x16: {  	v43 =	vor.u32 $0xFFFE0C10, v9;
	v44 =	vor.u32 $0xFFFE0C20, v9;
	v45 =	vor.u32 $0xFFFE0C30, v9;
	s28 =	sshrl.u32 s26, $0x3;
	s8 =	sadd.s32 s0, s21;
	[dreg:$0x9] =	wrdreg s18  }
0x17: {  	v46 =	vor.u32 $0xFFFE0C40, v9;
	v47 =	vor.u32 $0xFFFE0C50, v9;
	v48 =	vor.u32 $0xFFFE0C60, v9;
	s23 =	sshrl.u32 s22, $0x3;
	s10 =	sadd.s32 s28, s0;
	[dreg:$0xb] =	wrdreg s8  }
0x18: {  	v49 =	vor.u32 $0xFFFE0C70, v9;
	v50 =	vor.u32 $0xFFFD1000, v9;
	v51 =	vor.u32 $0xFFFD1010, v9;
	[tilespmem:$0x1FFB0] =	vst v34;
	s9 =	sshrl.u32 s9, $0x3;
	s8 =	sadd.s32 s0, s23;
	[dreg:$0x5] =	wrdreg s10  }
0x19: {  	v52 =	vor.u32 $0xFFFD1020, v9;
	v53 =	vor.u32 $0xFFFD1030, v9;
	v54 =	vor.u32 $0xFFFD1040, v9;
	[tilespmem:$0x1FFC0] =	vst v62;
	s31 =	sadd.s32 $0x80, s18;
	[dreg:$0xc] =	wrdreg s8;
	s8 =	sshrl.u32 s25, $0x3  }
0x1a: {  	v55 =	vor.u32 $0xFFFD1050, v9;
	v56 =	vor.u32 $0xFFFD1060, v9;
	v57 =	vor.u32 $0xFFFD1070, v9;
	[tilespmem:$0x1FFD0] =	vst v63;
	s16 =	simm.s32 $0x3;
	[dreg:$0x10] =	wrdreg s31;
	s8 =	sadd.s32 s0, s8  }
0x1b: {  	v58 =	vor.u32 $0xFFFD1400, v9;
	v59 =	vor.u32 $0xFFFD1410, v9;
	v60 =	vor.u32 $0xFFFD1420, v9;
	[tilespmem:$0x1FFE0] =	vst v38;
	s20 =	simm.s32 $0x800;
	s0 =	sadd.s32 s9, s0;
	[dreg:$0xd] =	wrdreg s8  }
0x1c: {  	v61 =	vor.u32 $0xFFFD1430, v9;
	v62 =	vor.u32 $0xFFFD1440, v9;
	v63 =	vor.u32 $0xFFFD1450, v9;
	[tilespmem:$0x1FFF0] =	vst v37;
	s22 =	simm.s32 $0x2;
	s21 =	simm.s32 $0x8000;
	[dreg:$0x7] =	wrdreg s0  }
.LBB2_1:
0x1d: {  	[dreg:$0x11] =	wrdreg s1  }
0x1e: {  	s0 =	rddreg [dreg:$0x8]  }
0x1f: {  	[tilespmem:s15], [sflag:$0x3] =	stream.linear.gather [hbm4b:s0+s3], $0x10000, $0x38;
	[tilespmem:$0x1FA00] =	vst v63  }
0x20: {  	_ =	swait.ge [sflag:s16], $0x10000  }
0x21: {  	[sflag:s16] =	ssyncset.done $0x0  }
0x22: {  	[sflag:s16] =	ssyncadd.s32 $0xFFFF0000  }
0x23: {  	[tilespmem:s17], [sflag:$0x3] =	stream.linear.gather [hbm4b:s0+s3], $0xF800, $0x38;
	[tilespmem:$0x1FA00] =	vst v63  }
0x24: {  	_ =	swait.ge [sflag:s16], $0xF800  }
0x25: {  	[sflag:s16] =	ssyncset.done $0x0  }
0x26: {  	s24 =	rddreg [dreg:$0x9];
	[sflag:s16] =	ssyncadd.s32 $0xFFFF0800  }
0x27: {  	[tilespmem:s3], [sflag:$0x3] =	stream.linear.gather [hbm4b:s24+s3], $0x80, $0x38;
	[tilespmem:$0x1FA00] =	vst v63  }
0x28: {  	s26 =	simm.s32 $0x100;
	s25 =	rddreg [dreg:$0x10]  }
0x29: {  	[tilespmem:s26], [sflag:$0x3] =	stream.linear.gather [hbm4b:s25+s3], $0x80, $0x38;
	[tilespmem:$0x1FA00] =	vst v63  }
0x2a: {  	_ =	swait.ge [sflag:s16], $0x100  }
0x2b: {  	[sflag:s16] =	ssyncset.done $0x0  }
0x2c: {  	[sflag:s16] =	ssyncadd.s32 $0xFFFFFF00  }
0x2d: {  	v34 =	vld [tilespmem:$0x0];
	_ =	sdelay $0x4  }
0x2e: {  	v35 =	vshll.u32 v34, $0x8;
	v36 =	vshll.u32 v34, $0x7  }
0x2f: {  	v35 =	vand.u32 $0xFFFFF800, v35;
	v36 =	vand.u32 $0x380, v36  }
0x30: {  	vm0 =	vlt.u32 v34, $0x100;
	v36 =	vor.u32 v35, v36  }
0x31: {  	v34 =	vor.u32 v9, v36;
	_ =	sdelay $0x4  }
0x32: {  	[tilespmem:v34+s15+$0x0] =	vst.idx.msk vm0, v1  }
0x33: {  	v34 =	vld [tilespmem:$0x10];
	_ =	sdelay $0x4  }
0x34: {  	v35 =	vshll.u32 v34, $0x8;
	v36 =	vshll.u32 v34, $0x7  }
0x35: {  	v35 =	vand.u32 $0xFFFFF800, v35;
	v36 =	vand.u32 $0x380, v36  }
0x36: {  	vm5 =	vlt.u32 v34, $0x100;
	v36 =	vor.u32 v35, v36  }
0x37: {  	v34 =	vor.u32 v2, v36;
	_ =	sdelay $0x4  }
0x38: {  	[tilespmem:v34+s15+$0x0] =	vst.idx.msk vm5, v1  }
0x39: {  	v34 =	vld [tilespmem:$0x20];
	_ =	sdelay $0x4  }
0x3a: {  	v35 =	vshll.u32 v34, $0x8;
	v36 =	vshll.u32 v34, $0x7  }
0x3b: {  	v35 =	vand.u32 $0xFFFFF800, v35;
	v36 =	vand.u32 $0x380, v36  }
0x3c: {  	vm6 =	vlt.u32 v34, $0x100;
	v36 =	vor.u32 v35, v36  }
0x3d: {  	v34 =	vor.u32 v3, v36;
	_ =	sdelay $0x4  }
0x3e: {  	[tilespmem:v34+s15+$0x0] =	vst.idx.msk vm6, v1  }
0x3f: {  	v34 =	vld [tilespmem:$0x30];
	_ =	sdelay $0x4  }
0x40: {  	v35 =	vshll.u32 v34, $0x8;
	v36 =	vshll.u32 v34, $0x7  }
0x41: {  	v35 =	vand.u32 $0xFFFFF800, v35;
	v36 =	vand.u32 $0x380, v36  }
0x42: {  	vm7 =	vlt.u32 v34, $0x100;
	v36 =	vor.u32 v35, v36  }
0x43: {  	v34 =	vor.u32 v4, v36;
	_ =	sdelay $0x4  }
0x44: {  	[tilespmem:v34+s15+$0x0] =	vst.idx.msk vm7, v1  }
0x45: {  	v34 =	vld [tilespmem:$0x40];
	_ =	sdelay $0x4  }
0x46: {  	v35 =	vshll.u32 v34, $0x8;
	v36 =	vshll.u32 v34, $0x7  }
0x47: {  	v35 =	vand.u32 $0xFFFFF800, v35;
	v36 =	vand.u32 $0x380, v36  }
0x48: {  	vm8 =	vlt.u32 v34, $0x100;
	v36 =	vor.u32 v35, v36  }
0x49: {  	v34 =	vor.u32 v5, v36;
	_ =	sdelay $0x4  }
0x4a: {  	[tilespmem:v34+s15+$0x0] =	vst.idx.msk vm8, v1  }
0x4b: {  	v34 =	vld [tilespmem:$0x50];
	_ =	sdelay $0x4  }
0x4c: {  	v35 =	vshll.u32 v34, $0x8;
	v36 =	vshll.u32 v34, $0x7  }
0x4d: {  	v35 =	vand.u32 $0xFFFFF800, v35;
	v36 =	vand.u32 $0x380, v36  }
0x4e: {  	vm9 =	vlt.u32 v34, $0x100;
	v36 =	vor.u32 v35, v36  }
0x4f: {  	v34 =	vor.u32 v6, v36;
	_ =	sdelay $0x4  }
0x50: {  	[tilespmem:v34+s15+$0x0] =	vst.idx.msk vm9, v1  }
0x51: {  	v34 =	vld [tilespmem:$0x60];
	_ =	sdelay $0x4  }
0x52: {  	v35 =	vshll.u32 v34, $0x8;
	v36 =	vshll.u32 v34, $0x7  }
0x53: {  	v35 =	vand.u32 $0xFFFFF800, v35;
	v36 =	vand.u32 $0x380, v36  }
0x54: {  	vm10 =	vlt.u32 v34, $0x100;
	v36 =	vor.u32 v35, v36  }
0x55: {  	v34 =	vor.u32 v7, v36;
	_ =	sdelay $0x4  }
0x56: {  	[tilespmem:v34+s15+$0x0] =	vst.idx.msk vm10, v1  }
0x57: {  	v34 =	vld [tilespmem:$0x70];
	_ =	sdelay $0x4  }
0x58: {  	v35 =	vshll.u32 v34, $0x8;
	v36 =	vshll.u32 v34, $0x7  }
0x59: {  	v35 =	vand.u32 $0xFFFFF800, v35;
	v36 =	vand.u32 $0x380, v36  }
0x5a: {  	vm11 =	vlt.u32 v34, $0x100;
	v36 =	vor.u32 v35, v36  }
0x5b: {  	v34 =	vor.u32 v8, v36;
	_ =	sdelay $0x4  }
0x5c: {  	[tilespmem:v34+s15+$0x0] =	vst.idx.msk vm11, v1  }
0x5d: {  	v34 =	vld [tilespmem:$0x100];
	_ =	sdelay $0x4  }
0x5e: {  	v35 =	vshll.u32 v34, $0x8;
	v36 =	vshll.u32 v34, $0x7  }
0x5f: {  	v35 =	vand.u32 $0xFFFFF800, v35;
	v36 =	vand.u32 $0x380, v36  }
0x60: {  	vm12 =	vlt.u32 v34, $0x100;
	v36 =	vor.u32 v36, v35  }
0x61: {  	v34 =	vor.u32 v0, v36;
	_ =	sdelay $0x4  }
0x62: {  	[tilespmem:v34+s15+$0x0] =	vst.idx.msk vm12, v1  }
0x63: {  	v34 =	vld [tilespmem:$0x110];
	_ =	sdelay $0x4  }
0x64: {  	v35 =	vshll.u32 v34, $0x8;
	v36 =	vshll.u32 v34, $0x7  }
0x65: {  	v35 =	vand.u32 $0xFFFFF800, v35;
	v36 =	vand.u32 $0x380, v36  }
0x66: {  	vm13 =	vlt.u32 v34, $0x100;
	v36 =	vor.u32 v36, v35  }
0x67: {  	v34 =	vor.u32 v10, v36;
	_ =	sdelay $0x4  }
0x68: {  	[tilespmem:v34+s15+$0x0] =	vst.idx.msk vm13, v1  }
0x69: {  	v34 =	vld [tilespmem:$0x120];
	_ =	sdelay $0x4  }
0x6a: {  	v35 =	vshll.u32 v34, $0x8;
	v36 =	vshll.u32 v34, $0x7  }
0x6b: {  	v35 =	vand.u32 $0xFFFFF800, v35;
	v36 =	vand.u32 $0x380, v36  }
0x6c: {  	vm14 =	vlt.u32 v34, $0x100;
	v36 =	vor.u32 v36, v35  }
0x6d: {  	v34 =	vor.u32 v11, v36;
	_ =	sdelay $0x4  }
0x6e: {  	[tilespmem:v34+s15+$0x0] =	vst.idx.msk vm14, v1  }
0x6f: {  	v34 =	vld [tilespmem:$0x130];
	_ =	sdelay $0x4  }
0x70: {  	v35 =	vshll.u32 v34, $0x8;
	v36 =	vshll.u32 v34, $0x7  }
0x71: {  	v35 =	vand.u32 $0xFFFFF800, v35;
	v36 =	vand.u32 $0x380, v36  }
0x72: {  	vm15 =	vlt.u32 v34, $0x100;
	v36 =	vor.u32 v36, v35  }
0x73: {  	v34 =	vor.u32 v12, v36;
	_ =	sdelay $0x4  }
0x74: {  	[tilespmem:v34+s15+$0x0] =	vst.idx.msk vm15, v1  }
0x75: {  	v34 =	vld [tilespmem:$0x140];
	_ =	sdelay $0x4  }
0x76: {  	v35 =	vshll.u32 v34, $0x8;
	v36 =	vshll.u32 v34, $0x7  }
0x77: {  	v35 =	vand.u32 $0xFFFFF800, v35;
	v36 =	vand.u32 $0x380, v36  }
0x78: {  	vm4 =	vlt.u32 v34, $0x100;
	v36 =	vor.u32 v36, v35  }
0x79: {  	v34 =	vor.u32 v13, v36;
	_ =	sdelay $0x4  }
0x7a: {  	[tilespmem:v34+s15+$0x0] =	vst.idx.msk vm4, v1  }
0x7b: {  	v34 =	vld [tilespmem:$0x150];
	_ =	sdelay $0x4  }
0x7c: {  	v35 =	vshll.u32 v34, $0x8;
	v36 =	vshll.u32 v34, $0x7  }
0x7d: {  	v35 =	vand.u32 $0xFFFFF800, v35;
	v36 =	vand.u32 $0x380, v36  }
0x7e: {  	vm5 =	vlt.u32 v34, $0x100;
	v36 =	vor.u32 v36, v35  }
0x7f: {  	v34 =	vor.u32 v14, v36;
	_ =	sdelay $0x4  }
0x80: {  	[tilespmem:v34+s15+$0x0] =	vst.idx.msk vm5, v1  }
0x81: {  	v34 =	vld [tilespmem:$0x160];
	_ =	sdelay $0x4  }
0x82: {  	v35 =	vshll.u32 v34, $0x8;
	v36 =	vshll.u32 v34, $0x7  }
0x83: {  	v35 =	vand.u32 $0xFFFFF800, v35;
	v36 =	vand.u32 $0x380, v36  }
0x84: {  	vm6 =	vlt.u32 v34, $0x100;
	v36 =	vor.u32 v36, v35  }
0x85: {  	v34 =	vor.u32 v15, v36;
	_ =	sdelay $0x4  }
0x86: {  	[tilespmem:v34+s15+$0x0] =	vst.idx.msk vm6, v1  }
0x87: {  	v34 =	vld [tilespmem:$0x170];
	_ =	sdelay $0x4  }
0x88: {  	v35 =	vshll.u32 v34, $0x8;
	v36 =	vshll.u32 v34, $0x7  }
0x89: {  	v35 =	vand.u32 $0xFFFFF800, v35;
	v36 =	vand.u32 $0x380, v36  }
0x8a: {  	vm7 =	vlt.u32 v34, $0x100;
	v36 =	vor.u32 v36, v35  }
0x8b: {  	v34 =	vor.u32 v16, v36;
	_ =	sdelay $0x4  }
0x8c: {  	s28 =	rddreg [dreg:$0xa];
	[tilespmem:v34+s15+$0x0] =	vst.idx.msk vm7, v1  }
0x8d: {  	[hbm4b:s28+s20] =	stream.strided.scatter [tilespmem:s15], [sflag:$0x1], $0x10000, s21, s20, $0x38;
	[tilespmem:$0x1FA00] =	vst v63  }
0x8e: {  	v34 =	vld [tilespmem:$0x0];
	_ =	sdelay $0x4  }
0x8f: {  	v35 =	vshll.u32 v34, $0x8;
	v36 =	vshll.u32 v34, $0x7  }
0x90: {  	v34 =	vadd.s32 $0xFFFFFF00, v34;
	v35 =	vand.u32 $0xFFFFF800, v35;
	v36 =	vand.u32 $0x380, v36  }
0x91: {  	vm8 =	vlt.u32 v34, $0xF8;
	v36 =	vor.u32 v36, v35  }
0x92: {  	v34 =	vadd.s32 v17, v36;
	_ =	sdelay $0x4  }
0x93: {  	[tilespmem:v34+s17+$0x0] =	vst.idx.msk vm8, v1  }
0x94: {  	v34 =	vld [tilespmem:$0x10];
	_ =	sdelay $0x4  }
0x95: {  	v35 =	vshll.u32 v34, $0x8;
	v36 =	vshll.u32 v34, $0x7  }
0x96: {  	v34 =	vadd.s32 $0xFFFFFF00, v34;
	v35 =	vand.u32 $0xFFFFF800, v35;
	v36 =	vand.u32 $0x380, v36  }
0x97: {  	vm9 =	vlt.u32 v34, $0xF8;
	v36 =	vor.u32 v36, v35  }
0x98: {  	v34 =	vadd.s32 v18, v36;
	_ =	sdelay $0x4  }
0x99: {  	[tilespmem:v34+s17+$0x0] =	vst.idx.msk vm9, v1  }
0x9a: {  	v34 =	vld [tilespmem:$0x20];
	_ =	sdelay $0x4  }
0x9b: {  	v35 =	vshll.u32 v34, $0x8;
	v36 =	vshll.u32 v34, $0x7  }
0x9c: {  	v34 =	vadd.s32 $0xFFFFFF00, v34;
	v35 =	vand.u32 $0xFFFFF800, v35;
	v36 =	vand.u32 $0x380, v36  }
0x9d: {  	vm10 =	vlt.u32 v34, $0xF8;
	v36 =	vor.u32 v36, v35  }
0x9e: {  	v34 =	vadd.s32 v19, v36;
	_ =	sdelay $0x4  }
0x9f: {  	[tilespmem:v34+s17+$0x0] =	vst.idx.msk vm10, v1  }
0xa0: {  	v34 =	vld [tilespmem:$0x30];
	_ =	sdelay $0x4  }
0xa1: {  	v35 =	vshll.u32 v34, $0x8;
	v36 =	vshll.u32 v34, $0x7  }
0xa2: {  	v34 =	vadd.s32 $0xFFFFFF00, v34;
	v35 =	vand.u32 $0xFFFFF800, v35;
	v36 =	vand.u32 $0x380, v36  }
0xa3: {  	vm11 =	vlt.u32 v34, $0xF8;
	v36 =	vor.u32 v36, v35  }
0xa4: {  	v34 =	vadd.s32 v20, v36;
	_ =	sdelay $0x4  }
0xa5: {  	[tilespmem:v34+s17+$0x0] =	vst.idx.msk vm11, v1  }
0xa6: {  	v34 =	vld [tilespmem:$0x40];
	_ =	sdelay $0x4  }
0xa7: {  	v35 =	vshll.u32 v34, $0x8;
	v36 =	vshll.u32 v34, $0x7  }
0xa8: {  	v34 =	vadd.s32 $0xFFFFFF00, v34;
	v35 =	vand.u32 $0xFFFFF800, v35;
	v36 =	vand.u32 $0x380, v36  }
0xa9: {  	vm12 =	vlt.u32 v34, $0xF8;
	v36 =	vor.u32 v36, v35  }
0xaa: {  	v34 =	vadd.s32 v21, v36;
	_ =	sdelay $0x4  }
0xab: {  	[tilespmem:v34+s17+$0x0] =	vst.idx.msk vm12, v1  }
0xac: {  	v34 =	vld [tilespmem:$0x50];
	_ =	sdelay $0x4  }
0xad: {  	v35 =	vshll.u32 v34, $0x8;
	v36 =	vshll.u32 v34, $0x7  }
0xae: {  	v34 =	vadd.s32 $0xFFFFFF00, v34;
	v35 =	vand.u32 $0xFFFFF800, v35;
	v36 =	vand.u32 $0x380, v36  }
0xaf: {  	vm13 =	vlt.u32 v34, $0xF8;
	v36 =	vor.u32 v36, v35  }
0xb0: {  	v34 =	vadd.s32 v22, v36;
	_ =	sdelay $0x4  }
0xb1: {  	[tilespmem:v34+s17+$0x0] =	vst.idx.msk vm13, v1  }
0xb2: {  	v34 =	vld [tilespmem:$0x60];
	_ =	sdelay $0x4  }
0xb3: {  	v35 =	vshll.u32 v34, $0x8;
	v36 =	vshll.u32 v34, $0x7  }
0xb4: {  	v34 =	vadd.s32 $0xFFFFFF00, v34;
	v35 =	vand.u32 $0xFFFFF800, v35;
	v36 =	vand.u32 $0x380, v36  }
0xb5: {  	vm14 =	vlt.u32 v34, $0xF8;
	v36 =	vor.u32 v36, v35  }
0xb6: {  	v34 =	vadd.s32 v23, v36;
	_ =	sdelay $0x4  }
0xb7: {  	[tilespmem:v34+s17+$0x0] =	vst.idx.msk vm14, v1  }
0xb8: {  	v34 =	vld [tilespmem:$0x70];
	_ =	sdelay $0x4  }
0xb9: {  	v35 =	vshll.u32 v34, $0x8;
	v36 =	vshll.u32 v34, $0x7  }
0xba: {  	v34 =	vadd.s32 $0xFFFFFF00, v34;
	v35 =	vand.u32 $0xFFFFF800, v35;
	v36 =	vand.u32 $0x380, v36  }
0xbb: {  	vm15 =	vlt.u32 v34, $0xF8;
	v36 =	vor.u32 v36, v35  }
0xbc: {  	v34 =	vadd.s32 v24, v36;
	_ =	sdelay $0x4  }
0xbd: {  	[tilespmem:v34+s17+$0x0] =	vst.idx.msk vm15, v1  }
0xbe: {  	v34 =	vld [tilespmem:$0x100];
	_ =	sdelay $0x4  }
0xbf: {  	v35 =	vshll.u32 v34, $0x8;
	v36 =	vshll.u32 v34, $0x7  }
0xc0: {  	v34 =	vadd.s32 $0xFFFFFF00, v34;
	v35 =	vand.u32 $0xFFFFF800, v35;
	v36 =	vand.u32 $0x380, v36  }
0xc1: {  	vm4 =	vlt.u32 v34, $0xF8;
	v36 =	vor.u32 v36, v35  }
0xc2: {  	v34 =	vadd.s32 v25, v36;
	_ =	sdelay $0x4  }
0xc3: {  	[tilespmem:v34+s17+$0x0] =	vst.idx.msk vm4, v1  }
0xc4: {  	v34 =	vld [tilespmem:$0x110];
	_ =	sdelay $0x4  }
0xc5: {  	v35 =	vshll.u32 v34, $0x8;
	v36 =	vshll.u32 v34, $0x7  }
0xc6: {  	v34 =	vadd.s32 $0xFFFFFF00, v34;
	v35 =	vand.u32 $0xFFFFF800, v35;
	v36 =	vand.u32 $0x380, v36  }
0xc7: {  	vm5 =	vlt.u32 v34, $0xF8;
	v36 =	vor.u32 v36, v35  }
0xc8: {  	v34 =	vadd.s32 v26, v36;
	_ =	sdelay $0x4  }
0xc9: {  	[tilespmem:v34+s17+$0x0] =	vst.idx.msk vm5, v1  }
0xca: {  	v34 =	vld [tilespmem:$0x120];
	_ =	sdelay $0x4  }
0xcb: {  	v35 =	vshll.u32 v34, $0x8;
	v36 =	vshll.u32 v34, $0x7  }
0xcc: {  	v34 =	vadd.s32 $0xFFFFFF00, v34;
	v35 =	vand.u32 $0xFFFFF800, v35;
	v36 =	vand.u32 $0x380, v36  }
0xcd: {  	vm6 =	vlt.u32 v34, $0xF8;
	v36 =	vor.u32 v36, v35  }
0xce: {  	v34 =	vadd.s32 v27, v36;
	_ =	sdelay $0x4  }
0xcf: {  	[tilespmem:v34+s17+$0x0] =	vst.idx.msk vm6, v1  }
0xd0: {  	v34 =	vld [tilespmem:$0x130];
	_ =	sdelay $0x4  }
0xd1: {  	v35 =	vshll.u32 v34, $0x8;
	v36 =	vshll.u32 v34, $0x7  }
0xd2: {  	v34 =	vadd.s32 $0xFFFFFF00, v34;
	v35 =	vand.u32 $0xFFFFF800, v35;
	v36 =	vand.u32 $0x380, v36  }
0xd3: {  	vm7 =	vlt.u32 v34, $0xF8;
	v36 =	vor.u32 v36, v35  }
0xd4: {  	v34 =	vadd.s32 v28, v36;
	_ =	sdelay $0x4  }
0xd5: {  	[tilespmem:v34+s17+$0x0] =	vst.idx.msk vm7, v1  }
0xd6: {  	v34 =	vld [tilespmem:$0x140];
	_ =	sdelay $0x4  }
0xd7: {  	v35 =	vshll.u32 v34, $0x8;
	v36 =	vshll.u32 v34, $0x7  }
0xd8: {  	v34 =	vadd.s32 $0xFFFFFF00, v34;
	v35 =	vand.u32 $0xFFFFF800, v35;
	v36 =	vand.u32 $0x380, v36  }
0xd9: {  	vm8 =	vlt.u32 v34, $0xF8;
	v36 =	vor.u32 v36, v35  }
0xda: {  	v34 =	vadd.s32 v29, v36;
	_ =	sdelay $0x4  }
0xdb: {  	[tilespmem:v34+s17+$0x0] =	vst.idx.msk vm8, v1  }
0xdc: {  	v34 =	vld [tilespmem:$0x150];
	_ =	sdelay $0x4  }
0xdd: {  	v35 =	vshll.u32 v34, $0x8;
	v36 =	vshll.u32 v34, $0x7  }
0xde: {  	v34 =	vadd.s32 $0xFFFFFF00, v34;
	v35 =	vand.u32 $0xFFFFF800, v35;
	v36 =	vand.u32 $0x380, v36  }
0xdf: {  	vm9 =	vlt.u32 v34, $0xF8;
	v36 =	vor.u32 v36, v35  }
0xe0: {  	v34 =	vadd.s32 v30, v36;
	_ =	sdelay $0x4  }
0xe1: {  	[tilespmem:v34+s17+$0x0] =	vst.idx.msk vm9, v1  }
0xe2: {  	v34 =	vld [tilespmem:$0x160];
	_ =	sdelay $0x4  }
0xe3: {  	v35 =	vshll.u32 v34, $0x8;
	v36 =	vshll.u32 v34, $0x7  }
0xe4: {  	v34 =	vadd.s32 $0xFFFFFF00, v34;
	v35 =	vand.u32 $0xFFFFF800, v35;
	v36 =	vand.u32 $0x380, v36  }
0xe5: {  	vm10 =	vlt.u32 v34, $0xF8;
	v36 =	vor.u32 v36, v35  }
0xe6: {  	v34 =	vadd.s32 v31, v36;
	_ =	sdelay $0x4  }
0xe7: {  	[tilespmem:v34+s17+$0x0] =	vst.idx.msk vm10, v1  }
0xe8: {  	v34 =	vld [tilespmem:$0x170];
	_ =	sdelay $0x4  }
0xe9: {  	v35 =	vshll.u32 v34, $0x8;
	v36 =	vshll.u32 v34, $0x7  }
0xea: {  	v34 =	vadd.s32 $0xFFFFFF00, v34;
	v35 =	vand.u32 $0xFFFFF800, v35;
	v36 =	vand.u32 $0x380, v36  }
0xeb: {  	vm11 =	vlt.u32 v34, $0xF8;
	v36 =	vor.u32 v36, v35  }
0xec: {  	v34 =	vadd.s32 v32, v36;
	_ =	sdelay $0x4  }
0xed: {  	s29 =	rddreg [dreg:$0xb];
	[tilespmem:v34+s17+$0x0] =	vst.idx.msk vm11, v1  }
0xee: {  	[hbm4b:s29+s20] =	stream.strided.scatter [tilespmem:s17], [sflag:$0x2], $0xF800, s21, s20, $0x38;
	[tilespmem:$0x1FA00] =	vst v63  }
0xef: {  	_ =	swait.ge [sflag:s7], $0x10000  }
0xf0: {  	[sflag:s7] =	ssyncset.done $0x0  }
0xf1: {  	[sflag:s7] =	ssyncadd.s32 $0xFFFF0000  }
0xf2: {  	v34 =	vld [tilespmem:$0x0];
	_ =	sdelay $0x4  }
0xf3: {  	v35 =	vshll.u32 v34, $0x8;
	v36 =	vshll.u32 v34, $0x7  }
0xf4: {  	v35 =	vand.u32 $0xFFFFF800, v35;
	v36 =	vand.u32 $0x380, v36  }
0xf5: {  	vm12 =	vlt.u32 v34, $0x100;
	v36 =	vor.u32 v35, v36  }
0xf6: {  	v34 =	vor.u32 v9, v36;
	_ =	sdelay $0x4  }
0xf7: {  	[tilespmem:v34+s15+$0x0] =	vst.idx.msk vm12, v33  }
0xf8: {  	v34 =	vld [tilespmem:$0x10];
	_ =	sdelay $0x4  }
0xf9: {  	v35 =	vshll.u32 v34, $0x8;
	v36 =	vshll.u32 v34, $0x7  }
0xfa: {  	v35 =	vand.u32 $0xFFFFF800, v35;
	v36 =	vand.u32 $0x380, v36  }
0xfb: {  	vm13 =	vlt.u32 v34, $0x100;
	v36 =	vor.u32 v35, v36  }
0xfc: {  	v34 =	vor.u32 v2, v36;
	_ =	sdelay $0x4  }
0xfd: {  	[tilespmem:v34+s15+$0x0] =	vst.idx.msk vm13, v33  }
0xfe: {  	v34 =	vld [tilespmem:$0x20];
	_ =	sdelay $0x4  }
0xff: {  	v35 =	vshll.u32 v34, $0x8;
	v36 =	vshll.u32 v34, $0x7  }
0x100: {  	v35 =	vand.u32 $0xFFFFF800, v35;
	v36 =	vand.u32 $0x380, v36  }
0x101: {  	vm14 =	vlt.u32 v34, $0x100;
	v36 =	vor.u32 v35, v36  }
0x102: {  	v34 =	vor.u32 v3, v36;
	_ =	sdelay $0x4  }
0x103: {  	[tilespmem:v34+s15+$0x0] =	vst.idx.msk vm14, v33  }
0x104: {  	v34 =	vld [tilespmem:$0x30];
	_ =	sdelay $0x4  }
0x105: {  	v35 =	vshll.u32 v34, $0x8;
	v36 =	vshll.u32 v34, $0x7  }
0x106: {  	v35 =	vand.u32 $0xFFFFF800, v35;
	v36 =	vand.u32 $0x380, v36  }
0x107: {  	vm15 =	vlt.u32 v34, $0x100;
	v36 =	vor.u32 v35, v36  }
0x108: {  	v34 =	vor.u32 v4, v36;
	_ =	sdelay $0x4  }
0x109: {  	[tilespmem:v34+s15+$0x0] =	vst.idx.msk vm15, v33  }
0x10a: {  	v34 =	vld [tilespmem:$0x40];
	_ =	sdelay $0x4  }
0x10b: {  	v35 =	vshll.u32 v34, $0x8;
	v36 =	vshll.u32 v34, $0x7  }
0x10c: {  	v35 =	vand.u32 $0xFFFFF800, v35;
	v36 =	vand.u32 $0x380, v36  }
0x10d: {  	vm4 =	vlt.u32 v34, $0x100;
	v36 =	vor.u32 v35, v36  }
0x10e: {  	v34 =	vor.u32 v5, v36;
	_ =	sdelay $0x4  }
0x10f: {  	[tilespmem:v34+s15+$0x0] =	vst.idx.msk vm4, v33  }
0x110: {  	v34 =	vld [tilespmem:$0x50];
	_ =	sdelay $0x4  }
0x111: {  	v35 =	vshll.u32 v34, $0x8;
	v36 =	vshll.u32 v34, $0x7  }
0x112: {  	v35 =	vand.u32 $0xFFFFF800, v35;
	v36 =	vand.u32 $0x380, v36  }
0x113: {  	vm5 =	vlt.u32 v34, $0x100;
	v36 =	vor.u32 v35, v36  }
0x114: {  	v34 =	vor.u32 v6, v36;
	_ =	sdelay $0x4  }
0x115: {  	[tilespmem:v34+s15+$0x0] =	vst.idx.msk vm5, v33  }
0x116: {  	v34 =	vld [tilespmem:$0x60];
	_ =	sdelay $0x4  }
0x117: {  	v35 =	vshll.u32 v34, $0x8;
	v36 =	vshll.u32 v34, $0x7  }
0x118: {  	v35 =	vand.u32 $0xFFFFF800, v35;
	v36 =	vand.u32 $0x380, v36  }
0x119: {  	vm6 =	vlt.u32 v34, $0x100;
	v36 =	vor.u32 v35, v36  }
0x11a: {  	v34 =	vor.u32 v7, v36;
	_ =	sdelay $0x4  }
0x11b: {  	[tilespmem:v34+s15+$0x0] =	vst.idx.msk vm6, v33  }
0x11c: {  	v34 =	vld [tilespmem:$0x70];
	_ =	sdelay $0x4  }
0x11d: {  	v35 =	vshll.u32 v34, $0x8;
	v36 =	vshll.u32 v34, $0x7  }
0x11e: {  	v35 =	vand.u32 $0xFFFFF800, v35;
	v36 =	vand.u32 $0x380, v36  }
0x11f: {  	vm7 =	vlt.u32 v34, $0x100;
	v36 =	vor.u32 v35, v36  }
0x120: {  	v34 =	vor.u32 v8, v36;
	_ =	sdelay $0x4  }
0x121: {  	[tilespmem:v34+s15+$0x0] =	vst.idx.msk vm7, v33  }
0x122: {  	v34 =	vld [tilespmem:$0x100];
	_ =	sdelay $0x4  }
0x123: {  	v35 =	vshll.u32 v34, $0x8;
	v36 =	vshll.u32 v34, $0x7  }
0x124: {  	v35 =	vand.u32 $0xFFFFF800, v35;
	v36 =	vand.u32 $0x380, v36  }
0x125: {  	vm8 =	vlt.u32 v34, $0x100;
	v36 =	vor.u32 v36, v35  }
0x126: {  	v34 =	vor.u32 v0, v36;
	_ =	sdelay $0x4  }
0x127: {  	[tilespmem:v34+s15+$0x0] =	vst.idx.msk vm8, v33  }
0x128: {  	v34 =	vld [tilespmem:$0x110];
	_ =	sdelay $0x4  }
0x129: {  	v35 =	vshll.u32 v34, $0x8;
	v36 =	vshll.u32 v34, $0x7  }
0x12a: {  	v35 =	vand.u32 $0xFFFFF800, v35;
	v36 =	vand.u32 $0x380, v36  }
0x12b: {  	vm9 =	vlt.u32 v34, $0x100;
	v36 =	vor.u32 v36, v35  }
0x12c: {  	v34 =	vor.u32 v10, v36;
	_ =	sdelay $0x4  }
0x12d: {  	[tilespmem:v34+s15+$0x0] =	vst.idx.msk vm9, v33  }
0x12e: {  	v34 =	vld [tilespmem:$0x120];
	_ =	sdelay $0x4  }
0x12f: {  	v35 =	vshll.u32 v34, $0x8;
	v36 =	vshll.u32 v34, $0x7  }
0x130: {  	v35 =	vand.u32 $0xFFFFF800, v35;
	v36 =	vand.u32 $0x380, v36  }
0x131: {  	vm10 =	vlt.u32 v34, $0x100;
	v36 =	vor.u32 v36, v35  }
0x132: {  	v34 =	vor.u32 v11, v36;
	_ =	sdelay $0x4  }
0x133: {  	[tilespmem:v34+s15+$0x0] =	vst.idx.msk vm10, v33  }
0x134: {  	v34 =	vld [tilespmem:$0x130];
	_ =	sdelay $0x4  }
0x135: {  	v35 =	vshll.u32 v34, $0x8;
	v36 =	vshll.u32 v34, $0x7  }
0x136: {  	v35 =	vand.u32 $0xFFFFF800, v35;
	v36 =	vand.u32 $0x380, v36  }
0x137: {  	vm11 =	vlt.u32 v34, $0x100;
	v36 =	vor.u32 v36, v35  }
0x138: {  	v34 =	vor.u32 v12, v36;
	_ =	sdelay $0x4  }
0x139: {  	[tilespmem:v34+s15+$0x0] =	vst.idx.msk vm11, v33  }
0x13a: {  	v34 =	vld [tilespmem:$0x140];
	_ =	sdelay $0x4  }
0x13b: {  	v35 =	vshll.u32 v34, $0x8;
	v36 =	vshll.u32 v34, $0x7  }
0x13c: {  	v35 =	vand.u32 $0xFFFFF800, v35;
	v36 =	vand.u32 $0x380, v36  }
0x13d: {  	vm12 =	vlt.u32 v34, $0x100;
	v36 =	vor.u32 v36, v35  }
0x13e: {  	v34 =	vor.u32 v13, v36;
	_ =	sdelay $0x4  }
0x13f: {  	[tilespmem:v34+s15+$0x0] =	vst.idx.msk vm12, v33  }
0x140: {  	v34 =	vld [tilespmem:$0x150];
	_ =	sdelay $0x4  }
0x141: {  	v35 =	vshll.u32 v34, $0x8;
	v36 =	vshll.u32 v34, $0x7  }
0x142: {  	v35 =	vand.u32 $0xFFFFF800, v35;
	v36 =	vand.u32 $0x380, v36  }
0x143: {  	vm13 =	vlt.u32 v34, $0x100;
	v36 =	vor.u32 v36, v35  }
0x144: {  	v34 =	vor.u32 v14, v36;
	_ =	sdelay $0x4  }
0x145: {  	[tilespmem:v34+s15+$0x0] =	vst.idx.msk vm13, v33  }
0x146: {  	v34 =	vld [tilespmem:$0x160];
	_ =	sdelay $0x4  }
0x147: {  	v35 =	vshll.u32 v34, $0x8;
	v36 =	vshll.u32 v34, $0x7  }
0x148: {  	v35 =	vand.u32 $0xFFFFF800, v35;
	v36 =	vand.u32 $0x380, v36  }
0x149: {  	vm14 =	vlt.u32 v34, $0x100;
	v36 =	vor.u32 v36, v35  }
0x14a: {  	v34 =	vor.u32 v15, v36;
	_ =	sdelay $0x4  }
0x14b: {  	[tilespmem:v34+s15+$0x0] =	vst.idx.msk vm14, v33  }
0x14c: {  	v34 =	vld [tilespmem:$0x170];
	_ =	sdelay $0x4  }
0x14d: {  	v35 =	vshll.u32 v34, $0x8;
	v36 =	vshll.u32 v34, $0x7  }
0x14e: {  	v35 =	vand.u32 $0xFFFFF800, v35;
	v36 =	vand.u32 $0x380, v36  }
0x14f: {  	vm15 =	vlt.u32 v34, $0x100;
	v36 =	vor.u32 v36, v35  }
0x150: {  	v34 =	vor.u32 v16, v36;
	_ =	sdelay $0x4  }
0x151: {  	[tilespmem:v34+s15+$0x0] =	vst.idx.msk vm15, v33  }
0x152: {  	v34 =	vld [tilespmem:$0x0];
	_ =	sdelay $0x4  }
0x153: {  	v35 =	vshll.u32 v34, $0x8;
	v36 =	vshll.u32 v34, $0x7  }
0x154: {  	v34 =	vadd.s32 $0xFFFFFE08, v34;
	v35 =	vand.u32 $0xFFFFF800, v35;
	v36 =	vand.u32 $0x380, v36  }
0x155: {  	vm4 =	vlt.u32 v34, $0xF8;
	v36 =	vor.u32 v36, v35  }
0x156: {  	v34 =	vadd.s32 v38, v36;
	_ =	sdelay $0x4  }
0x157: {  	[tilespmem:v34+s15+$0x0] =	vst.idx.msk vm4, v1  }
0x158: {  	v34 =	vld [tilespmem:$0x10];
	_ =	sdelay $0x4  }
0x159: {  	v35 =	vshll.u32 v34, $0x8;
	v36 =	vshll.u32 v34, $0x7  }
0x15a: {  	v34 =	vadd.s32 $0xFFFFFE08, v34;
	v35 =	vand.u32 $0xFFFFF800, v35;
	v36 =	vand.u32 $0x380, v36  }
0x15b: {  	vm5 =	vlt.u32 v34, $0xF8;
	v38 =	vor.u32 v36, v35  }
0x15c: {  	v34 =	vadd.s32 v40, v38;
	_ =	sdelay $0x4  }
0x15d: {  	[tilespmem:v34+s15+$0x0] =	vst.idx.msk vm5, v1  }
0x15e: {  	v34 =	vld [tilespmem:$0x20];
	_ =	sdelay $0x4  }
0x15f: {  	v35 =	vshll.u32 v34, $0x8;
	v36 =	vshll.u32 v34, $0x7  }
0x160: {  	v34 =	vadd.s32 $0xFFFFFE08, v34;
	v35 =	vand.u32 $0xFFFFF800, v35;
	v36 =	vand.u32 $0x380, v36  }
0x161: {  	vm6 =	vlt.u32 v34, $0xF8;
	v36 =	vor.u32 v36, v35  }
0x162: {  	v34 =	vadd.s32 v41, v36;
	_ =	sdelay $0x4  }
0x163: {  	[tilespmem:v34+s15+$0x0] =	vst.idx.msk vm6, v1  }
0x164: {  	v34 =	vld [tilespmem:$0x30];
	_ =	sdelay $0x4  }
0x165: {  	v35 =	vshll.u32 v34, $0x8;
	v36 =	vshll.u32 v34, $0x7  }
0x166: {  	v34 =	vadd.s32 $0xFFFFFE08, v34;
	v35 =	vand.u32 $0xFFFFF800, v35;
	v36 =	vand.u32 $0x380, v36  }
0x167: {  	vm7 =	vlt.u32 v34, $0xF8;
	v38 =	vor.u32 v36, v35  }
0x168: {  	v34 =	vadd.s32 v37, v38;
	_ =	sdelay $0x4  }
0x169: {  	[tilespmem:v34+s15+$0x0] =	vst.idx.msk vm7, v1  }
0x16a: {  	v34 =	vld [tilespmem:$0x40];
	_ =	sdelay $0x4  }
0x16b: {  	v35 =	vshll.u32 v34, $0x8;
	v36 =	vshll.u32 v34, $0x7  }
0x16c: {  	v34 =	vadd.s32 $0xFFFFFE08, v34;
	v35 =	vand.u32 $0xFFFFF800, v35;
	v36 =	vand.u32 $0x380, v36  }
0x16d: {  	vm8 =	vlt.u32 v34, $0xF8;
	v36 =	vor.u32 v36, v35  }
0x16e: {  	v34 =	vadd.s32 v39, v36;
	_ =	sdelay $0x4  }
0x16f: {  	[tilespmem:v34+s15+$0x0] =	vst.idx.msk vm8, v1  }
0x170: {  	v34 =	vld [tilespmem:$0x50];
	_ =	sdelay $0x2  }
0x171: {  	v38 =	vld [tilespmem:$0x1FFB0];
	_ =	sdelay $0x1  }
0x172: {  	v35 =	vshll.u32 v34, $0x8;
	v36 =	vshll.u32 v34, $0x7  }
0x173: {  	v34 =	vadd.s32 $0xFFFFFE08, v34;
	v35 =	vand.u32 $0xFFFFF800, v35;
	v36 =	vand.u32 $0x380, v36  }
0x174: {  	vm9 =	vlt.u32 v34, $0xF8;
	v37 =	vor.u32 v36, v35  }
0x175: {  	v34 =	vadd.s32 v38, v37;
	_ =	sdelay $0x4  }
0x176: {  	[tilespmem:v34+s15+$0x0] =	vst.idx.msk vm9, v1  }
0x177: {  	v34 =	vld [tilespmem:$0x60];
	_ =	sdelay $0x2  }
0x178: {  	v37 =	vld [tilespmem:$0x1FFC0];
	_ =	sdelay $0x1  }
0x179: {  	v35 =	vshll.u32 v34, $0x8;
	v36 =	vshll.u32 v34, $0x7  }
0x17a: {  	v34 =	vadd.s32 $0xFFFFFE08, v34;
	v35 =	vand.u32 $0xFFFFF800, v35;
	v36 =	vand.u32 $0x380, v36  }
0x17b: {  	vm10 =	vlt.u32 v34, $0xF8;
	v36 =	vor.u32 v36, v35  }
0x17c: {  	v34 =	vadd.s32 v37, v36;
	_ =	sdelay $0x4  }
0x17d: {  	[tilespmem:v34+s15+$0x0] =	vst.idx.msk vm10, v1  }
0x17e: {  	v34 =	vld [tilespmem:$0x70];
	_ =	sdelay $0x4  }
0x17f: {  	v35 =	vshll.u32 v34, $0x8;
	v36 =	vshll.u32 v34, $0x7  }
0x180: {  	v35 =	vand.u32 $0xFFFFF800, v35;
	v36 =	vand.u32 $0x380, v36  }
0x181: {  	v38 =	vor.u32 v36, v35;
	v36 =	vld [tilespmem:$0x1FFD0];
	_ =	sdelay $0x2  }
0x182: {  	v34 =	vadd.s32 $0xFFFFFE08, v34  }
0x183: {  	vm11 =	vlt.u32 v34, $0xF8  }
0x184: {  	v34 =	vadd.s32 v36, v38;
	_ =	sdelay $0x4  }
0x185: {  	[tilespmem:v34+s15+$0x0] =	vst.idx.msk vm11, v1  }
0x186: {  	v34 =	vld [tilespmem:$0x100];
	_ =	sdelay $0x4  }
0x187: {  	v35 =	vshll.u32 v34, $0x8;
	v36 =	vshll.u32 v34, $0x7  }
0x188: {  	v34 =	vadd.s32 $0xFFFFFE08, v34;
	v35 =	vand.u32 $0xFFFFF800, v35;
	v36 =	vand.u32 $0x380, v36  }
0x189: {  	vm12 =	vlt.u32 v34, $0xF8;
	v37 =	vor.u32 v36, v35  }
0x18a: {  	v34 =	vadd.s32 v42, v37;
	_ =	sdelay $0x4  }
0x18b: {  	[tilespmem:v34+s15+$0x0] =	vst.idx.msk vm12, v1  }
0x18c: {  	v34 =	vld [tilespmem:$0x110];
	_ =	sdelay $0x4  }
0x18d: {  	v35 =	vshll.u32 v34, $0x8;
	v36 =	vshll.u32 v34, $0x7  }
0x18e: {  	v34 =	vadd.s32 $0xFFFFFE08, v34;
	v35 =	vand.u32 $0xFFFFF800, v35;
	v36 =	vand.u32 $0x380, v36  }
0x18f: {  	vm13 =	vlt.u32 v34, $0xF8;
	v38 =	vor.u32 v36, v35  }
0x190: {  	v34 =	vadd.s32 v43, v38;
	_ =	sdelay $0x4  }
0x191: {  	[tilespmem:v34+s15+$0x0] =	vst.idx.msk vm13, v1  }
0x192: {  	v34 =	vld [tilespmem:$0x120];
	_ =	sdelay $0x4  }
0x193: {  	v35 =	vshll.u32 v34, $0x8;
	v36 =	vshll.u32 v34, $0x7  }
0x194: {  	v34 =	vadd.s32 $0xFFFFFE08, v34;
	v35 =	vand.u32 $0xFFFFF800, v35;
	v36 =	vand.u32 $0x380, v36  }
0x195: {  	vm14 =	vlt.u32 v34, $0xF8;
	v36 =	vor.u32 v36, v35  }
0x196: {  	v34 =	vadd.s32 v44, v36;
	_ =	sdelay $0x4  }
0x197: {  	[tilespmem:v34+s15+$0x0] =	vst.idx.msk vm14, v1  }
0x198: {  	v34 =	vld [tilespmem:$0x130];
	_ =	sdelay $0x4  }
0x199: {  	v35 =	vshll.u32 v34, $0x8;
	v36 =	vshll.u32 v34, $0x7  }
0x19a: {  	v34 =	vadd.s32 $0xFFFFFE08, v34;
	v35 =	vand.u32 $0xFFFFF800, v35;
	v36 =	vand.u32 $0x380, v36  }
0x19b: {  	vm15 =	vlt.u32 v34, $0xF8;
	v37 =	vor.u32 v36, v35  }
0x19c: {  	v34 =	vadd.s32 v45, v37;
	_ =	sdelay $0x4  }
0x19d: {  	[tilespmem:v34+s15+$0x0] =	vst.idx.msk vm15, v1  }
0x19e: {  	v34 =	vld [tilespmem:$0x140];
	_ =	sdelay $0x4  }
0x19f: {  	v35 =	vshll.u32 v34, $0x8;
	v36 =	vshll.u32 v34, $0x7  }
0x1a0: {  	v34 =	vadd.s32 $0xFFFFFE08, v34;
	v35 =	vand.u32 $0xFFFFF800, v35;
	v36 =	vand.u32 $0x380, v36  }
0x1a1: {  	vm4 =	vlt.u32 v34, $0xF8;
	v38 =	vor.u32 v36, v35  }
0x1a2: {  	v34 =	vadd.s32 v46, v38;
	_ =	sdelay $0x4  }
0x1a3: {  	[tilespmem:v34+s15+$0x0] =	vst.idx.msk vm4, v1  }
0x1a4: {  	v34 =	vld [tilespmem:$0x150];
	_ =	sdelay $0x4  }
0x1a5: {  	v35 =	vshll.u32 v34, $0x8;
	v36 =	vshll.u32 v34, $0x7  }
0x1a6: {  	v34 =	vadd.s32 $0xFFFFFE08, v34;
	v35 =	vand.u32 $0xFFFFF800, v35;
	v36 =	vand.u32 $0x380, v36  }
0x1a7: {  	vm5 =	vlt.u32 v34, $0xF8;
	v36 =	vor.u32 v36, v35  }
0x1a8: {  	v34 =	vadd.s32 v47, v36;
	_ =	sdelay $0x4  }
0x1a9: {  	[tilespmem:v34+s15+$0x0] =	vst.idx.msk vm5, v1  }
0x1aa: {  	v34 =	vld [tilespmem:$0x160];
	_ =	sdelay $0x4  }
0x1ab: {  	v35 =	vshll.u32 v34, $0x8;
	v36 =	vshll.u32 v34, $0x7  }
0x1ac: {  	v34 =	vadd.s32 $0xFFFFFE08, v34;
	v35 =	vand.u32 $0xFFFFF800, v35;
	v36 =	vand.u32 $0x380, v36  }
0x1ad: {  	vm6 =	vlt.u32 v34, $0xF8;
	v37 =	vor.u32 v36, v35  }
0x1ae: {  	v34 =	vadd.s32 v48, v37;
	_ =	sdelay $0x4  }
0x1af: {  	[tilespmem:v34+s15+$0x0] =	vst.idx.msk vm6, v1  }
0x1b0: {  	v34 =	vld [tilespmem:$0x170];
	_ =	sdelay $0x4  }
0x1b1: {  	v35 =	vshll.u32 v34, $0x8;
	v36 =	vshll.u32 v34, $0x7  }
0x1b2: {  	v34 =	vadd.s32 $0xFFFFFE08, v34;
	v35 =	vand.u32 $0xFFFFF800, v35;
	v36 =	vand.u32 $0x380, v36  }
0x1b3: {  	vm7 =	vlt.u32 v34, $0xF8;
	v38 =	vor.u32 v36, v35  }
0x1b4: {  	v34 =	vadd.s32 v49, v38;
	_ =	sdelay $0x4  }
0x1b5: {  	s30 =	rddreg [dreg:$0xc];
	[tilespmem:v34+s15+$0x0] =	vst.idx.msk vm7, v1  }
0x1b6: {  	[hbm4b:s30+s20] =	stream.strided.scatter [tilespmem:s15], [sflag:$0x1], $0xF800, s21, s20, $0x38;
	[tilespmem:$0x1FA00] =	vst v63  }
0x1b7: {  	_ =	swait.ge [sflag:s22], $0xF800  }
0x1b8: {  	[sflag:s22] =	ssyncset.done $0x0  }
0x1b9: {  	[sflag:s22] =	ssyncadd.s32 $0xFFFF0800  }
0x1ba: {  	v34 =	vld [tilespmem:$0x0];
	_ =	sdelay $0x4  }
0x1bb: {  	v35 =	vshll.u32 v34, $0x8;
	v36 =	vshll.u32 v34, $0x7  }
0x1bc: {  	v34 =	vadd.s32 $0xFFFFFF00, v34;
	v35 =	vand.u32 $0xFFFFF800, v35;
	v36 =	vand.u32 $0x380, v36  }
0x1bd: {  	vm8 =	vlt.u32 v34, $0xF8;
	v36 =	vor.u32 v36, v35  }
0x1be: {  	v34 =	vadd.s32 v17, v36;
	_ =	sdelay $0x4  }
0x1bf: {  	[tilespmem:v34+s17+$0x0] =	vst.idx.msk vm8, v33  }
0x1c0: {  	v34 =	vld [tilespmem:$0x10];
	_ =	sdelay $0x4  }
0x1c1: {  	v35 =	vshll.u32 v34, $0x8;
	v36 =	vshll.u32 v34, $0x7  }
0x1c2: {  	v34 =	vadd.s32 $0xFFFFFF00, v34;
	v35 =	vand.u32 $0xFFFFF800, v35;
	v36 =	vand.u32 $0x380, v36  }
0x1c3: {  	vm9 =	vlt.u32 v34, $0xF8;
	v37 =	vor.u32 v36, v35  }
0x1c4: {  	v34 =	vadd.s32 v18, v37;
	_ =	sdelay $0x4  }
0x1c5: {  	[tilespmem:v34+s17+$0x0] =	vst.idx.msk vm9, v33  }
0x1c6: {  	v34 =	vld [tilespmem:$0x20];
	_ =	sdelay $0x4  }
0x1c7: {  	v35 =	vshll.u32 v34, $0x8;
	v36 =	vshll.u32 v34, $0x7  }
0x1c8: {  	v34 =	vadd.s32 $0xFFFFFF00, v34;
	v35 =	vand.u32 $0xFFFFF800, v35;
	v36 =	vand.u32 $0x380, v36  }
0x1c9: {  	vm10 =	vlt.u32 v34, $0xF8;
	v38 =	vor.u32 v36, v35  }
0x1ca: {  	v34 =	vadd.s32 v19, v38;
	_ =	sdelay $0x4  }
0x1cb: {  	[tilespmem:v34+s17+$0x0] =	vst.idx.msk vm10, v33  }
0x1cc: {  	v34 =	vld [tilespmem:$0x30];
	_ =	sdelay $0x4  }
0x1cd: {  	v35 =	vshll.u32 v34, $0x8;
	v36 =	vshll.u32 v34, $0x7  }
0x1ce: {  	v34 =	vadd.s32 $0xFFFFFF00, v34;
	v35 =	vand.u32 $0xFFFFF800, v35;
	v36 =	vand.u32 $0x380, v36  }
0x1cf: {  	vm11 =	vlt.u32 v34, $0xF8;
	v36 =	vor.u32 v36, v35  }
0x1d0: {  	v34 =	vadd.s32 v20, v36;
	_ =	sdelay $0x4  }
0x1d1: {  	[tilespmem:v34+s17+$0x0] =	vst.idx.msk vm11, v33  }
0x1d2: {  	v34 =	vld [tilespmem:$0x40];
	_ =	sdelay $0x4  }
0x1d3: {  	v35 =	vshll.u32 v34, $0x8;
	v36 =	vshll.u32 v34, $0x7  }
0x1d4: {  	v34 =	vadd.s32 $0xFFFFFF00, v34;
	v35 =	vand.u32 $0xFFFFF800, v35;
	v36 =	vand.u32 $0x380, v36  }
0x1d5: {  	vm12 =	vlt.u32 v34, $0xF8;
	v37 =	vor.u32 v36, v35  }
0x1d6: {  	v34 =	vadd.s32 v21, v37;
	_ =	sdelay $0x4  }
0x1d7: {  	[tilespmem:v34+s17+$0x0] =	vst.idx.msk vm12, v33  }
0x1d8: {  	v34 =	vld [tilespmem:$0x50];
	_ =	sdelay $0x4  }
0x1d9: {  	v35 =	vshll.u32 v34, $0x8;
	v36 =	vshll.u32 v34, $0x7  }
0x1da: {  	v34 =	vadd.s32 $0xFFFFFF00, v34;
	v35 =	vand.u32 $0xFFFFF800, v35;
	v36 =	vand.u32 $0x380, v36  }
0x1db: {  	vm13 =	vlt.u32 v34, $0xF8;
	v38 =	vor.u32 v36, v35  }
0x1dc: {  	v34 =	vadd.s32 v22, v38;
	_ =	sdelay $0x4  }
0x1dd: {  	[tilespmem:v34+s17+$0x0] =	vst.idx.msk vm13, v33  }
0x1de: {  	v34 =	vld [tilespmem:$0x60];
	_ =	sdelay $0x4  }
0x1df: {  	v35 =	vshll.u32 v34, $0x8;
	v36 =	vshll.u32 v34, $0x7  }
0x1e0: {  	v34 =	vadd.s32 $0xFFFFFF00, v34;
	v35 =	vand.u32 $0xFFFFF800, v35;
	v36 =	vand.u32 $0x380, v36  }
0x1e1: {  	vm14 =	vlt.u32 v34, $0xF8;
	v36 =	vor.u32 v36, v35  }
0x1e2: {  	v34 =	vadd.s32 v23, v36;
	_ =	sdelay $0x4  }
0x1e3: {  	[tilespmem:v34+s17+$0x0] =	vst.idx.msk vm14, v33  }
0x1e4: {  	v34 =	vld [tilespmem:$0x70];
	_ =	sdelay $0x4  }
0x1e5: {  	v35 =	vshll.u32 v34, $0x8;
	v36 =	vshll.u32 v34, $0x7  }
0x1e6: {  	v34 =	vadd.s32 $0xFFFFFF00, v34;
	v35 =	vand.u32 $0xFFFFF800, v35;
	v36 =	vand.u32 $0x380, v36  }
0x1e7: {  	vm15 =	vlt.u32 v34, $0xF8;
	v37 =	vor.u32 v36, v35  }
0x1e8: {  	v34 =	vadd.s32 v24, v37;
	_ =	sdelay $0x4  }
0x1e9: {  	[tilespmem:v34+s17+$0x0] =	vst.idx.msk vm15, v33  }
0x1ea: {  	v34 =	vld [tilespmem:$0x100];
	_ =	sdelay $0x4  }
0x1eb: {  	v35 =	vshll.u32 v34, $0x8;
	v36 =	vshll.u32 v34, $0x7  }
0x1ec: {  	v34 =	vadd.s32 $0xFFFFFF00, v34;
	v35 =	vand.u32 $0xFFFFF800, v35;
	v36 =	vand.u32 $0x380, v36  }
0x1ed: {  	vm4 =	vlt.u32 v34, $0xF8;
	v38 =	vor.u32 v36, v35  }
0x1ee: {  	v34 =	vadd.s32 v25, v38;
	_ =	sdelay $0x4  }
0x1ef: {  	[tilespmem:v34+s17+$0x0] =	vst.idx.msk vm4, v33  }
0x1f0: {  	v34 =	vld [tilespmem:$0x110];
	_ =	sdelay $0x4  }
0x1f1: {  	v35 =	vshll.u32 v34, $0x8;
	v36 =	vshll.u32 v34, $0x7  }
0x1f2: {  	v34 =	vadd.s32 $0xFFFFFF00, v34;
	v35 =	vand.u32 $0xFFFFF800, v35;
	v36 =	vand.u32 $0x380, v36  }
0x1f3: {  	vm5 =	vlt.u32 v34, $0xF8;
	v36 =	vor.u32 v36, v35  }
0x1f4: {  	v34 =	vadd.s32 v26, v36;
	_ =	sdelay $0x4  }
0x1f5: {  	[tilespmem:v34+s17+$0x0] =	vst.idx.msk vm5, v33  }
0x1f6: {  	v34 =	vld [tilespmem:$0x120];
	_ =	sdelay $0x4  }
0x1f7: {  	v35 =	vshll.u32 v34, $0x8;
	v36 =	vshll.u32 v34, $0x7  }
0x1f8: {  	v34 =	vadd.s32 $0xFFFFFF00, v34;
	v35 =	vand.u32 $0xFFFFF800, v35;
	v36 =	vand.u32 $0x380, v36  }
0x1f9: {  	vm6 =	vlt.u32 v34, $0xF8;
	v37 =	vor.u32 v36, v35  }
0x1fa: {  	v34 =	vadd.s32 v27, v37;
	_ =	sdelay $0x4  }
0x1fb: {  	[tilespmem:v34+s17+$0x0] =	vst.idx.msk vm6, v33  }
0x1fc: {  	v34 =	vld [tilespmem:$0x130];
	_ =	sdelay $0x4  }
0x1fd: {  	v35 =	vshll.u32 v34, $0x8;
	v36 =	vshll.u32 v34, $0x7  }
0x1fe: {  	v34 =	vadd.s32 $0xFFFFFF00, v34;
	v35 =	vand.u32 $0xFFFFF800, v35;
	v36 =	vand.u32 $0x380, v36  }
0x1ff: {  	vm7 =	vlt.u32 v34, $0xF8;
	v38 =	vor.u32 v36, v35  }
0x200: {  	v34 =	vadd.s32 v28, v38;
	_ =	sdelay $0x4  }
0x201: {  	[tilespmem:v34+s17+$0x0] =	vst.idx.msk vm7, v33  }
0x202: {  	v34 =	vld [tilespmem:$0x140];
	_ =	sdelay $0x4  }
0x203: {  	v35 =	vshll.u32 v34, $0x8;
	v36 =	vshll.u32 v34, $0x7  }
0x204: {  	v34 =	vadd.s32 $0xFFFFFF00, v34;
	v35 =	vand.u32 $0xFFFFF800, v35;
	v36 =	vand.u32 $0x380, v36  }
0x205: {  	vm8 =	vlt.u32 v34, $0xF8;
	v36 =	vor.u32 v36, v35  }
0x206: {  	v34 =	vadd.s32 v29, v36;
	_ =	sdelay $0x4  }
0x207: {  	[tilespmem:v34+s17+$0x0] =	vst.idx.msk vm8, v33  }
0x208: {  	v34 =	vld [tilespmem:$0x150];
	_ =	sdelay $0x4  }
0x209: {  	v35 =	vshll.u32 v34, $0x8;
	v36 =	vshll.u32 v34, $0x7  }
0x20a: {  	v34 =	vadd.s32 $0xFFFFFF00, v34;
	v35 =	vand.u32 $0xFFFFF800, v35;
	v36 =	vand.u32 $0x380, v36  }
0x20b: {  	vm9 =	vlt.u32 v34, $0xF8;
	v37 =	vor.u32 v36, v35  }
0x20c: {  	v34 =	vadd.s32 v30, v37;
	_ =	sdelay $0x4  }
0x20d: {  	[tilespmem:v34+s17+$0x0] =	vst.idx.msk vm9, v33  }
0x20e: {  	v34 =	vld [tilespmem:$0x160];
	_ =	sdelay $0x4  }
0x20f: {  	v35 =	vshll.u32 v34, $0x8;
	v36 =	vshll.u32 v34, $0x7  }
0x210: {  	v34 =	vadd.s32 $0xFFFFFF00, v34;
	v35 =	vand.u32 $0xFFFFF800, v35;
	v36 =	vand.u32 $0x380, v36  }
0x211: {  	vm10 =	vlt.u32 v34, $0xF8;
	v38 =	vor.u32 v36, v35  }
0x212: {  	v34 =	vadd.s32 v31, v38;
	_ =	sdelay $0x4  }
0x213: {  	[tilespmem:v34+s17+$0x0] =	vst.idx.msk vm10, v33  }
0x214: {  	v34 =	vld [tilespmem:$0x170];
	_ =	sdelay $0x4  }
0x215: {  	v35 =	vshll.u32 v34, $0x8;
	v36 =	vshll.u32 v34, $0x7  }
0x216: {  	v34 =	vadd.s32 $0xFFFFFF00, v34;
	v35 =	vand.u32 $0xFFFFF800, v35;
	v36 =	vand.u32 $0x380, v36  }
0x217: {  	vm11 =	vlt.u32 v34, $0xF8;
	v36 =	vor.u32 v36, v35  }
0x218: {  	v34 =	vadd.s32 v32, v36;
	_ =	sdelay $0x4  }
0x219: {  	[tilespmem:v34+s17+$0x0] =	vst.idx.msk vm11, v33  }
0x21a: {  	v34 =	vld [tilespmem:$0x0];
	_ =	sdelay $0x4  }
0x21b: {  	v35 =	vshll.u32 v34, $0x8;
	v36 =	vshll.u32 v34, $0x7  }
0x21c: {  	v34 =	vadd.s32 $0xFFFFFD10, v34;
	v35 =	vand.u32 $0xFFFFF800, v35;
	v36 =	vand.u32 $0x380, v36  }
0x21d: {  	vm12 =	vlt.u32 v34, $0xF8;
	v37 =	vor.u32 v36, v35  }
0x21e: {  	v34 =	vadd.s32 v50, v37;
	_ =	sdelay $0x4  }
0x21f: {  	[tilespmem:v34+s17+$0x0] =	vst.idx.msk vm12, v1  }
0x220: {  	v34 =	vld [tilespmem:$0x10];
	_ =	sdelay $0x4  }
0x221: {  	v35 =	vshll.u32 v34, $0x8;
	v36 =	vshll.u32 v34, $0x7  }
0x222: {  	v34 =	vadd.s32 $0xFFFFFD10, v34;
	v35 =	vand.u32 $0xFFFFF800, v35;
	v36 =	vand.u32 $0x380, v36  }
0x223: {  	vm13 =	vlt.u32 v34, $0xF8;
	v38 =	vor.u32 v36, v35  }
0x224: {  	v34 =	vadd.s32 v51, v38;
	_ =	sdelay $0x4  }
0x225: {  	[tilespmem:v34+s17+$0x0] =	vst.idx.msk vm13, v1  }
0x226: {  	v34 =	vld [tilespmem:$0x20];
	_ =	sdelay $0x4  }
0x227: {  	v35 =	vshll.u32 v34, $0x8;
	v36 =	vshll.u32 v34, $0x7  }
0x228: {  	v34 =	vadd.s32 $0xFFFFFD10, v34;
	v35 =	vand.u32 $0xFFFFF800, v35;
	v36 =	vand.u32 $0x380, v36  }
0x229: {  	vm14 =	vlt.u32 v34, $0xF8;
	v36 =	vor.u32 v36, v35  }
0x22a: {  	v34 =	vadd.s32 v52, v36;
	_ =	sdelay $0x4  }
0x22b: {  	[tilespmem:v34+s17+$0x0] =	vst.idx.msk vm14, v1  }
0x22c: {  	v34 =	vld [tilespmem:$0x30];
	_ =	sdelay $0x4  }
0x22d: {  	v35 =	vshll.u32 v34, $0x8;
	v36 =	vshll.u32 v34, $0x7  }
0x22e: {  	v34 =	vadd.s32 $0xFFFFFD10, v34;
	v35 =	vand.u32 $0xFFFFF800, v35;
	v36 =	vand.u32 $0x380, v36  }
0x22f: {  	vm15 =	vlt.u32 v34, $0xF8;
	v37 =	vor.u32 v36, v35  }
0x230: {  	v34 =	vadd.s32 v53, v37;
	_ =	sdelay $0x4  }
0x231: {  	[tilespmem:v34+s17+$0x0] =	vst.idx.msk vm15, v1  }
0x232: {  	v34 =	vld [tilespmem:$0x40];
	_ =	sdelay $0x4  }
0x233: {  	v35 =	vshll.u32 v34, $0x8;
	v36 =	vshll.u32 v34, $0x7  }
0x234: {  	v34 =	vadd.s32 $0xFFFFFD10, v34;
	v35 =	vand.u32 $0xFFFFF800, v35;
	v36 =	vand.u32 $0x380, v36  }
0x235: {  	vm4 =	vlt.u32 v34, $0xF8;
	v38 =	vor.u32 v36, v35  }
0x236: {  	v34 =	vadd.s32 v54, v38;
	_ =	sdelay $0x4  }
0x237: {  	[tilespmem:v34+s17+$0x0] =	vst.idx.msk vm4, v1  }
0x238: {  	v34 =	vld [tilespmem:$0x50];
	_ =	sdelay $0x4  }
0x239: {  	v35 =	vshll.u32 v34, $0x8;
	v36 =	vshll.u32 v34, $0x7  }
0x23a: {  	v34 =	vadd.s32 $0xFFFFFD10, v34;
	v35 =	vand.u32 $0xFFFFF800, v35;
	v36 =	vand.u32 $0x380, v36  }
0x23b: {  	vm5 =	vlt.u32 v34, $0xF8;
	v36 =	vor.u32 v36, v35  }
0x23c: {  	v34 =	vadd.s32 v55, v36;
	_ =	sdelay $0x4  }
0x23d: {  	[tilespmem:v34+s17+$0x0] =	vst.idx.msk vm5, v1  }
0x23e: {  	v34 =	vld [tilespmem:$0x60];
	_ =	sdelay $0x4  }
0x23f: {  	v35 =	vshll.u32 v34, $0x8;
	v36 =	vshll.u32 v34, $0x7  }
0x240: {  	v34 =	vadd.s32 $0xFFFFFD10, v34;
	v35 =	vand.u32 $0xFFFFF800, v35;
	v36 =	vand.u32 $0x380, v36  }
0x241: {  	vm6 =	vlt.u32 v34, $0xF8;
	v37 =	vor.u32 v36, v35  }
0x242: {  	v34 =	vadd.s32 v56, v37;
	_ =	sdelay $0x4  }
0x243: {  	[tilespmem:v34+s17+$0x0] =	vst.idx.msk vm6, v1  }
0x244: {  	v34 =	vld [tilespmem:$0x70];
	_ =	sdelay $0x4  }
0x245: {  	v35 =	vshll.u32 v34, $0x8;
	v36 =	vshll.u32 v34, $0x7  }
0x246: {  	v34 =	vadd.s32 $0xFFFFFD10, v34;
	v35 =	vand.u32 $0xFFFFF800, v35;
	v36 =	vand.u32 $0x380, v36  }
0x247: {  	vm7 =	vlt.u32 v34, $0xF8;
	v38 =	vor.u32 v36, v35  }
0x248: {  	v34 =	vadd.s32 v57, v38;
	_ =	sdelay $0x4  }
0x249: {  	[tilespmem:v34+s17+$0x0] =	vst.idx.msk vm7, v1  }
0x24a: {  	v34 =	vld [tilespmem:$0x100];
	_ =	sdelay $0x4  }
0x24b: {  	v35 =	vshll.u32 v34, $0x8;
	v36 =	vshll.u32 v34, $0x7  }
0x24c: {  	v34 =	vadd.s32 $0xFFFFFD10, v34;
	v35 =	vand.u32 $0xFFFFF800, v35;
	v36 =	vand.u32 $0x380, v36  }
0x24d: {  	vm8 =	vlt.u32 v34, $0xF8;
	v36 =	vor.u32 v36, v35  }
0x24e: {  	v34 =	vadd.s32 v58, v36;
	_ =	sdelay $0x4  }
0x24f: {  	[tilespmem:v34+s17+$0x0] =	vst.idx.msk vm8, v1  }
0x250: {  	v34 =	vld [tilespmem:$0x110];
	_ =	sdelay $0x4  }
0x251: {  	v35 =	vshll.u32 v34, $0x8;
	v36 =	vshll.u32 v34, $0x7  }
0x252: {  	v34 =	vadd.s32 $0xFFFFFD10, v34;
	v35 =	vand.u32 $0xFFFFF800, v35;
	v36 =	vand.u32 $0x380, v36  }
0x253: {  	vm9 =	vlt.u32 v34, $0xF8;
	v37 =	vor.u32 v36, v35  }
0x254: {  	v34 =	vadd.s32 v59, v37;
	_ =	sdelay $0x4  }
0x255: {  	[tilespmem:v34+s17+$0x0] =	vst.idx.msk vm9, v1  }
0x256: {  	v34 =	vld [tilespmem:$0x120];
	_ =	sdelay $0x4  }
0x257: {  	v35 =	vshll.u32 v34, $0x8;
	v36 =	vshll.u32 v34, $0x7  }
0x258: {  	v34 =	vadd.s32 $0xFFFFFD10, v34;
	v35 =	vand.u32 $0xFFFFF800, v35;
	v36 =	vand.u32 $0x380, v36  }
0x259: {  	vm10 =	vlt.u32 v34, $0xF8;
	v38 =	vor.u32 v36, v35  }
0x25a: {  	v34 =	vadd.s32 v60, v38;
	_ =	sdelay $0x4  }
0x25b: {  	[tilespmem:v34+s17+$0x0] =	vst.idx.msk vm10, v1  }
0x25c: {  	v34 =	vld [tilespmem:$0x130];
	_ =	sdelay $0x4  }
0x25d: {  	v35 =	vshll.u32 v34, $0x8;
	v36 =	vshll.u32 v34, $0x7  }
0x25e: {  	v34 =	vadd.s32 $0xFFFFFD10, v34;
	v35 =	vand.u32 $0xFFFFF800, v35;
	v36 =	vand.u32 $0x380, v36  }
0x25f: {  	vm11 =	vlt.u32 v34, $0xF8;
	v36 =	vor.u32 v36, v35  }
0x260: {  	v34 =	vadd.s32 v61, v36;
	_ =	sdelay $0x4  }
0x261: {  	[tilespmem:v34+s17+$0x0] =	vst.idx.msk vm11, v1  }
0x262: {  	v34 =	vld [tilespmem:$0x140];
	_ =	sdelay $0x4  }
0x263: {  	v35 =	vshll.u32 v34, $0x8;
	v36 =	vshll.u32 v34, $0x7  }
0x264: {  	v34 =	vadd.s32 $0xFFFFFD10, v34;
	v35 =	vand.u32 $0xFFFFF800, v35;
	v36 =	vand.u32 $0x380, v36  }
0x265: {  	vm12 =	vlt.u32 v34, $0xF8;
	v37 =	vor.u32 v36, v35  }
0x266: {  	v34 =	vadd.s32 v62, v37;
	_ =	sdelay $0x4  }
0x267: {  	[tilespmem:v34+s17+$0x0] =	vst.idx.msk vm12, v1  }
0x268: {  	v34 =	vld [tilespmem:$0x150];
	_ =	sdelay $0x4  }
0x269: {  	v35 =	vshll.u32 v34, $0x8;
	v36 =	vshll.u32 v34, $0x7  }
0x26a: {  	v34 =	vadd.s32 $0xFFFFFD10, v34;
	v35 =	vand.u32 $0xFFFFF800, v35;
	v36 =	vand.u32 $0x380, v36  }
0x26b: {  	vm13 =	vlt.u32 v34, $0xF8;
	v38 =	vor.u32 v36, v35  }
0x26c: {  	v34 =	vadd.s32 v63, v38;
	_ =	sdelay $0x4  }
0x26d: {  	[tilespmem:v34+s17+$0x0] =	vst.idx.msk vm13, v1  }
0x26e: {  	v34 =	vld [tilespmem:$0x160];
	_ =	sdelay $0x4  }
0x26f: {  	v35 =	vshll.u32 v34, $0x8;
	v36 =	vshll.u32 v34, $0x7  }
0x270: {  	v34 =	vadd.s32 $0xFFFFFD10, v34;
	v35 =	vand.u32 $0xFFFFF800, v35;
	v36 =	vand.u32 $0x380, v36  }
0x271: {  	vm14 =	vlt.u32 v34, $0xF8;
	v34 =	vor.u32 $0xFFFD1460, v9;
	v35 =	vor.u32 v36, v35  }
0x272: {  	v35 =	vadd.s32 v34, v35;
	_ =	sdelay $0x4  }
0x273: {  	[tilespmem:v35+s17+$0x0] =	vst.idx.msk vm14, v1  }
0x274: {  	v35 =	vld [tilespmem:$0x170];
	_ =	sdelay $0x4  }
0x275: {  	v36 =	vshll.u32 v35, $0x8;
	v37 =	vshll.u32 v35, $0x7  }
0x276: {  	v35 =	vadd.s32 $0xFFFFFD10, v35;
	v36 =	vand.u32 $0xFFFFF800, v36;
	v37 =	vand.u32 $0x380, v37  }
0x277: {  	vm15 =	vlt.u32 v35, $0xF8;
	v35 =	vor.u32 $0xFFFD1470, v9;
	v36 =	vor.u32 v37, v36  }
0x278: {  	v36 =	vadd.s32 v35, v36;
	_ =	sdelay $0x3  }
0x279: {  	s31 =	rddreg [dreg:$0xd]  }
0x27a: {  	s24 =	simm.s32 $0x80;
	s26 =	simm.s32 $0x0;
	s25 =	rddreg [dreg:$0xf];
	[tilespmem:v36+s17+$0x0] =	vst.idx.msk vm15, v1  }
0x27b: {  	v9 =	vlaneseq.u32;
	[hbm4b:s31+s20] =	stream.strided.scatter [tilespmem:s17], [sflag:$0x2], $0xF800, s21, s20, $0x38;
	[tilespmem:$0x1FA00] =	vst v63  }
.LBB2_2:
0x27c: {  	s0 =	sand.u32 $0x18000, s25;
	s1 =	sadd.s32 s24, s2  }
0x27d: {  	s0 =	sadd.s32 s4, s0;
	s1 =	sand.u32 $0x380, s1  }
0x27e: {  	s0 =	sor.u32 s1, s0  }
0x27f: {  	s0 =	sshrl.u32 s0, $0x3  }
0x280: {  	s28 =	sand.u32 $0x80, s24;
	s0 =	sadd.s32 s13, s0  }
0x281: {  	[tilespmem:s28], [sflag:$0x3] =	stream.linear.gather [hbm4b:s0+s3], $0x80, $0x38;
	[tilespmem:$0x1FA00] =	vst v63  }
0x282: {  	s23 =	sor.u32 $0x100, s28;
	s0 =	sadd.s32 $0x80, s0  }
0x283: {  	[tilespmem:s23], [sflag:$0x3] =	stream.linear.gather [hbm4b:s0+s3], $0x80, $0x38;
	[tilespmem:$0x1FA00] =	vst v63  }
0x284: {  	_ =	swait.ge [sflag:s16], $0x100  }
0x285: {  	[sflag:s16] =	ssyncset.done $0x0  }
0x286: {  	[sflag:s16] =	ssyncadd.s32 $0xFFFFFF00  }
0x287: {  	_ =	swait.ge [sflag:s7], $0xF800  }
0x288: {  	[sflag:s7] =	ssyncset.done $0x0  }
0x289: {  	s29 =	sxor.u32 $0x80, s28;
	[sflag:s7] =	ssyncadd.s32 $0xFFFF0800  }
0x28a: {  	v36 =	vld [tilespmem:s29+$0x0];
	_ =	sdelay $0x4  }
0x28b: {  	v37 =	vshll.u32 v36, $0x8;
	v38 =	vshll.u32 v36, $0x7  }
0x28c: {  	v37 =	vand.u32 $0xFFFFF800, v37;
	v38 =	vand.u32 $0x380, v38  }
0x28d: {  	v36 =	vadd.s32 $0xFFFFFE08, v36;
	v37 =	vor.u32 v38, v37  }
0x28e: {  	vm0 =	vlt.u32 v36, $0xF8;
	v36 =	vor.u32 v9, v37  }
0x28f: {  	v36 =	vadd.s32 $0xFFFE0800, v36;
	_ =	sdelay $0x4  }
0x290: {  	s30 =	sxor.u32 $0x90, s28;
	[tilespmem:v36+s15+$0x0] =	vst.idx.msk vm0, v33  }
0x291: {  	v36 =	vld [tilespmem:s30+$0x0];
	_ =	sdelay $0x4  }
0x292: {  	v37 =	vshll.u32 v36, $0x8;
	v38 =	vshll.u32 v36, $0x7  }
0x293: {  	v37 =	vand.u32 $0xFFFFF800, v37;
	v38 =	vand.u32 $0x380, v38  }
0x294: {  	v36 =	vadd.s32 $0xFFFFFE08, v36;
	v37 =	vor.u32 v38, v37  }
0x295: {  	vm9 =	vlt.u32 v36, $0xF8;
	v36 =	vor.u32 v2, v37  }
0x296: {  	v36 =	vadd.s32 $0xFFFE0800, v36;
	_ =	sdelay $0x4  }
0x297: {  	s31 =	sxor.u32 $0xA0, s28;
	[tilespmem:v36+s15+$0x0] =	vst.idx.msk vm9, v33  }
0x298: {  	v36 =	vld [tilespmem:s31+$0x0];
	_ =	sdelay $0x4  }
0x299: {  	v37 =	vshll.u32 v36, $0x8;
	v38 =	vshll.u32 v36, $0x7  }
0x29a: {  	v37 =	vand.u32 $0xFFFFF800, v37;
	v38 =	vand.u32 $0x380, v38  }
0x29b: {  	v36 =	vadd.s32 $0xFFFFFE08, v36;
	v37 =	vor.u32 v38, v37  }
0x29c: {  	vm10 =	vlt.u32 v36, $0xF8;
	v36 =	vor.u32 v3, v37  }
0x29d: {  	v36 =	vadd.s32 $0xFFFE0800, v36;
	_ =	sdelay $0x4  }
0x29e: {  	s0 =	sxor.u32 $0xB0, s28;
	[tilespmem:v36+s15+$0x0] =	vst.idx.msk vm10, v33  }
0x29f: {  	v36 =	vld [tilespmem:s0+$0x0];
	_ =	sdelay $0x4  }
0x2a0: {  	v37 =	vshll.u32 v36, $0x8;
	v38 =	vshll.u32 v36, $0x7  }
0x2a1: {  	v37 =	vand.u32 $0xFFFFF800, v37;
	v38 =	vand.u32 $0x380, v38  }
0x2a2: {  	v36 =	vadd.s32 $0xFFFFFE08, v36;
	v37 =	vor.u32 v38, v37  }
0x2a3: {  	vm11 =	vlt.u32 v36, $0xF8;
	v36 =	vor.u32 v4, v37  }
0x2a4: {  	v36 =	vadd.s32 $0xFFFE0800, v36;
	_ =	sdelay $0x4  }
0x2a5: {  	s1 =	sxor.u32 $0xC0, s28;
	[tilespmem:v36+s15+$0x0] =	vst.idx.msk vm11, v33  }
0x2a6: {  	v36 =	vld [tilespmem:s1+$0x0];
	_ =	sdelay $0x4  }
0x2a7: {  	v37 =	vshll.u32 v36, $0x8;
	v38 =	vshll.u32 v36, $0x7  }
0x2a8: {  	v37 =	vand.u32 $0xFFFFF800, v37;
	v38 =	vand.u32 $0x380, v38  }
0x2a9: {  	v36 =	vadd.s32 $0xFFFFFE08, v36;
	v37 =	vor.u32 v38, v37  }
0x2aa: {  	vm12 =	vlt.u32 v36, $0xF8;
	v36 =	vor.u32 v5, v37  }
0x2ab: {  	v36 =	vadd.s32 $0xFFFE0800, v36;
	_ =	sdelay $0x4  }
0x2ac: {  	s19 =	sxor.u32 $0xD0, s28;
	[tilespmem:v36+s15+$0x0] =	vst.idx.msk vm12, v33  }
0x2ad: {  	v36 =	vld [tilespmem:s19+$0x0];
	_ =	sdelay $0x4  }
0x2ae: {  	v37 =	vshll.u32 v36, $0x8;
	v38 =	vshll.u32 v36, $0x7  }
0x2af: {  	v37 =	vand.u32 $0xFFFFF800, v37;
	v38 =	vand.u32 $0x380, v38  }
0x2b0: {  	v36 =	vadd.s32 $0xFFFFFE08, v36;
	v37 =	vor.u32 v38, v37  }
0x2b1: {  	vm13 =	vlt.u32 v36, $0xF8;
	v36 =	vor.u32 v6, v37  }
0x2b2: {  	v36 =	vadd.s32 $0xFFFE0800, v36;
	_ =	sdelay $0x4  }
0x2b3: {  	s9 =	sxor.u32 $0xE0, s28;
	[tilespmem:v36+s15+$0x0] =	vst.idx.msk vm13, v33  }
0x2b4: {  	v36 =	vld [tilespmem:s9+$0x0];
	_ =	sdelay $0x4  }
0x2b5: {  	v37 =	vshll.u32 v36, $0x8;
	v38 =	vshll.u32 v36, $0x7  }
0x2b6: {  	v37 =	vand.u32 $0xFFFFF800, v37;
	v38 =	vand.u32 $0x380, v38  }
0x2b7: {  	v36 =	vadd.s32 $0xFFFFFE08, v36;
	v37 =	vor.u32 v38, v37  }
0x2b8: {  	vm14 =	vlt.u32 v36, $0xF8;
	v36 =	vor.u32 v7, v37  }
0x2b9: {  	v36 =	vadd.s32 $0xFFFE0800, v36;
	_ =	sdelay $0x4  }
0x2ba: {  	s10 =	sxor.u32 $0xF0, s28;
	[tilespmem:v36+s15+$0x0] =	vst.idx.msk vm14, v33  }
0x2bb: {  	v36 =	vld [tilespmem:s10+$0x0];
	_ =	sdelay $0x4  }
0x2bc: {  	v37 =	vshll.u32 v36, $0x8;
	v38 =	vshll.u32 v36, $0x7  }
0x2bd: {  	v37 =	vand.u32 $0xFFFFF800, v37;
	v38 =	vand.u32 $0x380, v38  }
0x2be: {  	v36 =	vadd.s32 $0xFFFFFE08, v36;
	v37 =	vor.u32 v38, v37  }
0x2bf: {  	vm15 =	vlt.u32 v36, $0xF8;
	v36 =	vor.u32 v8, v37  }
0x2c0: {  	v36 =	vadd.s32 $0xFFFE0800, v36;
	_ =	sdelay $0x4  }
0x2c1: {  	s11 =	sxor.u32 $0x180, s28;
	[tilespmem:v36+s15+$0x0] =	vst.idx.msk vm15, v33  }
0x2c2: {  	v36 =	vld [tilespmem:s11+$0x0];
	_ =	sdelay $0x4  }
0x2c3: {  	v37 =	vshll.u32 v36, $0x8;
	v38 =	vshll.u32 v36, $0x7  }
0x2c4: {  	v36 =	vadd.s32 $0xFFFFFE08, v36;
	v37 =	vand.u32 $0xFFFFF800, v37;
	v38 =	vand.u32 $0x380, v38  }
0x2c5: {  	vm4 =	vlt.u32 v36, $0xF8;
	v36 =	vor.u32 v38, v37  }
0x2c6: {  	v36 =	vadd.s32 v42, v36;
	_ =	sdelay $0x4  }
0x2c7: {  	s12 =	sxor.u32 $0x190, s28;
	[tilespmem:v36+s15+$0x0] =	vst.idx.msk vm4, v33  }
0x2c8: {  	v36 =	vld [tilespmem:s12+$0x0];
	_ =	sdelay $0x4  }
0x2c9: {  	v37 =	vshll.u32 v36, $0x8;
	v38 =	vshll.u32 v36, $0x7  }
0x2ca: {  	v36 =	vadd.s32 $0xFFFFFE08, v36;
	v37 =	vand.u32 $0xFFFFF800, v37;
	v38 =	vand.u32 $0x380, v38  }
0x2cb: {  	vm5 =	vlt.u32 v36, $0xF8;
	v36 =	vor.u32 v38, v37  }
0x2cc: {  	v36 =	vadd.s32 v43, v36;
	_ =	sdelay $0x4  }
0x2cd: {  	s5 =	smov.u32 s13;
	s13 =	sxor.u32 $0x1A0, s28;
	[tilespmem:v36+s15+$0x0] =	vst.idx.msk vm5, v33  }
0x2ce: {  	v36 =	vld [tilespmem:s13+$0x0];
	_ =	sdelay $0x4  }
0x2cf: {  	v37 =	vshll.u32 v36, $0x8;
	v38 =	vshll.u32 v36, $0x7  }
0x2d0: {  	v36 =	vadd.s32 $0xFFFFFE08, v36;
	v37 =	vand.u32 $0xFFFFF800, v37;
	v38 =	vand.u32 $0x380, v38  }
0x2d1: {  	vm6 =	vlt.u32 v36, $0xF8;
	v36 =	vor.u32 v38, v37  }
0x2d2: {  	v36 =	vadd.s32 v44, v36;
	_ =	sdelay $0x4  }
0x2d3: {  	s18 =	sxor.u32 $0x1B0, s28;
	[tilespmem:v36+s15+$0x0] =	vst.idx.msk vm6, v33  }
0x2d4: {  	v36 =	vld [tilespmem:s18+$0x0];
	_ =	sdelay $0x4  }
0x2d5: {  	v37 =	vshll.u32 v36, $0x8;
	v38 =	vshll.u32 v36, $0x7  }
0x2d6: {  	v36 =	vadd.s32 $0xFFFFFE08, v36;
	v37 =	vand.u32 $0xFFFFF800, v37;
	v38 =	vand.u32 $0x380, v38  }
0x2d7: {  	vm7 =	vlt.u32 v36, $0xF8;
	v36 =	vor.u32 v38, v37  }
0x2d8: {  	v36 =	vadd.s32 v45, v36;
	_ =	sdelay $0x4  }
0x2d9: {  	s8 =	sxor.u32 $0x1C0, s28;
	[tilespmem:v36+s15+$0x0] =	vst.idx.msk vm7, v33  }
0x2da: {  	v36 =	vld [tilespmem:s8+$0x0];
	_ =	sdelay $0x4  }
0x2db: {  	v37 =	vshll.u32 v36, $0x8;
	v38 =	vshll.u32 v36, $0x7  }
0x2dc: {  	v36 =	vadd.s32 $0xFFFFFE08, v36;
	v37 =	vand.u32 $0xFFFFF800, v37;
	v38 =	vand.u32 $0x380, v38  }
0x2dd: {  	vm8 =	vlt.u32 v36, $0xF8;
	v36 =	vor.u32 v38, v37  }
0x2de: {  	v36 =	vadd.s32 v46, v36;
	_ =	sdelay $0x4  }
0x2df: {  	s14 =	sxor.u32 $0x1D0, s28;
	[tilespmem:v36+s15+$0x0] =	vst.idx.msk vm8, v33  }
0x2e0: {  	v36 =	vld [tilespmem:s14+$0x0];
	_ =	sdelay $0x4  }
0x2e1: {  	v37 =	vshll.u32 v36, $0x8;
	v38 =	vshll.u32 v36, $0x7  }
0x2e2: {  	v36 =	vadd.s32 $0xFFFFFE08, v36;
	v37 =	vand.u32 $0xFFFFF800, v37;
	v38 =	vand.u32 $0x380, v38  }
0x2e3: {  	vm9 =	vlt.u32 v36, $0xF8;
	v36 =	vor.u32 v38, v37  }
0x2e4: {  	v36 =	vadd.s32 v47, v36;
	_ =	sdelay $0x4  }
0x2e5: {  	s6 =	sxor.u32 $0x1E0, s28;
	[tilespmem:v36+s15+$0x0] =	vst.idx.msk vm9, v33  }
0x2e6: {  	v36 =	vld [tilespmem:s6+$0x0];
	_ =	sdelay $0x4  }
0x2e7: {  	v37 =	vshll.u32 v36, $0x8;
	v38 =	vshll.u32 v36, $0x7  }
0x2e8: {  	v36 =	vadd.s32 $0xFFFFFE08, v36;
	v37 =	vand.u32 $0xFFFFF800, v37;
	v38 =	vand.u32 $0x380, v38  }
0x2e9: {  	vm10 =	vlt.u32 v36, $0xF8;
	v36 =	vor.u32 v38, v37  }
0x2ea: {  	v36 =	vadd.s32 v48, v36;
	_ =	sdelay $0x4  }
0x2eb: {  	s23 =	sxor.u32 $0x1F0, s28;
	[tilespmem:v36+s15+$0x0] =	vst.idx.msk vm10, v33  }
0x2ec: {  	v36 =	vld [tilespmem:s23+$0x0];
	_ =	sdelay $0x4  }
0x2ed: {  	v37 =	vshll.u32 v36, $0x8;
	v38 =	vshll.u32 v36, $0x7  }
0x2ee: {  	v36 =	vadd.s32 $0xFFFFFE08, v36;
	v37 =	vand.u32 $0xFFFFF800, v37;
	v38 =	vand.u32 $0x380, v38  }
0x2ef: {  	vm11 =	vlt.u32 v36, $0xF8;
	v36 =	vor.u32 v38, v37  }
0x2f0: {  	v36 =	vadd.s32 v49, v36;
	_ =	sdelay $0x4  }
0x2f1: {  	[tilespmem:v36+s15+$0x0] =	vst.idx.msk vm11, v33  }
0x2f2: {  	v36 =	vld [tilespmem:s28+$0x0];
	_ =	sdelay $0x4  }
0x2f3: {  	v37 =	vshll.u32 v36, $0x8;
	v38 =	vshll.u32 v36, $0x7  }
0x2f4: {  	v37 =	vand.u32 $0xFFFFF800, v37;
	v38 =	vand.u32 $0x380, v38  }
0x2f5: {  	vm12 =	vlt.u32 v36, $0x100;
	v36 =	vor.u32 v37, v38  }
0x2f6: {  	v36 =	vor.u32 v9, v36;
	_ =	sdelay $0x4  }
0x2f7: {  	[tilespmem:v36+s15+$0x0] =	vst.idx.msk vm12, v1  }
0x2f8: {  	v36 =	vld [tilespmem:s28+$0x10];
	_ =	sdelay $0x4  }
0x2f9: {  	v37 =	vshll.u32 v36, $0x8;
	v38 =	vshll.u32 v36, $0x7  }
0x2fa: {  	v37 =	vand.u32 $0xFFFFF800, v37;
	v38 =	vand.u32 $0x380, v38  }
0x2fb: {  	vm13 =	vlt.u32 v36, $0x100;
	v36 =	vor.u32 v37, v38  }
0x2fc: {  	v36 =	vor.u32 v2, v36;
	_ =	sdelay $0x4  }
0x2fd: {  	[tilespmem:v36+s15+$0x0] =	vst.idx.msk vm13, v1  }
0x2fe: {  	v36 =	vld [tilespmem:s28+$0x20];
	_ =	sdelay $0x4  }
0x2ff: {  	v37 =	vshll.u32 v36, $0x8;
	v38 =	vshll.u32 v36, $0x7  }
0x300: {  	v37 =	vand.u32 $0xFFFFF800, v37;
	v38 =	vand.u32 $0x380, v38  }
0x301: {  	vm14 =	vlt.u32 v36, $0x100;
	v36 =	vor.u32 v37, v38  }
0x302: {  	v36 =	vor.u32 v3, v36;
	_ =	sdelay $0x4  }
0x303: {  	[tilespmem:v36+s15+$0x0] =	vst.idx.msk vm14, v1  }
0x304: {  	v36 =	vld [tilespmem:s28+$0x30];
	_ =	sdelay $0x4  }
0x305: {  	v37 =	vshll.u32 v36, $0x8;
	v38 =	vshll.u32 v36, $0x7  }
0x306: {  	v37 =	vand.u32 $0xFFFFF800, v37;
	v38 =	vand.u32 $0x380, v38  }
0x307: {  	vm15 =	vlt.u32 v36, $0x100;
	v36 =	vor.u32 v37, v38  }
0x308: {  	v36 =	vor.u32 v4, v36;
	_ =	sdelay $0x4  }
0x309: {  	[tilespmem:v36+s15+$0x0] =	vst.idx.msk vm15, v1  }
0x30a: {  	v36 =	vld [tilespmem:s28+$0x40];
	_ =	sdelay $0x4  }
0x30b: {  	v37 =	vshll.u32 v36, $0x8;
	v38 =	vshll.u32 v36, $0x7  }
0x30c: {  	v37 =	vand.u32 $0xFFFFF800, v37;
	v38 =	vand.u32 $0x380, v38  }
0x30d: {  	vm4 =	vlt.u32 v36, $0x100;
	v36 =	vor.u32 v37, v38  }
0x30e: {  	v36 =	vor.u32 v5, v36;
	_ =	sdelay $0x4  }
0x30f: {  	[tilespmem:v36+s15+$0x0] =	vst.idx.msk vm4, v1  }
0x310: {  	v36 =	vld [tilespmem:s28+$0x50];
	_ =	sdelay $0x4  }
0x311: {  	v37 =	vshll.u32 v36, $0x8;
	v38 =	vshll.u32 v36, $0x7  }
0x312: {  	v37 =	vand.u32 $0xFFFFF800, v37;
	v38 =	vand.u32 $0x380, v38  }
0x313: {  	vm5 =	vlt.u32 v36, $0x100;
	v36 =	vor.u32 v37, v38  }
0x314: {  	v36 =	vor.u32 v6, v36;
	_ =	sdelay $0x4  }
0x315: {  	[tilespmem:v36+s15+$0x0] =	vst.idx.msk vm5, v1  }
0x316: {  	v36 =	vld [tilespmem:s28+$0x60];
	_ =	sdelay $0x4  }
0x317: {  	v37 =	vshll.u32 v36, $0x8;
	v38 =	vshll.u32 v36, $0x7  }
0x318: {  	v37 =	vand.u32 $0xFFFFF800, v37;
	v38 =	vand.u32 $0x380, v38  }
0x319: {  	vm6 =	vlt.u32 v36, $0x100;
	v36 =	vor.u32 v37, v38  }
0x31a: {  	v36 =	vor.u32 v7, v36;
	_ =	sdelay $0x4  }
0x31b: {  	[tilespmem:v36+s15+$0x0] =	vst.idx.msk vm6, v1  }
0x31c: {  	v36 =	vld [tilespmem:s28+$0x70];
	_ =	sdelay $0x4  }
0x31d: {  	v37 =	vshll.u32 v36, $0x8;
	v38 =	vshll.u32 v36, $0x7  }
0x31e: {  	v37 =	vand.u32 $0xFFFFF800, v37;
	v38 =	vand.u32 $0x380, v38  }
0x31f: {  	vm7 =	vlt.u32 v36, $0x100;
	v36 =	vor.u32 v37, v38  }
0x320: {  	v36 =	vor.u32 v8, v36;
	_ =	sdelay $0x4  }
0x321: {  	[tilespmem:v36+s15+$0x0] =	vst.idx.msk vm7, v1  }
0x322: {  	v36 =	vld [tilespmem:s28+$0x100];
	_ =	sdelay $0x4  }
0x323: {  	v37 =	vshll.u32 v36, $0x8;
	v38 =	vshll.u32 v36, $0x7  }
0x324: {  	v37 =	vand.u32 $0xFFFFF800, v37;
	v38 =	vand.u32 $0x380, v38  }
0x325: {  	vm8 =	vlt.u32 v36, $0x100;
	v36 =	vor.u32 v38, v37  }
0x326: {  	v36 =	vor.u32 v0, v36;
	_ =	sdelay $0x4  }
0x327: {  	[tilespmem:v36+s15+$0x0] =	vst.idx.msk vm8, v1  }
0x328: {  	v36 =	vld [tilespmem:s28+$0x110];
	_ =	sdelay $0x4  }
0x329: {  	v37 =	vshll.u32 v36, $0x8;
	v38 =	vshll.u32 v36, $0x7  }
0x32a: {  	v37 =	vand.u32 $0xFFFFF800, v37;
	v38 =	vand.u32 $0x380, v38  }
0x32b: {  	vm9 =	vlt.u32 v36, $0x100;
	v36 =	vor.u32 v38, v37  }
0x32c: {  	v36 =	vor.u32 v10, v36;
	_ =	sdelay $0x4  }
0x32d: {  	[tilespmem:v36+s15+$0x0] =	vst.idx.msk vm9, v1  }
0x32e: {  	v36 =	vld [tilespmem:s28+$0x120];
	_ =	sdelay $0x4  }
0x32f: {  	v37 =	vshll.u32 v36, $0x8;
	v38 =	vshll.u32 v36, $0x7  }
0x330: {  	v37 =	vand.u32 $0xFFFFF800, v37;
	v38 =	vand.u32 $0x380, v38  }
0x331: {  	vm10 =	vlt.u32 v36, $0x100;
	v36 =	vor.u32 v38, v37  }
0x332: {  	v36 =	vor.u32 v11, v36;
	_ =	sdelay $0x4  }
0x333: {  	[tilespmem:v36+s15+$0x0] =	vst.idx.msk vm10, v1  }
0x334: {  	v36 =	vld [tilespmem:s28+$0x130];
	_ =	sdelay $0x4  }
0x335: {  	v37 =	vshll.u32 v36, $0x8;
	v38 =	vshll.u32 v36, $0x7  }
0x336: {  	v37 =	vand.u32 $0xFFFFF800, v37;
	v38 =	vand.u32 $0x380, v38  }
0x337: {  	vm11 =	vlt.u32 v36, $0x100;
	v36 =	vor.u32 v38, v37  }
0x338: {  	v36 =	vor.u32 v12, v36;
	_ =	sdelay $0x4  }
0x339: {  	[tilespmem:v36+s15+$0x0] =	vst.idx.msk vm11, v1  }
0x33a: {  	v36 =	vld [tilespmem:s28+$0x140];
	_ =	sdelay $0x4  }
0x33b: {  	v37 =	vshll.u32 v36, $0x8;
	v38 =	vshll.u32 v36, $0x7  }
0x33c: {  	v37 =	vand.u32 $0xFFFFF800, v37;
	v38 =	vand.u32 $0x380, v38  }
0x33d: {  	vm12 =	vlt.u32 v36, $0x100;
	v36 =	vor.u32 v38, v37  }
0x33e: {  	v36 =	vor.u32 v13, v36;
	_ =	sdelay $0x4  }
0x33f: {  	[tilespmem:v36+s15+$0x0] =	vst.idx.msk vm12, v1  }
0x340: {  	v36 =	vld [tilespmem:s28+$0x150];
	_ =	sdelay $0x4  }
0x341: {  	v37 =	vshll.u32 v36, $0x8;
	v38 =	vshll.u32 v36, $0x7  }
0x342: {  	v37 =	vand.u32 $0xFFFFF800, v37;
	v38 =	vand.u32 $0x380, v38  }
0x343: {  	vm13 =	vlt.u32 v36, $0x100;
	v36 =	vor.u32 v38, v37  }
0x344: {  	v36 =	vor.u32 v14, v36;
	_ =	sdelay $0x4  }
0x345: {  	[tilespmem:v36+s15+$0x0] =	vst.idx.msk vm13, v1  }
0x346: {  	v36 =	vld [tilespmem:s28+$0x160];
	_ =	sdelay $0x4  }
0x347: {  	v37 =	vshll.u32 v36, $0x8;
	v38 =	vshll.u32 v36, $0x7  }
0x348: {  	v37 =	vand.u32 $0xFFFFF800, v37;
	v38 =	vand.u32 $0x380, v38  }
0x349: {  	vm14 =	vlt.u32 v36, $0x100;
	v36 =	vor.u32 v38, v37  }
0x34a: {  	v36 =	vor.u32 v15, v36;
	_ =	sdelay $0x4  }
0x34b: {  	[tilespmem:v36+s15+$0x0] =	vst.idx.msk vm14, v1  }
0x34c: {  	v36 =	vld [tilespmem:s28+$0x170];
	_ =	sdelay $0x4  }
0x34d: {  	v37 =	vshll.u32 v36, $0x8;
	v38 =	vshll.u32 v36, $0x7  }
0x34e: {  	v37 =	vand.u32 $0xFFFFF800, v37;
	v38 =	vand.u32 $0x380, v38  }
0x34f: {  	vm15 =	vlt.u32 v36, $0x100;
	v36 =	vor.u32 v38, v37  }
0x350: {  	v36 =	vor.u32 v16, v36;
	_ =	sdelay $0x3  }
0x351: {  	s3 =	smov.u32 s4;
	s4 =	smov.u32 s2;
	s2 =	rddreg [dreg:$0x4]  }
0x352: {  	s2 =	sadd.s32 s26, s2;
	[tilespmem:v36+s15+$0x0] =	vst.idx.msk vm15, v1  }
0x353: {  	[hbm4b:s2+s20] =	stream.strided.scatter [tilespmem:s15], [sflag:$0x1], $0x10000, s21, s20, $0x38;
	[tilespmem:$0x1FA00] =	vst v63  }
0x354: {  	_ =	swait.ge [sflag:s22], $0xF800  }
0x355: {  	[sflag:s22] =	ssyncset.done $0x0  }
0x356: {  	[sflag:s22] =	ssyncadd.s32 $0xFFFF0800  }
0x357: {  	v36 =	vld [tilespmem:s29+$0x0];
	_ =	sdelay $0x4  }
0x358: {  	v37 =	vshll.u32 v36, $0x8;
	v38 =	vshll.u32 v36, $0x7  }
0x359: {  	v36 =	vadd.s32 $0xFFFFFD10, v36;
	v37 =	vand.u32 $0xFFFFF800, v37;
	v38 =	vand.u32 $0x380, v38  }
0x35a: {  	vm4 =	vlt.u32 v36, $0xF8;
	v36 =	vor.u32 v38, v37  }
0x35b: {  	v36 =	vadd.s32 v50, v36;
	_ =	sdelay $0x4  }
0x35c: {  	[tilespmem:v36+s17+$0x0] =	vst.idx.msk vm4, v33  }
0x35d: {  	v36 =	vld [tilespmem:s30+$0x0];
	_ =	sdelay $0x4  }
0x35e: {  	v37 =	vshll.u32 v36, $0x8;
	v38 =	vshll.u32 v36, $0x7  }
0x35f: {  	v36 =	vadd.s32 $0xFFFFFD10, v36;
	v37 =	vand.u32 $0xFFFFF800, v37;
	v38 =	vand.u32 $0x380, v38  }
0x360: {  	vm5 =	vlt.u32 v36, $0xF8;
	v36 =	vor.u32 v38, v37  }
0x361: {  	v36 =	vadd.s32 v51, v36;
	_ =	sdelay $0x4  }
0x362: {  	[tilespmem:v36+s17+$0x0] =	vst.idx.msk vm5, v33  }
0x363: {  	v36 =	vld [tilespmem:s31+$0x0];
	_ =	sdelay $0x4  }
0x364: {  	v37 =	vshll.u32 v36, $0x8;
	v38 =	vshll.u32 v36, $0x7  }
0x365: {  	v36 =	vadd.s32 $0xFFFFFD10, v36;
	v37 =	vand.u32 $0xFFFFF800, v37;
	v38 =	vand.u32 $0x380, v38  }
0x366: {  	vm6 =	vlt.u32 v36, $0xF8;
	v36 =	vor.u32 v38, v37  }
0x367: {  	v36 =	vadd.s32 v52, v36;
	_ =	sdelay $0x4  }
0x368: {  	[tilespmem:v36+s17+$0x0] =	vst.idx.msk vm6, v33  }
0x369: {  	v36 =	vld [tilespmem:s0+$0x0];
	_ =	sdelay $0x4  }
0x36a: {  	v37 =	vshll.u32 v36, $0x8;
	v38 =	vshll.u32 v36, $0x7  }
0x36b: {  	v36 =	vadd.s32 $0xFFFFFD10, v36;
	v37 =	vand.u32 $0xFFFFF800, v37;
	v38 =	vand.u32 $0x380, v38  }
0x36c: {  	vm7 =	vlt.u32 v36, $0xF8;
	v36 =	vor.u32 v38, v37  }
0x36d: {  	v36 =	vadd.s32 v53, v36;
	_ =	sdelay $0x4  }
0x36e: {  	[tilespmem:v36+s17+$0x0] =	vst.idx.msk vm7, v33  }
0x36f: {  	v36 =	vld [tilespmem:s1+$0x0];
	_ =	sdelay $0x4  }
0x370: {  	v37 =	vshll.u32 v36, $0x8;
	v38 =	vshll.u32 v36, $0x7  }
0x371: {  	v36 =	vadd.s32 $0xFFFFFD10, v36;
	v37 =	vand.u32 $0xFFFFF800, v37;
	v38 =	vand.u32 $0x380, v38  }
0x372: {  	vm8 =	vlt.u32 v36, $0xF8;
	v36 =	vor.u32 v38, v37  }
0x373: {  	v36 =	vadd.s32 v54, v36;
	_ =	sdelay $0x4  }
0x374: {  	[tilespmem:v36+s17+$0x0] =	vst.idx.msk vm8, v33  }
0x375: {  	v36 =	vld [tilespmem:s19+$0x0];
	_ =	sdelay $0x4  }
0x376: {  	v37 =	vshll.u32 v36, $0x8;
	v38 =	vshll.u32 v36, $0x7  }
0x377: {  	v36 =	vadd.s32 $0xFFFFFD10, v36;
	v37 =	vand.u32 $0xFFFFF800, v37;
	v38 =	vand.u32 $0x380, v38  }
0x378: {  	vm9 =	vlt.u32 v36, $0xF8;
	v36 =	vor.u32 v38, v37  }
0x379: {  	v36 =	vadd.s32 v55, v36;
	_ =	sdelay $0x4  }
0x37a: {  	[tilespmem:v36+s17+$0x0] =	vst.idx.msk vm9, v33  }
0x37b: {  	v36 =	vld [tilespmem:s9+$0x0];
	_ =	sdelay $0x4  }
0x37c: {  	v37 =	vshll.u32 v36, $0x8;
	v38 =	vshll.u32 v36, $0x7  }
0x37d: {  	v36 =	vadd.s32 $0xFFFFFD10, v36;
	v37 =	vand.u32 $0xFFFFF800, v37;
	v38 =	vand.u32 $0x380, v38  }
0x37e: {  	vm10 =	vlt.u32 v36, $0xF8;
	v36 =	vor.u32 v38, v37  }
0x37f: {  	v36 =	vadd.s32 v56, v36;
	_ =	sdelay $0x4  }
0x380: {  	[tilespmem:v36+s17+$0x0] =	vst.idx.msk vm10, v33  }
0x381: {  	v36 =	vld [tilespmem:s10+$0x0];
	_ =	sdelay $0x4  }
0x382: {  	v37 =	vshll.u32 v36, $0x8;
	v38 =	vshll.u32 v36, $0x7  }
0x383: {  	v36 =	vadd.s32 $0xFFFFFD10, v36;
	v37 =	vand.u32 $0xFFFFF800, v37;
	v38 =	vand.u32 $0x380, v38  }
0x384: {  	vm11 =	vlt.u32 v36, $0xF8;
	v36 =	vor.u32 v38, v37  }
0x385: {  	v36 =	vadd.s32 v57, v36;
	_ =	sdelay $0x4  }
0x386: {  	[tilespmem:v36+s17+$0x0] =	vst.idx.msk vm11, v33  }
0x387: {  	v36 =	vld [tilespmem:s11+$0x0];
	_ =	sdelay $0x4  }
0x388: {  	v37 =	vshll.u32 v36, $0x8;
	v38 =	vshll.u32 v36, $0x7  }
0x389: {  	v36 =	vadd.s32 $0xFFFFFD10, v36;
	v37 =	vand.u32 $0xFFFFF800, v37;
	v38 =	vand.u32 $0x380, v38  }
0x38a: {  	vm12 =	vlt.u32 v36, $0xF8;
	v36 =	vor.u32 v38, v37  }
0x38b: {  	v36 =	vadd.s32 v58, v36;
	_ =	sdelay $0x4  }
0x38c: {  	[tilespmem:v36+s17+$0x0] =	vst.idx.msk vm12, v33  }
0x38d: {  	v36 =	vld [tilespmem:s12+$0x0];
	_ =	sdelay $0x4  }
0x38e: {  	v37 =	vshll.u32 v36, $0x8;
	v38 =	vshll.u32 v36, $0x7  }
0x38f: {  	v36 =	vadd.s32 $0xFFFFFD10, v36;
	v37 =	vand.u32 $0xFFFFF800, v37;
	v38 =	vand.u32 $0x380, v38  }
0x390: {  	vm13 =	vlt.u32 v36, $0xF8;
	v36 =	vor.u32 v38, v37  }
0x391: {  	v36 =	vadd.s32 v59, v36;
	_ =	sdelay $0x4  }
0x392: {  	[tilespmem:v36+s17+$0x0] =	vst.idx.msk vm13, v33  }
0x393: {  	v36 =	vld [tilespmem:s13+$0x0];
	_ =	sdelay $0x4  }
0x394: {  	v37 =	vshll.u32 v36, $0x8;
	v38 =	vshll.u32 v36, $0x7  }
0x395: {  	v36 =	vadd.s32 $0xFFFFFD10, v36;
	v37 =	vand.u32 $0xFFFFF800, v37;
	v38 =	vand.u32 $0x380, v38  }
0x396: {  	vm14 =	vlt.u32 v36, $0xF8;
	v36 =	vor.u32 v38, v37  }
0x397: {  	v36 =	vadd.s32 v60, v36;
	_ =	sdelay $0x4  }
0x398: {  	[tilespmem:v36+s17+$0x0] =	vst.idx.msk vm14, v33  }
0x399: {  	v36 =	vld [tilespmem:s18+$0x0];
	_ =	sdelay $0x4  }
0x39a: {  	v37 =	vshll.u32 v36, $0x8;
	v38 =	vshll.u32 v36, $0x7  }
0x39b: {  	v36 =	vadd.s32 $0xFFFFFD10, v36;
	v37 =	vand.u32 $0xFFFFF800, v37;
	v38 =	vand.u32 $0x380, v38  }
0x39c: {  	vm15 =	vlt.u32 v36, $0xF8;
	v36 =	vor.u32 v38, v37  }
0x39d: {  	v36 =	vadd.s32 v61, v36;
	_ =	sdelay $0x4  }
0x39e: {  	[tilespmem:v36+s17+$0x0] =	vst.idx.msk vm15, v33  }
0x39f: {  	v36 =	vld [tilespmem:s8+$0x0];
	_ =	sdelay $0x4  }
0x3a0: {  	v37 =	vshll.u32 v36, $0x8;
	v38 =	vshll.u32 v36, $0x7  }
0x3a1: {  	v36 =	vadd.s32 $0xFFFFFD10, v36;
	v37 =	vand.u32 $0xFFFFF800, v37;
	v38 =	vand.u32 $0x380, v38  }
0x3a2: {  	vm4 =	vlt.u32 v36, $0xF8;
	v36 =	vor.u32 v38, v37  }
0x3a3: {  	v36 =	vadd.s32 v62, v36;
	_ =	sdelay $0x4  }
0x3a4: {  	[tilespmem:v36+s17+$0x0] =	vst.idx.msk vm4, v33  }
0x3a5: {  	v36 =	vld [tilespmem:s14+$0x0];
	_ =	sdelay $0x4  }
0x3a6: {  	v37 =	vshll.u32 v36, $0x8;
	v38 =	vshll.u32 v36, $0x7  }
0x3a7: {  	v36 =	vadd.s32 $0xFFFFFD10, v36;
	v37 =	vand.u32 $0xFFFFF800, v37;
	v38 =	vand.u32 $0x380, v38  }
0x3a8: {  	vm5 =	vlt.u32 v36, $0xF8;
	v36 =	vor.u32 v38, v37  }
0x3a9: {  	v36 =	vadd.s32 v63, v36;
	_ =	sdelay $0x4  }
0x3aa: {  	[tilespmem:v36+s17+$0x0] =	vst.idx.msk vm5, v33  }
0x3ab: {  	v36 =	vld [tilespmem:s6+$0x0];
	_ =	sdelay $0x4  }
0x3ac: {  	v37 =	vshll.u32 v36, $0x8;
	v38 =	vshll.u32 v36, $0x7  }
0x3ad: {  	v36 =	vadd.s32 $0xFFFFFD10, v36;
	v37 =	vand.u32 $0xFFFFF800, v37;
	v38 =	vand.u32 $0x380, v38  }
0x3ae: {  	vm6 =	vlt.u32 v36, $0xF8;
	v36 =	vor.u32 v38, v37  }
0x3af: {  	v36 =	vadd.s32 v34, v36;
	_ =	sdelay $0x4  }
0x3b0: {  	[tilespmem:v36+s17+$0x0] =	vst.idx.msk vm6, v33  }
0x3b1: {  	v36 =	vld [tilespmem:s23+$0x0];
	_ =	sdelay $0x4  }
0x3b2: {  	v37 =	vshll.u32 v36, $0x8;
	v38 =	vshll.u32 v36, $0x7  }
0x3b3: {  	v36 =	vadd.s32 $0xFFFFFD10, v36;
	v37 =	vand.u32 $0xFFFFF800, v37;
	v38 =	vand.u32 $0x380, v38  }
0x3b4: {  	vm7 =	vlt.u32 v36, $0xF8;
	v36 =	vor.u32 v38, v37  }
0x3b5: {  	v36 =	vadd.s32 v35, v36;
	_ =	sdelay $0x4  }
0x3b6: {  	[tilespmem:v36+s17+$0x0] =	vst.idx.msk vm7, v33  }
0x3b7: {  	v36 =	vld [tilespmem:s28+$0x0];
	_ =	sdelay $0x4  }
0x3b8: {  	v37 =	vshll.u32 v36, $0x8;
	v38 =	vshll.u32 v36, $0x7  }
0x3b9: {  	v36 =	vadd.s32 $0xFFFFFF00, v36;
	v37 =	vand.u32 $0xFFFFF800, v37;
	v38 =	vand.u32 $0x380, v38  }
0x3ba: {  	vm8 =	vlt.u32 v36, $0xF8;
	v36 =	vor.u32 v38, v37  }
0x3bb: {  	v36 =	vadd.s32 v17, v36;
	_ =	sdelay $0x4  }
0x3bc: {  	[tilespmem:v36+s17+$0x0] =	vst.idx.msk vm8, v1  }
0x3bd: {  	v36 =	vld [tilespmem:s28+$0x10];
	_ =	sdelay $0x4  }
0x3be: {  	v37 =	vshll.u32 v36, $0x8;
	v38 =	vshll.u32 v36, $0x7  }
0x3bf: {  	v36 =	vadd.s32 $0xFFFFFF00, v36;
	v37 =	vand.u32 $0xFFFFF800, v37;
	v38 =	vand.u32 $0x380, v38  }
0x3c0: {  	vm9 =	vlt.u32 v36, $0xF8;
	v36 =	vor.u32 v38, v37  }
0x3c1: {  	v36 =	vadd.s32 v18, v36;
	_ =	sdelay $0x4  }
0x3c2: {  	[tilespmem:v36+s17+$0x0] =	vst.idx.msk vm9, v1  }
0x3c3: {  	v36 =	vld [tilespmem:s28+$0x20];
	_ =	sdelay $0x4  }
0x3c4: {  	v37 =	vshll.u32 v36, $0x8;
	v38 =	vshll.u32 v36, $0x7  }
0x3c5: {  	v36 =	vadd.s32 $0xFFFFFF00, v36;
	v37 =	vand.u32 $0xFFFFF800, v37;
	v38 =	vand.u32 $0x380, v38  }
0x3c6: {  	vm10 =	vlt.u32 v36, $0xF8;
	v36 =	vor.u32 v38, v37  }
0x3c7: {  	v36 =	vadd.s32 v19, v36;
	_ =	sdelay $0x4  }
0x3c8: {  	[tilespmem:v36+s17+$0x0] =	vst.idx.msk vm10, v1  }
0x3c9: {  	v36 =	vld [tilespmem:s28+$0x30];
	_ =	sdelay $0x4  }
0x3ca: {  	v37 =	vshll.u32 v36, $0x8;
	v38 =	vshll.u32 v36, $0x7  }
0x3cb: {  	v36 =	vadd.s32 $0xFFFFFF00, v36;
	v37 =	vand.u32 $0xFFFFF800, v37;
	v38 =	vand.u32 $0x380, v38  }
0x3cc: {  	vm11 =	vlt.u32 v36, $0xF8;
	v36 =	vor.u32 v38, v37  }
0x3cd: {  	v36 =	vadd.s32 v20, v36;
	_ =	sdelay $0x4  }
0x3ce: {  	[tilespmem:v36+s17+$0x0] =	vst.idx.msk vm11, v1  }
0x3cf: {  	v36 =	vld [tilespmem:s28+$0x40];
	_ =	sdelay $0x4  }
0x3d0: {  	v37 =	vshll.u32 v36, $0x8;
	v38 =	vshll.u32 v36, $0x7  }
0x3d1: {  	v36 =	vadd.s32 $0xFFFFFF00, v36;
	v37 =	vand.u32 $0xFFFFF800, v37;
	v38 =	vand.u32 $0x380, v38  }
0x3d2: {  	vm12 =	vlt.u32 v36, $0xF8;
	v36 =	vor.u32 v38, v37  }
0x3d3: {  	v36 =	vadd.s32 v21, v36;
	_ =	sdelay $0x4  }
0x3d4: {  	[tilespmem:v36+s17+$0x0] =	vst.idx.msk vm12, v1  }
0x3d5: {  	v36 =	vld [tilespmem:s28+$0x50];
	_ =	sdelay $0x4  }
0x3d6: {  	v37 =	vshll.u32 v36, $0x8;
	v38 =	vshll.u32 v36, $0x7  }
0x3d7: {  	v36 =	vadd.s32 $0xFFFFFF00, v36;
	v37 =	vand.u32 $0xFFFFF800, v37;
	v38 =	vand.u32 $0x380, v38  }
0x3d8: {  	vm13 =	vlt.u32 v36, $0xF8;
	v36 =	vor.u32 v38, v37  }
0x3d9: {  	v36 =	vadd.s32 v22, v36;
	_ =	sdelay $0x4  }
0x3da: {  	[tilespmem:v36+s17+$0x0] =	vst.idx.msk vm13, v1  }
0x3db: {  	v36 =	vld [tilespmem:s28+$0x60];
	_ =	sdelay $0x4  }
0x3dc: {  	v37 =	vshll.u32 v36, $0x8;
	v38 =	vshll.u32 v36, $0x7  }
0x3dd: {  	v36 =	vadd.s32 $0xFFFFFF00, v36;
	v37 =	vand.u32 $0xFFFFF800, v37;
	v38 =	vand.u32 $0x380, v38  }
0x3de: {  	vm14 =	vlt.u32 v36, $0xF8;
	v36 =	vor.u32 v38, v37  }
0x3df: {  	v36 =	vadd.s32 v23, v36;
	_ =	sdelay $0x4  }
0x3e0: {  	[tilespmem:v36+s17+$0x0] =	vst.idx.msk vm14, v1  }
0x3e1: {  	v36 =	vld [tilespmem:s28+$0x70];
	_ =	sdelay $0x4  }
0x3e2: {  	v37 =	vshll.u32 v36, $0x8;
	v38 =	vshll.u32 v36, $0x7  }
0x3e3: {  	v36 =	vadd.s32 $0xFFFFFF00, v36;
	v37 =	vand.u32 $0xFFFFF800, v37;
	v38 =	vand.u32 $0x380, v38  }
0x3e4: {  	vm15 =	vlt.u32 v36, $0xF8;
	v36 =	vor.u32 v38, v37  }
0x3e5: {  	v36 =	vadd.s32 v24, v36;
	_ =	sdelay $0x4  }
0x3e6: {  	[tilespmem:v36+s17+$0x0] =	vst.idx.msk vm15, v1  }
0x3e7: {  	v36 =	vld [tilespmem:s28+$0x100];
	_ =	sdelay $0x4  }
0x3e8: {  	v37 =	vshll.u32 v36, $0x8;
	v38 =	vshll.u32 v36, $0x7  }
0x3e9: {  	v36 =	vadd.s32 $0xFFFFFF00, v36;
	v37 =	vand.u32 $0xFFFFF800, v37;
	v38 =	vand.u32 $0x380, v38  }
0x3ea: {  	vm4 =	vlt.u32 v36, $0xF8;
	v36 =	vor.u32 v38, v37  }
0x3eb: {  	v36 =	vadd.s32 v25, v36;
	_ =	sdelay $0x4  }
0x3ec: {  	[tilespmem:v36+s17+$0x0] =	vst.idx.msk vm4, v1  }
0x3ed: {  	v36 =	vld [tilespmem:s28+$0x110];
	_ =	sdelay $0x4  }
0x3ee: {  	v37 =	vshll.u32 v36, $0x8;
	v38 =	vshll.u32 v36, $0x7  }
0x3ef: {  	v36 =	vadd.s32 $0xFFFFFF00, v36;
	v37 =	vand.u32 $0xFFFFF800, v37;
	v38 =	vand.u32 $0x380, v38  }
0x3f0: {  	vm5 =	vlt.u32 v36, $0xF8;
	v36 =	vor.u32 v38, v37  }
0x3f1: {  	v36 =	vadd.s32 v26, v36;
	_ =	sdelay $0x4  }
0x3f2: {  	[tilespmem:v36+s17+$0x0] =	vst.idx.msk vm5, v1  }
0x3f3: {  	v36 =	vld [tilespmem:s28+$0x120];
	_ =	sdelay $0x4  }
0x3f4: {  	v37 =	vshll.u32 v36, $0x8;
	v38 =	vshll.u32 v36, $0x7  }
0x3f5: {  	v36 =	vadd.s32 $0xFFFFFF00, v36;
	v37 =	vand.u32 $0xFFFFF800, v37;
	v38 =	vand.u32 $0x380, v38  }
0x3f6: {  	vm6 =	vlt.u32 v36, $0xF8;
	v36 =	vor.u32 v38, v37  }
0x3f7: {  	v36 =	vadd.s32 v27, v36;
	_ =	sdelay $0x4  }
0x3f8: {  	[tilespmem:v36+s17+$0x0] =	vst.idx.msk vm6, v1  }
0x3f9: {  	v36 =	vld [tilespmem:s28+$0x130];
	_ =	sdelay $0x4  }
0x3fa: {  	v37 =	vshll.u32 v36, $0x8;
	v38 =	vshll.u32 v36, $0x7  }
0x3fb: {  	v36 =	vadd.s32 $0xFFFFFF00, v36;
	v37 =	vand.u32 $0xFFFFF800, v37;
	v38 =	vand.u32 $0x380, v38  }
0x3fc: {  	vm7 =	vlt.u32 v36, $0xF8;
	v36 =	vor.u32 v38, v37  }
0x3fd: {  	v36 =	vadd.s32 v28, v36;
	_ =	sdelay $0x4  }
0x3fe: {  	[tilespmem:v36+s17+$0x0] =	vst.idx.msk vm7, v1  }
0x3ff: {  	v36 =	vld [tilespmem:s28+$0x140];
	_ =	sdelay $0x4  }
0x400: {  	v37 =	vshll.u32 v36, $0x8;
	v38 =	vshll.u32 v36, $0x7  }
0x401: {  	v36 =	vadd.s32 $0xFFFFFF00, v36;
	v37 =	vand.u32 $0xFFFFF800, v37;
	v38 =	vand.u32 $0x380, v38  }
0x402: {  	vm8 =	vlt.u32 v36, $0xF8;
	v36 =	vor.u32 v38, v37  }
0x403: {  	v36 =	vadd.s32 v29, v36;
	_ =	sdelay $0x4  }
0x404: {  	[tilespmem:v36+s17+$0x0] =	vst.idx.msk vm8, v1  }
0x405: {  	v36 =	vld [tilespmem:s28+$0x150];
	_ =	sdelay $0x4  }
0x406: {  	v37 =	vshll.u32 v36, $0x8;
	v38 =	vshll.u32 v36, $0x7  }
0x407: {  	v36 =	vadd.s32 $0xFFFFFF00, v36;
	v37 =	vand.u32 $0xFFFFF800, v37;
	v38 =	vand.u32 $0x380, v38  }
0x408: {  	vm9 =	vlt.u32 v36, $0xF8;
	v36 =	vor.u32 v38, v37  }
0x409: {  	v36 =	vadd.s32 v30, v36;
	_ =	sdelay $0x4  }
0x40a: {  	[tilespmem:v36+s17+$0x0] =	vst.idx.msk vm9, v1  }
0x40b: {  	v36 =	vld [tilespmem:s28+$0x160];
	_ =	sdelay $0x4  }
0x40c: {  	v37 =	vshll.u32 v36, $0x8;
	v38 =	vshll.u32 v36, $0x7  }
0x40d: {  	v36 =	vadd.s32 $0xFFFFFF00, v36;
	v37 =	vand.u32 $0xFFFFF800, v37;
	v38 =	vand.u32 $0x380, v38  }
0x40e: {  	vm10 =	vlt.u32 v36, $0xF8;
	v36 =	vor.u32 v38, v37  }
0x40f: {  	v36 =	vadd.s32 v31, v36;
	_ =	sdelay $0x4  }
0x410: {  	[tilespmem:v36+s17+$0x0] =	vst.idx.msk vm10, v1  }
0x411: {  	v36 =	vld [tilespmem:s28+$0x170];
	_ =	sdelay $0x4  }
0x412: {  	v37 =	vshll.u32 v36, $0x8;
	v38 =	vshll.u32 v36, $0x7  }
0x413: {  	v36 =	vadd.s32 $0xFFFFFF00, v36;
	v37 =	vand.u32 $0xFFFFF800, v37;
	v38 =	vand.u32 $0x380, v38  }
0x414: {  	vm11 =	vlt.u32 v36, $0xF8;
	v36 =	vor.u32 v38, v37  }
0x415: {  	v36 =	vadd.s32 v32, v36;
	_ =	sdelay $0x3  }
0x416: {  	s29 =	rddreg [dreg:$0x5]  }
0x417: {  	s0 =	sadd.s32 s26, s29;
	[tilespmem:v36+s17+$0x0] =	vst.idx.msk vm11, v1  }
0x418: {  	[hbm4b:s0+s20] =	stream.strided.scatter [tilespmem:s17], [sflag:$0x2], $0xF800, s21, s20, $0x38;
	[tilespmem:$0x1FA00] =	vst v63  }
0x419: {  	_ =	swait.ge [sflag:s7], $0x10000  }
0x41a: {  	[sflag:s7] =	ssyncset.done $0x0  }
0x41b: {  	[sflag:s7] =	ssyncadd.s32 $0xFFFF0000  }
0x41c: {  	v36 =	vld [tilespmem:s28+$0x0];
	_ =	sdelay $0x4  }
0x41d: {  	v37 =	vshll.u32 v36, $0x8;
	v38 =	vshll.u32 v36, $0x7  }
0x41e: {  	v37 =	vand.u32 $0xFFFFF800, v37;
	v38 =	vand.u32 $0x380, v38  }
0x41f: {  	vm12 =	vlt.u32 v36, $0x100;
	v36 =	vor.u32 v37, v38  }
0x420: {  	v36 =	vor.u32 v9, v36;
	_ =	sdelay $0x4  }
0x421: {  	[tilespmem:v36+s15+$0x0] =	vst.idx.msk vm12, v33  }
0x422: {  	v36 =	vld [tilespmem:s28+$0x10];
	_ =	sdelay $0x4  }
0x423: {  	v37 =	vshll.u32 v36, $0x8;
	v38 =	vshll.u32 v36, $0x7  }
0x424: {  	v37 =	vand.u32 $0xFFFFF800, v37;
	v38 =	vand.u32 $0x380, v38  }
0x425: {  	vm13 =	vlt.u32 v36, $0x100;
	v36 =	vor.u32 v37, v38  }
0x426: {  	v36 =	vor.u32 v2, v36;
	_ =	sdelay $0x4  }
0x427: {  	[tilespmem:v36+s15+$0x0] =	vst.idx.msk vm13, v33  }
0x428: {  	v36 =	vld [tilespmem:s28+$0x20];
	_ =	sdelay $0x4  }
0x429: {  	v37 =	vshll.u32 v36, $0x8;
	v38 =	vshll.u32 v36, $0x7  }
0x42a: {  	v37 =	vand.u32 $0xFFFFF800, v37;
	v38 =	vand.u32 $0x380, v38  }
0x42b: {  	vm14 =	vlt.u32 v36, $0x100;
	v36 =	vor.u32 v37, v38  }
0x42c: {  	v36 =	vor.u32 v3, v36;
	_ =	sdelay $0x4  }
0x42d: {  	[tilespmem:v36+s15+$0x0] =	vst.idx.msk vm14, v33  }
0x42e: {  	v36 =	vld [tilespmem:s28+$0x30];
	_ =	sdelay $0x4  }
0x42f: {  	v37 =	vshll.u32 v36, $0x8;
	v38 =	vshll.u32 v36, $0x7  }
0x430: {  	v37 =	vand.u32 $0xFFFFF800, v37;
	v38 =	vand.u32 $0x380, v38  }
0x431: {  	vm15 =	vlt.u32 v36, $0x100;
	v36 =	vor.u32 v37, v38  }
0x432: {  	v36 =	vor.u32 v4, v36;
	_ =	sdelay $0x4  }
0x433: {  	[tilespmem:v36+s15+$0x0] =	vst.idx.msk vm15, v33  }
0x434: {  	v36 =	vld [tilespmem:s28+$0x40];
	_ =	sdelay $0x4  }
0x435: {  	v37 =	vshll.u32 v36, $0x8;
	v38 =	vshll.u32 v36, $0x7  }
0x436: {  	v37 =	vand.u32 $0xFFFFF800, v37;
	v38 =	vand.u32 $0x380, v38  }
0x437: {  	vm4 =	vlt.u32 v36, $0x100;
	v36 =	vor.u32 v37, v38  }
0x438: {  	v36 =	vor.u32 v5, v36;
	_ =	sdelay $0x4  }
0x439: {  	[tilespmem:v36+s15+$0x0] =	vst.idx.msk vm4, v33  }
0x43a: {  	v36 =	vld [tilespmem:s28+$0x50];
	_ =	sdelay $0x4  }
0x43b: {  	v37 =	vshll.u32 v36, $0x8;
	v38 =	vshll.u32 v36, $0x7  }
0x43c: {  	v37 =	vand.u32 $0xFFFFF800, v37;
	v38 =	vand.u32 $0x380, v38  }
0x43d: {  	vm5 =	vlt.u32 v36, $0x100;
	v36 =	vor.u32 v37, v38  }
0x43e: {  	v36 =	vor.u32 v6, v36;
	_ =	sdelay $0x4  }
0x43f: {  	[tilespmem:v36+s15+$0x0] =	vst.idx.msk vm5, v33  }
0x440: {  	v36 =	vld [tilespmem:s28+$0x60];
	_ =	sdelay $0x4  }
0x441: {  	v37 =	vshll.u32 v36, $0x8;
	v38 =	vshll.u32 v36, $0x7  }
0x442: {  	v37 =	vand.u32 $0xFFFFF800, v37;
	v38 =	vand.u32 $0x380, v38  }
0x443: {  	vm6 =	vlt.u32 v36, $0x100;
	v36 =	vor.u32 v37, v38  }
0x444: {  	v36 =	vor.u32 v7, v36;
	_ =	sdelay $0x4  }
0x445: {  	[tilespmem:v36+s15+$0x0] =	vst.idx.msk vm6, v33  }
0x446: {  	v36 =	vld [tilespmem:s28+$0x70];
	_ =	sdelay $0x4  }
0x447: {  	v37 =	vshll.u32 v36, $0x8;
	v38 =	vshll.u32 v36, $0x7  }
0x448: {  	v37 =	vand.u32 $0xFFFFF800, v37;
	v38 =	vand.u32 $0x380, v38  }
0x449: {  	vm7 =	vlt.u32 v36, $0x100;
	v36 =	vor.u32 v37, v38  }
0x44a: {  	v36 =	vor.u32 v8, v36;
	_ =	sdelay $0x4  }
0x44b: {  	[tilespmem:v36+s15+$0x0] =	vst.idx.msk vm7, v33  }
0x44c: {  	v36 =	vld [tilespmem:s28+$0x100];
	_ =	sdelay $0x4  }
0x44d: {  	v37 =	vshll.u32 v36, $0x8;
	v38 =	vshll.u32 v36, $0x7  }
0x44e: {  	v37 =	vand.u32 $0xFFFFF800, v37;
	v38 =	vand.u32 $0x380, v38  }
0x44f: {  	vm8 =	vlt.u32 v36, $0x100;
	v36 =	vor.u32 v38, v37  }
0x450: {  	v36 =	vor.u32 v0, v36;
	_ =	sdelay $0x4  }
0x451: {  	[tilespmem:v36+s15+$0x0] =	vst.idx.msk vm8, v33  }
0x452: {  	v36 =	vld [tilespmem:s28+$0x110];
	_ =	sdelay $0x4  }
0x453: {  	v37 =	vshll.u32 v36, $0x8;
	v38 =	vshll.u32 v36, $0x7  }
0x454: {  	v37 =	vand.u32 $0xFFFFF800, v37;
	v38 =	vand.u32 $0x380, v38  }
0x455: {  	vm9 =	vlt.u32 v36, $0x100;
	v36 =	vor.u32 v38, v37  }
0x456: {  	v36 =	vor.u32 v10, v36;
	_ =	sdelay $0x4  }
0x457: {  	[tilespmem:v36+s15+$0x0] =	vst.idx.msk vm9, v33  }
0x458: {  	v36 =	vld [tilespmem:s28+$0x120];
	_ =	sdelay $0x4  }
0x459: {  	v37 =	vshll.u32 v36, $0x8;
	v38 =	vshll.u32 v36, $0x7  }
0x45a: {  	v37 =	vand.u32 $0xFFFFF800, v37;
	v38 =	vand.u32 $0x380, v38  }
0x45b: {  	vm10 =	vlt.u32 v36, $0x100;
	v36 =	vor.u32 v38, v37  }
0x45c: {  	v36 =	vor.u32 v11, v36;
	_ =	sdelay $0x4  }
0x45d: {  	[tilespmem:v36+s15+$0x0] =	vst.idx.msk vm10, v33  }
0x45e: {  	v36 =	vld [tilespmem:s28+$0x130];
	_ =	sdelay $0x4  }
0x45f: {  	v37 =	vshll.u32 v36, $0x8;
	v38 =	vshll.u32 v36, $0x7  }
0x460: {  	v37 =	vand.u32 $0xFFFFF800, v37;
	v38 =	vand.u32 $0x380, v38  }
0x461: {  	vm11 =	vlt.u32 v36, $0x100;
	v36 =	vor.u32 v38, v37  }
0x462: {  	v36 =	vor.u32 v12, v36;
	_ =	sdelay $0x4  }
0x463: {  	[tilespmem:v36+s15+$0x0] =	vst.idx.msk vm11, v33  }
0x464: {  	v36 =	vld [tilespmem:s28+$0x140];
	_ =	sdelay $0x4  }
0x465: {  	v37 =	vshll.u32 v36, $0x8;
	v38 =	vshll.u32 v36, $0x7  }
0x466: {  	v37 =	vand.u32 $0xFFFFF800, v37;
	v38 =	vand.u32 $0x380, v38  }
0x467: {  	vm12 =	vlt.u32 v36, $0x100;
	v36 =	vor.u32 v38, v37  }
0x468: {  	v36 =	vor.u32 v13, v36;
	_ =	sdelay $0x4  }
0x469: {  	[tilespmem:v36+s15+$0x0] =	vst.idx.msk vm12, v33  }
0x46a: {  	v36 =	vld [tilespmem:s28+$0x150];
	_ =	sdelay $0x4  }
0x46b: {  	v37 =	vshll.u32 v36, $0x8;
	v38 =	vshll.u32 v36, $0x7  }
0x46c: {  	v37 =	vand.u32 $0xFFFFF800, v37;
	v38 =	vand.u32 $0x380, v38  }
0x46d: {  	vm13 =	vlt.u32 v36, $0x100;
	v36 =	vor.u32 v38, v37  }
0x46e: {  	v36 =	vor.u32 v14, v36;
	_ =	sdelay $0x4  }
0x46f: {  	[tilespmem:v36+s15+$0x0] =	vst.idx.msk vm13, v33  }
0x470: {  	v36 =	vld [tilespmem:s28+$0x160];
	_ =	sdelay $0x4  }
0x471: {  	v37 =	vshll.u32 v36, $0x8;
	v38 =	vshll.u32 v36, $0x7  }
0x472: {  	v37 =	vand.u32 $0xFFFFF800, v37;
	v38 =	vand.u32 $0x380, v38  }
0x473: {  	vm14 =	vlt.u32 v36, $0x100;
	v36 =	vor.u32 v38, v37  }
0x474: {  	v36 =	vor.u32 v15, v36;
	_ =	sdelay $0x4  }
0x475: {  	[tilespmem:v36+s15+$0x0] =	vst.idx.msk vm14, v33  }
0x476: {  	v36 =	vld [tilespmem:s28+$0x170];
	_ =	sdelay $0x4  }
0x477: {  	v37 =	vshll.u32 v36, $0x8;
	v38 =	vshll.u32 v36, $0x7  }
0x478: {  	v37 =	vand.u32 $0xFFFFF800, v37;
	v38 =	vand.u32 $0x380, v38  }
0x479: {  	vm15 =	vlt.u32 v36, $0x100;
	v36 =	vor.u32 v38, v37  }
0x47a: {  	v36 =	vor.u32 v16, v36;
	_ =	sdelay $0x4  }
0x47b: {  	[tilespmem:v36+s15+$0x0] =	vst.idx.msk vm15, v33  }
0x47c: {  	v36 =	vld [tilespmem:s28+$0x0];
	_ =	sdelay $0x4  }
0x47d: {  	v37 =	vshll.u32 v36, $0x8;
	v38 =	vshll.u32 v36, $0x7  }
0x47e: {  	v36 =	vadd.s32 $0xFFFFFE08, v36;
	v37 =	vand.u32 $0xFFFFF800, v37;
	v38 =	vand.u32 $0x380, v38  }
0x47f: {  	vm4 =	vlt.u32 v36, $0xF8;
	v36 =	vor.u32 v38, v37;
	v37 =	vld [tilespmem:$0x1FFE0];
	_ =	sdelay $0x4  }
0x480: {  	v36 =	vadd.s32 v37, v36;
	_ =	sdelay $0x4  }
0x481: {  	[tilespmem:v36+s15+$0x0] =	vst.idx.msk vm4, v1  }
0x482: {  	v36 =	vld [tilespmem:s28+$0x10];
	_ =	sdelay $0x4  }
0x483: {  	v37 =	vshll.u32 v36, $0x8;
	v38 =	vshll.u32 v36, $0x7  }
0x484: {  	v36 =	vadd.s32 $0xFFFFFE08, v36;
	v37 =	vand.u32 $0xFFFFF800, v37;
	v38 =	vand.u32 $0x380, v38  }
0x485: {  	vm5 =	vlt.u32 v36, $0xF8;
	v36 =	vor.u32 v38, v37  }
0x486: {  	v36 =	vadd.s32 v40, v36;
	_ =	sdelay $0x4  }
0x487: {  	[tilespmem:v36+s15+$0x0] =	vst.idx.msk vm5, v1  }
0x488: {  	v36 =	vld [tilespmem:s28+$0x20];
	_ =	sdelay $0x4  }
0x489: {  	v37 =	vshll.u32 v36, $0x8;
	v38 =	vshll.u32 v36, $0x7  }
0x48a: {  	v36 =	vadd.s32 $0xFFFFFE08, v36;
	v37 =	vand.u32 $0xFFFFF800, v37;
	v38 =	vand.u32 $0x380, v38  }
0x48b: {  	vm6 =	vlt.u32 v36, $0xF8;
	v36 =	vor.u32 v38, v37  }
0x48c: {  	v36 =	vadd.s32 v41, v36;
	_ =	sdelay $0x4  }
0x48d: {  	[tilespmem:v36+s15+$0x0] =	vst.idx.msk vm6, v1  }
0x48e: {  	v36 =	vld [tilespmem:s28+$0x30];
	_ =	sdelay $0x4  }
0x48f: {  	v37 =	vshll.u32 v36, $0x8;
	v38 =	vshll.u32 v36, $0x7  }
0x490: {  	v36 =	vadd.s32 $0xFFFFFE08, v36;
	v37 =	vand.u32 $0xFFFFF800, v37;
	v38 =	vand.u32 $0x380, v38  }
0x491: {  	vm7 =	vlt.u32 v36, $0xF8;
	v36 =	vor.u32 v38, v37;
	v37 =	vld [tilespmem:$0x1FFF0];
	_ =	sdelay $0x4  }
0x492: {  	v36 =	vadd.s32 v37, v36;
	_ =	sdelay $0x4  }
0x493: {  	[tilespmem:v36+s15+$0x0] =	vst.idx.msk vm7, v1  }
0x494: {  	v36 =	vld [tilespmem:s28+$0x40];
	_ =	sdelay $0x4  }
0x495: {  	v37 =	vshll.u32 v36, $0x8;
	v38 =	vshll.u32 v36, $0x7  }
0x496: {  	v36 =	vadd.s32 $0xFFFFFE08, v36;
	v37 =	vand.u32 $0xFFFFF800, v37;
	v38 =	vand.u32 $0x380, v38  }
0x497: {  	vm8 =	vlt.u32 v36, $0xF8;
	v36 =	vor.u32 v38, v37  }
0x498: {  	v36 =	vadd.s32 v39, v36;
	_ =	sdelay $0x4  }
0x499: {  	[tilespmem:v36+s15+$0x0] =	vst.idx.msk vm8, v1  }
0x49a: {  	v36 =	vld [tilespmem:s28+$0x50];
	_ =	sdelay $0x4  }
0x49b: {  	v37 =	vshll.u32 v36, $0x8;
	v38 =	vshll.u32 v36, $0x7  }
0x49c: {  	v36 =	vadd.s32 $0xFFFFFE08, v36;
	v37 =	vand.u32 $0xFFFFF800, v37;
	v38 =	vand.u32 $0x380, v38  }
0x49d: {  	vm9 =	vlt.u32 v36, $0xF8;
	v36 =	vor.u32 v38, v37;
	v37 =	vld [tilespmem:$0x1FFB0];
	_ =	sdelay $0x4  }
0x49e: {  	v36 =	vadd.s32 v37, v36;
	_ =	sdelay $0x4  }
0x49f: {  	[tilespmem:v36+s15+$0x0] =	vst.idx.msk vm9, v1  }
0x4a0: {  	v36 =	vld [tilespmem:s28+$0x60];
	_ =	sdelay $0x4  }
0x4a1: {  	v37 =	vshll.u32 v36, $0x8;
	v38 =	vshll.u32 v36, $0x7  }
0x4a2: {  	v36 =	vadd.s32 $0xFFFFFE08, v36;
	v37 =	vand.u32 $0xFFFFF800, v37;
	v38 =	vand.u32 $0x380, v38  }
0x4a3: {  	vm10 =	vlt.u32 v36, $0xF8;
	v36 =	vor.u32 v38, v37;
	v37 =	vld [tilespmem:$0x1FFC0];
	_ =	sdelay $0x4  }
0x4a4: {  	v36 =	vadd.s32 v37, v36;
	_ =	sdelay $0x4  }
0x4a5: {  	[tilespmem:v36+s15+$0x0] =	vst.idx.msk vm10, v1  }
0x4a6: {  	v36 =	vld [tilespmem:s28+$0x70];
	_ =	sdelay $0x4  }
0x4a7: {  	v37 =	vshll.u32 v36, $0x8;
	v38 =	vshll.u32 v36, $0x7  }
0x4a8: {  	v36 =	vadd.s32 $0xFFFFFE08, v36;
	v37 =	vand.u32 $0xFFFFF800, v37;
	v38 =	vand.u32 $0x380, v38  }
0x4a9: {  	vm11 =	vlt.u32 v36, $0xF8;
	v36 =	vor.u32 v38, v37;
	v37 =	vld [tilespmem:$0x1FFD0];
	_ =	sdelay $0x4  }
0x4aa: {  	v36 =	vadd.s32 v37, v36;
	_ =	sdelay $0x4  }
0x4ab: {  	[tilespmem:v36+s15+$0x0] =	vst.idx.msk vm11, v1  }
0x4ac: {  	v36 =	vld [tilespmem:s28+$0x100];
	_ =	sdelay $0x4  }
0x4ad: {  	v37 =	vshll.u32 v36, $0x8;
	v38 =	vshll.u32 v36, $0x7  }
0x4ae: {  	v36 =	vadd.s32 $0xFFFFFE08, v36;
	v37 =	vand.u32 $0xFFFFF800, v37;
	v38 =	vand.u32 $0x380, v38  }
0x4af: {  	vm12 =	vlt.u32 v36, $0xF8;
	v36 =	vor.u32 v38, v37  }
0x4b0: {  	v36 =	vadd.s32 v42, v36;
	_ =	sdelay $0x4  }
0x4b1: {  	[tilespmem:v36+s15+$0x0] =	vst.idx.msk vm12, v1  }
0x4b2: {  	v36 =	vld [tilespmem:s28+$0x110];
	_ =	sdelay $0x4  }
0x4b3: {  	v37 =	vshll.u32 v36, $0x8;
	v38 =	vshll.u32 v36, $0x7  }
0x4b4: {  	v36 =	vadd.s32 $0xFFFFFE08, v36;
	v37 =	vand.u32 $0xFFFFF800, v37;
	v38 =	vand.u32 $0x380, v38  }
0x4b5: {  	vm13 =	vlt.u32 v36, $0xF8;
	v36 =	vor.u32 v38, v37  }
0x4b6: {  	v36 =	vadd.s32 v43, v36;
	_ =	sdelay $0x4  }
0x4b7: {  	[tilespmem:v36+s15+$0x0] =	vst.idx.msk vm13, v1  }
0x4b8: {  	v36 =	vld [tilespmem:s28+$0x120];
	_ =	sdelay $0x4  }
0x4b9: {  	v37 =	vshll.u32 v36, $0x8;
	v38 =	vshll.u32 v36, $0x7  }
0x4ba: {  	v36 =	vadd.s32 $0xFFFFFE08, v36;
	v37 =	vand.u32 $0xFFFFF800, v37;
	v38 =	vand.u32 $0x380, v38  }
0x4bb: {  	vm14 =	vlt.u32 v36, $0xF8;
	v36 =	vor.u32 v38, v37  }
0x4bc: {  	v36 =	vadd.s32 v44, v36;
	_ =	sdelay $0x4  }
0x4bd: {  	[tilespmem:v36+s15+$0x0] =	vst.idx.msk vm14, v1  }
0x4be: {  	v36 =	vld [tilespmem:s28+$0x130];
	_ =	sdelay $0x4  }
0x4bf: {  	v37 =	vshll.u32 v36, $0x8;
	v38 =	vshll.u32 v36, $0x7  }
0x4c0: {  	v36 =	vadd.s32 $0xFFFFFE08, v36;
	v37 =	vand.u32 $0xFFFFF800, v37;
	v38 =	vand.u32 $0x380, v38  }
0x4c1: {  	vm15 =	vlt.u32 v36, $0xF8;
	v36 =	vor.u32 v38, v37  }
0x4c2: {  	v36 =	vadd.s32 v45, v36;
	_ =	sdelay $0x4  }
0x4c3: {  	[tilespmem:v36+s15+$0x0] =	vst.idx.msk vm15, v1  }
0x4c4: {  	v36 =	vld [tilespmem:s28+$0x140];
	_ =	sdelay $0x4  }
0x4c5: {  	v37 =	vshll.u32 v36, $0x8;
	v38 =	vshll.u32 v36, $0x7  }
0x4c6: {  	v36 =	vadd.s32 $0xFFFFFE08, v36;
	v37 =	vand.u32 $0xFFFFF800, v37;
	v38 =	vand.u32 $0x380, v38  }
0x4c7: {  	vm4 =	vlt.u32 v36, $0xF8;
	v36 =	vor.u32 v38, v37  }
0x4c8: {  	v36 =	vadd.s32 v46, v36;
	_ =	sdelay $0x4  }
0x4c9: {  	[tilespmem:v36+s15+$0x0] =	vst.idx.msk vm4, v1  }
0x4ca: {  	v36 =	vld [tilespmem:s28+$0x150];
	_ =	sdelay $0x4  }
0x4cb: {  	v37 =	vshll.u32 v36, $0x8;
	v38 =	vshll.u32 v36, $0x7  }
0x4cc: {  	v36 =	vadd.s32 $0xFFFFFE08, v36;
	v37 =	vand.u32 $0xFFFFF800, v37;
	v38 =	vand.u32 $0x380, v38  }
0x4cd: {  	vm5 =	vlt.u32 v36, $0xF8;
	v36 =	vor.u32 v38, v37  }
0x4ce: {  	v36 =	vadd.s32 v47, v36;
	_ =	sdelay $0x4  }
0x4cf: {  	[tilespmem:v36+s15+$0x0] =	vst.idx.msk vm5, v1  }
0x4d0: {  	v36 =	vld [tilespmem:s28+$0x160];
	_ =	sdelay $0x4  }
0x4d1: {  	v37 =	vshll.u32 v36, $0x8;
	v38 =	vshll.u32 v36, $0x7  }
0x4d2: {  	v36 =	vadd.s32 $0xFFFFFE08, v36;
	v37 =	vand.u32 $0xFFFFF800, v37;
	v38 =	vand.u32 $0x380, v38  }
0x4d3: {  	vm6 =	vlt.u32 v36, $0xF8;
	v36 =	vor.u32 v38, v37  }
0x4d4: {  	v36 =	vadd.s32 v48, v36;
	_ =	sdelay $0x4  }
0x4d5: {  	[tilespmem:v36+s15+$0x0] =	vst.idx.msk vm6, v1  }
0x4d6: {  	v36 =	vld [tilespmem:s28+$0x170];
	_ =	sdelay $0x4  }
0x4d7: {  	v37 =	vshll.u32 v36, $0x8;
	v38 =	vshll.u32 v36, $0x7  }
0x4d8: {  	v36 =	vadd.s32 $0xFFFFFE08, v36;
	v37 =	vand.u32 $0xFFFFF800, v37;
	v38 =	vand.u32 $0x380, v38  }
0x4d9: {  	vm7 =	vlt.u32 v36, $0xF8;
	v36 =	vor.u32 v38, v37  }
0x4da: {  	v36 =	vadd.s32 v49, v36;
	_ =	sdelay $0x3  }
0x4db: {  	s30 =	rddreg [dreg:$0x6]  }
0x4dc: {  	s0 =	sadd.s32 s26, s30;
	[tilespmem:v36+s15+$0x0] =	vst.idx.msk vm7, v1  }
0x4dd: {  	[hbm4b:s0+s20] =	stream.strided.scatter [tilespmem:s15], [sflag:$0x1], $0xF800, s21, s20, $0x38;
	[tilespmem:$0x1FA00] =	vst v63  }
0x4de: {  	_ =	swait.ge [sflag:s22], $0xF800  }
0x4df: {  	[sflag:s22] =	ssyncset.done $0x0  }
0x4e0: {  	[sflag:s22] =	ssyncadd.s32 $0xFFFF0800  }
0x4e1: {  	v36 =	vld [tilespmem:s28+$0x0];
	_ =	sdelay $0x4  }
0x4e2: {  	v37 =	vshll.u32 v36, $0x8;
	v38 =	vshll.u32 v36, $0x7  }
0x4e3: {  	v36 =	vadd.s32 $0xFFFFFF00, v36;
	v37 =	vand.u32 $0xFFFFF800, v37;
	v38 =	vand.u32 $0x380, v38  }
0x4e4: {  	vm8 =	vlt.u32 v36, $0xF8;
	v36 =	vor.u32 v38, v37  }
0x4e5: {  	v36 =	vadd.s32 v17, v36;
	_ =	sdelay $0x4  }
0x4e6: {  	[tilespmem:v36+s17+$0x0] =	vst.idx.msk vm8, v33  }
0x4e7: {  	v36 =	vld [tilespmem:s28+$0x10];
	_ =	sdelay $0x4  }
0x4e8: {  	v37 =	vshll.u32 v36, $0x8;
	v38 =	vshll.u32 v36, $0x7  }
0x4e9: {  	v36 =	vadd.s32 $0xFFFFFF00, v36;
	v37 =	vand.u32 $0xFFFFF800, v37;
	v38 =	vand.u32 $0x380, v38  }
0x4ea: {  	vm9 =	vlt.u32 v36, $0xF8;
	v36 =	vor.u32 v38, v37  }
0x4eb: {  	v36 =	vadd.s32 v18, v36;
	_ =	sdelay $0x4  }
0x4ec: {  	[tilespmem:v36+s17+$0x0] =	vst.idx.msk vm9, v33  }
0x4ed: {  	v36 =	vld [tilespmem:s28+$0x20];
	_ =	sdelay $0x4  }
0x4ee: {  	v37 =	vshll.u32 v36, $0x8;
	v38 =	vshll.u32 v36, $0x7  }
0x4ef: {  	v36 =	vadd.s32 $0xFFFFFF00, v36;
	v37 =	vand.u32 $0xFFFFF800, v37;
	v38 =	vand.u32 $0x380, v38  }
0x4f0: {  	vm10 =	vlt.u32 v36, $0xF8;
	v36 =	vor.u32 v38, v37  }
0x4f1: {  	v36 =	vadd.s32 v19, v36;
	_ =	sdelay $0x4  }
0x4f2: {  	[tilespmem:v36+s17+$0x0] =	vst.idx.msk vm10, v33  }
0x4f3: {  	v36 =	vld [tilespmem:s28+$0x30];
	_ =	sdelay $0x4  }
0x4f4: {  	v37 =	vshll.u32 v36, $0x8;
	v38 =	vshll.u32 v36, $0x7  }
0x4f5: {  	v36 =	vadd.s32 $0xFFFFFF00, v36;
	v37 =	vand.u32 $0xFFFFF800, v37;
	v38 =	vand.u32 $0x380, v38  }
0x4f6: {  	vm11 =	vlt.u32 v36, $0xF8;
	v36 =	vor.u32 v38, v37  }
0x4f7: {  	v36 =	vadd.s32 v20, v36;
	_ =	sdelay $0x4  }
0x4f8: {  	[tilespmem:v36+s17+$0x0] =	vst.idx.msk vm11, v33  }
0x4f9: {  	v36 =	vld [tilespmem:s28+$0x40];
	_ =	sdelay $0x4  }
0x4fa: {  	v37 =	vshll.u32 v36, $0x8;
	v38 =	vshll.u32 v36, $0x7  }
0x4fb: {  	v36 =	vadd.s32 $0xFFFFFF00, v36;
	v37 =	vand.u32 $0xFFFFF800, v37;
	v38 =	vand.u32 $0x380, v38  }
0x4fc: {  	vm12 =	vlt.u32 v36, $0xF8;
	v36 =	vor.u32 v38, v37  }
0x4fd: {  	v36 =	vadd.s32 v21, v36;
	_ =	sdelay $0x4  }
0x4fe: {  	[tilespmem:v36+s17+$0x0] =	vst.idx.msk vm12, v33  }
0x4ff: {  	v36 =	vld [tilespmem:s28+$0x50];
	_ =	sdelay $0x4  }
0x500: {  	v37 =	vshll.u32 v36, $0x8;
	v38 =	vshll.u32 v36, $0x7  }
0x501: {  	v36 =	vadd.s32 $0xFFFFFF00, v36;
	v37 =	vand.u32 $0xFFFFF800, v37;
	v38 =	vand.u32 $0x380, v38  }
0x502: {  	vm13 =	vlt.u32 v36, $0xF8;
	v36 =	vor.u32 v38, v37  }
0x503: {  	v36 =	vadd.s32 v22, v36;
	_ =	sdelay $0x4  }
0x504: {  	[tilespmem:v36+s17+$0x0] =	vst.idx.msk vm13, v33  }
0x505: {  	v36 =	vld [tilespmem:s28+$0x60];
	_ =	sdelay $0x4  }
0x506: {  	v37 =	vshll.u32 v36, $0x8;
	v38 =	vshll.u32 v36, $0x7  }
0x507: {  	v36 =	vadd.s32 $0xFFFFFF00, v36;
	v37 =	vand.u32 $0xFFFFF800, v37;
	v38 =	vand.u32 $0x380, v38  }
0x508: {  	vm14 =	vlt.u32 v36, $0xF8;
	v36 =	vor.u32 v38, v37  }
0x509: {  	v36 =	vadd.s32 v23, v36;
	_ =	sdelay $0x4  }
0x50a: {  	[tilespmem:v36+s17+$0x0] =	vst.idx.msk vm14, v33  }
0x50b: {  	v36 =	vld [tilespmem:s28+$0x70];
	_ =	sdelay $0x4  }
0x50c: {  	v37 =	vshll.u32 v36, $0x8;
	v38 =	vshll.u32 v36, $0x7  }
0x50d: {  	v36 =	vadd.s32 $0xFFFFFF00, v36;
	v37 =	vand.u32 $0xFFFFF800, v37;
	v38 =	vand.u32 $0x380, v38  }
0x50e: {  	vm15 =	vlt.u32 v36, $0xF8;
	v36 =	vor.u32 v38, v37  }
0x50f: {  	v36 =	vadd.s32 v24, v36;
	_ =	sdelay $0x4  }
0x510: {  	[tilespmem:v36+s17+$0x0] =	vst.idx.msk vm15, v33  }
0x511: {  	v36 =	vld [tilespmem:s28+$0x100];
	_ =	sdelay $0x4  }
0x512: {  	v37 =	vshll.u32 v36, $0x8;
	v38 =	vshll.u32 v36, $0x7  }
0x513: {  	v36 =	vadd.s32 $0xFFFFFF00, v36;
	v37 =	vand.u32 $0xFFFFF800, v37;
	v38 =	vand.u32 $0x380, v38  }
0x514: {  	vm4 =	vlt.u32 v36, $0xF8;
	v36 =	vor.u32 v38, v37  }
0x515: {  	v36 =	vadd.s32 v25, v36;
	_ =	sdelay $0x4  }
0x516: {  	[tilespmem:v36+s17+$0x0] =	vst.idx.msk vm4, v33  }
0x517: {  	v36 =	vld [tilespmem:s28+$0x110];
	_ =	sdelay $0x4  }
0x518: {  	v37 =	vshll.u32 v36, $0x8;
	v38 =	vshll.u32 v36, $0x7  }
0x519: {  	v36 =	vadd.s32 $0xFFFFFF00, v36;
	v37 =	vand.u32 $0xFFFFF800, v37;
	v38 =	vand.u32 $0x380, v38  }
0x51a: {  	vm5 =	vlt.u32 v36, $0xF8;
	v36 =	vor.u32 v38, v37  }
0x51b: {  	v36 =	vadd.s32 v26, v36;
	_ =	sdelay $0x4  }
0x51c: {  	[tilespmem:v36+s17+$0x0] =	vst.idx.msk vm5, v33  }
0x51d: {  	v36 =	vld [tilespmem:s28+$0x120];
	_ =	sdelay $0x4  }
0x51e: {  	v37 =	vshll.u32 v36, $0x8;
	v38 =	vshll.u32 v36, $0x7  }
0x51f: {  	v36 =	vadd.s32 $0xFFFFFF00, v36;
	v37 =	vand.u32 $0xFFFFF800, v37;
	v38 =	vand.u32 $0x380, v38  }
0x520: {  	vm6 =	vlt.u32 v36, $0xF8;
	v36 =	vor.u32 v38, v37  }
0x521: {  	v36 =	vadd.s32 v27, v36;
	_ =	sdelay $0x4  }
0x522: {  	[tilespmem:v36+s17+$0x0] =	vst.idx.msk vm6, v33  }
0x523: {  	v36 =	vld [tilespmem:s28+$0x130];
	_ =	sdelay $0x4  }
0x524: {  	v37 =	vshll.u32 v36, $0x8;
	v38 =	vshll.u32 v36, $0x7  }
0x525: {  	v36 =	vadd.s32 $0xFFFFFF00, v36;
	v37 =	vand.u32 $0xFFFFF800, v37;
	v38 =	vand.u32 $0x380, v38  }
0x526: {  	vm7 =	vlt.u32 v36, $0xF8;
	v36 =	vor.u32 v38, v37  }
0x527: {  	v36 =	vadd.s32 v28, v36;
	_ =	sdelay $0x4  }
0x528: {  	[tilespmem:v36+s17+$0x0] =	vst.idx.msk vm7, v33  }
0x529: {  	v36 =	vld [tilespmem:s28+$0x140];
	_ =	sdelay $0x4  }
0x52a: {  	v37 =	vshll.u32 v36, $0x8;
	v38 =	vshll.u32 v36, $0x7  }
0x52b: {  	v36 =	vadd.s32 $0xFFFFFF00, v36;
	v37 =	vand.u32 $0xFFFFF800, v37;
	v38 =	vand.u32 $0x380, v38  }
0x52c: {  	vm8 =	vlt.u32 v36, $0xF8;
	v36 =	vor.u32 v38, v37  }
0x52d: {  	v36 =	vadd.s32 v29, v36;
	_ =	sdelay $0x4  }
0x52e: {  	[tilespmem:v36+s17+$0x0] =	vst.idx.msk vm8, v33  }
0x52f: {  	v36 =	vld [tilespmem:s28+$0x150];
	_ =	sdelay $0x4  }
0x530: {  	v37 =	vshll.u32 v36, $0x8;
	v38 =	vshll.u32 v36, $0x7  }
0x531: {  	v36 =	vadd.s32 $0xFFFFFF00, v36;
	v37 =	vand.u32 $0xFFFFF800, v37;
	v38 =	vand.u32 $0x380, v38  }
0x532: {  	vm9 =	vlt.u32 v36, $0xF8;
	v36 =	vor.u32 v38, v37  }
0x533: {  	v36 =	vadd.s32 v30, v36;
	_ =	sdelay $0x4  }
0x534: {  	[tilespmem:v36+s17+$0x0] =	vst.idx.msk vm9, v33  }
0x535: {  	v36 =	vld [tilespmem:s28+$0x160];
	_ =	sdelay $0x4  }
0x536: {  	v37 =	vshll.u32 v36, $0x8;
	v38 =	vshll.u32 v36, $0x7  }
0x537: {  	v36 =	vadd.s32 $0xFFFFFF00, v36;
	v37 =	vand.u32 $0xFFFFF800, v37;
	v38 =	vand.u32 $0x380, v38  }
0x538: {  	vm10 =	vlt.u32 v36, $0xF8;
	v36 =	vor.u32 v38, v37  }
0x539: {  	v36 =	vadd.s32 v31, v36;
	_ =	sdelay $0x4  }
0x53a: {  	[tilespmem:v36+s17+$0x0] =	vst.idx.msk vm10, v33  }
0x53b: {  	v36 =	vld [tilespmem:s28+$0x170];
	_ =	sdelay $0x4  }
0x53c: {  	v37 =	vshll.u32 v36, $0x8;
	v38 =	vshll.u32 v36, $0x7  }
0x53d: {  	v36 =	vadd.s32 $0xFFFFFF00, v36;
	v37 =	vand.u32 $0xFFFFF800, v37;
	v38 =	vand.u32 $0x380, v38  }
0x53e: {  	vm11 =	vlt.u32 v36, $0xF8;
	v36 =	vor.u32 v38, v37  }
0x53f: {  	v36 =	vadd.s32 v32, v36;
	_ =	sdelay $0x4  }
0x540: {  	[tilespmem:v36+s17+$0x0] =	vst.idx.msk vm11, v33  }
0x541: {  	v36 =	vld [tilespmem:s28+$0x0];
	_ =	sdelay $0x4  }
0x542: {  	v37 =	vshll.u32 v36, $0x8;
	v38 =	vshll.u32 v36, $0x7  }
0x543: {  	v36 =	vadd.s32 $0xFFFFFD10, v36;
	v37 =	vand.u32 $0xFFFFF800, v37;
	v38 =	vand.u32 $0x380, v38  }
0x544: {  	vm12 =	vlt.u32 v36, $0xF8;
	v36 =	vor.u32 v38, v37  }
0x545: {  	v36 =	vadd.s32 v50, v36;
	_ =	sdelay $0x4  }
0x546: {  	[tilespmem:v36+s17+$0x0] =	vst.idx.msk vm12, v1  }
0x547: {  	v36 =	vld [tilespmem:s28+$0x10];
	_ =	sdelay $0x4  }
0x548: {  	v37 =	vshll.u32 v36, $0x8;
	v38 =	vshll.u32 v36, $0x7  }
0x549: {  	v36 =	vadd.s32 $0xFFFFFD10, v36;
	v37 =	vand.u32 $0xFFFFF800, v37;
	v38 =	vand.u32 $0x380, v38  }
0x54a: {  	vm13 =	vlt.u32 v36, $0xF8;
	v36 =	vor.u32 v38, v37  }
0x54b: {  	v36 =	vadd.s32 v51, v36;
	_ =	sdelay $0x4  }
0x54c: {  	[tilespmem:v36+s17+$0x0] =	vst.idx.msk vm13, v1  }
0x54d: {  	v36 =	vld [tilespmem:s28+$0x20];
	_ =	sdelay $0x4  }
0x54e: {  	v37 =	vshll.u32 v36, $0x8;
	v38 =	vshll.u32 v36, $0x7  }
0x54f: {  	v36 =	vadd.s32 $0xFFFFFD10, v36;
	v37 =	vand.u32 $0xFFFFF800, v37;
	v38 =	vand.u32 $0x380, v38  }
0x550: {  	vm14 =	vlt.u32 v36, $0xF8;
	v36 =	vor.u32 v38, v37  }
0x551: {  	v36 =	vadd.s32 v52, v36;
	_ =	sdelay $0x4  }
0x552: {  	[tilespmem:v36+s17+$0x0] =	vst.idx.msk vm14, v1  }
0x553: {  	v36 =	vld [tilespmem:s28+$0x30];
	_ =	sdelay $0x4  }
0x554: {  	v37 =	vshll.u32 v36, $0x8;
	v38 =	vshll.u32 v36, $0x7  }
0x555: {  	v36 =	vadd.s32 $0xFFFFFD10, v36;
	v37 =	vand.u32 $0xFFFFF800, v37;
	v38 =	vand.u32 $0x380, v38  }
0x556: {  	vm15 =	vlt.u32 v36, $0xF8;
	v36 =	vor.u32 v38, v37  }
0x557: {  	v36 =	vadd.s32 v53, v36;
	_ =	sdelay $0x4  }
0x558: {  	[tilespmem:v36+s17+$0x0] =	vst.idx.msk vm15, v1  }
0x559: {  	v36 =	vld [tilespmem:s28+$0x40];
	_ =	sdelay $0x4  }
0x55a: {  	v37 =	vshll.u32 v36, $0x8;
	v38 =	vshll.u32 v36, $0x7  }
0x55b: {  	v36 =	vadd.s32 $0xFFFFFD10, v36;
	v37 =	vand.u32 $0xFFFFF800, v37;
	v38 =	vand.u32 $0x380, v38  }
0x55c: {  	vm4 =	vlt.u32 v36, $0xF8;
	v36 =	vor.u32 v38, v37  }
0x55d: {  	v36 =	vadd.s32 v54, v36;
	_ =	sdelay $0x4  }
0x55e: {  	[tilespmem:v36+s17+$0x0] =	vst.idx.msk vm4, v1  }
0x55f: {  	v36 =	vld [tilespmem:s28+$0x50];
	_ =	sdelay $0x4  }
0x560: {  	v37 =	vshll.u32 v36, $0x8;
	v38 =	vshll.u32 v36, $0x7  }
0x561: {  	v36 =	vadd.s32 $0xFFFFFD10, v36;
	v37 =	vand.u32 $0xFFFFF800, v37;
	v38 =	vand.u32 $0x380, v38  }
0x562: {  	vm5 =	vlt.u32 v36, $0xF8;
	v36 =	vor.u32 v38, v37  }
0x563: {  	v36 =	vadd.s32 v55, v36;
	_ =	sdelay $0x4  }
0x564: {  	[tilespmem:v36+s17+$0x0] =	vst.idx.msk vm5, v1  }
0x565: {  	v36 =	vld [tilespmem:s28+$0x60];
	_ =	sdelay $0x4  }
0x566: {  	v37 =	vshll.u32 v36, $0x8;
	v38 =	vshll.u32 v36, $0x7  }
0x567: {  	v36 =	vadd.s32 $0xFFFFFD10, v36;
	v37 =	vand.u32 $0xFFFFF800, v37;
	v38 =	vand.u32 $0x380, v38  }
0x568: {  	vm6 =	vlt.u32 v36, $0xF8;
	v36 =	vor.u32 v38, v37  }
0x569: {  	v36 =	vadd.s32 v56, v36;
	_ =	sdelay $0x4  }
0x56a: {  	[tilespmem:v36+s17+$0x0] =	vst.idx.msk vm6, v1  }
0x56b: {  	v36 =	vld [tilespmem:s28+$0x70];
	_ =	sdelay $0x4  }
0x56c: {  	v37 =	vshll.u32 v36, $0x8;
	v38 =	vshll.u32 v36, $0x7  }
0x56d: {  	v36 =	vadd.s32 $0xFFFFFD10, v36;
	v37 =	vand.u32 $0xFFFFF800, v37;
	v38 =	vand.u32 $0x380, v38  }
0x56e: {  	vm7 =	vlt.u32 v36, $0xF8;
	v36 =	vor.u32 v38, v37  }
0x56f: {  	v36 =	vadd.s32 v57, v36;
	_ =	sdelay $0x4  }
0x570: {  	[tilespmem:v36+s17+$0x0] =	vst.idx.msk vm7, v1  }
0x571: {  	v36 =	vld [tilespmem:s28+$0x100];
	_ =	sdelay $0x4  }
0x572: {  	v37 =	vshll.u32 v36, $0x8;
	v38 =	vshll.u32 v36, $0x7  }
0x573: {  	v36 =	vadd.s32 $0xFFFFFD10, v36;
	v37 =	vand.u32 $0xFFFFF800, v37;
	v38 =	vand.u32 $0x380, v38  }
0x574: {  	vm8 =	vlt.u32 v36, $0xF8;
	v36 =	vor.u32 v38, v37  }
0x575: {  	v36 =	vadd.s32 v58, v36;
	_ =	sdelay $0x4  }
0x576: {  	[tilespmem:v36+s17+$0x0] =	vst.idx.msk vm8, v1  }
0x577: {  	v36 =	vld [tilespmem:s28+$0x110];
	_ =	sdelay $0x4  }
0x578: {  	v37 =	vshll.u32 v36, $0x8;
	v38 =	vshll.u32 v36, $0x7  }
0x579: {  	v36 =	vadd.s32 $0xFFFFFD10, v36;
	v37 =	vand.u32 $0xFFFFF800, v37;
	v38 =	vand.u32 $0x380, v38  }
0x57a: {  	vm9 =	vlt.u32 v36, $0xF8;
	v36 =	vor.u32 v38, v37  }
0x57b: {  	v36 =	vadd.s32 v59, v36;
	_ =	sdelay $0x4  }
0x57c: {  	[tilespmem:v36+s17+$0x0] =	vst.idx.msk vm9, v1  }
0x57d: {  	v36 =	vld [tilespmem:s28+$0x120];
	_ =	sdelay $0x4  }
0x57e: {  	v37 =	vshll.u32 v36, $0x8;
	v38 =	vshll.u32 v36, $0x7  }
0x57f: {  	v36 =	vadd.s32 $0xFFFFFD10, v36;
	v37 =	vand.u32 $0xFFFFF800, v37;
	v38 =	vand.u32 $0x380, v38  }
0x580: {  	vm10 =	vlt.u32 v36, $0xF8;
	v36 =	vor.u32 v38, v37  }
0x581: {  	v36 =	vadd.s32 v60, v36;
	_ =	sdelay $0x4  }
0x582: {  	[tilespmem:v36+s17+$0x0] =	vst.idx.msk vm10, v1  }
0x583: {  	v36 =	vld [tilespmem:s28+$0x130];
	_ =	sdelay $0x4  }
0x584: {  	v37 =	vshll.u32 v36, $0x8;
	v38 =	vshll.u32 v36, $0x7  }
0x585: {  	v36 =	vadd.s32 $0xFFFFFD10, v36;
	v37 =	vand.u32 $0xFFFFF800, v37;
	v38 =	vand.u32 $0x380, v38  }
0x586: {  	vm11 =	vlt.u32 v36, $0xF8;
	v36 =	vor.u32 v38, v37  }
0x587: {  	v36 =	vadd.s32 v61, v36;
	_ =	sdelay $0x4  }
0x588: {  	[tilespmem:v36+s17+$0x0] =	vst.idx.msk vm11, v1  }
0x589: {  	v36 =	vld [tilespmem:s28+$0x140];
	_ =	sdelay $0x4  }
0x58a: {  	v37 =	vshll.u32 v36, $0x8;
	v38 =	vshll.u32 v36, $0x7  }
0x58b: {  	v36 =	vadd.s32 $0xFFFFFD10, v36;
	v37 =	vand.u32 $0xFFFFF800, v37;
	v38 =	vand.u32 $0x380, v38  }
0x58c: {  	vm12 =	vlt.u32 v36, $0xF8;
	v36 =	vor.u32 v38, v37  }
0x58d: {  	v36 =	vadd.s32 v62, v36;
	_ =	sdelay $0x4  }
0x58e: {  	[tilespmem:v36+s17+$0x0] =	vst.idx.msk vm12, v1  }
0x58f: {  	v36 =	vld [tilespmem:s28+$0x150];
	_ =	sdelay $0x4  }
0x590: {  	v37 =	vshll.u32 v36, $0x8;
	v38 =	vshll.u32 v36, $0x7  }
0x591: {  	v36 =	vadd.s32 $0xFFFFFD10, v36;
	v37 =	vand.u32 $0xFFFFF800, v37;
	v38 =	vand.u32 $0x380, v38  }
0x592: {  	vm13 =	vlt.u32 v36, $0xF8;
	v36 =	vor.u32 v38, v37  }
0x593: {  	v36 =	vadd.s32 v63, v36;
	_ =	sdelay $0x4  }
0x594: {  	[tilespmem:v36+s17+$0x0] =	vst.idx.msk vm13, v1  }
0x595: {  	v36 =	vld [tilespmem:s28+$0x160];
	_ =	sdelay $0x4  }
0x596: {  	v37 =	vshll.u32 v36, $0x8;
	v38 =	vshll.u32 v36, $0x7  }
0x597: {  	v36 =	vadd.s32 $0xFFFFFD10, v36;
	v37 =	vand.u32 $0xFFFFF800, v37;
	v38 =	vand.u32 $0x380, v38  }
0x598: {  	vm14 =	vlt.u32 v36, $0xF8;
	v36 =	vor.u32 v38, v37  }
0x599: {  	v36 =	vadd.s32 v34, v36;
	_ =	sdelay $0x4  }
0x59a: {  	[tilespmem:v36+s17+$0x0] =	vst.idx.msk vm14, v1  }
0x59b: {  	v36 =	vld [tilespmem:s28+$0x170];
	_ =	sdelay $0x4  }
0x59c: {  	v37 =	vshll.u32 v36, $0x8;
	v38 =	vshll.u32 v36, $0x7  }
0x59d: {  	v36 =	vadd.s32 $0xFFFFFD10, v36;
	v37 =	vand.u32 $0xFFFFF800, v37;
	v38 =	vand.u32 $0x380, v38  }
0x59e: {  	vm15 =	vlt.u32 v36, $0xF8;
	v36 =	vor.u32 v38, v37  }
0x59f: {  	v36 =	vadd.s32 v35, v36  }
0x5a0: {  	p0 =	sne.s32 s26, $0x3E8000  }
.Ltmp0:
0x5a1: {  	_ = 	snop;
	(pc) =	sbr.rel @p0 .LBB2_2-.Ltmp0, $4  }
0x5a2: {  	s24 =	sadd.s32 $0x80, s24;
	s25 =	sadd.s32 $0x1000, s25;
	s2 =	smov.u32 s4  }
0x5a3: {  	s4 =	smov.u32 s3;
	s3 =	simm.s32 $0x0;
	s31 =	rddreg [dreg:$0x7]  }
0x5a4: {  	s13 =	smov.u32 s5;
	s0 =	sadd.s32 s26, s31;
	s26 =	sadd.s32 $0x7D000, s26;
	[tilespmem:v36+s17+$0x0] =	vst.idx.msk vm15, v1  }
0x5a5: {  	[hbm4b:s0+s20] =	stream.strided.scatter [tilespmem:s17], [sflag:$0x2], $0xF800, s21, s20, $0x38;
	[tilespmem:$0x1FA00] =	vst v63  }
0x5a6: {  	_ =	swait.ge [sflag:s7], $0xF800  }
0x5a7: {  	[sflag:s7] =	ssyncset.done $0x0  }
0x5a8: {  	[sflag:s7] =	ssyncadd.s32 $0xFFFF0800  }
0x5a9: {  	_ =	swait.ge [sflag:s22], $0xF800  }
0x5aa: {  	s1 =	rddreg [dreg:$0x11]  }
0x5ab: {  	s0 =	rddreg [dreg:$0xe];
	s1 =	sadd.s32 $0x1, s1  }
0x5ac: {  	p0 =	sne.s32 s1, s0  }
.Ltmp1:
0x5ad: {  	_ = 	snop;
	(pc) =	sbr.rel @p0 .LBB2_1-.Ltmp1, $3  }
0x5ae: {  	_ =	sdelay $0x1  }
0x5af: {  	[sflag:s22] =	ssyncset.done $0x0;
	v38 =	vld [tilespmem:$0x1FFE0]  }
0x5b0: {  	v9 =	vlaneseq.u32;
	v37 =	vld [tilespmem:$0x1FFF0];
	[sflag:s22] =	ssyncadd.s32 $0xFFFF0800  }
0x5b1: {  	_ =	sfence.sel $0x180000  }
0x5b2: {  	[bflag:$0x0] =	sbarrier.arrive $0xFFFF  }
0x5b3: {  	_ =	strace $0x90000047  }
0x5b4: {  	s0 =	stileid.u32;
	[bflag:$0x2] =	sbarrier.arrive $0xFFFF  }
0x5b5: {  	p0 =	sne.s32 s0, $0x0;
	s0 =	rddreg [dreg:$0x3]  }
0x5b6: {  	s0 =	sadd.s32 @!p0 $0x100000, s0  }
0x5b7: {  	[sflag:s0] =	ssyncadd.tile.s32 @!p0 $0x1;
	_ =	shalt  }
.Lfunc_end2:
_tile_overlayer_lowered:
.L_overlay_start_2:
0x5b8: {  	(tag) =	ssettag $0x2  }
0x5b9: {  	s0 =	rddreg [dreg:$0x0];
	s2 =	stileid.u32  }
0x5ba: {  	s1 =	rddreg [dreg:$0x1];
	p0 =	sne.s32 s2, $0x0  }
0x5bb: {  	s3 =	rddreg [dreg:$0x2];
	[bflag:$0x3] =	sbarrier.arrive $0xFFFF;
	s2 =	simm.s32 @!p0 $0x1C03  }
0x5bc: {  	[timem:s3], [sflag:s2] =	dma.local @!p0 [hbm:s0], s1  }
0x5bd: {  	s0 =	simm.s32 @!p0 $0x3  }
0x5be: {  	_ =	swait.ge @!p0 [sflag:s0], s1  }
0x5bf: {  	s1 =	ssub.s32 @!p0 $0x0, s1;
	[sflag:s0] =	ssyncset.done @!p0 $0x0  }
0x5c0: {  	[sflag:s0] =	ssyncadd.s32 @!p0 s1  }
0x5c1: {  	[bflag:$0x3] =	sbarrier.arrive $0xFFFF  }
0x5c2: {  	_ =	shalt  }

</sc_bundles>
